<compile_context>
chip_gen: v7x
topology: tpu7x:2x2x1
jax: 0.10.2.dev20260603
libtpu: 0.0.44.dev20260713+nightly
codegen_flags: <defaults>
</compile_context>

<pallas_src>
import functools

import jax
import jax.numpy as jnp
from jax import lax
from jax.experimental import pallas as pl
from jax.experimental.pallas import tpu as pltpu
from jax.experimental.pallas import tpu_sc as plsc

N = 10000
NP = 10240
E = 320000
NI = 128
H = 256
C = 7

NC = 2
NS = 16
NW = NC * NS

BN = 512
BE = 512

F32 = jnp.float32
BF16 = jnp.bfloat16


def _mesh():
    return plsc.VectorSubcoreMesh(
        core_axis_name="c", subcore_axis_name="s", num_cores=NC, num_subcores=NS)


def _full(shape):
    return pl.BlockSpec(shape, lambda i: (0,) * len(shape))


def _tc_node_encode(xp, dummy, W1, b1, W2, b2, PA, PS):
    def body(x_ref, dm_ref, w1_ref, b1_ref, w2_ref, b2_ref, pa_ref, ps_ref,
             x_out, ai_out, ts_out):
        xb = x_ref[...]
        inv = xb[:, 0:1] == -999.0
        xc = jnp.where(inv, dm_ref[...], xb)
        h = jnp.maximum(
            jnp.dot(xc, w1_ref[...], preferred_element_type=F32) + b1_ref[...], 0.0)
        xv = jnp.dot(h, w2_ref[...], preferred_element_type=F32) + b2_ref[...]
        x_out[...] = xv
        ai_out[...] = jnp.dot(xv, pa_ref[...], preferred_element_type=F32)
        ts_out[...] = jnp.dot(xv, ps_ref[...], preferred_element_type=F32)

    return pl.pallas_call(
        body,
        grid=(NP // BN,),
        in_specs=[
            pl.BlockSpec((BN, NI), lambda i: (i, 0)),
            _full((1, NI)), _full((NI, H)), _full((1, H)),
            _full((H, H)), _full((1, H)), _full((H, H)), _full((H, 2 * H)),
        ],
        out_specs=[
            pl.BlockSpec((BN, H), lambda i: (i, 0)),
            pl.BlockSpec((BN, H), lambda i: (i, 0)),
            pl.BlockSpec((BN, 2 * H), lambda i: (i, 0)),
        ],
        out_shape=[
            jax.ShapeDtypeStruct((NP, H), F32),
            jax.ShapeDtypeStruct((NP, H), F32),
            jax.ShapeDtypeStruct((NP, 2 * H), F32),
        ],
    )(xp, dummy, W1, b1, W2, b2, PA, PS)


def _tc_attn(ea, gI, gS, Wea, bea, Wa, ca, aW2, ab2):
    def body(ea_ref, gi_ref, gj_ref, wea_ref, bea_ref, wa_ref, ca_ref,
             aw2_ref, ab2_ref, s_out):
        t = jnp.maximum(
            jnp.dot(ea_ref[...], wea_ref[...], preferred_element_type=F32)
            + bea_ref[...], 0.0)
        pre = (gi_ref[...].astype(F32) + gj_ref[...].astype(F32)
               + ca_ref[...] + jnp.dot(t.astype(BF16), wa_ref[...],
                                       preferred_element_type=F32))
        pre = jnp.maximum(pre, 0.0)
        s_out[...] = jnp.dot(pre, aw2_ref[...],
                             preferred_element_type=F32) + ab2_ref[...]

    return pl.pallas_call(
        body,
        grid=(E // BE,),
        in_specs=[
            pl.BlockSpec((BE, 16), lambda i: (i, 0)),
            pl.BlockSpec((BE, H), lambda i: (i, 0)),
            pl.BlockSpec((BE, H), lambda i: (i, 0)),
            _full((16, H)), _full((1, H)), _full((H, H)), _full((1, H)),
            _full((H, 1)), _full((1, 1)),
        ],
        out_specs=pl.BlockSpec((BE, 1), lambda i: (i, 0)),
        out_shape=jax.ShapeDtypeStruct((E, 1), F32),
    )(ea, gI, gS, Wea, bea, Wa, ca, aW2, ab2)


def _tc_msg(ea, gS, alpha, Wea, bea, Wm, cm):
    def body(ea_ref, gx_ref, al_ref, wea_ref, bea_ref, wm_ref, cm_ref,
             w0_out, w1_out):
        t = jnp.maximum(
            jnp.dot(ea_ref[...], wea_ref[...], preferred_element_type=F32)
            + bea_ref[...], 0.0)
        m = jnp.maximum(
            gx_ref[...].astype(F32) + cm_ref[...]
            + jnp.dot(t.astype(BF16), wm_ref[...],
                      preferred_element_type=F32), 0.0)
        w = al_ref[...] * m
        w0_out[...] = w[:, :128]
        w1_out[...] = w[:, 128:]

    return pl.pallas_call(
        body,
        grid=(E // BE,),
        in_specs=[
            pl.BlockSpec((BE, 16), lambda i: (i, 0)),
            pl.BlockSpec((BE, H), lambda i: (i, 1)),
            pl.BlockSpec((BE, 1), lambda i: (i, 0)),
            _full((16, H)), _full((1, H)), _full((H, H)), _full((1, H)),
        ],
        out_specs=[
            pl.BlockSpec((BE, 128), lambda i: (i, 0)),
            pl.BlockSpec((BE, 128), lambda i: (i, 0)),
        ],
        out_shape=[
            jax.ShapeDtypeStruct((E, 128), F32),
            jax.ShapeDtypeStruct((E, 128), F32),
        ],
    )(ea, gS, alpha, Wea, bea, Wm, cm)


def _tc_update(S0, S1, den, xprev, mW2q, mb2, g, b, head, *proj):
    if not head:
        PA, PS = proj

        def body(s0_ref, s1_ref, den_ref, xp_ref, wa_ref,
                 wb_ref, mb2_ref, g_ref, b_ref, pa_ref,
                 ps_ref, x_out, ai_out, ts_out):
            xn = _update_common(s0_ref, s1_ref, den_ref,
                                xp_ref, wa_ref, wb_ref,
                                mb2_ref, g_ref, b_ref)
            x_out[...] = xn
            ai_out[...] = jnp.dot(xn, pa_ref[...], preferred_element_type=F32)
            ts_out[...] = jnp.dot(xn, ps_ref[...], preferred_element_type=F32)

        extra_in = [_full((H, H)), _full((H, 2 * H))]
        out_specs = [
            pl.BlockSpec((BN, H), lambda i: (i, 0)),
            pl.BlockSpec((BN, H), lambda i: (i, 0)),
            pl.BlockSpec((BN, 2 * H), lambda i: (i, 0)),
        ]
        out_shape = [
            jax.ShapeDtypeStruct((NP, H), F32),
            jax.ShapeDtypeStruct((NP, H), F32),
            jax.ShapeDtypeStruct((NP, 2 * H), F32),
        ]
    else:
        Es, Ed, nhW1, nhb1, nhW2p, nhb2p = proj

        def body(s0_ref, s1_ref, den_ref, xp_ref, wa_ref,
                 wb_ref, mb2_ref, g_ref, b_ref, es_ref,
                 ed_ref, n1_ref, nb1_ref, n2_ref, nb2_ref, ps_out, pd_out,
                 nl_out, nprob_out):
            xn = _update_common(s0_ref, s1_ref, den_ref,
                                xp_ref, wa_ref, wb_ref,
                                mb2_ref, g_ref, b_ref)
            ps_out[...] = jnp.dot(xn, es_ref[...], preferred_element_type=F32)
            pd_out[...] = jnp.dot(xn, ed_ref[...], preferred_element_type=F32)
            hh = jnp.maximum(
                jnp.dot(xn, n1_ref[...], preferred_element_type=F32)
                + nb1_ref[...], 0.0)
            lg = jnp.dot(hh, n2_ref[...], preferred_element_type=F32) + nb2_ref[...]
            nl_out[...] = lg
            mx = jnp.max(lg, axis=1, keepdims=True)
            ex = jnp.exp(lg - mx)
            nprob_out[...] = ex / jnp.sum(ex, axis=1, keepdims=True)

        extra_in = [_full((H, H)), _full((H, H)), _full((H, H)),
                    _full((1, H)), _full((H, 8)), _full((1, 8))]
        out_specs = [
            pl.BlockSpec((BN, H), lambda i: (i, 0)),
            pl.BlockSpec((BN, H), lambda i: (i, 0)),
            pl.BlockSpec((BN, 8), lambda i: (i, 0)),
            pl.BlockSpec((BN, 8), lambda i: (i, 0)),
        ]
        out_shape = [
            jax.ShapeDtypeStruct((NP, H), F32),
            jax.ShapeDtypeStruct((NP, H), F32),
            jax.ShapeDtypeStruct((NP, 8), F32),
            jax.ShapeDtypeStruct((NP, 8), F32),
        ]

    return pl.pallas_call(
        body,
        grid=(NP // BN,),
        in_specs=[
            pl.BlockSpec((BN, 128), lambda i: (i, 0)),
            pl.BlockSpec((BN, 128), lambda i: (i, 0)),
            pl.BlockSpec((1, BN), lambda i: (0, i)),
            pl.BlockSpec((BN, H), lambda i: (i, 0)),
            _full((128, H)), _full((128, H)),
            _full((1, H)), _full((1, H)), _full((1, H)),
        ] + extra_in,
        out_specs=out_specs,
        out_shape=out_shape,
    )(S0, S1, den, xprev, *mW2q, mb2, g, b, *proj)


def _update_common(s0_ref, s1_ref, den_ref, xp_ref, wa_ref,
                   wb_ref, mb2_ref, g_ref, b_ref):
    u = (jnp.dot(s0_ref[...], wa_ref[...], preferred_element_type=F32)
         + jnp.dot(s1_ref[...], wb_ref[...], preferred_element_type=F32))
    dv = den_ref[0, :]
    sal = dv / (dv + 1e-16)
    v = u + sal[:, None] * mb2_ref[...] + xp_ref[...]
    m = jnp.mean(v, axis=1, keepdims=True)
    var = jnp.mean((v - m) ** 2, axis=1, keepdims=True)
    xn = (v - m) * jax.lax.rsqrt(var + 1e-5) * g_ref[...] + b_ref[...]
    return jnp.maximum(xn, 0.0)


def _tc_edge_head(ea, gPs, gPd, Wea, bea, We, ce, ehW2, ehb2):
    def body(ea_ref, gs_ref, gd_ref, wea_ref, bea_ref, we_ref, ce_ref,
             w2_ref, b2_ref, el_out, ep_out):
        t = jnp.maximum(
            jnp.dot(ea_ref[...], wea_ref[...], preferred_element_type=F32)
            + bea_ref[...], 0.0)
        pre = jnp.maximum(
            gs_ref[...].astype(F32) + gd_ref[...].astype(F32) + ce_ref[...]
            + jnp.dot(t.astype(BF16), we_ref[...],
                      preferred_element_type=F32), 0.0)
        z = jnp.dot(pre, w2_ref[...], preferred_element_type=F32) + b2_ref[...]
        el_out[...] = z
        ep_out[...] = jax.nn.sigmoid(z)

    return pl.pallas_call(
        body,
        grid=(E // BE,),
        in_specs=[
            pl.BlockSpec((BE, 16), lambda i: (i, 0)),
            pl.BlockSpec((BE, H), lambda i: (i, 0)),
            pl.BlockSpec((BE, H), lambda i: (i, 0)),
            _full((16, H)), _full((1, H)), _full((H, H)), _full((1, H)),
            _full((H, 1)), _full((1, 1)),
        ],
        out_specs=[
            pl.BlockSpec((BE, 1), lambda i: (i, 0)),
            pl.BlockSpec((BE, 1), lambda i: (i, 0)),
        ],
        out_shape=[
            jax.ShapeDtypeStruct((E, 1), F32),
            jax.ShapeDtypeStruct((E, 1), F32),
        ],
    )(ea, gPs, gPd, Wea, bea, We, ce, ehW2, ehb2)


EPW = E // NW
CH_A = 80
CH_S = 40


def _gather2(tab_h, out_h, idx_h, base, ch, nch, i0, i1, b0, b1, sem):

    def body(j, _):
        c0 = 2 * j
        c1 = c0 + 1
        pltpu.sync_copy(idx_h.at[pl.ds(base + c0 * ch, ch)], i0)
        d0 = pltpu.async_copy(tab_h.at[i0], b0, sem)
        pltpu.sync_copy(idx_h.at[pl.ds(base + c1 * ch, ch)], i1)
        d1 = pltpu.async_copy(tab_h.at[i1], b1, sem)
        d0.wait()
        d1.wait()
        pltpu.sync_copy(b0, out_h.at[pl.ds(base + c0 * ch, ch)])
        pltpu.sync_copy(b1, out_h.at[pl.ds(base + c1 * ch, ch)])
        return 0

    lax.fori_loop(0, nch // 2, body, 0)
    if nch % 2:
        c = nch - 1
        pltpu.sync_copy(idx_h.at[pl.ds(base + c * ch, ch)], i0)
        pltpu.async_copy(tab_h.at[i0], b0, sem).wait()
        pltpu.sync_copy(b0, out_h.at[pl.ds(base + c * ch, ch)])


def _sc_gather_conv(Ta, Ts, dst, src):
    @functools.partial(
        pl.kernel,
        out_type=[jax.ShapeDtypeStruct((E, H), F32),
                  jax.ShapeDtypeStruct((E, 2 * H), F32)],
        mesh=_mesh(),
        scratch_types=[
            pltpu.VMEM((CH_A,), jnp.int32),
            pltpu.VMEM((CH_A,), jnp.int32),
            pltpu.VMEM((CH_S,), jnp.int32),
            pltpu.VMEM((CH_S,), jnp.int32),
            pltpu.VMEM((CH_A, H), F32),
            pltpu.VMEM((CH_A, H), F32),
            pltpu.VMEM((CH_S, 2 * H), F32),
            pltpu.VMEM((CH_S, 2 * H), F32),
            pltpu.SemaphoreType.DMA,
        ],
    )
    def k(ta_h, ts_h, dst_h, src_h, gi_h, gs_h, ia0, ia1, is0, is1,
          ba0, ba1, bs0, bs1, sem):
        wid = lax.axis_index("s") * NC + lax.axis_index("c")
        base = wid * EPW
        _gather2(ta_h, gi_h, dst_h, base, CH_A, EPW // CH_A,
                 ia0, ia1, ba0, ba1, sem)
        _gather2(ts_h, gs_h, src_h, base, CH_S, EPW // CH_S,
                 is0, is1, bs0, bs1, sem)

    return k(Ta, Ts, dst, src)


def _sc_gather_head(Ps, Pd, src, dst):
    @functools.partial(
        pl.kernel,
        out_type=[jax.ShapeDtypeStruct((E, H), F32),
                  jax.ShapeDtypeStruct((E, H), F32)],
        mesh=_mesh(),
        scratch_types=[
            pltpu.VMEM((CH_A,), jnp.int32),
            pltpu.VMEM((CH_A,), jnp.int32),
            pltpu.VMEM((CH_A, H), F32),
            pltpu.VMEM((CH_A, H), F32),
            pltpu.SemaphoreType.DMA,
        ],
    )
    def k(ps_h, pd_h, src_h, dst_h, gs_h, gd_h, i0, i1, b0, b1, sem):
        wid = lax.axis_index("s") * NC + lax.axis_index("c")
        base = wid * EPW
        _gather2(ps_h, gs_h, src_h, base, CH_A, EPW // CH_A,
                 i0, i1, b0, b1, sem)
        _gather2(pd_h, gd_h, dst_h, base, CH_A, EPW // CH_A,
                 i0, i1, b0, b1, sem)

    return k(Ps, Pd, src, dst)


EPT = E // NS
NPT = NP // NS


def _sc_softmax(s, dst):
    @functools.partial(
        pl.kernel,
        out_type=[jax.ShapeDtypeStruct((E,), F32),
                  jax.ShapeDtypeStruct((NP,), F32)],
        mesh=_mesh(),
        scratch_types=[
            pltpu.VMEM((EPT,), jnp.int32),
            pltpu.VMEM((EPT,), F32),
            pltpu.VMEM((EPT,), F32),
            pltpu.VMEM((NP,), F32),
            pltpu.VMEM((NP,), F32),
            pltpu.VMEM((NPT,), F32),
            pltpu.VMEM_SHARED((NS, NP), F32),
            pltpu.VMEM_SHARED((NP,), F32),
        ],
        compiler_params=pltpu.CompilerParams(needs_layout_passes=False),
    )
    def k(s_h, dst_h, alpha_h, den_h, dst_v, sv, exv, acc, denv, tmp,
          part, dsh):
        cid = lax.axis_index("c")
        sid = lax.axis_index("s")
        base = sid * EPT
        nb = sid * NPT

        @pl.when(cid == 0)
        def _phase_a():
            pltpu.sync_copy(dst_h.at[pl.ds(base, EPT)], dst_v)
            pltpu.sync_copy(s_h.at[pl.ds(base, EPT)], sv)

            def zloop(i, _):
                acc[pl.ds(i * 16, 16)] = jnp.zeros((16,), F32)
                return 0

            lax.fori_loop(0, NP // 16, zloop, 0)

            def eloop(i, _):
                kk = i * 16
                idx = dst_v[pl.ds(kk, 16)]
                ex = jnp.exp(sv[pl.ds(kk, 16)])
                exv[pl.ds(kk, 16)] = ex
                plsc.addupdate_scatter(acc, [idx], ex)
                return 0

            lax.fori_loop(0, EPT // 16, eloop, 0)
            pltpu.sync_copy(acc, part.at[sid])

        plsc.subcore_barrier()

        @pl.when(cid == 0)
        def _phase_b():
            def zloop2(i, _):
                denv[pl.ds(nb + i * 16, 16)] = jnp.zeros((16,), F32)
                return 0

            lax.fori_loop(0, NPT // 16, zloop2, 0)

            def rloop(j, _):
                pltpu.sync_copy(part.at[j, pl.ds(nb, NPT)], tmp)

                def aloop(k2, _):
                    o = nb + k2 * 16
                    denv[pl.ds(o, 16)] = denv[pl.ds(o, 16)] + tmp[pl.ds(k2 * 16, 16)]
                    return 0

                lax.fori_loop(0, NPT // 16, aloop, 0)
                return 0

            lax.fori_loop(0, NS, rloop, 0)
            pltpu.sync_copy(denv.at[pl.ds(nb, NPT)], dsh.at[pl.ds(nb, NPT)])
            pltpu.sync_copy(denv.at[pl.ds(nb, NPT)], den_h.at[pl.ds(nb, NPT)])

        plsc.subcore_barrier()

        @pl.when(cid == 0)
        def _phase_c():
            pltpu.sync_copy(dsh, denv)

            def bloop(i, _):
                kk = i * 16
                idx = dst_v[pl.ds(kk, 16)]
                d = plsc.load_gather(denv, [idx])
                sv[pl.ds(kk, 16)] = exv[pl.ds(kk, 16)] / (d + 1e-16)
                return 0

            lax.fori_loop(0, EPT // 16, bloop, 0)
            pltpu.sync_copy(sv, alpha_h.at[pl.ds(base, EPT)])

    return k(s, dst)


CH_W = 200
NCH_W = EPT // CH_W
ZR = 160


def _sc_scatter(w0, w1, dst, zrows):
    @functools.partial(
        pl.kernel,
        out_type=jax.ShapeDtypeStruct((2 * NP, 128), F32),
        mesh=_mesh(),
        scratch_types=[
            pltpu.VMEM((CH_W,), jnp.int32),
            pltpu.VMEM((CH_W, 128), F32),
            pltpu.VMEM_SHARED((NP, 128), F32),
        ],
    )
    def k(w0_h, w1_h, dst_h, z_h, s_h, idxv, buf, shS):
        cid = lax.axis_index("c")
        sid = lax.axis_index("s")
        rb = sid * NPT

        def zl(i, _):
            pltpu.sync_copy(z_h.at[pl.ds(0, ZR)], buf.at[pl.ds(0, ZR)])
            pltpu.sync_copy(buf.at[pl.ds(0, ZR)], shS.at[pl.ds(rb + i * ZR, ZR)])
            return 0

        lax.fori_loop(0, NPT // ZR, zl, 0)
        plsc.subcore_barrier()

        base = sid * EPT

        def ml0(i, _):
            off = base + i * CH_W
            pltpu.sync_copy(dst_h.at[pl.ds(off, CH_W)], idxv)
            pltpu.sync_copy(w0_h.at[pl.ds(off, CH_W)], buf)
            pltpu.sync_copy(buf, shS.at[idxv], add=True)
            return 0

        def ml1(i, _):
            off = base + i * CH_W
            pltpu.sync_copy(dst_h.at[pl.ds(off, CH_W)], idxv)
            pltpu.sync_copy(w1_h.at[pl.ds(off, CH_W)], buf)
            pltpu.sync_copy(buf, shS.at[idxv], add=True)
            return 0

        @pl.when(cid == 0)
        def _c0():
            lax.fori_loop(0, EPT // CH_W, ml0, 0)

        @pl.when(cid == 1)
        def _c1():
            lax.fori_loop(0, EPT // CH_W, ml1, 0)

        plsc.subcore_barrier()

        def wl(i, _):
            r = rb + i * ZR
            pltpu.sync_copy(shS.at[pl.ds(r, ZR)], buf.at[pl.ds(0, ZR)])
            pltpu.sync_copy(buf.at[pl.ds(0, ZR)], s_h.at[pl.ds(cid * NP + r, ZR)])
            return 0

        lax.fori_loop(0, NPT // ZR, wl, 0)

    return k(w0, w1, dst, zrows)


def kernel(x_in, edge_index, edge_attr, params):
    p = params
    src = edge_index[0]
    dst = edge_index[1]

    eeW2, eeb2 = p['ee_W2'], p['ee_b2']

    def conv_w(pre):
        aW1 = p[pre + '_aW1']
        A_i, A_j, A_e = aW1[:H], aW1[H:2 * H], aW1[2 * H:]
        mW1 = p[pre + '_mW1']
        M_x, M_e = mW1[:H], mW1[H:]
        Wa = (eeW2 @ A_e).astype(BF16)
        ca = (eeb2 @ A_e + p[pre + '_ab1'])[None, :]
        Wm = (eeW2 @ M_e).astype(BF16)
        cm = (eeb2 @ M_e + p[pre + '_mb1'])[None, :]
        PA = A_i
        PS = jnp.concatenate([A_j, M_x], axis=1)
        return Wa, ca, Wm, cm, PA, PS

    Wa1, ca1, Wm1, cm1, PA1, PS1 = conv_w('c1')
    Wa2, ca2, Wm2, cm2, PA2, PS2 = conv_w('c2')
    ehW1 = p['eh_W1']
    E_s, E_d, E_e = ehW1[:H], ehW1[H:2 * H], ehW1[2 * H:]
    We = (eeW2 @ E_e).astype(BF16)
    ce = (eeb2 @ E_e + p['eh_b1'])[None, :]

    mW2_1q = [p['c1_mW2'][:128], p['c1_mW2'][128:]]
    mW2_2q = [p['c2_mW2'][:128], p['c2_mW2'][128:]]
    nhW2p = jnp.pad(p['nh_W2'], ((0, 0), (0, 1)))
    nhb2p = jnp.pad(p['nh_b2'], (0, 1), constant_values=-1e9)[None, :]

    xp = jnp.pad(x_in, ((0, NP - N), (0, 0)))
    zrows = jnp.zeros((ZR, 128), F32)

    x0, aI1, TS1 = _tc_node_encode(
        xp, p['dummy'][None, :], p['ne_W1'], p['ne_b1'][None, :],
        p['ne_W2'], p['ne_b2'][None, :], PA1, PS1)

    def conv(xprev, aI, TS, Wa, ca, Wm, cm, aW2, ab2, mW2q, mb2, g, b,
             head, proj):
        gI, gS = _sc_gather_conv(aI, TS, dst, src)
        s = _tc_attn(edge_attr, gI, gS, p['ee_W1'], p['ee_b1'][None, :],
                     Wa, ca, aW2, ab2[None, :])
        alpha, den = _sc_softmax(s.reshape(E), dst)
        w0, w1 = _tc_msg(edge_attr, gS, alpha.reshape(E, 1),
                         p['ee_W1'], p['ee_b1'][None, :], Wm, cm)
        S = _sc_scatter(w0, w1, dst, zrows)
        return _tc_update(S[:NP], S[NP:], den.reshape(1, NP), xprev,
                          mW2q, mb2[None, :],
                          g[None, :], b[None, :], head, *proj)

    x1, aI2, TS2 = conv(x0, aI1, TS1, Wa1, ca1, Wm1, cm1,
                        p['c1_aW2'], p['c1_ab2'], mW2_1q,
                        p['c1_mb2'], p['ln1_g'], p['ln1_b'],
                        False, (PA2, PS2))

    Ps, Pd, nlp, npp = conv(x1, aI2, TS2, Wa2, ca2, Wm2, cm2,
                            p['c2_aW2'], p['c2_ab2'], mW2_2q,
                            p['c2_mb2'], p['ln2_g'], p['ln2_b'],
                            True, (E_s, E_d, p['nh_W1'], p['nh_b1'][None, :],
                                   nhW2p, nhb2p))

    gPs, gPd = _sc_gather_head(Ps, Pd, src, dst)
    el, ep = _tc_edge_head(edge_attr, gPs, gPd, p['ee_W1'],
                           p['ee_b1'][None, :], We, ce,
                           p['eh_W2'], p['eh_b2'][None, :])

    node_logits = nlp[:N, :C]
    node_probs = npp[:N, :C]
    return (node_logits, el, node_probs, ep)

# --- scband reference (transcript-rebuilt; emitter-appended) ---
"""Pipeline reference for scband-track-edge-gnn-31224412242358 (READ-ONLY COPY).

The authoritative reference and input builder live on the scoring server;
editing this copy changes nothing except your own understanding.
"""

import jax, jax.numpy as jnp
import numpy as np

N = 10000
E = 320000
NODE_IN = 128
EDGE_IN = 16
H = 256
C = 7


def _lin(key, din, dout):
    k1, _ = jax.random.split(key)
    W = jax.random.normal(k1, (din, dout), dtype=jnp.float32) * (1.0 / np.sqrt(din))
    b = jnp.zeros((dout,), dtype=jnp.float32)
    return W, b


def _make_params(key):
    ks = jax.random.split(key, 20)
    p = {}
    p['dummy'] = 0.02 * jax.random.normal(ks[0], (NODE_IN,), dtype=jnp.float32)
    p['ne_W1'], p['ne_b1'] = _lin(ks[1], NODE_IN, H)
    p['ne_W2'], p['ne_b2'] = _lin(ks[2], H, H)
    p['ee_W1'], p['ee_b1'] = _lin(ks[3], EDGE_IN, H)
    p['ee_W2'], p['ee_b2'] = _lin(ks[4], H, H)
    for i, base in [(5, 'c1'), (10, 'c2')]:
        p[base + '_mW1'], p[base + '_mb1'] = _lin(ks[i], 2 * H, H)
        p[base + '_mW2'], p[base + '_mb2'] = _lin(ks[i + 1], H, H)
        p[base + '_aW1'], p[base + '_ab1'] = _lin(ks[i + 2], 3 * H, H)
        p[base + '_aW2'], p[base + '_ab2'] = _lin(ks[i + 3], H, 1)
    p['ln1_g'] = jnp.ones((H,), dtype=jnp.float32)
    p['ln1_b'] = jnp.zeros((H,), dtype=jnp.float32)
    p['ln2_g'] = jnp.ones((H,), dtype=jnp.float32)
    p['ln2_b'] = jnp.zeros((H,), dtype=jnp.float32)
    p['nh_W1'], p['nh_b1'] = _lin(ks[15], H, H)
    p['nh_W2'], p['nh_b2'] = _lin(ks[16], H, C)
    p['eh_W1'], p['eh_b1'] = _lin(ks[17], 3 * H, H)
    p['eh_W2'], p['eh_b2'] = _lin(ks[18], H, 1)
    return p


def setup_inputs(seed: int = 0):
    key = jax.random.key(seed)
    k1, k2, k3, k4 = jax.random.split(key, 4)
    x_in = jax.random.normal(k1, (N, NODE_IN), dtype=jnp.float32)
    edge_index = jax.random.randint(k2, (2, E), 0, N, dtype=jnp.int32)
    edge_attr = jax.random.normal(k3, (E, EDGE_IN), dtype=jnp.float32)
    params = _make_params(k4)
    return {'x_in': x_in, 'edge_index': edge_index, 'edge_attr': edge_attr, 'params': params}


def _ln(x, g, b):
    m = jnp.mean(x, axis=-1, keepdims=True)
    v = jnp.var(x, axis=-1, keepdims=True)
    return (x - m) / jnp.sqrt(v + 1e-5) * g + b


def _seg_softmax(s, idx, n):
    smax = jax.ops.segment_max(s, idx, num_segments=n)
    smax = jnp.where(jnp.isfinite(smax), smax, 0.0)
    ex = jnp.exp(s - smax[idx])
    den = jax.ops.segment_sum(ex, idx, num_segments=n)
    return ex / (den[idx] + 1e-16)


def _conv(x, e, src, dst, p, pre, n):
    x_j = x[src]
    x_i = x[dst]
    att = jnp.concatenate([x_i, x_j, e], axis=-1)
    h = jnp.maximum(att @ p[pre + '_aW1'] + p[pre + '_ab1'], 0.0) @ p[pre + '_aW2'] + p[pre + '_ab2']
    alpha = _seg_softmax(h[:, 0], dst, n)
    msg_in = jnp.concatenate([x_j, e], axis=-1)
    msg = jnp.maximum(msg_in @ p[pre + '_mW1'] + p[pre + '_mb1'], 0.0) @ p[pre + '_mW2'] + p[pre + '_mb2']
    return jax.ops.segment_sum(msg * alpha[:, None], dst, num_segments=n)


def _forward(x_in, edge_attr, params, edge_index):
    p = params
    n = x_in.shape[0]
    invalid = (x_in[:, 0] == -999.0)
    x_clean = jnp.where(invalid[:, None], p['dummy'][None, :], x_in)
    x = jnp.maximum(x_clean @ p['ne_W1'] + p['ne_b1'], 0.0) @ p['ne_W2'] + p['ne_b2']
    e = jnp.maximum(edge_attr @ p['ee_W1'] + p['ee_b1'], 0.0) @ p['ee_W2'] + p['ee_b2']
    src = edge_index[0]
    dst = edge_index[1]
    x1 = _conv(x, e, src, dst, p, 'c1', n)
    x1 = jnp.maximum(_ln(x1 + x, p['ln1_g'], p['ln1_b']), 0.0)
    x2 = _conv(x1, e, src, dst, p, 'c2', n)
    x2 = jnp.maximum(_ln(x2 + x1, p['ln2_g'], p['ln2_b']), 0.0)
    node_logits = jnp.maximum(x2 @ p['nh_W1'] + p['nh_b1'], 0.0) @ p['nh_W2'] + p['nh_b2']
    node_probs = jax.nn.softmax(node_logits, axis=-1)
    ef = jnp.concatenate([x2[src], x2[dst], e], axis=-1)
    edge_logits = jnp.maximum(ef @ p['eh_W1'] + p['eh_b1'], 0.0) @ p['eh_W2'] + p['eh_b2']
    edge_probs = jax.nn.sigmoid(edge_logits)
    return (node_logits, edge_logits, node_probs, edge_probs)


def reference(x_in, edge_index, edge_attr, params):
    return _forward(x_in, edge_attr, params, edge_index)

if __name__ == "__main__":
    import jax
    _d = setup_inputs()
    print(jax.jit(kernel)(*tuple(_d.values())))

</pallas_src>

<mosaic_0001>
#map = affine_map<(d0, d1) -> (0, 0)>
#map1 = affine_map<(d0, d1) -> (0)>
module attributes {stable_mosaic.version = 14 : i64} {
  func.func @k(%arg0: i32, %arg1: i32, %arg2: memref<320000x128xf32, #tpu.memory_space<hbm>>, %arg3: memref<320000x128xf32, #tpu.memory_space<hbm>>, %arg4: memref<320000xi32, #tpu.memory_space<hbm>>, %arg5: memref<160x128xf32, #tpu.memory_space<hbm>>, %arg6: memref<20480x128xf32, #tpu.memory_space<hbm>>, %arg7: memref<200xi32, #tpu.memory_space<vmem>>, %arg8: memref<200x128xf32, #tpu.memory_space<vmem>>, %arg9: memref<10240x128xf32, #tpu.memory_space<vmem_shared>>) attributes {dimension_semantics = [#tpu.dimension_semantics<core_parallel>, #tpu.dimension_semantics<subcore_parallel>], iteration_bounds = array<i64: 2, 16>, scalar_prefetch = 0 : i64, scratch_operands = 3 : i64, tpu.core_type = #tpu.core_type<sc_vector_subcore>, window_params = [{transform_indices = #map}, {transform_indices = #map}, {transform_indices = #map1}, {transform_indices = #map}, {transform_indices = #map}]} {
    %mul3A = arith.constant 640 : i32
    %mul3A_0 = arith.muli %arg1, %mul3A : i32
    %scan3A = arith.constant 0 : i32
    %scan3A_1 = arith.constant 0 : i32
    %scan3A_2 = arith.constant 4 : i32
    %scan3A_3 = arith.addi %scan3A_1, %scan3A_2 : i32
    %scan3A_4 = arith.constant 1 : i32
    %scan3A_5 = scf.for %scan3A_24 = %scan3A_1 to %scan3A_3 step %scan3A_4 iter_args(%scan3A_25 = %scan3A) -> (i32)  : i32 {
      "tpu.region"() ({
        %run_scoped3A = tpu.sem_alloc : memref<!tpu.dma_semaphore, #tpu.memory_space<semaphore_mem>>
        %dma_start3A = arith.constant 0 : i32
        %dma_start3A_29 = arith.constant 0 : i32
        %dma_start3A_30 = tpu.memref_slice %arg8[%dma_start3A, %dma_start3A_29] : memref<200x128xf32, #tpu.memory_space<vmem>> -> memref<160x128xf32, #tpu.memory_space<vmem>>
        %dma_start3A_31 = arith.constant 0 : i32
        %dma_start3A_32 = arith.constant 0 : i32
        %dma_start3A_33 = tpu.memref_slice %arg5[%dma_start3A_31, %dma_start3A_32] : memref<160x128xf32, #tpu.memory_space<hbm>> -> memref<160x128xf32, #tpu.memory_space<hbm>>
        %dma_start3A_34 = arith.constant 0 : i32
        %dma_start3A_35 = arith.constant 0 : i32
        %dma_start3A_36 = tpu.memref_slice %arg8[%dma_start3A_34, %dma_start3A_35] : memref<200x128xf32, #tpu.memory_space<vmem>> -> memref<160x128xf32, #tpu.memory_space<vmem>>
        %dma_start3A_37 = arith.constant 0 : i32
        %dma_start3A_38 = arith.constant 0 : i32
        %dma_start3A_39 = tpu.memref_slice %arg5[%dma_start3A_37, %dma_start3A_38] : memref<160x128xf32, #tpu.memory_space<hbm>> -> memref<160x128xf32, #tpu.memory_space<hbm>>
        tpu.enqueue_dma source(%dma_start3A_39 : memref<160x128xf32, #tpu.memory_space<hbm>>) target(%dma_start3A_36 : memref<160x128xf32, #tpu.memory_space<vmem>>) target_semaphore(%run_scoped3A : memref<!tpu.dma_semaphore, #tpu.memory_space<semaphore_mem>>)
        %dma_wait3A = arith.constant 0 : i32
        %dma_wait3A_40 = arith.constant 0 : i32
        %dma_wait3A_41 = tpu.memref_slice %arg8[%dma_wait3A, %dma_wait3A_40] : memref<200x128xf32, #tpu.memory_space<vmem>> -> memref<160x128xf32, #tpu.memory_space<vmem>>
        %dma_wait3A_42 = arith.constant 0 : i32
        %dma_wait3A_43 = arith.constant 0 : i32
        %dma_wait3A_44 = tpu.memref_slice %arg5[%dma_wait3A_42, %dma_wait3A_43] : memref<160x128xf32, #tpu.memory_space<hbm>> -> memref<160x128xf32, #tpu.memory_space<hbm>>
        %dma_wait3A_45 = arith.constant 0 : i32
        %dma_wait3A_46 = arith.constant 0 : i32
        %dma_wait3A_47 = tpu.memref_slice %arg8[%dma_wait3A_45, %dma_wait3A_46] : memref<200x128xf32, #tpu.memory_space<vmem>> -> memref<160x128xf32, #tpu.memory_space<vmem>>
        %dma_wait3A_48 = arith.constant 0 : i32
        %dma_wait3A_49 = arith.constant 0 : i32
        %dma_wait3A_50 = tpu.memref_slice %arg5[%dma_wait3A_48, %dma_wait3A_49] : memref<160x128xf32, #tpu.memory_space<hbm>> -> memref<160x128xf32, #tpu.memory_space<hbm>>
        tpu.wait_dma2 semaphore(%run_scoped3A : memref<!tpu.dma_semaphore, #tpu.memory_space<semaphore_mem>>) src(%dma_wait3A_50 : memref<160x128xf32, #tpu.memory_space<hbm>>) dst(%dma_wait3A_47 : memref<160x128xf32, #tpu.memory_space<vmem>>)
        tpu.yield
      }) : () -> ()
      %mul3A_26 = arith.constant 160 : i32
      %mul3A_27 = arith.muli %scan3A_24, %mul3A_26 : i32
      %add3A = arith.addi %mul3A_0, %mul3A_27 : i32
      "tpu.region"() ({
        %run_scoped3A = tpu.sem_alloc : memref<!tpu.dma_semaphore, #tpu.memory_space<semaphore_mem>>
        %dma_start3A = arith.constant 0 : i32
        %dma_start3A_29 = arith.constant 0 : i32
        %dma_start3A_30 = tpu.memref_slice %arg8[%dma_start3A, %dma_start3A_29] : memref<200x128xf32, #tpu.memory_space<vmem>> -> memref<160x128xf32, #tpu.memory_space<vmem>>
        %dma_start3A_31 = arith.constant 0 : i32
        %dma_start3A_32 = tpu.memref_slice %arg9[%add3A, %dma_start3A_31] : memref<10240x128xf32, #tpu.memory_space<vmem_shared>> -> memref<160x128xf32, #tpu.memory_space<vmem_shared>>
        %dma_start3A_33 = arith.constant 0 : i32
        %dma_start3A_34 = tpu.memref_slice %arg9[%add3A, %dma_start3A_33] : memref<10240x128xf32, #tpu.memory_space<vmem_shared>> -> memref<160x128xf32, #tpu.memory_space<vmem_shared>>
        %dma_start3A_35 = arith.constant 0 : i32
        %dma_start3A_36 = arith.constant 0 : i32
        %dma_start3A_37 = tpu.memref_slice %arg8[%dma_start3A_35, %dma_start3A_36] : memref<200x128xf32, #tpu.memory_space<vmem>> -> memref<160x128xf32, #tpu.memory_space<vmem>>
        tpu.enqueue_dma source(%dma_start3A_37 : memref<160x128xf32, #tpu.memory_space<vmem>>) target(%dma_start3A_34 : memref<160x128xf32, #tpu.memory_space<vmem_shared>>) target_semaphore(%run_scoped3A : memref<!tpu.dma_semaphore, #tpu.memory_space<semaphore_mem>>)
        %dma_wait3A = arith.constant 0 : i32
        %dma_wait3A_38 = arith.constant 0 : i32
        %dma_wait3A_39 = tpu.memref_slice %arg8[%dma_wait3A, %dma_wait3A_38] : memref<200x128xf32, #tpu.memory_space<vmem>> -> memref<160x128xf32, #tpu.memory_space<vmem>>
        %dma_wait3A_40 = arith.constant 0 : i32
        %dma_wait3A_41 = tpu.memref_slice %arg9[%add3A, %dma_wait3A_40] : memref<10240x128xf32, #tpu.memory_space<vmem_shared>> -> memref<160x128xf32, #tpu.memory_space<vmem_shared>>
        %dma_wait3A_42 = arith.constant 0 : i32
        %dma_wait3A_43 = tpu.memref_slice %arg9[%add3A, %dma_wait3A_42] : memref<10240x128xf32, #tpu.memory_space<vmem_shared>> -> memref<160x128xf32, #tpu.memory_space<vmem_shared>>
        %dma_wait3A_44 = arith.constant 0 : i32
        %dma_wait3A_45 = arith.constant 0 : i32
        %dma_wait3A_46 = tpu.memref_slice %arg8[%dma_wait3A_44, %dma_wait3A_45] : memref<200x128xf32, #tpu.memory_space<vmem>> -> memref<160x128xf32, #tpu.memory_space<vmem>>
        tpu.wait_dma2 semaphore(%run_scoped3A : memref<!tpu.dma_semaphore, #tpu.memory_space<semaphore_mem>>) src(%dma_wait3A_46 : memref<160x128xf32, #tpu.memory_space<vmem>>) dst(%dma_wait3A_43 : memref<160x128xf32, #tpu.memory_space<vmem_shared>>)
        tpu.yield
      }) : () -> ()
      %scan3A_28 = arith.constant 0 : i32
      scf.yield %scan3A_28 : i32
    }
    %scan3A_6 = arith.constant 4 : i32
    %barrier3A = arith.constant 0 : index
    tpu.barrier barrier_id(%barrier3A)
    %mul3A_7 = arith.constant 20000 : i32
    %mul3A_8 = arith.muli %arg1, %mul3A_7 : i32
    %eq3A = arith.constant 0 : i32
    %eq3A_9 = arith.cmpi eq, %arg0, %eq3A : i32
    %convert_element_type3A = arith.extui %eq3A_9 : i1 to i32
    %cond3A = arith.constant 0 : i32
    %cond3A_10 = arith.cmpi ne, %convert_element_type3A, %cond3A : i32
    scf.if %cond3A_10 {
      %scan3A_24 = arith.constant 0 : i32
      %scan3A_25 = arith.constant 0 : i32
      %scan3A_26 = arith.constant 100 : i32
      %scan3A_27 = arith.addi %scan3A_25, %scan3A_26 : i32
      %scan3A_28 = arith.constant 1 : i32
      %scan3A_29 = scf.for %scan3A_31 = %scan3A_25 to %scan3A_27 step %scan3A_28 iter_args(%scan3A_32 = %scan3A_24) -> (i32)  : i32 {
        %mul3A_33 = arith.constant 200 : i32
        %mul3A_34 = arith.muli %scan3A_31, %mul3A_33 : i32
        %add3A = arith.addi %mul3A_8, %mul3A_34 : i32
        "tpu.region"() ({
          %run_scoped3A = tpu.sem_alloc : memref<!tpu.dma_semaphore, #tpu.memory_space<semaphore_mem>>
          %dma_start3A = tpu.memref_slice %arg4[%add3A] : memref<320000xi32, #tpu.memory_space<hbm>> -> memref<200xi32, #tpu.memory_space<hbm>>
          %dma_start3A_36 = tpu.memref_slice %arg4[%add3A] : memref<320000xi32, #tpu.memory_space<hbm>> -> memref<200xi32, #tpu.memory_space<hbm>>
          tpu.enqueue_dma source(%dma_start3A_36 : memref<200xi32, #tpu.memory_space<hbm>>) target(%arg7 : memref<200xi32, #tpu.memory_space<vmem>>) target_semaphore(%run_scoped3A : memref<!tpu.dma_semaphore, #tpu.memory_space<semaphore_mem>>)
          %dma_wait3A = tpu.memref_slice %arg4[%add3A] : memref<320000xi32, #tpu.memory_space<hbm>> -> memref<200xi32, #tpu.memory_space<hbm>>
          %dma_wait3A_37 = tpu.memref_slice %arg4[%add3A] : memref<320000xi32, #tpu.memory_space<hbm>> -> memref<200xi32, #tpu.memory_space<hbm>>
          tpu.wait_dma2 semaphore(%run_scoped3A : memref<!tpu.dma_semaphore, #tpu.memory_space<semaphore_mem>>) src(%dma_wait3A_37 : memref<200xi32, #tpu.memory_space<hbm>>) dst(%arg7 : memref<200xi32, #tpu.memory_space<vmem>>)
          tpu.yield
        }) : () -> ()
        "tpu.region"() ({
          %run_scoped3A = tpu.sem_alloc : memref<!tpu.dma_semaphore, #tpu.memory_space<semaphore_mem>>
          %dma_start3A = arith.constant 0 : i32
          %dma_start3A_36 = tpu.memref_slice %arg2[%add3A, %dma_start3A] : memref<320000x128xf32, #tpu.memory_space<hbm>> -> memref<200x128xf32, #tpu.memory_space<hbm>>
          %dma_start3A_37 = arith.constant 0 : i32
          %dma_start3A_38 = tpu.memref_slice %arg2[%add3A, %dma_start3A_37] : memref<320000x128xf32, #tpu.memory_space<hbm>> -> memref<200x128xf32, #tpu.memory_space<hbm>>
          tpu.enqueue_dma source(%dma_start3A_38 : memref<200x128xf32, #tpu.memory_space<hbm>>) target(%arg8 : memref<200x128xf32, #tpu.memory_space<vmem>>) target_semaphore(%run_scoped3A : memref<!tpu.dma_semaphore, #tpu.memory_space<semaphore_mem>>)
          %dma_wait3A = arith.constant 0 : i32
          %dma_wait3A_39 = tpu.memref_slice %arg2[%add3A, %dma_wait3A] : memref<320000x128xf32, #tpu.memory_space<hbm>> -> memref<200x128xf32, #tpu.memory_space<hbm>>
          %dma_wait3A_40 = arith.constant 0 : i32
          %dma_wait3A_41 = tpu.memref_slice %arg2[%add3A, %dma_wait3A_40] : memref<320000x128xf32, #tpu.memory_space<hbm>> -> memref<200x128xf32, #tpu.memory_space<hbm>>
          tpu.wait_dma2 semaphore(%run_scoped3A : memref<!tpu.dma_semaphore, #tpu.memory_space<semaphore_mem>>) src(%dma_wait3A_41 : memref<200x128xf32, #tpu.memory_space<hbm>>) dst(%arg8 : memref<200x128xf32, #tpu.memory_space<vmem>>)
          tpu.yield
        }) : () -> ()
        "tpu.region"() ({
          %run_scoped3A = tpu.sem_alloc : memref<!tpu.dma_semaphore, #tpu.memory_space<semaphore_mem>>
          %dma_start3A = arith.constant 0 : i32
          %dma_start3A_36 = arith.constant 0 : i32
          %dma_start3A_37 = tpu.memref_slice %arg9[%dma_start3A, %dma_start3A_36] : memref<10240x128xf32, #tpu.memory_space<vmem_shared>> -> memref<10240x128xf32, #tpu.memory_space<vmem_shared>>
          tpu.enqueue_indirect_dma source(%arg8 : memref<200x128xf32, #tpu.memory_space<vmem>>) target(%dma_start3A_37 : memref<10240x128xf32, #tpu.memory_space<vmem_shared>>) offsets(%arg7 : memref<200xi32, #tpu.memory_space<vmem>>) semaphore(%run_scoped3A : memref<!tpu.dma_semaphore, #tpu.memory_space<semaphore_mem>>) {add = true}
          %dma_wait3A = arith.constant 0 : i32
          %dma_wait3A_38 = arith.constant 0 : i32
          %dma_wait3A_39 = tpu.memref_slice %arg9[%dma_wait3A, %dma_wait3A_38] : memref<10240x128xf32, #tpu.memory_space<vmem_shared>> -> memref<10240x128xf32, #tpu.memory_space<vmem_shared>>
          tpu.wait_indirect_dma semaphore(%run_scoped3A : memref<!tpu.dma_semaphore, #tpu.memory_space<semaphore_mem>>) src(%arg8 : memref<200x128xf32, #tpu.memory_space<vmem>>) dst(%dma_wait3A_39 : memref<10240x128xf32, #tpu.memory_space<vmem_shared>>)
          tpu.yield
        }) : () -> ()
        %scan3A_35 = arith.constant 0 : i32
        scf.yield %scan3A_35 : i32
      }
      %scan3A_30 = arith.constant 100 : i32
    } else {
    }
    %eq3A_11 = arith.constant 1 : i32
    %eq3A_12 = arith.cmpi eq, %arg0, %eq3A_11 : i32
    %convert_element_type3A_13 = arith.extui %eq3A_12 : i1 to i32
    %cond3A_14 = arith.constant 0 : i32
    %cond3A_15 = arith.cmpi ne, %convert_element_type3A_13, %cond3A_14 : i32
    scf.if %cond3A_15 {
      %scan3A_24 = arith.constant 0 : i32
      %scan3A_25 = arith.constant 0 : i32
      %scan3A_26 = arith.constant 100 : i32
      %scan3A_27 = arith.addi %scan3A_25, %scan3A_26 : i32
      %scan3A_28 = arith.constant 1 : i32
      %scan3A_29 = scf.for %scan3A_31 = %scan3A_25 to %scan3A_27 step %scan3A_28 iter_args(%scan3A_32 = %scan3A_24) -> (i32)  : i32 {
        %mul3A_33 = arith.constant 200 : i32
        %mul3A_34 = arith.muli %scan3A_31, %mul3A_33 : i32
        %add3A = arith.addi %mul3A_8, %mul3A_34 : i32
        "tpu.region"() ({
          %run_scoped3A = tpu.sem_alloc : memref<!tpu.dma_semaphore, #tpu.memory_space<semaphore_mem>>
          %dma_start3A = tpu.memref_slice %arg4[%add3A] : memref<320000xi32, #tpu.memory_space<hbm>> -> memref<200xi32, #tpu.memory_space<hbm>>
          %dma_start3A_36 = tpu.memref_slice %arg4[%add3A] : memref<320000xi32, #tpu.memory_space<hbm>> -> memref<200xi32, #tpu.memory_space<hbm>>
          tpu.enqueue_dma source(%dma_start3A_36 : memref<200xi32, #tpu.memory_space<hbm>>) target(%arg7 : memref<200xi32, #tpu.memory_space<vmem>>) target_semaphore(%run_scoped3A : memref<!tpu.dma_semaphore, #tpu.memory_space<semaphore_mem>>)
          %dma_wait3A = tpu.memref_slice %arg4[%add3A] : memref<320000xi32, #tpu.memory_space<hbm>> -> memref<200xi32, #tpu.memory_space<hbm>>
          %dma_wait3A_37 = tpu.memref_slice %arg4[%add3A] : memref<320000xi32, #tpu.memory_space<hbm>> -> memref<200xi32, #tpu.memory_space<hbm>>
          tpu.wait_dma2 semaphore(%run_scoped3A : memref<!tpu.dma_semaphore, #tpu.memory_space<semaphore_mem>>) src(%dma_wait3A_37 : memref<200xi32, #tpu.memory_space<hbm>>) dst(%arg7 : memref<200xi32, #tpu.memory_space<vmem>>)
          tpu.yield
        }) : () -> ()
        "tpu.region"() ({
          %run_scoped3A = tpu.sem_alloc : memref<!tpu.dma_semaphore, #tpu.memory_space<semaphore_mem>>
          %dma_start3A = arith.constant 0 : i32
          %dma_start3A_36 = tpu.memref_slice %arg3[%add3A, %dma_start3A] : memref<320000x128xf32, #tpu.memory_space<hbm>> -> memref<200x128xf32, #tpu.memory_space<hbm>>
          %dma_start3A_37 = arith.constant 0 : i32
          %dma_start3A_38 = tpu.memref_slice %arg3[%add3A, %dma_start3A_37] : memref<320000x128xf32, #tpu.memory_space<hbm>> -> memref<200x128xf32, #tpu.memory_space<hbm>>
          tpu.enqueue_dma source(%dma_start3A_38 : memref<200x128xf32, #tpu.memory_space<hbm>>) target(%arg8 : memref<200x128xf32, #tpu.memory_space<vmem>>) target_semaphore(%run_scoped3A : memref<!tpu.dma_semaphore, #tpu.memory_space<semaphore_mem>>)
          %dma_wait3A = arith.constant 0 : i32
          %dma_wait3A_39 = tpu.memref_slice %arg3[%add3A, %dma_wait3A] : memref<320000x128xf32, #tpu.memory_space<hbm>> -> memref<200x128xf32, #tpu.memory_space<hbm>>
          %dma_wait3A_40 = arith.constant 0 : i32
          %dma_wait3A_41 = tpu.memref_slice %arg3[%add3A, %dma_wait3A_40] : memref<320000x128xf32, #tpu.memory_space<hbm>> -> memref<200x128xf32, #tpu.memory_space<hbm>>
          tpu.wait_dma2 semaphore(%run_scoped3A : memref<!tpu.dma_semaphore, #tpu.memory_space<semaphore_mem>>) src(%dma_wait3A_41 : memref<200x128xf32, #tpu.memory_space<hbm>>) dst(%arg8 : memref<200x128xf32, #tpu.memory_space<vmem>>)
          tpu.yield
        }) : () -> ()
        "tpu.region"() ({
          %run_scoped3A = tpu.sem_alloc : memref<!tpu.dma_semaphore, #tpu.memory_space<semaphore_mem>>
          %dma_start3A = arith.constant 0 : i32
          %dma_start3A_36 = arith.constant 0 : i32
          %dma_start3A_37 = tpu.memref_slice %arg9[%dma_start3A, %dma_start3A_36] : memref<10240x128xf32, #tpu.memory_space<vmem_shared>> -> memref<10240x128xf32, #tpu.memory_space<vmem_shared>>
          tpu.enqueue_indirect_dma source(%arg8 : memref<200x128xf32, #tpu.memory_space<vmem>>) target(%dma_start3A_37 : memref<10240x128xf32, #tpu.memory_space<vmem_shared>>) offsets(%arg7 : memref<200xi32, #tpu.memory_space<vmem>>) semaphore(%run_scoped3A : memref<!tpu.dma_semaphore, #tpu.memory_space<semaphore_mem>>) {add = true}
          %dma_wait3A = arith.constant 0 : i32
          %dma_wait3A_38 = arith.constant 0 : i32
          %dma_wait3A_39 = tpu.memref_slice %arg9[%dma_wait3A, %dma_wait3A_38] : memref<10240x128xf32, #tpu.memory_space<vmem_shared>> -> memref<10240x128xf32, #tpu.memory_space<vmem_shared>>
          tpu.wait_indirect_dma semaphore(%run_scoped3A : memref<!tpu.dma_semaphore, #tpu.memory_space<semaphore_mem>>) src(%arg8 : memref<200x128xf32, #tpu.memory_space<vmem>>) dst(%dma_wait3A_39 : memref<10240x128xf32, #tpu.memory_space<vmem_shared>>)
          tpu.yield
        }) : () -> ()
        %scan3A_35 = arith.constant 0 : i32
        scf.yield %scan3A_35 : i32
      }
      %scan3A_30 = arith.constant 100 : i32
    } else {
    }
    %barrier3A_16 = arith.constant 0 : index
    tpu.barrier barrier_id(%barrier3A_16)
    %scan3A_17 = arith.constant 0 : i32
    %scan3A_18 = arith.constant 0 : i32
    %scan3A_19 = arith.constant 4 : i32
    %scan3A_20 = arith.addi %scan3A_18, %scan3A_19 : i32
    %scan3A_21 = arith.constant 1 : i32
    %scan3A_22 = scf.for %scan3A_24 = %scan3A_18 to %scan3A_20 step %scan3A_21 iter_args(%scan3A_25 = %scan3A_17) -> (i32)  : i32 {
      %mul3A_26 = arith.constant 160 : i32
      %mul3A_27 = arith.muli %scan3A_24, %mul3A_26 : i32
      %add3A = arith.addi %mul3A_0, %mul3A_27 : i32
      "tpu.region"() ({
        %run_scoped3A = tpu.sem_alloc : memref<!tpu.dma_semaphore, #tpu.memory_space<semaphore_mem>>
        %dma_start3A = arith.constant 0 : i32
        %dma_start3A_32 = arith.constant 0 : i32
        %dma_start3A_33 = tpu.memref_slice %arg8[%dma_start3A, %dma_start3A_32] : memref<200x128xf32, #tpu.memory_space<vmem>> -> memref<160x128xf32, #tpu.memory_space<vmem>>
        %dma_start3A_34 = arith.constant 0 : i32
        %dma_start3A_35 = tpu.memref_slice %arg9[%add3A, %dma_start3A_34] : memref<10240x128xf32, #tpu.memory_space<vmem_shared>> -> memref<160x128xf32, #tpu.memory_space<vmem_shared>>
        %dma_start3A_36 = arith.constant 0 : i32
        %dma_start3A_37 = arith.constant 0 : i32
        %dma_start3A_38 = tpu.memref_slice %arg8[%dma_start3A_36, %dma_start3A_37] : memref<200x128xf32, #tpu.memory_space<vmem>> -> memref<160x128xf32, #tpu.memory_space<vmem>>
        %dma_start3A_39 = arith.constant 0 : i32
        %dma_start3A_40 = tpu.memref_slice %arg9[%add3A, %dma_start3A_39] : memref<10240x128xf32, #tpu.memory_space<vmem_shared>> -> memref<160x128xf32, #tpu.memory_space<vmem_shared>>
        tpu.enqueue_dma source(%dma_start3A_40 : memref<160x128xf32, #tpu.memory_space<vmem_shared>>) target(%dma_start3A_38 : memref<160x128xf32, #tpu.memory_space<vmem>>) target_semaphore(%run_scoped3A : memref<!tpu.dma_semaphore, #tpu.memory_space<semaphore_mem>>)
        %dma_wait3A = arith.constant 0 : i32
        %dma_wait3A_41 = arith.constant 0 : i32
        %dma_wait3A_42 = tpu.memref_slice %arg8[%dma_wait3A, %dma_wait3A_41] : memref<200x128xf32, #tpu.memory_space<vmem>> -> memref<160x128xf32, #tpu.memory_space<vmem>>
        %dma_wait3A_43 = arith.constant 0 : i32
        %dma_wait3A_44 = tpu.memref_slice %arg9[%add3A, %dma_wait3A_43] : memref<10240x128xf32, #tpu.memory_space<vmem_shared>> -> memref<160x128xf32, #tpu.memory_space<vmem_shared>>
        %dma_wait3A_45 = arith.constant 0 : i32
        %dma_wait3A_46 = arith.constant 0 : i32
        %dma_wait3A_47 = tpu.memref_slice %arg8[%dma_wait3A_45, %dma_wait3A_46] : memref<200x128xf32, #tpu.memory_space<vmem>> -> memref<160x128xf32, #tpu.memory_space<vmem>>
        %dma_wait3A_48 = arith.constant 0 : i32
        %dma_wait3A_49 = tpu.memref_slice %arg9[%add3A, %dma_wait3A_48] : memref<10240x128xf32, #tpu.memory_space<vmem_shared>> -> memref<160x128xf32, #tpu.memory_space<vmem_shared>>
        tpu.wait_dma2 semaphore(%run_scoped3A : memref<!tpu.dma_semaphore, #tpu.memory_space<semaphore_mem>>) src(%dma_wait3A_49 : memref<160x128xf32, #tpu.memory_space<vmem_shared>>) dst(%dma_wait3A_47 : memref<160x128xf32, #tpu.memory_space<vmem>>)
        tpu.yield
      }) : () -> ()
      %mul3A_28 = arith.constant 10240 : i32
      %mul3A_29 = arith.muli %arg0, %mul3A_28 : i32
      %add3A_30 = arith.addi %mul3A_29, %add3A : i32
      "tpu.region"() ({
        %run_scoped3A = tpu.sem_alloc : memref<!tpu.dma_semaphore, #tpu.memory_space<semaphore_mem>>
        %dma_start3A = arith.constant 0 : i32
        %dma_start3A_32 = arith.constant 0 : i32
        %dma_start3A_33 = tpu.memref_slice %arg8[%dma_start3A, %dma_start3A_32] : memref<200x128xf32, #tpu.memory_space<vmem>> -> memref<160x128xf32, #tpu.memory_space<vmem>>
        %dma_start3A_34 = arith.constant 0 : i32
        %dma_start3A_35 = tpu.memref_slice %arg6[%add3A_30, %dma_start3A_34] : memref<20480x128xf32, #tpu.memory_space<hbm>> -> memref<160x128xf32, #tpu.memory_space<hbm>>
        %dma_start3A_36 = arith.constant 0 : i32
        %dma_start3A_37 = tpu.memref_slice %arg6[%add3A_30, %dma_start3A_36] : memref<20480x128xf32, #tpu.memory_space<hbm>> -> memref<160x128xf32, #tpu.memory_space<hbm>>
        %dma_start3A_38 = arith.constant 0 : i32
        %dma_start3A_39 = arith.constant 0 : i32
        %dma_start3A_40 = tpu.memref_slice %arg8[%dma_start3A_38, %dma_start3A_39] : memref<200x128xf32, #tpu.memory_space<vmem>> -> memref<160x128xf32, #tpu.memory_space<vmem>>
        tpu.enqueue_dma source(%dma_start3A_40 : memref<160x128xf32, #tpu.memory_space<vmem>>) target(%dma_start3A_37 : memref<160x128xf32, #tpu.memory_space<hbm>>) target_semaphore(%run_scoped3A : memref<!tpu.dma_semaphore, #tpu.memory_space<semaphore_mem>>)
        %dma_wait3A = arith.constant 0 : i32
        %dma_wait3A_41 = arith.constant 0 : i32
        %dma_wait3A_42 = tpu.memref_slice %arg8[%dma_wait3A, %dma_wait3A_41] : memref<200x128xf32, #tpu.memory_space<vmem>> -> memref<160x128xf32, #tpu.memory_space<vmem>>
        %dma_wait3A_43 = arith.constant 0 : i32
        %dma_wait3A_44 = tpu.memref_slice %arg6[%add3A_30, %dma_wait3A_43] : memref<20480x128xf32, #tpu.memory_space<hbm>> -> memref<160x128xf32, #tpu.memory_space<hbm>>
        %dma_wait3A_45 = arith.constant 0 : i32
        %dma_wait3A_46 = tpu.memref_slice %arg6[%add3A_30, %dma_wait3A_45] : memref<20480x128xf32, #tpu.memory_space<hbm>> -> memref<160x128xf32, #tpu.memory_space<hbm>>
        %dma_wait3A_47 = arith.constant 0 : i32
        %dma_wait3A_48 = arith.constant 0 : i32
        %dma_wait3A_49 = tpu.memref_slice %arg8[%dma_wait3A_47, %dma_wait3A_48] : memref<200x128xf32, #tpu.memory_space<vmem>> -> memref<160x128xf32, #tpu.memory_space<vmem>>
        tpu.wait_dma2 semaphore(%run_scoped3A : memref<!tpu.dma_semaphore, #tpu.memory_space<semaphore_mem>>) src(%dma_wait3A_49 : memref<160x128xf32, #tpu.memory_space<vmem>>) dst(%dma_wait3A_46 : memref<160x128xf32, #tpu.memory_space<hbm>>)
        tpu.yield
      }) : () -> ()
      %scan3A_31 = arith.constant 0 : i32
      scf.yield %scan3A_31 : i32
    }
    %scan3A_23 = arith.constant 4 : i32
    return
  }
}

#map = affine_map<(d0, d1) -> (0, 0)>
#map1 = affine_map<(d0, d1) -> (0)>
module attributes {stable_mosaic.version = 14 : i64} {
  func.func @k(%arg0: i32, %arg1: i32, %arg2: memref<10240x256xf32, #tpu.memory_space<hbm>>, %arg3: memref<10240x512xf32, #tpu.memory_space<hbm>>, %arg4: memref<320000xi32, #tpu.memory_space<hbm>>, %arg5: memref<320000xi32, #tpu.memory_space<hbm>>, %arg6: memref<320000x256xf32, #tpu.memory_space<hbm>>, %arg7: memref<320000x512xf32, #tpu.memory_space<hbm>>, %arg8: memref<80xi32, #tpu.memory_space<vmem>>, %arg9: memref<80xi32, #tpu.memory_space<vmem>>, %arg10: memref<40xi32, #tpu.memory_space<vmem>>, %arg11: memref<40xi32, #tpu.memory_space<vmem>>, %arg12: memref<80x256xf32, #tpu.memory_space<vmem>>, %arg13: memref<80x256xf32, #tpu.memory_space<vmem>>, %arg14: memref<40x512xf32, #tpu.memory_space<vmem>>, %arg15: memref<40x512xf32, #tpu.memory_space<vmem>>, %arg16: memref<!tpu.dma_semaphore, #tpu.memory_space<semaphore_mem>>) attributes {dimension_semantics = [#tpu.dimension_semantics<core_parallel>, #tpu.dimension_semantics<subcore_parallel>], iteration_bounds = array<i64: 2, 16>, scalar_prefetch = 0 : i64, scratch_operands = 9 : i64, tpu.core_type = #tpu.core_type<sc_vector_subcore>, window_params = [{transform_indices = #map}, {transform_indices = #map}, {transform_indices = #map1}, {transform_indices = #map1}, {transform_indices = #map}, {transform_indices = #map}]} {
    %mul3A = arith.constant 2 : i32
    %mul3A_0 = arith.muli %arg1, %mul3A : i32
    %add3A = arith.addi %mul3A_0, %arg0 : i32
    %mul3A_1 = arith.constant 10000 : i32
    %mul3A_2 = arith.muli %add3A, %mul3A_1 : i32
    %scan3A = arith.constant 0 : i32
    %scan3A_3 = arith.constant 0 : i32
    %scan3A_4 = arith.constant 62 : i32
    %scan3A_5 = arith.addi %scan3A_3, %scan3A_4 : i32
    %scan3A_6 = arith.constant 1 : i32
    %scan3A_7 = scf.for %scan3A_24 = %scan3A_3 to %scan3A_5 step %scan3A_6 iter_args(%scan3A_25 = %scan3A) -> (i32)  : i32 {
      %mul3A_26 = arith.constant 2 : i32
      %mul3A_27 = arith.muli %mul3A_26, %scan3A_24 : i32
      %add3A_28 = arith.constant 1 : i32
      %add3A_29 = arith.addi %mul3A_27, %add3A_28 : i32
      %mul3A_30 = arith.constant 80 : i32
      %mul3A_31 = arith.muli %mul3A_27, %mul3A_30 : i32
      %add3A_32 = arith.addi %mul3A_2, %mul3A_31 : i32
      "tpu.region"() ({
        %run_scoped3A = tpu.sem_alloc : memref<!tpu.dma_semaphore, #tpu.memory_space<semaphore_mem>>
        %dma_start3A_55 = tpu.memref_slice %arg4[%add3A_32] : memref<320000xi32, #tpu.memory_space<hbm>> -> memref<80xi32, #tpu.memory_space<hbm>>
        %dma_start3A_56 = tpu.memref_slice %arg4[%add3A_32] : memref<320000xi32, #tpu.memory_space<hbm>> -> memref<80xi32, #tpu.memory_space<hbm>>
        tpu.enqueue_dma source(%dma_start3A_56 : memref<80xi32, #tpu.memory_space<hbm>>) target(%arg8 : memref<80xi32, #tpu.memory_space<vmem>>) target_semaphore(%run_scoped3A : memref<!tpu.dma_semaphore, #tpu.memory_space<semaphore_mem>>)
        %dma_wait3A_57 = tpu.memref_slice %arg4[%add3A_32] : memref<320000xi32, #tpu.memory_space<hbm>> -> memref<80xi32, #tpu.memory_space<hbm>>
        %dma_wait3A_58 = tpu.memref_slice %arg4[%add3A_32] : memref<320000xi32, #tpu.memory_space<hbm>> -> memref<80xi32, #tpu.memory_space<hbm>>
        tpu.wait_dma2 semaphore(%run_scoped3A : memref<!tpu.dma_semaphore, #tpu.memory_space<semaphore_mem>>) src(%dma_wait3A_58 : memref<80xi32, #tpu.memory_space<hbm>>) dst(%arg8 : memref<80xi32, #tpu.memory_space<vmem>>)
        tpu.yield
      }) : () -> ()
      %dma_start3A_33 = arith.constant 0 : i32
      %dma_start3A_34 = arith.constant 0 : i32
      %dma_start3A_35 = tpu.memref_slice %arg2[%dma_start3A_33, %dma_start3A_34] : memref<10240x256xf32, #tpu.memory_space<hbm>> -> memref<10240x256xf32, #tpu.memory_space<hbm>>
      tpu.enqueue_indirect_dma source(%dma_start3A_35 : memref<10240x256xf32, #tpu.memory_space<hbm>>) target(%arg12 : memref<80x256xf32, #tpu.memory_space<vmem>>) offsets(%arg8 : memref<80xi32, #tpu.memory_space<vmem>>) semaphore(%arg16 : memref<!tpu.dma_semaphore, #tpu.memory_space<semaphore_mem>>)
      %mul3A_36 = arith.constant 80 : i32
      %mul3A_37 = arith.muli %add3A_29, %mul3A_36 : i32
      %add3A_38 = arith.addi %mul3A_2, %mul3A_37 : i32
      "tpu.region"() ({
        %run_scoped3A = tpu.sem_alloc : memref<!tpu.dma_semaphore, #tpu.memory_space<semaphore_mem>>
        %dma_start3A_55 = tpu.memref_slice %arg4[%add3A_38] : memref<320000xi32, #tpu.memory_space<hbm>> -> memref<80xi32, #tpu.memory_space<hbm>>
        %dma_start3A_56 = tpu.memref_slice %arg4[%add3A_38] : memref<320000xi32, #tpu.memory_space<hbm>> -> memref<80xi32, #tpu.memory_space<hbm>>
        tpu.enqueue_dma source(%dma_start3A_56 : memref<80xi32, #tpu.memory_space<hbm>>) target(%arg9 : memref<80xi32, #tpu.memory_space<vmem>>) target_semaphore(%run_scoped3A : memref<!tpu.dma_semaphore, #tpu.memory_space<semaphore_mem>>)
        %dma_wait3A_57 = tpu.memref_slice %arg4[%add3A_38] : memref<320000xi32, #tpu.memory_space<hbm>> -> memref<80xi32, #tpu.memory_space<hbm>>
        %dma_wait3A_58 = tpu.memref_slice %arg4[%add3A_38] : memref<320000xi32, #tpu.memory_space<hbm>> -> memref<80xi32, #tpu.memory_space<hbm>>
        tpu.wait_dma2 semaphore(%run_scoped3A : memref<!tpu.dma_semaphore, #tpu.memory_space<semaphore_mem>>) src(%dma_wait3A_58 : memref<80xi32, #tpu.memory_space<hbm>>) dst(%arg9 : memref<80xi32, #tpu.memory_space<vmem>>)
        tpu.yield
      }) : () -> ()
      %dma_start3A_39 = arith.constant 0 : i32
      %dma_start3A_40 = arith.constant 0 : i32
      %dma_start3A_41 = tpu.memref_slice %arg2[%dma_start3A_39, %dma_start3A_40] : memref<10240x256xf32, #tpu.memory_space<hbm>> -> memref<10240x256xf32, #tpu.memory_space<hbm>>
      tpu.enqueue_indirect_dma source(%dma_start3A_41 : memref<10240x256xf32, #tpu.memory_space<hbm>>) target(%arg13 : memref<80x256xf32, #tpu.memory_space<vmem>>) offsets(%arg9 : memref<80xi32, #tpu.memory_space<vmem>>) semaphore(%arg16 : memref<!tpu.dma_semaphore, #tpu.memory_space<semaphore_mem>>)
      %dma_wait3A_42 = arith.constant 0 : i32
      %dma_wait3A_43 = arith.constant 0 : i32
      %dma_wait3A_44 = tpu.memref_slice %arg2[%dma_wait3A_42, %dma_wait3A_43] : memref<10240x256xf32, #tpu.memory_space<hbm>> -> memref<10240x256xf32, #tpu.memory_space<hbm>>
      tpu.wait_indirect_dma semaphore(%arg16 : memref<!tpu.dma_semaphore, #tpu.memory_space<semaphore_mem>>) src(%dma_wait3A_44 : memref<10240x256xf32, #tpu.memory_space<hbm>>) dst(%arg12 : memref<80x256xf32, #tpu.memory_space<vmem>>)
      %dma_wait3A_45 = arith.constant 0 : i32
      %dma_wait3A_46 = arith.constant 0 : i32
      %dma_wait3A_47 = tpu.memref_slice %arg2[%dma_wait3A_45, %dma_wait3A_46] : memref<10240x256xf32, #tpu.memory_space<hbm>> -> memref<10240x256xf32, #tpu.memory_space<hbm>>
      tpu.wait_indirect_dma semaphore(%arg16 : memref<!tpu.dma_semaphore, #tpu.memory_space<semaphore_mem>>) src(%dma_wait3A_47 : memref<10240x256xf32, #tpu.memory_space<hbm>>) dst(%arg13 : memref<80x256xf32, #tpu.memory_space<vmem>>)
      %mul3A_48 = arith.constant 80 : i32
      %mul3A_49 = arith.muli %mul3A_27, %mul3A_48 : i32
      %add3A_50 = arith.addi %mul3A_2, %mul3A_49 : i32
      "tpu.region"() ({
        %run_scoped3A = tpu.sem_alloc : memref<!tpu.dma_semaphore, #tpu.memory_space<semaphore_mem>>
        %dma_start3A_55 = arith.constant 0 : i32
        %dma_start3A_56 = tpu.memref_slice %arg6[%add3A_50, %dma_start3A_55] : memref<320000x256xf32, #tpu.memory_space<hbm>> -> memref<80x256xf32, #tpu.memory_space<hbm>>
        %dma_start3A_57 = arith.constant 0 : i32
        %dma_start3A_58 = tpu.memref_slice %arg6[%add3A_50, %dma_start3A_57] : memref<320000x256xf32, #tpu.memory_space<hbm>> -> memref<80x256xf32, #tpu.memory_space<hbm>>
        tpu.enqueue_dma source(%arg12 : memref<80x256xf32, #tpu.memory_space<vmem>>) target(%dma_start3A_58 : memref<80x256xf32, #tpu.memory_space<hbm>>) target_semaphore(%run_scoped3A : memref<!tpu.dma_semaphore, #tpu.memory_space<semaphore_mem>>)
        %dma_wait3A_59 = arith.constant 0 : i32
        %dma_wait3A_60 = tpu.memref_slice %arg6[%add3A_50, %dma_wait3A_59] : memref<320000x256xf32, #tpu.memory_space<hbm>> -> memref<80x256xf32, #tpu.memory_space<hbm>>
        %dma_wait3A_61 = arith.constant 0 : i32
        %dma_wait3A_62 = tpu.memref_slice %arg6[%add3A_50, %dma_wait3A_61] : memref<320000x256xf32, #tpu.memory_space<hbm>> -> memref<80x256xf32, #tpu.memory_space<hbm>>
        tpu.wait_dma2 semaphore(%run_scoped3A : memref<!tpu.dma_semaphore, #tpu.memory_space<semaphore_mem>>) src(%arg12 : memref<80x256xf32, #tpu.memory_space<vmem>>) dst(%dma_wait3A_62 : memref<80x256xf32, #tpu.memory_space<hbm>>)
        tpu.yield
      }) : () -> ()
      %mul3A_51 = arith.constant 80 : i32
      %mul3A_52 = arith.muli %add3A_29, %mul3A_51 : i32
      %add3A_53 = arith.addi %mul3A_2, %mul3A_52 : i32
      "tpu.region"() ({
        %run_scoped3A = tpu.sem_alloc : memref<!tpu.dma_semaphore, #tpu.memory_space<semaphore_mem>>
        %dma_start3A_55 = arith.constant 0 : i32
        %dma_start3A_56 = tpu.memref_slice %arg6[%add3A_53, %dma_start3A_55] : memref<320000x256xf32, #tpu.memory_space<hbm>> -> memref<80x256xf32, #tpu.memory_space<hbm>>
        %dma_start3A_57 = arith.constant 0 : i32
        %dma_start3A_58 = tpu.memref_slice %arg6[%add3A_53, %dma_start3A_57] : memref<320000x256xf32, #tpu.memory_space<hbm>> -> memref<80x256xf32, #tpu.memory_space<hbm>>
        tpu.enqueue_dma source(%arg13 : memref<80x256xf32, #tpu.memory_space<vmem>>) target(%dma_start3A_58 : memref<80x256xf32, #tpu.memory_space<hbm>>) target_semaphore(%run_scoped3A : memref<!tpu.dma_semaphore, #tpu.memory_space<semaphore_mem>>)
        %dma_wait3A_59 = arith.constant 0 : i32
        %dma_wait3A_60 = tpu.memref_slice %arg6[%add3A_53, %dma_wait3A_59] : memref<320000x256xf32, #tpu.memory_space<hbm>> -> memref<80x256xf32, #tpu.memory_space<hbm>>
        %dma_wait3A_61 = arith.constant 0 : i32
        %dma_wait3A_62 = tpu.memref_slice %arg6[%add3A_53, %dma_wait3A_61] : memref<320000x256xf32, #tpu.memory_space<hbm>> -> memref<80x256xf32, #tpu.memory_space<hbm>>
        tpu.wait_dma2 semaphore(%run_scoped3A : memref<!tpu.dma_semaphore, #tpu.memory_space<semaphore_mem>>) src(%arg13 : memref<80x256xf32, #tpu.memory_space<vmem>>) dst(%dma_wait3A_62 : memref<80x256xf32, #tpu.memory_space<hbm>>)
        tpu.yield
      }) : () -> ()
      %scan3A_54 = arith.constant 0 : i32
      scf.yield %scan3A_54 : i32
    }
    %scan3A_8 = arith.constant 62 : i32
    %add3A_9 = arith.constant 9920 : i32
    %add3A_10 = arith.addi %mul3A_2, %add3A_9 : i32
    "tpu.region"() ({
      %run_scoped3A = tpu.sem_alloc : memref<!tpu.dma_semaphore, #tpu.memory_space<semaphore_mem>>
      %dma_start3A_24 = tpu.memref_slice %arg4[%add3A_10] : memref<320000xi32, #tpu.memory_space<hbm>> -> memref<80xi32, #tpu.memory_space<hbm>>
      %dma_start3A_25 = tpu.memref_slice %arg4[%add3A_10] : memref<320000xi32, #tpu.memory_space<hbm>> -> memref<80xi32, #tpu.memory_space<hbm>>
      tpu.enqueue_dma source(%dma_start3A_25 : memref<80xi32, #tpu.memory_space<hbm>>) target(%arg8 : memref<80xi32, #tpu.memory_space<vmem>>) target_semaphore(%run_scoped3A : memref<!tpu.dma_semaphore, #tpu.memory_space<semaphore_mem>>)
      %dma_wait3A_26 = tpu.memref_slice %arg4[%add3A_10] : memref<320000xi32, #tpu.memory_space<hbm>> -> memref<80xi32, #tpu.memory_space<hbm>>
      %dma_wait3A_27 = tpu.memref_slice %arg4[%add3A_10] : memref<320000xi32, #tpu.memory_space<hbm>> -> memref<80xi32, #tpu.memory_space<hbm>>
      tpu.wait_dma2 semaphore(%run_scoped3A : memref<!tpu.dma_semaphore, #tpu.memory_space<semaphore_mem>>) src(%dma_wait3A_27 : memref<80xi32, #tpu.memory_space<hbm>>) dst(%arg8 : memref<80xi32, #tpu.memory_space<vmem>>)
      tpu.yield
    }) : () -> ()
    %dma_start3A = arith.constant 0 : i32
    %dma_start3A_11 = arith.constant 0 : i32
    %dma_start3A_12 = tpu.memref_slice %arg2[%dma_start3A, %dma_start3A_11] : memref<10240x256xf32, #tpu.memory_space<hbm>> -> memref<10240x256xf32, #tpu.memory_space<hbm>>
    tpu.enqueue_indirect_dma source(%dma_start3A_12 : memref<10240x256xf32, #tpu.memory_space<hbm>>) target(%arg12 : memref<80x256xf32, #tpu.memory_space<vmem>>) offsets(%arg8 : memref<80xi32, #tpu.memory_space<vmem>>) semaphore(%arg16 : memref<!tpu.dma_semaphore, #tpu.memory_space<semaphore_mem>>)
    %dma_wait3A = arith.constant 0 : i32
    %dma_wait3A_13 = arith.constant 0 : i32
    %dma_wait3A_14 = tpu.memref_slice %arg2[%dma_wait3A, %dma_wait3A_13] : memref<10240x256xf32, #tpu.memory_space<hbm>> -> memref<10240x256xf32, #tpu.memory_space<hbm>>
    tpu.wait_indirect_dma semaphore(%arg16 : memref<!tpu.dma_semaphore, #tpu.memory_space<semaphore_mem>>) src(%dma_wait3A_14 : memref<10240x256xf32, #tpu.memory_space<hbm>>) dst(%arg12 : memref<80x256xf32, #tpu.memory_space<vmem>>)
    %add3A_15 = arith.constant 9920 : i32
    %add3A_16 = arith.addi %mul3A_2, %add3A_15 : i32
    "tpu.region"() ({
      %run_scoped3A = tpu.sem_alloc : memref<!tpu.dma_semaphore, #tpu.memory_space<semaphore_mem>>
      %dma_start3A_24 = arith.constant 0 : i32
      %dma_start3A_25 = tpu.memref_slice %arg6[%add3A_16, %dma_start3A_24] : memref<320000x256xf32, #tpu.memory_space<hbm>> -> memref<80x256xf32, #tpu.memory_space<hbm>>
      %dma_start3A_26 = arith.constant 0 : i32
      %dma_start3A_27 = tpu.memref_slice %arg6[%add3A_16, %dma_start3A_26] : memref<320000x256xf32, #tpu.memory_space<hbm>> -> memref<80x256xf32, #tpu.memory_space<hbm>>
      tpu.enqueue_dma source(%arg12 : memref<80x256xf32, #tpu.memory_space<vmem>>) target(%dma_start3A_27 : memref<80x256xf32, #tpu.memory_space<hbm>>) target_semaphore(%run_scoped3A : memref<!tpu.dma_semaphore, #tpu.memory_space<semaphore_mem>>)
      %dma_wait3A_28 = arith.constant 0 : i32
      %dma_wait3A_29 = tpu.memref_slice %arg6[%add3A_16, %dma_wait3A_28] : memref<320000x256xf32, #tpu.memory_space<hbm>> -> memref<80x256xf32, #tpu.memory_space<hbm>>
      %dma_wait3A_30 = arith.constant 0 : i32
      %dma_wait3A_31 = tpu.memref_slice %arg6[%add3A_16, %dma_wait3A_30] : memref<320000x256xf32, #tpu.memory_space<hbm>> -> memref<80x256xf32, #tpu.memory_space<hbm>>
      tpu.wait_dma2 semaphore(%run_scoped3A : memref<!tpu.dma_semaphore, #tpu.memory_space<semaphore_mem>>) src(%arg12 : memref<80x256xf32, #tpu.memory_space<vmem>>) dst(%dma_wait3A_31 : memref<80x256xf32, #tpu.memory_space<hbm>>)
      tpu.yield
    }) : () -> ()
    %scan3A_17 = arith.constant 0 : i32
    %scan3A_18 = arith.constant 0 : i32
    %scan3A_19 = arith.constant 125 : i32
    %scan3A_20 = arith.addi %scan3A_18, %scan3A_19 : i32
    %scan3A_21 = arith.constant 1 : i32
    %scan3A_22 = scf.for %scan3A_24 = %scan3A_18 to %scan3A_20 step %scan3A_21 iter_args(%scan3A_25 = %scan3A_17) -> (i32)  : i32 {
      %mul3A_26 = arith.constant 2 : i32
      %mul3A_27 = arith.muli %mul3A_26, %scan3A_24 : i32
      %add3A_28 = arith.constant 1 : i32
      %add3A_29 = arith.addi %mul3A_27, %add3A_28 : i32
      %mul3A_30 = arith.constant 40 : i32
      %mul3A_31 = arith.muli %mul3A_27, %mul3A_30 : i32
      %add3A_32 = arith.addi %mul3A_2, %mul3A_31 : i32
      "tpu.region"() ({
        %run_scoped3A = tpu.sem_alloc : memref<!tpu.dma_semaphore, #tpu.memory_space<semaphore_mem>>
        %dma_start3A_55 = tpu.memref_slice %arg5[%add3A_32] : memref<320000xi32, #tpu.memory_space<hbm>> -> memref<40xi32, #tpu.memory_space<hbm>>
        %dma_start3A_56 = tpu.memref_slice %arg5[%add3A_32] : memref<320000xi32, #tpu.memory_space<hbm>> -> memref<40xi32, #tpu.memory_space<hbm>>
        tpu.enqueue_dma source(%dma_start3A_56 : memref<40xi32, #tpu.memory_space<hbm>>) target(%arg10 : memref<40xi32, #tpu.memory_space<vmem>>) target_semaphore(%run_scoped3A : memref<!tpu.dma_semaphore, #tpu.memory_space<semaphore_mem>>)
        %dma_wait3A_57 = tpu.memref_slice %arg5[%add3A_32] : memref<320000xi32, #tpu.memory_space<hbm>> -> memref<40xi32, #tpu.memory_space<hbm>>
        %dma_wait3A_58 = tpu.memref_slice %arg5[%add3A_32] : memref<320000xi32, #tpu.memory_space<hbm>> -> memref<40xi32, #tpu.memory_space<hbm>>
        tpu.wait_dma2 semaphore(%run_scoped3A : memref<!tpu.dma_semaphore, #tpu.memory_space<semaphore_mem>>) src(%dma_wait3A_58 : memref<40xi32, #tpu.memory_space<hbm>>) dst(%arg10 : memref<40xi32, #tpu.memory_space<vmem>>)
        tpu.yield
      }) : () -> ()
      %dma_start3A_33 = arith.constant 0 : i32
      %dma_start3A_34 = arith.constant 0 : i32
      %dma_start3A_35 = tpu.memref_slice %arg3[%dma_start3A_33, %dma_start3A_34] : memref<10240x512xf32, #tpu.memory_space<hbm>> -> memref<10240x512xf32, #tpu.memory_space<hbm>>
      tpu.enqueue_indirect_dma source(%dma_start3A_35 : memref<10240x512xf32, #tpu.memory_space<hbm>>) target(%arg14 : memref<40x512xf32, #tpu.memory_space<vmem>>) offsets(%arg10 : memref<40xi32, #tpu.memory_space<vmem>>) semaphore(%arg16 : memref<!tpu.dma_semaphore, #tpu.memory_space<semaphore_mem>>)
      %mul3A_36 = arith.constant 40 : i32
      %mul3A_37 = arith.muli %add3A_29, %mul3A_36 : i32
      %add3A_38 = arith.addi %mul3A_2, %mul3A_37 : i32
      "tpu.region"() ({
        %run_scoped3A = tpu.sem_alloc : memref<!tpu.dma_semaphore, #tpu.memory_space<semaphore_mem>>
        %dma_start3A_55 = tpu.memref_slice %arg5[%add3A_38] : memref<320000xi32, #tpu.memory_space<hbm>> -> memref<40xi32, #tpu.memory_space<hbm>>
        %dma_start3A_56 = tpu.memref_slice %arg5[%add3A_38] : memref<320000xi32, #tpu.memory_space<hbm>> -> memref<40xi32, #tpu.memory_space<hbm>>
        tpu.enqueue_dma source(%dma_start3A_56 : memref<40xi32, #tpu.memory_space<hbm>>) target(%arg11 : memref<40xi32, #tpu.memory_space<vmem>>) target_semaphore(%run_scoped3A : memref<!tpu.dma_semaphore, #tpu.memory_space<semaphore_mem>>)
        %dma_wait3A_57 = tpu.memref_slice %arg5[%add3A_38] : memref<320000xi32, #tpu.memory_space<hbm>> -> memref<40xi32, #tpu.memory_space<hbm>>
        %dma_wait3A_58 = tpu.memref_slice %arg5[%add3A_38] : memref<320000xi32, #tpu.memory_space<hbm>> -> memref<40xi32, #tpu.memory_space<hbm>>
        tpu.wait_dma2 semaphore(%run_scoped3A : memref<!tpu.dma_semaphore, #tpu.memory_space<semaphore_mem>>) src(%dma_wait3A_58 : memref<40xi32, #tpu.memory_space<hbm>>) dst(%arg11 : memref<40xi32, #tpu.memory_space<vmem>>)
        tpu.yield
      }) : () -> ()
      %dma_start3A_39 = arith.constant 0 : i32
      %dma_start3A_40 = arith.constant 0 : i32
      %dma_start3A_41 = tpu.memref_slice %arg3[%dma_start3A_39, %dma_start3A_40] : memref<10240x512xf32, #tpu.memory_space<hbm>> -> memref<10240x512xf32, #tpu.memory_space<hbm>>
      tpu.enqueue_indirect_dma source(%dma_start3A_41 : memref<10240x512xf32, #tpu.memory_space<hbm>>) target(%arg15 : memref<40x512xf32, #tpu.memory_space<vmem>>) offsets(%arg11 : memref<40xi32, #tpu.memory_space<vmem>>) semaphore(%arg16 : memref<!tpu.dma_semaphore, #tpu.memory_space<semaphore_mem>>)
      %dma_wait3A_42 = arith.constant 0 : i32
      %dma_wait3A_43 = arith.constant 0 : i32
      %dma_wait3A_44 = tpu.memref_slice %arg3[%dma_wait3A_42, %dma_wait3A_43] : memref<10240x512xf32, #tpu.memory_space<hbm>> -> memref<10240x512xf32, #tpu.memory_space<hbm>>
      tpu.wait_indirect_dma semaphore(%arg16 : memref<!tpu.dma_semaphore, #tpu.memory_space<semaphore_mem>>) src(%dma_wait3A_44 : memref<10240x512xf32, #tpu.memory_space<hbm>>) dst(%arg14 : memref<40x512xf32, #tpu.memory_space<vmem>>)
      %dma_wait3A_45 = arith.constant 0 : i32
      %dma_wait3A_46 = arith.constant 0 : i32
      %dma_wait3A_47 = tpu.memref_slice %arg3[%dma_wait3A_45, %dma_wait3A_46] : memref<10240x512xf32, #tpu.memory_space<hbm>> -> memref<10240x512xf32, #tpu.memory_space<hbm>>
      tpu.wait_indirect_dma semaphore(%arg16 : memref<!tpu.dma_semaphore, #tpu.memory_space<semaphore_mem>>) src(%dma_wait3A_47 : memref<10240x512xf32, #tpu.memory_space<hbm>>) dst(%arg15 : memref<40x512xf32, #tpu.memory_space<vmem>>)
      %mul3A_48 = arith.constant 40 : i32
      %mul3A_49 = arith.muli %mul3A_27, %mul3A_48 : i32
      %add3A_50 = arith.addi %mul3A_2, %mul3A_49 : i32
      "tpu.region"() ({
        %run_scoped3A = tpu.sem_alloc : memref<!tpu.dma_semaphore, #tpu.memory_space<semaphore_mem>>
        %dma_start3A_55 = arith.constant 0 : i32
        %dma_start3A_56 = tpu.memref_slice %arg7[%add3A_50, %dma_start3A_55] : memref<320000x512xf32, #tpu.memory_space<hbm>> -> memref<40x512xf32, #tpu.memory_space<hbm>>
        %dma_start3A_57 = arith.constant 0 : i32
        %dma_start3A_58 = tpu.memref_slice %arg7[%add3A_50, %dma_start3A_57] : memref<320000x512xf32, #tpu.memory_space<hbm>> -> memref<40x512xf32, #tpu.memory_space<hbm>>
        tpu.enqueue_dma source(%arg14 : memref<40x512xf32, #tpu.memory_space<vmem>>) target(%dma_start3A_58 : memref<40x512xf32, #tpu.memory_space<hbm>>) target_semaphore(%run_scoped3A : memref<!tpu.dma_semaphore, #tpu.memory_space<semaphore_mem>>)
        %dma_wait3A_59 = arith.constant 0 : i32
        %dma_wait3A_60 = tpu.memref_slice %arg7[%add3A_50, %dma_wait3A_59] : memref<320000x512xf32, #tpu.memory_space<hbm>> -> memref<40x512xf32, #tpu.memory_space<hbm>>
        %dma_wait3A_61 = arith.constant 0 : i32
        %dma_wait3A_62 = tpu.memref_slice %arg7[%add3A_50, %dma_wait3A_61] : memref<320000x512xf32, #tpu.memory_space<hbm>> -> memref<40x512xf32, #tpu.memory_space<hbm>>
        tpu.wait_dma2 semaphore(%run_scoped3A : memref<!tpu.dma_semaphore, #tpu.memory_space<semaphore_mem>>) src(%arg14 : memref<40x512xf32, #tpu.memory_space<vmem>>) dst(%dma_wait3A_62 : memref<40x512xf32, #tpu.memory_space<hbm>>)
        tpu.yield
      }) : () -> ()
      %mul3A_51 = arith.constant 40 : i32
      %mul3A_52 = arith.muli %add3A_29, %mul3A_51 : i32
      %add3A_53 = arith.addi %mul3A_2, %mul3A_52 : i32
      "tpu.region"() ({
        %run_scoped3A = tpu.sem_alloc : memref<!tpu.dma_semaphore, #tpu.memory_space<semaphore_mem>>
        %dma_start3A_55 = arith.constant 0 : i32
        %dma_start3A_56 = tpu.memref_slice %arg7[%add3A_53, %dma_start3A_55] : memref<320000x512xf32, #tpu.memory_space<hbm>> -> memref<40x512xf32, #tpu.memory_space<hbm>>
        %dma_start3A_57 = arith.constant 0 : i32
        %dma_start3A_58 = tpu.memref_slice %arg7[%add3A_53, %dma_start3A_57] : memref<320000x512xf32, #tpu.memory_space<hbm>> -> memref<40x512xf32, #tpu.memory_space<hbm>>
        tpu.enqueue_dma source(%arg15 : memref<40x512xf32, #tpu.memory_space<vmem>>) target(%dma_start3A_58 : memref<40x512xf32, #tpu.memory_space<hbm>>) target_semaphore(%run_scoped3A : memref<!tpu.dma_semaphore, #tpu.memory_space<semaphore_mem>>)
        %dma_wait3A_59 = arith.constant 0 : i32
        %dma_wait3A_60 = tpu.memref_slice %arg7[%add3A_53, %dma_wait3A_59] : memref<320000x512xf32, #tpu.memory_space<hbm>> -> memref<40x512xf32, #tpu.memory_space<hbm>>
        %dma_wait3A_61 = arith.constant 0 : i32
        %dma_wait3A_62 = tpu.memref_slice %arg7[%add3A_53, %dma_wait3A_61] : memref<320000x512xf32, #tpu.memory_space<hbm>> -> memref<40x512xf32, #tpu.memory_space<hbm>>
        tpu.wait_dma2 semaphore(%run_scoped3A : memref<!tpu.dma_semaphore, #tpu.memory_space<semaphore_mem>>) src(%arg15 : memref<40x512xf32, #tpu.memory_space<vmem>>) dst(%dma_wait3A_62 : memref<40x512xf32, #tpu.memory_space<hbm>>)
        tpu.yield
      }) : () -> ()
      %scan3A_54 = arith.constant 0 : i32
      scf.yield %scan3A_54 : i32
    }
    %scan3A_23 = arith.constant 125 : i32
    return
  }
}

#map = affine_map<(d0, d1) -> (0, 0)>
#map1 = affine_map<(d0, d1) -> (0)>
module attributes {stable_mosaic.version = 14 : i64} {
  func.func @k(%arg0: i32, %arg1: i32, %arg2: memref<10240x256xf32, #tpu.memory_space<hbm>>, %arg3: memref<10240x512xf32, #tpu.memory_space<hbm>>, %arg4: memref<320000xi32, #tpu.memory_space<hbm>>, %arg5: memref<320000xi32, #tpu.memory_space<hbm>>, %arg6: memref<320000x256xf32, #tpu.memory_space<hbm>>, %arg7: memref<320000x512xf32, #tpu.memory_space<hbm>>, %arg8: memref<80xi32, #tpu.memory_space<vmem>>, %arg9: memref<80xi32, #tpu.memory_space<vmem>>, %arg10: memref<40xi32, #tpu.memory_space<vmem>>, %arg11: memref<40xi32, #tpu.memory_space<vmem>>, %arg12: memref<80x256xf32, #tpu.memory_space<vmem>>, %arg13: memref<80x256xf32, #tpu.memory_space<vmem>>, %arg14: memref<40x512xf32, #tpu.memory_space<vmem>>, %arg15: memref<40x512xf32, #tpu.memory_space<vmem>>, %arg16: memref<!tpu.dma_semaphore, #tpu.memory_space<semaphore_mem>>) attributes {dimension_semantics = [#tpu.dimension_semantics<core_parallel>, #tpu.dimension_semantics<subcore_parallel>], iteration_bounds = array<i64: 2, 16>, scalar_prefetch = 0 : i64, scratch_operands = 9 : i64, tpu.core_type = #tpu.core_type<sc_vector_subcore>, window_params = [{transform_indices = #map}, {transform_indices = #map}, {transform_indices = #map1}, {transform_indices = #map1}, {transform_indices = #map}, {transform_indices = #map}]} {
    %mul3A = arith.constant 2 : i32
    %mul3A_0 = arith.muli %arg1, %mul3A : i32
    %add3A = arith.addi %mul3A_0, %arg0 : i32
    %mul3A_1 = arith.constant 10000 : i32
    %mul3A_2 = arith.muli %add3A, %mul3A_1 : i32
    %scan3A = arith.constant 0 : i32
    %scan3A_3 = arith.constant 0 : i32
    %scan3A_4 = arith.constant 62 : i32
    %scan3A_5 = arith.addi %scan3A_3, %scan3A_4 : i32
    %scan3A_6 = arith.constant 1 : i32
    %scan3A_7 = scf.for %scan3A_24 = %scan3A_3 to %scan3A_5 step %scan3A_6 iter_args(%scan3A_25 = %scan3A) -> (i32)  : i32 {
      %mul3A_26 = arith.constant 2 : i32
      %mul3A_27 = arith.muli %mul3A_26, %scan3A_24 : i32
      %add3A_28 = arith.constant 1 : i32
      %add3A_29 = arith.addi %mul3A_27, %add3A_28 : i32
      %mul3A_30 = arith.constant 80 : i32
      %mul3A_31 = arith.muli %mul3A_27, %mul3A_30 : i32
      %add3A_32 = arith.addi %mul3A_2, %mul3A_31 : i32
      "tpu.region"() ({
        %run_scoped3A = tpu.sem_alloc : memref<!tpu.dma_semaphore, #tpu.memory_space<semaphore_mem>>
        %dma_start3A_55 = tpu.memref_slice %arg4[%add3A_32] : memref<320000xi32, #tpu.memory_space<hbm>> -> memref<80xi32, #tpu.memory_space<hbm>>
        %dma_start3A_56 = tpu.memref_slice %arg4[%add3A_32] : memref<320000xi32, #tpu.memory_space<hbm>> -> memref<80xi32, #tpu.memory_space<hbm>>
        tpu.enqueue_dma source(%dma_start3A_56 : memref<80xi32, #tpu.memory_space<hbm>>) target(%arg8 : memref<80xi32, #tpu.memory_space<vmem>>) target_semaphore(%run_scoped3A : memref<!tpu.dma_semaphore, #tpu.memory_space<semaphore_mem>>)
        %dma_wait3A_57 = tpu.memref_slice %arg4[%add3A_32] : memref<320000xi32, #tpu.memory_space<hbm>> -> memref<80xi32, #tpu.memory_space<hbm>>
        %dma_wait3A_58 = tpu.memref_slice %arg4[%add3A_32] : memref<320000xi32, #tpu.memory_space<hbm>> -> memref<80xi32, #tpu.memory_space<hbm>>
        tpu.wait_dma2 semaphore(%run_scoped3A : memref<!tpu.dma_semaphore, #tpu.memory_space<semaphore_mem>>) src(%dma_wait3A_58 : memref<80xi32, #tpu.memory_space<hbm>>) dst(%arg8 : memref<80xi32, #tpu.memory_space<vmem>>)
        tpu.yield
      }) : () -> ()
      %dma_start3A_33 = arith.constant 0 : i32
      %dma_start3A_34 = arith.constant 0 : i32
      %dma_start3A_35 = tpu.memref_slice %arg2[%dma_start3A_33, %dma_start3A_34] : memref<10240x256xf32, #tpu.memory_space<hbm>> -> memref<10240x256xf32, #tpu.memory_space<hbm>>
      tpu.enqueue_indirect_dma source(%dma_start3A_35 : memref<10240x256xf32, #tpu.memory_space<hbm>>) target(%arg12 : memref<80x256xf32, #tpu.memory_space<vmem>>) offsets(%arg8 : memref<80xi32, #tpu.memory_space<vmem>>) semaphore(%arg16 : memref<!tpu.dma_semaphore, #tpu.memory_space<semaphore_mem>>)
      %mul3A_36 = arith.constant 80 : i32
      %mul3A_37 = arith.muli %add3A_29, %mul3A_36 : i32
      %add3A_38 = arith.addi %mul3A_2, %mul3A_37 : i32
      "tpu.region"() ({
        %run_scoped3A = tpu.sem_alloc : memref<!tpu.dma_semaphore, #tpu.memory_space<semaphore_mem>>
        %dma_start3A_55 = tpu.memref_slice %arg4[%add3A_38] : memref<320000xi32, #tpu.memory_space<hbm>> -> memref<80xi32, #tpu.memory_space<hbm>>
        %dma_start3A_56 = tpu.memref_slice %arg4[%add3A_38] : memref<320000xi32, #tpu.memory_space<hbm>> -> memref<80xi32, #tpu.memory_space<hbm>>
        tpu.enqueue_dma source(%dma_start3A_56 : memref<80xi32, #tpu.memory_space<hbm>>) target(%arg9 : memref<80xi32, #tpu.memory_space<vmem>>) target_semaphore(%run_scoped3A : memref<!tpu.dma_semaphore, #tpu.memory_space<semaphore_mem>>)
        %dma_wait3A_57 = tpu.memref_slice %arg4[%add3A_38] : memref<320000xi32, #tpu.memory_space<hbm>> -> memref<80xi32, #tpu.memory_space<hbm>>
        %dma_wait3A_58 = tpu.memref_slice %arg4[%add3A_38] : memref<320000xi32, #tpu.memory_space<hbm>> -> memref<80xi32, #tpu.memory_space<hbm>>
        tpu.wait_dma2 semaphore(%run_scoped3A : memref<!tpu.dma_semaphore, #tpu.memory_space<semaphore_mem>>) src(%dma_wait3A_58 : memref<80xi32, #tpu.memory_space<hbm>>) dst(%arg9 : memref<80xi32, #tpu.memory_space<vmem>>)
        tpu.yield
      }) : () -> ()
      %dma_start3A_39 = arith.constant 0 : i32
      %dma_start3A_40 = arith.constant 0 : i32
      %dma_start3A_41 = tpu.memref_slice %arg2[%dma_start3A_39, %dma_start3A_40] : memref<10240x256xf32, #tpu.memory_space<hbm>> -> memref<10240x256xf32, #tpu.memory_space<hbm>>
      tpu.enqueue_indirect_dma source(%dma_start3A_41 : memref<10240x256xf32, #tpu.memory_space<hbm>>) target(%arg13 : memref<80x256xf32, #tpu.memory_space<vmem>>) offsets(%arg9 : memref<80xi32, #tpu.memory_space<vmem>>) semaphore(%arg16 : memref<!tpu.dma_semaphore, #tpu.memory_space<semaphore_mem>>)
      %dma_wait3A_42 = arith.constant 0 : i32
      %dma_wait3A_43 = arith.constant 0 : i32
      %dma_wait3A_44 = tpu.memref_slice %arg2[%dma_wait3A_42, %dma_wait3A_43] : memref<10240x256xf32, #tpu.memory_space<hbm>> -> memref<10240x256xf32, #tpu.memory_space<hbm>>
      tpu.wait_indirect_dma semaphore(%arg16 : memref<!tpu.dma_semaphore, #tpu.memory_space<semaphore_mem>>) src(%dma_wait3A_44 : memref<10240x256xf32, #tpu.memory_space<hbm>>) dst(%arg12 : memref<80x256xf32, #tpu.memory_space<vmem>>)
      %dma_wait3A_45 = arith.constant 0 : i32
      %dma_wait3A_46 = arith.constant 0 : i32
      %dma_wait3A_47 = tpu.memref_slice %arg2[%dma_wait3A_45, %dma_wait3A_46] : memref<10240x256xf32, #tpu.memory_space<hbm>> -> memref<10240x256xf32, #tpu.memory_space<hbm>>
      tpu.wait_indirect_dma semaphore(%arg16 : memref<!tpu.dma_semaphore, #tpu.memory_space<semaphore_mem>>) src(%dma_wait3A_47 : memref<10240x256xf32, #tpu.memory_space<hbm>>) dst(%arg13 : memref<80x256xf32, #tpu.memory_space<vmem>>)
      %mul3A_48 = arith.constant 80 : i32
      %mul3A_49 = arith.muli %mul3A_27, %mul3A_48 : i32
      %add3A_50 = arith.addi %mul3A_2, %mul3A_49 : i32
      "tpu.region"() ({
        %run_scoped3A = tpu.sem_alloc : memref<!tpu.dma_semaphore, #tpu.memory_space<semaphore_mem>>
        %dma_start3A_55 = arith.constant 0 : i32
        %dma_start3A_56 = tpu.memref_slice %arg6[%add3A_50, %dma_start3A_55] : memref<320000x256xf32, #tpu.memory_space<hbm>> -> memref<80x256xf32, #tpu.memory_space<hbm>>
        %dma_start3A_57 = arith.constant 0 : i32
        %dma_start3A_58 = tpu.memref_slice %arg6[%add3A_50, %dma_start3A_57] : memref<320000x256xf32, #tpu.memory_space<hbm>> -> memref<80x256xf32, #tpu.memory_space<hbm>>
        tpu.enqueue_dma source(%arg12 : memref<80x256xf32, #tpu.memory_space<vmem>>) target(%dma_start3A_58 : memref<80x256xf32, #tpu.memory_space<hbm>>) target_semaphore(%run_scoped3A : memref<!tpu.dma_semaphore, #tpu.memory_space<semaphore_mem>>)
        %dma_wait3A_59 = arith.constant 0 : i32
        %dma_wait3A_60 = tpu.memref_slice %arg6[%add3A_50, %dma_wait3A_59] : memref<320000x256xf32, #tpu.memory_space<hbm>> -> memref<80x256xf32, #tpu.memory_space<hbm>>
        %dma_wait3A_61 = arith.constant 0 : i32
        %dma_wait3A_62 = tpu.memref_slice %arg6[%add3A_50, %dma_wait3A_61] : memref<320000x256xf32, #tpu.memory_space<hbm>> -> memref<80x256xf32, #tpu.memory_space<hbm>>
        tpu.wait_dma2 semaphore(%run_scoped3A : memref<!tpu.dma_semaphore, #tpu.memory_space<semaphore_mem>>) src(%arg12 : memref<80x256xf32, #tpu.memory_space<vmem>>) dst(%dma_wait3A_62 : memref<80x256xf32, #tpu.memory_space<hbm>>)
        tpu.yield
      }) : () -> ()
      %mul3A_51 = arith.constant 80 : i32
      %mul3A_52 = arith.muli %add3A_29, %mul3A_51 : i32
      %add3A_53 = arith.addi %mul3A_2, %mul3A_52 : i32
      "tpu.region"() ({
        %run_scoped3A = tpu.sem_alloc : memref<!tpu.dma_semaphore, #tpu.memory_space<semaphore_mem>>
        %dma_start3A_55 = arith.constant 0 : i32
        %dma_start3A_56 = tpu.memref_slice %arg6[%add3A_53, %dma_start3A_55] : memref<320000x256xf32, #tpu.memory_space<hbm>> -> memref<80x256xf32, #tpu.memory_space<hbm>>
        %dma_start3A_57 = arith.constant 0 : i32
        %dma_start3A_58 = tpu.memref_slice %arg6[%add3A_53, %dma_start3A_57] : memref<320000x256xf32, #tpu.memory_space<hbm>> -> memref<80x256xf32, #tpu.memory_space<hbm>>
        tpu.enqueue_dma source(%arg13 : memref<80x256xf32, #tpu.memory_space<vmem>>) target(%dma_start3A_58 : memref<80x256xf32, #tpu.memory_space<hbm>>) target_semaphore(%run_scoped3A : memref<!tpu.dma_semaphore, #tpu.memory_space<semaphore_mem>>)
        %dma_wait3A_59 = arith.constant 0 : i32
        %dma_wait3A_60 = tpu.memref_slice %arg6[%add3A_53, %dma_wait3A_59] : memref<320000x256xf32, #tpu.memory_space<hbm>> -> memref<80x256xf32, #tpu.memory_space<hbm>>
        %dma_wait3A_61 = arith.constant 0 : i32
        %dma_wait3A_62 = tpu.memref_slice %arg6[%add3A_53, %dma_wait3A_61] : memref<320000x256xf32, #tpu.memory_space<hbm>> -> memref<80x256xf32, #tpu.memory_space<hbm>>
        tpu.wait_dma2 semaphore(%run_scoped3A : memref<!tpu.dma_semaphore, #tpu.memory_space<semaphore_mem>>) src(%arg13 : memref<80x256xf32, #tpu.memory_space<vmem>>) dst(%dma_wait3A_62 : memref<80x256xf32, #tpu.memory_space<hbm>>)
        tpu.yield
      }) : () -> ()
      %scan3A_54 = arith.constant 0 : i32
      scf.yield %scan3A_54 : i32
    }
    %scan3A_8 = arith.constant 62 : i32
    %add3A_9 = arith.constant 9920 : i32
    %add3A_10 = arith.addi %mul3A_2, %add3A_9 : i32
    "tpu.region"() ({
      %run_scoped3A = tpu.sem_alloc : memref<!tpu.dma_semaphore, #tpu.memory_space<semaphore_mem>>
      %dma_start3A_24 = tpu.memref_slice %arg4[%add3A_10] : memref<320000xi32, #tpu.memory_space<hbm>> -> memref<80xi32, #tpu.memory_space<hbm>>
      %dma_start3A_25 = tpu.memref_slice %arg4[%add3A_10] : memref<320000xi32, #tpu.memory_space<hbm>> -> memref<80xi32, #tpu.memory_space<hbm>>
      tpu.enqueue_dma source(%dma_start3A_25 : memref<80xi32, #tpu.memory_space<hbm>>) target(%arg8 : memref<80xi32, #tpu.memory_space<vmem>>) target_semaphore(%run_scoped3A : memref<!tpu.dma_semaphore, #tpu.memory_space<semaphore_mem>>)
      %dma_wait3A_26 = tpu.memref_slice %arg4[%add3A_10] : memref<320000xi32, #tpu.memory_space<hbm>> -> memref<80xi32, #tpu.memory_space<hbm>>
      %dma_wait3A_27 = tpu.memref_slice %arg4[%add3A_10] : memref<320000xi32, #tpu.memory_space<hbm>> -> memref<80xi32, #tpu.memory_space<hbm>>
      tpu.wait_dma2 semaphore(%run_scoped3A : memref<!tpu.dma_semaphore, #tpu.memory_space<semaphore_mem>>) src(%dma_wait3A_27 : memref<80xi32, #tpu.memory_space<hbm>>) dst(%arg8 : memref<80xi32, #tpu.memory_space<vmem>>)
      tpu.yield
    }) : () -> ()
    %dma_start3A = arith.constant 0 : i32
    %dma_start3A_11 = arith.constant 0 : i32
    %dma_start3A_12 = tpu.memref_slice %arg2[%dma_start3A, %dma_start3A_11] : memref<10240x256xf32, #tpu.memory_space<hbm>> -> memref<10240x256xf32, #tpu.memory_space<hbm>>
    tpu.enqueue_indirect_dma source(%dma_start3A_12 : memref<10240x256xf32, #tpu.memory_space<hbm>>) target(%arg12 : memref<80x256xf32, #tpu.memory_space<vmem>>) offsets(%arg8 : memref<80xi32, #tpu.memory_space<vmem>>) semaphore(%arg16 : memref<!tpu.dma_semaphore, #tpu.memory_space<semaphore_mem>>)
    %dma_wait3A = arith.constant 0 : i32
    %dma_wait3A_13 = arith.constant 0 : i32
    %dma_wait3A_14 = tpu.memref_slice %arg2[%dma_wait3A, %dma_wait3A_13] : memref<10240x256xf32, #tpu.memory_space<hbm>> -> memref<10240x256xf32, #tpu.memory_space<hbm>>
    tpu.wait_indirect_dma semaphore(%arg16 : memref<!tpu.dma_semaphore, #tpu.memory_space<semaphore_mem>>) src(%dma_wait3A_14 : memref<10240x256xf32, #tpu.memory_space<hbm>>) dst(%arg12 : memref<80x256xf32, #tpu.memory_space<vmem>>)
    %add3A_15 = arith.constant 9920 : i32
    %add3A_16 = arith.addi %mul3A_2, %add3A_15 : i32
    "tpu.region"() ({
      %run_scoped3A = tpu.sem_alloc : memref<!tpu.dma_semaphore, #tpu.memory_space<semaphore_mem>>
      %dma_start3A_24 = arith.constant 0 : i32
      %dma_start3A_25 = tpu.memref_slice %arg6[%add3A_16, %dma_start3A_24] : memref<320000x256xf32, #tpu.memory_space<hbm>> -> memref<80x256xf32, #tpu.memory_space<hbm>>
      %dma_start3A_26 = arith.constant 0 : i32
      %dma_start3A_27 = tpu.memref_slice %arg6[%add3A_16, %dma_start3A_26] : memref<320000x256xf32, #tpu.memory_space<hbm>> -> memref<80x256xf32, #tpu.memory_space<hbm>>
      tpu.enqueue_dma source(%arg12 : memref<80x256xf32, #tpu.memory_space<vmem>>) target(%dma_start3A_27 : memref<80x256xf32, #tpu.memory_space<hbm>>) target_semaphore(%run_scoped3A : memref<!tpu.dma_semaphore, #tpu.memory_space<semaphore_mem>>)
      %dma_wait3A_28 = arith.constant 0 : i32
      %dma_wait3A_29 = tpu.memref_slice %arg6[%add3A_16, %dma_wait3A_28] : memref<320000x256xf32, #tpu.memory_space<hbm>> -> memref<80x256xf32, #tpu.memory_space<hbm>>
      %dma_wait3A_30 = arith.constant 0 : i32
      %dma_wait3A_31 = tpu.memref_slice %arg6[%add3A_16, %dma_wait3A_30] : memref<320000x256xf32, #tpu.memory_space<hbm>> -> memref<80x256xf32, #tpu.memory_space<hbm>>
      tpu.wait_dma2 semaphore(%run_scoped3A : memref<!tpu.dma_semaphore, #tpu.memory_space<semaphore_mem>>) src(%arg12 : memref<80x256xf32, #tpu.memory_space<vmem>>) dst(%dma_wait3A_31 : memref<80x256xf32, #tpu.memory_space<hbm>>)
      tpu.yield
    }) : () -> ()
    %scan3A_17 = arith.constant 0 : i32
    %scan3A_18 = arith.constant 0 : i32
    %scan3A_19 = arith.constant 125 : i32
    %scan3A_20 = arith.addi %scan3A_18, %scan3A_19 : i32
    %scan3A_21 = arith.constant 1 : i32
    %scan3A_22 = scf.for %scan3A_24 = %scan3A_18 to %scan3A_20 step %scan3A_21 iter_args(%scan3A_25 = %scan3A_17) -> (i32)  : i32 {
      %mul3A_26 = arith.constant 2 : i32
      %mul3A_27 = arith.muli %mul3A_26, %scan3A_24 : i32
      %add3A_28 = arith.constant 1 : i32
      %add3A_29 = arith.addi %mul3A_27, %add3A_28 : i32
      %mul3A_30 = arith.constant 40 : i32
      %mul3A_31 = arith.muli %mul3A_27, %mul3A_30 : i32
      %add3A_32 = arith.addi %mul3A_2, %mul3A_31 : i32
      "tpu.region"() ({
        %run_scoped3A = tpu.sem_alloc : memref<!tpu.dma_semaphore, #tpu.memory_space<semaphore_mem>>
        %dma_start3A_55 = tpu.memref_slice %arg5[%add3A_32] : memref<320000xi32, #tpu.memory_space<hbm>> -> memref<40xi32, #tpu.memory_space<hbm>>
        %dma_start3A_56 = tpu.memref_slice %arg5[%add3A_32] : memref<320000xi32, #tpu.memory_space<hbm>> -> memref<40xi32, #tpu.memory_space<hbm>>
        tpu.enqueue_dma source(%dma_start3A_56 : memref<40xi32, #tpu.memory_space<hbm>>) target(%arg10 : memref<40xi32, #tpu.memory_space<vmem>>) target_semaphore(%run_scoped3A : memref<!tpu.dma_semaphore, #tpu.memory_space<semaphore_mem>>)
        %dma_wait3A_57 = tpu.memref_slice %arg5[%add3A_32] : memref<320000xi32, #tpu.memory_space<hbm>> -> memref<40xi32, #tpu.memory_space<hbm>>
        %dma_wait3A_58 = tpu.memref_slice %arg5[%add3A_32] : memref<320000xi32, #tpu.memory_space<hbm>> -> memref<40xi32, #tpu.memory_space<hbm>>
        tpu.wait_dma2 semaphore(%run_scoped3A : memref<!tpu.dma_semaphore, #tpu.memory_space<semaphore_mem>>) src(%dma_wait3A_58 : memref<40xi32, #tpu.memory_space<hbm>>) dst(%arg10 : memref<40xi32, #tpu.memory_space<vmem>>)
        tpu.yield
      }) : () -> ()
      %dma_start3A_33 = arith.constant 0 : i32
      %dma_start3A_34 = arith.constant 0 : i32
      %dma_start3A_35 = tpu.memref_slice %arg3[%dma_start3A_33, %dma_start3A_34] : memref<10240x512xf32, #tpu.memory_space<hbm>> -> memref<10240x512xf32, #tpu.memory_space<hbm>>
      tpu.enqueue_indirect_dma source(%dma_start3A_35 : memref<10240x512xf32, #tpu.memory_space<hbm>>) target(%arg14 : memref<40x512xf32, #tpu.memory_space<vmem>>) offsets(%arg10 : memref<40xi32, #tpu.memory_space<vmem>>) semaphore(%arg16 : memref<!tpu.dma_semaphore, #tpu.memory_space<semaphore_mem>>)
      %mul3A_36 = arith.constant 40 : i32
      %mul3A_37 = arith.muli %add3A_29, %mul3A_36 : i32
      %add3A_38 = arith.addi %mul3A_2, %mul3A_37 : i32
      "tpu.region"() ({
        %run_scoped3A = tpu.sem_alloc : memref<!tpu.dma_semaphore, #tpu.memory_space<semaphore_mem>>
        %dma_start3A_55 = tpu.memref_slice %arg5[%add3A_38] : memref<320000xi32, #tpu.memory_space<hbm>> -> memref<40xi32, #tpu.memory_space<hbm>>
        %dma_start3A_56 = tpu.memref_slice %arg5[%add3A_38] : memref<320000xi32, #tpu.memory_space<hbm>> -> memref<40xi32, #tpu.memory_space<hbm>>
        tpu.enqueue_dma source(%dma_start3A_56 : memref<40xi32, #tpu.memory_space<hbm>>) target(%arg11 : memref<40xi32, #tpu.memory_space<vmem>>) target_semaphore(%run_scoped3A : memref<!tpu.dma_semaphore, #tpu.memory_space<semaphore_mem>>)
        %dma_wait3A_57 = tpu.memref_slice %arg5[%add3A_38] : memref<320000xi32, #tpu.memory_space<hbm>> -> memref<40xi32, #tpu.memory_space<hbm>>
        %dma_wait3A_58 = tpu.memref_slice %arg5[%add3A_38] : memref<320000xi32, #tpu.memory_space<hbm>> -> memref<40xi32, #tpu.memory_space<hbm>>
        tpu.wait_dma2 semaphore(%run_scoped3A : memref<!tpu.dma_semaphore, #tpu.memory_space<semaphore_mem>>) src(%dma_wait3A_58 : memref<40xi32, #tpu.memory_space<hbm>>) dst(%arg11 : memref<40xi32, #tpu.memory_space<vmem>>)
        tpu.yield
      }) : () -> ()
      %dma_start3A_39 = arith.constant 0 : i32
      %dma_start3A_40 = arith.constant 0 : i32
      %dma_start3A_41 = tpu.memref_slice %arg3[%dma_start3A_39, %dma_start3A_40] : memref<10240x512xf32, #tpu.memory_space<hbm>> -> memref<10240x512xf32, #tpu.memory_space<hbm>>
      tpu.enqueue_indirect_dma source(%dma_start3A_41 : memref<10240x512xf32, #tpu.memory_space<hbm>>) target(%arg15 : memref<40x512xf32, #tpu.memory_space<vmem>>) offsets(%arg11 : memref<40xi32, #tpu.memory_space<vmem>>) semaphore(%arg16 : memref<!tpu.dma_semaphore, #tpu.memory_space<semaphore_mem>>)
      %dma_wait3A_42 = arith.constant 0 : i32
      %dma_wait3A_43 = arith.constant 0 : i32
      %dma_wait3A_44 = tpu.memref_slice %arg3[%dma_wait3A_42, %dma_wait3A_43] : memref<10240x512xf32, #tpu.memory_space<hbm>> -> memref<10240x512xf32, #tpu.memory_space<hbm>>
      tpu.wait_indirect_dma semaphore(%arg16 : memref<!tpu.dma_semaphore, #tpu.memory_space<semaphore_mem>>) src(%dma_wait3A_44 : memref<10240x512xf32, #tpu.memory_space<hbm>>) dst(%arg14 : memref<40x512xf32, #tpu.memory_space<vmem>>)
      %dma_wait3A_45 = arith.constant 0 : i32
      %dma_wait3A_46 = arith.constant 0 : i32
      %dma_wait3A_47 = tpu.memref_slice %arg3[%dma_wait3A_45, %dma_wait3A_46] : memref<10240x512xf32, #tpu.memory_space<hbm>> -> memref<10240x512xf32, #tpu.memory_space<hbm>>
      tpu.wait_indirect_dma semaphore(%arg16 : memref<!tpu.dma_semaphore, #tpu.memory_space<semaphore_mem>>) src(%dma_wait3A_47 : memref<10240x512xf32, #tpu.memory_space<hbm>>) dst(%arg15 : memref<40x512xf32, #tpu.memory_space<vmem>>)
      %mul3A_48 = arith.constant 40 : i32
      %mul3A_49 = arith.muli %mul3A_27, %mul3A_48 : i32
      %add3A_50 = arith.addi %mul3A_2, %mul3A_49 : i32
      "tpu.region"() ({
        %run_scoped3A = tpu.sem_alloc : memref<!tpu.dma_semaphore, #tpu.memory_space<semaphore_mem>>
        %dma_start3A_55 = arith.constant 0 : i32
        %dma_start3A_56 = tpu.memref_slice %arg7[%add3A_50, %dma_start3A_55] : memref<320000x512xf32, #tpu.memory_space<hbm>> -> memref<40x512xf32, #tpu.memory_space<hbm>>
        %dma_start3A_57 = arith.constant 0 : i32
        %dma_start3A_58 = tpu.memref_slice %arg7[%add3A_50, %dma_start3A_57] : memref<320000x512xf32, #tpu.memory_space<hbm>> -> memref<40x512xf32, #tpu.memory_space<hbm>>
        tpu.enqueue_dma source(%arg14 : memref<40x512xf32, #tpu.memory_space<vmem>>) target(%dma_start3A_58 : memref<40x512xf32, #tpu.memory_space<hbm>>) target_semaphore(%run_scoped3A : memref<!tpu.dma_semaphore, #tpu.memory_space<semaphore_mem>>)
        %dma_wait3A_59 = arith.constant 0 : i32
        %dma_wait3A_60 = tpu.memref_slice %arg7[%add3A_50, %dma_wait3A_59] : memref<320000x512xf32, #tpu.memory_space<hbm>> -> memref<40x512xf32, #tpu.memory_space<hbm>>
        %dma_wait3A_61 = arith.constant 0 : i32
        %dma_wait3A_62 = tpu.memref_slice %arg7[%add3A_50, %dma_wait3A_61] : memref<320000x512xf32, #tpu.memory_space<hbm>> -> memref<40x512xf32, #tpu.memory_space<hbm>>
        tpu.wait_dma2 semaphore(%run_scoped3A : memref<!tpu.dma_semaphore, #tpu.memory_space<semaphore_mem>>) src(%arg14 : memref<40x512xf32, #tpu.memory_space<vmem>>) dst(%dma_wait3A_62 : memref<40x512xf32, #tpu.memory_space<hbm>>)
        tpu.yield
      }) : () -> ()
      %mul3A_51 = arith.constant 40 : i32
      %mul3A_52 = arith.muli %add3A_29, %mul3A_51 : i32
      %add3A_53 = arith.addi %mul3A_2, %mul3A_52 : i32
      "tpu.region"() ({
        %run_scoped3A = tpu.sem_alloc : memref<!tpu.dma_semaphore, #tpu.memory_space<semaphore_mem>>
        %dma_start3A_55 = arith.constant 0 : i32
        %dma_start3A_56 = tpu.memref_slice %arg7[%add3A_53, %dma_start3A_55] : memref<320000x512xf32, #tpu.memory_space<hbm>> -> memref<40x512xf32, #tpu.memory_space<hbm>>
        %dma_start3A_57 = arith.constant 0 : i32
        %dma_start3A_58 = tpu.memref_slice %arg7[%add3A_53, %dma_start3A_57] : memref<320000x512xf32, #tpu.memory_space<hbm>> -> memref<40x512xf32, #tpu.memory_space<hbm>>
        tpu.enqueue_dma source(%arg15 : memref<40x512xf32, #tpu.memory_space<vmem>>) target(%dma_start3A_58 : memref<40x512xf32, #tpu.memory_space<hbm>>) target_semaphore(%run_scoped3A : memref<!tpu.dma_semaphore, #tpu.memory_space<semaphore_mem>>)
        %dma_wait3A_59 = arith.constant 0 : i32
        %dma_wait3A_60 = tpu.memref_slice %arg7[%add3A_53, %dma_wait3A_59] : memref<320000x512xf32, #tpu.memory_space<hbm>> -> memref<40x512xf32, #tpu.memory_space<hbm>>
        %dma_wait3A_61 = arith.constant 0 : i32
        %dma_wait3A_62 = tpu.memref_slice %arg7[%add3A_53, %dma_wait3A_61] : memref<320000x512xf32, #tpu.memory_space<hbm>> -> memref<40x512xf32, #tpu.memory_space<hbm>>
        tpu.wait_dma2 semaphore(%run_scoped3A : memref<!tpu.dma_semaphore, #tpu.memory_space<semaphore_mem>>) src(%arg15 : memref<40x512xf32, #tpu.memory_space<vmem>>) dst(%dma_wait3A_62 : memref<40x512xf32, #tpu.memory_space<hbm>>)
        tpu.yield
      }) : () -> ()
      %scan3A_54 = arith.constant 0 : i32
      scf.yield %scan3A_54 : i32
    }
    %scan3A_23 = arith.constant 125 : i32
    return
  }
}

#map = affine_map<(d0, d1) -> (0)>
module attributes {stable_mosaic.version = 14 : i64} {
  func.func @k(%arg0: i32, %arg1: i32, %arg2: memref<320000xf32, #tpu.memory_space<hbm>>, %arg3: memref<320000xi32, #tpu.memory_space<hbm>>, %arg4: memref<320000xf32, #tpu.memory_space<hbm>>, %arg5: memref<10240xf32, #tpu.memory_space<hbm>>, %arg6: memref<20000xi32, #tpu.memory_space<vmem>>, %arg7: memref<20000xf32, #tpu.memory_space<vmem>>, %arg8: memref<20000xf32, #tpu.memory_space<vmem>>, %arg9: memref<10240xf32, #tpu.memory_space<vmem>>, %arg10: memref<10240xf32, #tpu.memory_space<vmem>>, %arg11: memref<640xf32, #tpu.memory_space<vmem>>, %arg12: memref<16x10240xf32, #tpu.memory_space<vmem_shared>>, %arg13: memref<10240xf32, #tpu.memory_space<vmem_shared>>) attributes {dimension_semantics = [#tpu.dimension_semantics<core_parallel>, #tpu.dimension_semantics<subcore_parallel>], iteration_bounds = array<i64: 2, 16>, scalar_prefetch = 0 : i64, scratch_operands = 8 : i64, tpu.core_type = #tpu.core_type<sc_vector_subcore>, window_params = [{transform_indices = #map}, {transform_indices = #map}, {transform_indices = #map}, {transform_indices = #map}]} {
    %mul3A = arith.constant 20000 : i32
    %mul3A_0 = arith.muli %arg1, %mul3A : i32
    %mul3A_1 = arith.constant 640 : i32
    %mul3A_2 = arith.muli %arg1, %mul3A_1 : i32
    %eq3A = arith.constant 0 : i32
    %eq3A_3 = arith.cmpi eq, %arg0, %eq3A : i32
    %convert_element_type3A = arith.extui %eq3A_3 : i1 to i32
    %cond3A = arith.constant 0 : i32
    %cond3A_4 = arith.cmpi ne, %convert_element_type3A, %cond3A : i32
    scf.if %cond3A_4 {
      "tpu.region"() ({
        %run_scoped3A = tpu.sem_alloc : memref<!tpu.dma_semaphore, #tpu.memory_space<semaphore_mem>>
        %dma_start3A = tpu.memref_slice %arg3[%mul3A_0] : memref<320000xi32, #tpu.memory_space<hbm>> -> memref<20000xi32, #tpu.memory_space<hbm>>
        %dma_start3A_29 = tpu.memref_slice %arg3[%mul3A_0] : memref<320000xi32, #tpu.memory_space<hbm>> -> memref<20000xi32, #tpu.memory_space<hbm>>
        tpu.enqueue_dma source(%dma_start3A_29 : memref<20000xi32, #tpu.memory_space<hbm>>) target(%arg6 : memref<20000xi32, #tpu.memory_space<vmem>>) target_semaphore(%run_scoped3A : memref<!tpu.dma_semaphore, #tpu.memory_space<semaphore_mem>>)
        %dma_wait3A = tpu.memref_slice %arg3[%mul3A_0] : memref<320000xi32, #tpu.memory_space<hbm>> -> memref<20000xi32, #tpu.memory_space<hbm>>
        %dma_wait3A_30 = tpu.memref_slice %arg3[%mul3A_0] : memref<320000xi32, #tpu.memory_space<hbm>> -> memref<20000xi32, #tpu.memory_space<hbm>>
        tpu.wait_dma2 semaphore(%run_scoped3A : memref<!tpu.dma_semaphore, #tpu.memory_space<semaphore_mem>>) src(%dma_wait3A_30 : memref<20000xi32, #tpu.memory_space<hbm>>) dst(%arg6 : memref<20000xi32, #tpu.memory_space<vmem>>)
        tpu.yield
      }) : () -> ()
      "tpu.region"() ({
        %run_scoped3A = tpu.sem_alloc : memref<!tpu.dma_semaphore, #tpu.memory_space<semaphore_mem>>
        %dma_start3A = tpu.memref_slice %arg2[%mul3A_0] : memref<320000xf32, #tpu.memory_space<hbm>> -> memref<20000xf32, #tpu.memory_space<hbm>>
        %dma_start3A_29 = tpu.memref_slice %arg2[%mul3A_0] : memref<320000xf32, #tpu.memory_space<hbm>> -> memref<20000xf32, #tpu.memory_space<hbm>>
        tpu.enqueue_dma source(%dma_start3A_29 : memref<20000xf32, #tpu.memory_space<hbm>>) target(%arg7 : memref<20000xf32, #tpu.memory_space<vmem>>) target_semaphore(%run_scoped3A : memref<!tpu.dma_semaphore, #tpu.memory_space<semaphore_mem>>)
        %dma_wait3A = tpu.memref_slice %arg2[%mul3A_0] : memref<320000xf32, #tpu.memory_space<hbm>> -> memref<20000xf32, #tpu.memory_space<hbm>>
        %dma_wait3A_30 = tpu.memref_slice %arg2[%mul3A_0] : memref<320000xf32, #tpu.memory_space<hbm>> -> memref<20000xf32, #tpu.memory_space<hbm>>
        tpu.wait_dma2 semaphore(%run_scoped3A : memref<!tpu.dma_semaphore, #tpu.memory_space<semaphore_mem>>) src(%dma_wait3A_30 : memref<20000xf32, #tpu.memory_space<hbm>>) dst(%arg7 : memref<20000xf32, #tpu.memory_space<vmem>>)
        tpu.yield
      }) : () -> ()
      %scan3A = arith.constant 0 : i32
      %scan3A_16 = arith.constant 0 : i32
      %scan3A_17 = arith.constant 640 : i32
      %scan3A_18 = arith.addi %scan3A_16, %scan3A_17 : i32
      %scan3A_19 = arith.constant 1 : i32
      %scan3A_20 = scf.for %scan3A_29 = %scan3A_16 to %scan3A_18 step %scan3A_19 iter_args(%scan3A_30 = %scan3A) -> (i32)  : i32 {
        %broadcast_in_dim3A = arith.constant 0.000000e+00 : f32
        %broadcast_in_dim3A_31 = vector.broadcast %broadcast_in_dim3A : f32 to vector<16xf32>
        %mul3A_32 = arith.constant 16 : i32
        %mul3A_33 = arith.muli %scan3A_29, %mul3A_32 : i32
        %swap3A = arith.index_cast %mul3A_33 : i32 to index
        %swap3A_34 = tpu.vector_load %arg9[%swap3A] {strides = array<i32>} : memref<10240xf32, #tpu.memory_space<vmem>>, vector<16xf32>,
        tpu.vector_store %arg9[%swap3A], %broadcast_in_dim3A_31 {strides = array<i32>} : memref<10240xf32, #tpu.memory_space<vmem>>, vector<16xf32>,
        %scan3A_35 = arith.constant 0 : i32
        scf.yield %scan3A_35 : i32
      }
      %scan3A_21 = arith.constant 640 : i32
      %scan3A_22 = arith.constant 0 : i32
      %scan3A_23 = arith.constant 0 : i32
      %scan3A_24 = arith.constant 1250 : i32
      %scan3A_25 = arith.addi %scan3A_23, %scan3A_24 : i32
      %scan3A_26 = arith.constant 1 : i32
      %scan3A_27 = scf.for %scan3A_29 = %scan3A_23 to %scan3A_25 step %scan3A_26 iter_args(%scan3A_30 = %scan3A_22) -> (i32)  : i32 {
        %mul3A_31 = arith.constant 16 : i32
        %mul3A_32 = arith.muli %scan3A_29, %mul3A_31 : i32
        %get3A = arith.index_cast %mul3A_32 : i32 to index
        %get3A_33 = tpu.vector_load %arg6[%get3A] {strides = array<i32>} : memref<20000xi32, #tpu.memory_space<vmem>>, vector<16xi32>,
        %get3A_34 = arith.index_cast %mul3A_32 : i32 to index
        %get3A_35 = tpu.vector_load %arg7[%get3A_34] {strides = array<i32>} : memref<20000xf32, #tpu.memory_space<vmem>>, vector<16xf32>,
        %exp3A = math.exp %get3A_35 : vector<16xf32>
        %swap3A = arith.index_cast %mul3A_32 : i32 to index
        %swap3A_36 = tpu.vector_load %arg8[%swap3A] {strides = array<i32>} : memref<20000xf32, #tpu.memory_space<vmem>>, vector<16xf32>,
        tpu.vector_store %arg8[%swap3A], %exp3A {strides = array<i32>} : memref<20000xf32, #tpu.memory_space<vmem>>, vector<16xf32>,
        tpu.vector_store_idx %arg9[%get3A_33], %exp3A {add = true} : memref<10240xf32, #tpu.memory_space<vmem>>[vector<16xi32>], vector<16xf32>,
        %scan3A_37 = arith.constant 0 : i32
        scf.yield %scan3A_37 : i32
      }
      %scan3A_28 = arith.constant 1250 : i32
      "tpu.region"() ({
        %run_scoped3A = tpu.sem_alloc : memref<!tpu.dma_semaphore, #tpu.memory_space<semaphore_mem>>
        %dma_start3A = arith.constant 0 : i32
        %dma_start3A_29 = tpu.memref_slice %arg12[%arg1, %dma_start3A] : memref<16x10240xf32, #tpu.memory_space<vmem_shared>> -> memref<1x10240xf32, #tpu.memory_space<vmem_shared>>
        %dma_start3A_30 = tpu.memref_squeeze %dma_start3A_29 : memref<1x10240xf32, #tpu.memory_space<vmem_shared>> -> memref<10240xf32, #tpu.memory_space<vmem_shared>>
        %dma_start3A_31 = arith.constant 0 : i32
        %dma_start3A_32 = tpu.memref_slice %arg12[%arg1, %dma_start3A_31] : memref<16x10240xf32, #tpu.memory_space<vmem_shared>> -> memref<1x10240xf32, #tpu.memory_space<vmem_shared>>
        %dma_start3A_33 = tpu.memref_squeeze %dma_start3A_32 : memref<1x10240xf32, #tpu.memory_space<vmem_shared>> -> memref<10240xf32, #tpu.memory_space<vmem_shared>>
        tpu.enqueue_dma source(%arg9 : memref<10240xf32, #tpu.memory_space<vmem>>) target(%dma_start3A_33 : memref<10240xf32, #tpu.memory_space<vmem_shared>>) target_semaphore(%run_scoped3A : memref<!tpu.dma_semaphore, #tpu.memory_space<semaphore_mem>>)
        %dma_wait3A = arith.constant 0 : i32
        %dma_wait3A_34 = tpu.memref_slice %arg12[%arg1, %dma_wait3A] : memref<16x10240xf32, #tpu.memory_space<vmem_shared>> -> memref<1x10240xf32, #tpu.memory_space<vmem_shared>>
        %dma_wait3A_35 = tpu.memref_squeeze %dma_wait3A_34 : memref<1x10240xf32, #tpu.memory_space<vmem_shared>> -> memref<10240xf32, #tpu.memory_space<vmem_shared>>
        %dma_wait3A_36 = arith.constant 0 : i32
        %dma_wait3A_37 = tpu.memref_slice %arg12[%arg1, %dma_wait3A_36] : memref<16x10240xf32, #tpu.memory_space<vmem_shared>> -> memref<1x10240xf32, #tpu.memory_space<vmem_shared>>
        %dma_wait3A_38 = tpu.memref_squeeze %dma_wait3A_37 : memref<1x10240xf32, #tpu.memory_space<vmem_shared>> -> memref<10240xf32, #tpu.memory_space<vmem_shared>>
        tpu.wait_dma2 semaphore(%run_scoped3A : memref<!tpu.dma_semaphore, #tpu.memory_space<semaphore_mem>>) src(%arg9 : memref<10240xf32, #tpu.memory_space<vmem>>) dst(%dma_wait3A_38 : memref<10240xf32, #tpu.memory_space<vmem_shared>>)
        tpu.yield
      }) : () -> ()
    } else {
    }
    %barrier3A = arith.constant 0 : index
    tpu.barrier barrier_id(%barrier3A)
    %eq3A_5 = arith.constant 0 : i32
    %eq3A_6 = arith.cmpi eq, %arg0, %eq3A_5 : i32
    %convert_element_type3A_7 = arith.extui %eq3A_6 : i1 to i32
    %cond3A_8 = arith.constant 0 : i32
    %cond3A_9 = arith.cmpi ne, %convert_element_type3A_7, %cond3A_8 : i32
    scf.if %cond3A_9 {
      %scan3A = arith.constant 0 : i32
      %scan3A_16 = arith.constant 0 : i32
      %scan3A_17 = arith.constant 40 : i32
      %scan3A_18 = arith.addi %scan3A_16, %scan3A_17 : i32
      %scan3A_19 = arith.constant 1 : i32
      %scan3A_20 = scf.for %scan3A_29 = %scan3A_16 to %scan3A_18 step %scan3A_19 iter_args(%scan3A_30 = %scan3A) -> (i32)  : i32 {
        %broadcast_in_dim3A = arith.constant 0.000000e+00 : f32
        %broadcast_in_dim3A_31 = vector.broadcast %broadcast_in_dim3A : f32 to vector<16xf32>
        %mul3A_32 = arith.constant 16 : i32
        %mul3A_33 = arith.muli %scan3A_29, %mul3A_32 : i32
        %add3A = arith.addi %mul3A_2, %mul3A_33 : i32
        %swap3A = arith.index_cast %add3A : i32 to index
        %swap3A_34 = tpu.vector_load %arg10[%swap3A] {strides = array<i32>} : memref<10240xf32, #tpu.memory_space<vmem>>, vector<16xf32>,
        tpu.vector_store %arg10[%swap3A], %broadcast_in_dim3A_31 {strides = array<i32>} : memref<10240xf32, #tpu.memory_space<vmem>>, vector<16xf32>,
        %scan3A_35 = arith.constant 0 : i32
        scf.yield %scan3A_35 : i32
      }
      %scan3A_21 = arith.constant 40 : i32
      %scan3A_22 = arith.constant 0 : i32
      %scan3A_23 = arith.constant 0 : i32
      %scan3A_24 = arith.constant 16 : i32
      %scan3A_25 = arith.addi %scan3A_23, %scan3A_24 : i32
      %scan3A_26 = arith.constant 1 : i32
      %scan3A_27 = scf.for %scan3A_29 = %scan3A_23 to %scan3A_25 step %scan3A_26 iter_args(%scan3A_30 = %scan3A_22) -> (i32)  : i32 {
        "tpu.region"() ({
          %run_scoped3A = tpu.sem_alloc : memref<!tpu.dma_semaphore, #tpu.memory_space<semaphore_mem>>
          %dma_start3A = tpu.memref_slice %arg12[%scan3A_29, %mul3A_2] : memref<16x10240xf32, #tpu.memory_space<vmem_shared>> -> memref<1x640xf32, #tpu.memory_space<vmem_shared>>
          %dma_start3A_39 = tpu.memref_squeeze %dma_start3A : memref<1x640xf32, #tpu.memory_space<vmem_shared>> -> memref<640xf32, #tpu.memory_space<vmem_shared>>
          %dma_start3A_40 = tpu.memref_slice %arg12[%scan3A_29, %mul3A_2] : memref<16x10240xf32, #tpu.memory_space<vmem_shared>> -> memref<1x640xf32, #tpu.memory_space<vmem_shared>>
          %dma_start3A_41 = tpu.memref_squeeze %dma_start3A_40 : memref<1x640xf32, #tpu.memory_space<vmem_shared>> -> memref<640xf32, #tpu.memory_space<vmem_shared>>
          tpu.enqueue_dma source(%dma_start3A_41 : memref<640xf32, #tpu.memory_space<vmem_shared>>) target(%arg11 : memref<640xf32, #tpu.memory_space<vmem>>) target_semaphore(%run_scoped3A : memref<!tpu.dma_semaphore, #tpu.memory_space<semaphore_mem>>)
          %dma_wait3A = tpu.memref_slice %arg12[%scan3A_29, %mul3A_2] : memref<16x10240xf32, #tpu.memory_space<vmem_shared>> -> memref<1x640xf32, #tpu.memory_space<vmem_shared>>
          %dma_wait3A_42 = tpu.memref_squeeze %dma_wait3A : memref<1x640xf32, #tpu.memory_space<vmem_shared>> -> memref<640xf32, #tpu.memory_space<vmem_shared>>
          %dma_wait3A_43 = tpu.memref_slice %arg12[%scan3A_29, %mul3A_2] : memref<16x10240xf32, #tpu.memory_space<vmem_shared>> -> memref<1x640xf32, #tpu.memory_space<vmem_shared>>
          %dma_wait3A_44 = tpu.memref_squeeze %dma_wait3A_43 : memref<1x640xf32, #tpu.memory_space<vmem_shared>> -> memref<640xf32, #tpu.memory_space<vmem_shared>>
          tpu.wait_dma2 semaphore(%run_scoped3A : memref<!tpu.dma_semaphore, #tpu.memory_space<semaphore_mem>>) src(%dma_wait3A_44 : memref<640xf32, #tpu.memory_space<vmem_shared>>) dst(%arg11 : memref<640xf32, #tpu.memory_space<vmem>>)
          tpu.yield
        }) : () -> ()
        %scan3A_31 = arith.constant 0 : i32
        %scan3A_32 = arith.constant 0 : i32
        %scan3A_33 = arith.constant 40 : i32
        %scan3A_34 = arith.addi %scan3A_32, %scan3A_33 : i32
        %scan3A_35 = arith.constant 1 : i32
        %scan3A_36 = scf.for %scan3A_39 = %scan3A_32 to %scan3A_34 step %scan3A_35 iter_args(%scan3A_40 = %scan3A_31) -> (i32)  : i32 {
          %mul3A_41 = arith.constant 16 : i32
          %mul3A_42 = arith.muli %scan3A_39, %mul3A_41 : i32
          %add3A = arith.addi %mul3A_2, %mul3A_42 : i32
          %get3A = arith.index_cast %add3A : i32 to index
          %get3A_43 = tpu.vector_load %arg10[%get3A] {strides = array<i32>} : memref<10240xf32, #tpu.memory_space<vmem>>, vector<16xf32>,
          %mul3A_44 = arith.constant 16 : i32
          %mul3A_45 = arith.muli %scan3A_39, %mul3A_44 : i32
          %get3A_46 = arith.index_cast %mul3A_45 : i32 to index
          %get3A_47 = tpu.vector_load %arg11[%get3A_46] {strides = array<i32>} : memref<640xf32, #tpu.memory_space<vmem>>, vector<16xf32>,
          %add3A_48 = arith.addf %get3A_43, %get3A_47 : vector<16xf32>
          %swap3A = arith.index_cast %add3A : i32 to index
          %swap3A_49 = tpu.vector_load %arg10[%swap3A] {strides = array<i32>} : memref<10240xf32, #tpu.memory_space<vmem>>, vector<16xf32>,
          tpu.vector_store %arg10[%swap3A], %add3A_48 {strides = array<i32>} : memref<10240xf32, #tpu.memory_space<vmem>>, vector<16xf32>,
          %scan3A_50 = arith.constant 0 : i32
          scf.yield %scan3A_50 : i32
        }
        %scan3A_37 = arith.constant 40 : i32
        %scan3A_38 = arith.constant 0 : i32
        scf.yield %scan3A_38 : i32
      }
      %scan3A_28 = arith.constant 16 : i32
      "tpu.region"() ({
        %run_scoped3A = tpu.sem_alloc : memref<!tpu.dma_semaphore, #tpu.memory_space<semaphore_mem>>
        %dma_start3A = tpu.memref_slice %arg10[%mul3A_2] : memref<10240xf32, #tpu.memory_space<vmem>> -> memref<640xf32, #tpu.memory_space<vmem>>
        %dma_start3A_29 = tpu.memref_slice %arg13[%mul3A_2] : memref<10240xf32, #tpu.memory_space<vmem_shared>> -> memref<640xf32, #tpu.memory_space<vmem_shared>>
        %dma_start3A_30 = tpu.memref_slice %arg13[%mul3A_2] : memref<10240xf32, #tpu.memory_space<vmem_shared>> -> memref<640xf32, #tpu.memory_space<vmem_shared>>
        %dma_start3A_31 = tpu.memref_slice %arg10[%mul3A_2] : memref<10240xf32, #tpu.memory_space<vmem>> -> memref<640xf32, #tpu.memory_space<vmem>>
        tpu.enqueue_dma source(%dma_start3A_31 : memref<640xf32, #tpu.memory_space<vmem>>) target(%dma_start3A_30 : memref<640xf32, #tpu.memory_space<vmem_shared>>) target_semaphore(%run_scoped3A : memref<!tpu.dma_semaphore, #tpu.memory_space<semaphore_mem>>)
        %dma_wait3A = tpu.memref_slice %arg10[%mul3A_2] : memref<10240xf32, #tpu.memory_space<vmem>> -> memref<640xf32, #tpu.memory_space<vmem>>
        %dma_wait3A_32 = tpu.memref_slice %arg13[%mul3A_2] : memref<10240xf32, #tpu.memory_space<vmem_shared>> -> memref<640xf32, #tpu.memory_space<vmem_shared>>
        %dma_wait3A_33 = tpu.memref_slice %arg13[%mul3A_2] : memref<10240xf32, #tpu.memory_space<vmem_shared>> -> memref<640xf32, #tpu.memory_space<vmem_shared>>
        %dma_wait3A_34 = tpu.memref_slice %arg10[%mul3A_2] : memref<10240xf32, #tpu.memory_space<vmem>> -> memref<640xf32, #tpu.memory_space<vmem>>
        tpu.wait_dma2 semaphore(%run_scoped3A : memref<!tpu.dma_semaphore, #tpu.memory_space<semaphore_mem>>) src(%dma_wait3A_34 : memref<640xf32, #tpu.memory_space<vmem>>) dst(%dma_wait3A_33 : memref<640xf32, #tpu.memory_space<vmem_shared>>)
        tpu.yield
      }) : () -> ()
      "tpu.region"() ({
        %run_scoped3A = tpu.sem_alloc : memref<!tpu.dma_semaphore, #tpu.memory_space<semaphore_mem>>
        %dma_start3A = tpu.memref_slice %arg10[%mul3A_2] : memref<10240xf32, #tpu.memory_space<vmem>> -> memref<640xf32, #tpu.memory_space<vmem>>
        %dma_start3A_29 = tpu.memref_slice %arg5[%mul3A_2] : memref<10240xf32, #tpu.memory_space<hbm>> -> memref<640xf32, #tpu.memory_space<hbm>>
        %dma_start3A_30 = tpu.memref_slice %arg5[%mul3A_2] : memref<10240xf32, #tpu.memory_space<hbm>> -> memref<640xf32, #tpu.memory_space<hbm>>
        %dma_start3A_31 = tpu.memref_slice %arg10[%mul3A_2] : memref<10240xf32, #tpu.memory_space<vmem>> -> memref<640xf32, #tpu.memory_space<vmem>>
        tpu.enqueue_dma source(%dma_start3A_31 : memref<640xf32, #tpu.memory_space<vmem>>) target(%dma_start3A_30 : memref<640xf32, #tpu.memory_space<hbm>>) target_semaphore(%run_scoped3A : memref<!tpu.dma_semaphore, #tpu.memory_space<semaphore_mem>>)
        %dma_wait3A = tpu.memref_slice %arg10[%mul3A_2] : memref<10240xf32, #tpu.memory_space<vmem>> -> memref<640xf32, #tpu.memory_space<vmem>>
        %dma_wait3A_32 = tpu.memref_slice %arg5[%mul3A_2] : memref<10240xf32, #tpu.memory_space<hbm>> -> memref<640xf32, #tpu.memory_space<hbm>>
        %dma_wait3A_33 = tpu.memref_slice %arg5[%mul3A_2] : memref<10240xf32, #tpu.memory_space<hbm>> -> memref<640xf32, #tpu.memory_space<hbm>>
        %dma_wait3A_34 = tpu.memref_slice %arg10[%mul3A_2] : memref<10240xf32, #tpu.memory_space<vmem>> -> memref<640xf32, #tpu.memory_space<vmem>>
        tpu.wait_dma2 semaphore(%run_scoped3A : memref<!tpu.dma_semaphore, #tpu.memory_space<semaphore_mem>>) src(%dma_wait3A_34 : memref<640xf32, #tpu.memory_space<vmem>>) dst(%dma_wait3A_33 : memref<640xf32, #tpu.memory_space<hbm>>)
        tpu.yield
      }) : () -> ()
    } else {
    }
    %barrier3A_10 = arith.constant 0 : index
    tpu.barrier barrier_id(%barrier3A_10)
    %eq3A_11 = arith.constant 0 : i32
    %eq3A_12 = arith.cmpi eq, %arg0, %eq3A_11 : i32
    %convert_element_type3A_13 = arith.extui %eq3A_12 : i1 to i32
    %cond3A_14 = arith.constant 0 : i32
    %cond3A_15 = arith.cmpi ne, %convert_element_type3A_13, %cond3A_14 : i32
    scf.if %cond3A_15 {
      "tpu.region"() ({
        %run_scoped3A = tpu.sem_alloc : memref<!tpu.dma_semaphore, #tpu.memory_space<semaphore_mem>>
        tpu.enqueue_dma source(%arg13 : memref<10240xf32, #tpu.memory_space<vmem_shared>>) target(%arg10 : memref<10240xf32, #tpu.memory_space<vmem>>) target_semaphore(%run_scoped3A : memref<!tpu.dma_semaphore, #tpu.memory_space<semaphore_mem>>)
        tpu.wait_dma2 semaphore(%run_scoped3A : memref<!tpu.dma_semaphore, #tpu.memory_space<semaphore_mem>>) src(%arg13 : memref<10240xf32, #tpu.memory_space<vmem_shared>>) dst(%arg10 : memref<10240xf32, #tpu.memory_space<vmem>>)
        tpu.yield
      }) : () -> ()
      %scan3A = arith.constant 0 : i32
      %scan3A_16 = arith.constant 0 : i32
      %scan3A_17 = arith.constant 1250 : i32
      %scan3A_18 = arith.addi %scan3A_16, %scan3A_17 : i32
      %scan3A_19 = arith.constant 1 : i32
      %scan3A_20 = scf.for %scan3A_22 = %scan3A_16 to %scan3A_18 step %scan3A_19 iter_args(%scan3A_23 = %scan3A) -> (i32)  : i32 {
        %mul3A_24 = arith.constant 16 : i32
        %mul3A_25 = arith.muli %scan3A_22, %mul3A_24 : i32
        %get3A = arith.index_cast %mul3A_25 : i32 to index
        %get3A_26 = tpu.vector_load %arg6[%get3A] {strides = array<i32>} : memref<20000xi32, #tpu.memory_space<vmem>>, vector<16xi32>,
        %gather3A = tpu.vector_load_idx %arg10[%get3A_26] : memref<10240xf32, #tpu.memory_space<vmem>>[vector<16xi32>], vector<16xf32>,
        %get3A_27 = arith.index_cast %mul3A_25 : i32 to index
        %get3A_28 = tpu.vector_load %arg8[%get3A_27] {strides = array<i32>} : memref<20000xf32, #tpu.memory_space<vmem>>, vector<16xf32>,
        %add3A = arith.constant 1.000000e-16 : f32
        %add3A_29 = vector.broadcast %add3A : f32 to vector<16xf32>
        %add3A_30 = arith.addf %gather3A, %add3A_29 : vector<16xf32>
        %div3A = arith.divf %get3A_28, %add3A_30 : vector<16xf32>
        %swap3A = arith.index_cast %mul3A_25 : i32 to index
        %swap3A_31 = tpu.vector_load %arg7[%swap3A] {strides = array<i32>} : memref<20000xf32, #tpu.memory_space<vmem>>, vector<16xf32>,
        tpu.vector_store %arg7[%swap3A], %div3A {strides = array<i32>} : memref<20000xf32, #tpu.memory_space<vmem>>, vector<16xf32>,
        %scan3A_32 = arith.constant 0 : i32
        scf.yield %scan3A_32 : i32
      }
      %scan3A_21 = arith.constant 1250 : i32
      "tpu.region"() ({
        %run_scoped3A = tpu.sem_alloc : memref<!tpu.dma_semaphore, #tpu.memory_space<semaphore_mem>>
        %dma_start3A = tpu.memref_slice %arg4[%mul3A_0] : memref<320000xf32, #tpu.memory_space<hbm>> -> memref<20000xf32, #tpu.memory_space<hbm>>
        %dma_start3A_22 = tpu.memref_slice %arg4[%mul3A_0] : memref<320000xf32, #tpu.memory_space<hbm>> -> memref<20000xf32, #tpu.memory_space<hbm>>
        tpu.enqueue_dma source(%arg7 : memref<20000xf32, #tpu.memory_space<vmem>>) target(%dma_start3A_22 : memref<20000xf32, #tpu.memory_space<hbm>>) target_semaphore(%run_scoped3A : memref<!tpu.dma_semaphore, #tpu.memory_space<semaphore_mem>>)
        %dma_wait3A = tpu.memref_slice %arg4[%mul3A_0] : memref<320000xf32, #tpu.memory_space<hbm>> -> memref<20000xf32, #tpu.memory_space<hbm>>
        %dma_wait3A_23 = tpu.memref_slice %arg4[%mul3A_0] : memref<320000xf32, #tpu.memory_space<hbm>> -> memref<20000xf32, #tpu.memory_space<hbm>>
        tpu.wait_dma2 semaphore(%run_scoped3A : memref<!tpu.dma_semaphore, #tpu.memory_space<semaphore_mem>>) src(%arg7 : memref<20000xf32, #tpu.memory_space<vmem>>) dst(%dma_wait3A_23 : memref<20000xf32, #tpu.memory_space<hbm>>)
        tpu.yield
      }) : () -> ()
    } else {
    }
    return
  }
}

#map = affine_map<(d0, d1) -> (0)>
module attributes {stable_mosaic.version = 14 : i64} {
  func.func @k(%arg0: i32, %arg1: i32, %arg2: memref<320000xf32, #tpu.memory_space<hbm>>, %arg3: memref<320000xi32, #tpu.memory_space<hbm>>, %arg4: memref<320000xf32, #tpu.memory_space<hbm>>, %arg5: memref<10240xf32, #tpu.memory_space<hbm>>, %arg6: memref<20000xi32, #tpu.memory_space<vmem>>, %arg7: memref<20000xf32, #tpu.memory_space<vmem>>, %arg8: memref<20000xf32, #tpu.memory_space<vmem>>, %arg9: memref<10240xf32, #tpu.memory_space<vmem>>, %arg10: memref<10240xf32, #tpu.memory_space<vmem>>, %arg11: memref<640xf32, #tpu.memory_space<vmem>>, %arg12: memref<16x10240xf32, #tpu.memory_space<vmem_shared>>, %arg13: memref<10240xf32, #tpu.memory_space<vmem_shared>>) attributes {dimension_semantics = [#tpu.dimension_semantics<core_parallel>, #tpu.dimension_semantics<subcore_parallel>], iteration_bounds = array<i64: 2, 16>, scalar_prefetch = 0 : i64, scratch_operands = 8 : i64, tpu.core_type = #tpu.core_type<sc_vector_subcore>, window_params = [{transform_indices = #map}, {transform_indices = #map}, {transform_indices = #map}, {transform_indices = #map}]} {
    %mul3A = arith.constant 20000 : i32
    %mul3A_0 = arith.muli %arg1, %mul3A : i32
    %mul3A_1 = arith.constant 640 : i32
    %mul3A_2 = arith.muli %arg1, %mul3A_1 : i32
    %eq3A = arith.constant 0 : i32
    %eq3A_3 = arith.cmpi eq, %arg0, %eq3A : i32
    %convert_element_type3A = arith.extui %eq3A_3 : i1 to i32
    %cond3A = arith.constant 0 : i32
    %cond3A_4 = arith.cmpi ne, %convert_element_type3A, %cond3A : i32
    scf.if %cond3A_4 {
      "tpu.region"() ({
        %run_scoped3A = tpu.sem_alloc : memref<!tpu.dma_semaphore, #tpu.memory_space<semaphore_mem>>
        %dma_start3A = tpu.memref_slice %arg3[%mul3A_0] : memref<320000xi32, #tpu.memory_space<hbm>> -> memref<20000xi32, #tpu.memory_space<hbm>>
        %dma_start3A_29 = tpu.memref_slice %arg3[%mul3A_0] : memref<320000xi32, #tpu.memory_space<hbm>> -> memref<20000xi32, #tpu.memory_space<hbm>>
        tpu.enqueue_dma source(%dma_start3A_29 : memref<20000xi32, #tpu.memory_space<hbm>>) target(%arg6 : memref<20000xi32, #tpu.memory_space<vmem>>) target_semaphore(%run_scoped3A : memref<!tpu.dma_semaphore, #tpu.memory_space<semaphore_mem>>)
        %dma_wait3A = tpu.memref_slice %arg3[%mul3A_0] : memref<320000xi32, #tpu.memory_space<hbm>> -> memref<20000xi32, #tpu.memory_space<hbm>>
        %dma_wait3A_30 = tpu.memref_slice %arg3[%mul3A_0] : memref<320000xi32, #tpu.memory_space<hbm>> -> memref<20000xi32, #tpu.memory_space<hbm>>
        tpu.wait_dma2 semaphore(%run_scoped3A : memref<!tpu.dma_semaphore, #tpu.memory_space<semaphore_mem>>) src(%dma_wait3A_30 : memref<20000xi32, #tpu.memory_space<hbm>>) dst(%arg6 : memref<20000xi32, #tpu.memory_space<vmem>>)
        tpu.yield
      }) : () -> ()
      "tpu.region"() ({
        %run_scoped3A = tpu.sem_alloc : memref<!tpu.dma_semaphore, #tpu.memory_space<semaphore_mem>>
        %dma_start3A = tpu.memref_slice %arg2[%mul3A_0] : memref<320000xf32, #tpu.memory_space<hbm>> -> memref<20000xf32, #tpu.memory_space<hbm>>
        %dma_start3A_29 = tpu.memref_slice %arg2[%mul3A_0] : memref<320000xf32, #tpu.memory_space<hbm>> -> memref<20000xf32, #tpu.memory_space<hbm>>
        tpu.enqueue_dma source(%dma_start3A_29 : memref<20000xf32, #tpu.memory_space<hbm>>) target(%arg7 : memref<20000xf32, #tpu.memory_space<vmem>>) target_semaphore(%run_scoped3A : memref<!tpu.dma_semaphore, #tpu.memory_space<semaphore_mem>>)
        %dma_wait3A = tpu.memref_slice %arg2[%mul3A_0] : memref<320000xf32, #tpu.memory_space<hbm>> -> memref<20000xf32, #tpu.memory_space<hbm>>
        %dma_wait3A_30 = tpu.memref_slice %arg2[%mul3A_0] : memref<320000xf32, #tpu.memory_space<hbm>> -> memref<20000xf32, #tpu.memory_space<hbm>>
        tpu.wait_dma2 semaphore(%run_scoped3A : memref<!tpu.dma_semaphore, #tpu.memory_space<semaphore_mem>>) src(%dma_wait3A_30 : memref<20000xf32, #tpu.memory_space<hbm>>) dst(%arg7 : memref<20000xf32, #tpu.memory_space<vmem>>)
        tpu.yield
      }) : () -> ()
      %scan3A = arith.constant 0 : i32
      %scan3A_16 = arith.constant 0 : i32
      %scan3A_17 = arith.constant 640 : i32
      %scan3A_18 = arith.addi %scan3A_16, %scan3A_17 : i32
      %scan3A_19 = arith.constant 1 : i32
      %scan3A_20 = scf.for %scan3A_29 = %scan3A_16 to %scan3A_18 step %scan3A_19 iter_args(%scan3A_30 = %scan3A) -> (i32)  : i32 {
        %broadcast_in_dim3A = arith.constant 0.000000e+00 : f32
        %broadcast_in_dim3A_31 = vector.broadcast %broadcast_in_dim3A : f32 to vector<16xf32>
        %mul3A_32 = arith.constant 16 : i32
        %mul3A_33 = arith.muli %scan3A_29, %mul3A_32 : i32
        %swap3A = arith.index_cast %mul3A_33 : i32 to index
        %swap3A_34 = tpu.vector_load %arg9[%swap3A] {strides = array<i32>} : memref<10240xf32, #tpu.memory_space<vmem>>, vector<16xf32>,
        tpu.vector_store %arg9[%swap3A], %broadcast_in_dim3A_31 {strides = array<i32>} : memref<10240xf32, #tpu.memory_space<vmem>>, vector<16xf32>,
        %scan3A_35 = arith.constant 0 : i32
        scf.yield %scan3A_35 : i32
      }
      %scan3A_21 = arith.constant 640 : i32
      %scan3A_22 = arith.constant 0 : i32
      %scan3A_23 = arith.constant 0 : i32
      %scan3A_24 = arith.constant 1250 : i32
      %scan3A_25 = arith.addi %scan3A_23, %scan3A_24 : i32
      %scan3A_26 = arith.constant 1 : i32
      %scan3A_27 = scf.for %scan3A_29 = %scan3A_23 to %scan3A_25 step %scan3A_26 iter_args(%scan3A_30 = %scan3A_22) -> (i32)  : i32 {
        %mul3A_31 = arith.constant 16 : i32
        %mul3A_32 = arith.muli %scan3A_29, %mul3A_31 : i32
        %get3A = arith.index_cast %mul3A_32 : i32 to index
        %get3A_33 = tpu.vector_load %arg6[%get3A] {strides = array<i32>} : memref<20000xi32, #tpu.memory_space<vmem>>, vector<16xi32>,
        %get3A_34 = arith.index_cast %mul3A_32 : i32 to index
        %get3A_35 = tpu.vector_load %arg7[%get3A_34] {strides = array<i32>} : memref<20000xf32, #tpu.memory_space<vmem>>, vector<16xf32>,
        %exp3A = math.exp %get3A_35 : vector<16xf32>
        %swap3A = arith.index_cast %mul3A_32 : i32 to index
        %swap3A_36 = tpu.vector_load %arg8[%swap3A] {strides = array<i32>} : memref<20000xf32, #tpu.memory_space<vmem>>, vector<16xf32>,
        tpu.vector_store %arg8[%swap3A], %exp3A {strides = array<i32>} : memref<20000xf32, #tpu.memory_space<vmem>>, vector<16xf32>,
        tpu.vector_store_idx %arg9[%get3A_33], %exp3A {add = true} : memref<10240xf32, #tpu.memory_space<vmem>>[vector<16xi32>], vector<16xf32>,
        %scan3A_37 = arith.constant 0 : i32
        scf.yield %scan3A_37 : i32
      }
      %scan3A_28 = arith.constant 1250 : i32
      "tpu.region"() ({
        %run_scoped3A = tpu.sem_alloc : memref<!tpu.dma_semaphore, #tpu.memory_space<semaphore_mem>>
        %dma_start3A = arith.constant 0 : i32
        %dma_start3A_29 = tpu.memref_slice %arg12[%arg1, %dma_start3A] : memref<16x10240xf32, #tpu.memory_space<vmem_shared>> -> memref<1x10240xf32, #tpu.memory_space<vmem_shared>>
        %dma_start3A_30 = tpu.memref_squeeze %dma_start3A_29 : memref<1x10240xf32, #tpu.memory_space<vmem_shared>> -> memref<10240xf32, #tpu.memory_space<vmem_shared>>
        %dma_start3A_31 = arith.constant 0 : i32
        %dma_start3A_32 = tpu.memref_slice %arg12[%arg1, %dma_start3A_31] : memref<16x10240xf32, #tpu.memory_space<vmem_shared>> -> memref<1x10240xf32, #tpu.memory_space<vmem_shared>>
        %dma_start3A_33 = tpu.memref_squeeze %dma_start3A_32 : memref<1x10240xf32, #tpu.memory_space<vmem_shared>> -> memref<10240xf32, #tpu.memory_space<vmem_shared>>
        tpu.enqueue_dma source(%arg9 : memref<10240xf32, #tpu.memory_space<vmem>>) target(%dma_start3A_33 : memref<10240xf32, #tpu.memory_space<vmem_shared>>) target_semaphore(%run_scoped3A : memref<!tpu.dma_semaphore, #tpu.memory_space<semaphore_mem>>)
        %dma_wait3A = arith.constant 0 : i32
        %dma_wait3A_34 = tpu.memref_slice %arg12[%arg1, %dma_wait3A] : memref<16x10240xf32, #tpu.memory_space<vmem_shared>> -> memref<1x10240xf32, #tpu.memory_space<vmem_shared>>
        %dma_wait3A_35 = tpu.memref_squeeze %dma_wait3A_34 : memref<1x10240xf32, #tpu.memory_space<vmem_shared>> -> memref<10240xf32, #tpu.memory_space<vmem_shared>>
        %dma_wait3A_36 = arith.constant 0 : i32
        %dma_wait3A_37 = tpu.memref_slice %arg12[%arg1, %dma_wait3A_36] : memref<16x10240xf32, #tpu.memory_space<vmem_shared>> -> memref<1x10240xf32, #tpu.memory_space<vmem_shared>>
        %dma_wait3A_38 = tpu.memref_squeeze %dma_wait3A_37 : memref<1x10240xf32, #tpu.memory_space<vmem_shared>> -> memref<10240xf32, #tpu.memory_space<vmem_shared>>
        tpu.wait_dma2 semaphore(%run_scoped3A : memref<!tpu.dma_semaphore, #tpu.memory_space<semaphore_mem>>) src(%arg9 : memref<10240xf32, #tpu.memory_space<vmem>>) dst(%dma_wait3A_38 : memref<10240xf32, #tpu.memory_space<vmem_shared>>)
        tpu.yield
      }) : () -> ()
    } else {
    }
    %barrier3A = arith.constant 0 : index
    tpu.barrier barrier_id(%barrier3A)
    %eq3A_5 = arith.constant 0 : i32
    %eq3A_6 = arith.cmpi eq, %arg0, %eq3A_5 : i32
    %convert_element_type3A_7 = arith.extui %eq3A_6 : i1 to i32
    %cond3A_8 = arith.constant 0 : i32
    %cond3A_9 = arith.cmpi ne, %convert_element_type3A_7, %cond3A_8 : i32
    scf.if %cond3A_9 {
      %scan3A = arith.constant 0 : i32
      %scan3A_16 = arith.constant 0 : i32
      %scan3A_17 = arith.constant 40 : i32
      %scan3A_18 = arith.addi %scan3A_16, %scan3A_17 : i32
      %scan3A_19 = arith.constant 1 : i32
      %scan3A_20 = scf.for %scan3A_29 = %scan3A_16 to %scan3A_18 step %scan3A_19 iter_args(%scan3A_30 = %scan3A) -> (i32)  : i32 {
        %broadcast_in_dim3A = arith.constant 0.000000e+00 : f32
        %broadcast_in_dim3A_31 = vector.broadcast %broadcast_in_dim3A : f32 to vector<16xf32>
        %mul3A_32 = arith.constant 16 : i32
        %mul3A_33 = arith.muli %scan3A_29, %mul3A_32 : i32
        %add3A = arith.addi %mul3A_2, %mul3A_33 : i32
        %swap3A = arith.index_cast %add3A : i32 to index
        %swap3A_34 = tpu.vector_load %arg10[%swap3A] {strides = array<i32>} : memref<10240xf32, #tpu.memory_space<vmem>>, vector<16xf32>,
        tpu.vector_store %arg10[%swap3A], %broadcast_in_dim3A_31 {strides = array<i32>} : memref<10240xf32, #tpu.memory_space<vmem>>, vector<16xf32>,
        %scan3A_35 = arith.constant 0 : i32
        scf.yield %scan3A_35 : i32
      }
      %scan3A_21 = arith.constant 40 : i32
      %scan3A_22 = arith.constant 0 : i32
      %scan3A_23 = arith.constant 0 : i32
      %scan3A_24 = arith.constant 16 : i32
      %scan3A_25 = arith.addi %scan3A_23, %scan3A_24 : i32
      %scan3A_26 = arith.constant 1 : i32
      %scan3A_27 = scf.for %scan3A_29 = %scan3A_23 to %scan3A_25 step %scan3A_26 iter_args(%scan3A_30 = %scan3A_22) -> (i32)  : i32 {
        "tpu.region"() ({
          %run_scoped3A = tpu.sem_alloc : memref<!tpu.dma_semaphore, #tpu.memory_space<semaphore_mem>>
          %dma_start3A = tpu.memref_slice %arg12[%scan3A_29, %mul3A_2] : memref<16x10240xf32, #tpu.memory_space<vmem_shared>> -> memref<1x640xf32, #tpu.memory_space<vmem_shared>>
          %dma_start3A_39 = tpu.memref_squeeze %dma_start3A : memref<1x640xf32, #tpu.memory_space<vmem_shared>> -> memref<640xf32, #tpu.memory_space<vmem_shared>>
          %dma_start3A_40 = tpu.memref_slice %arg12[%scan3A_29, %mul3A_2] : memref<16x10240xf32, #tpu.memory_space<vmem_shared>> -> memref<1x640xf32, #tpu.memory_space<vmem_shared>>
          %dma_start3A_41 = tpu.memref_squeeze %dma_start3A_40 : memref<1x640xf32, #tpu.memory_space<vmem_shared>> -> memref<640xf32, #tpu.memory_space<vmem_shared>>
          tpu.enqueue_dma source(%dma_start3A_41 : memref<640xf32, #tpu.memory_space<vmem_shared>>) target(%arg11 : memref<640xf32, #tpu.memory_space<vmem>>) target_semaphore(%run_scoped3A : memref<!tpu.dma_semaphore, #tpu.memory_space<semaphore_mem>>)
          %dma_wait3A = tpu.memref_slice %arg12[%scan3A_29, %mul3A_2] : memref<16x10240xf32, #tpu.memory_space<vmem_shared>> -> memref<1x640xf32, #tpu.memory_space<vmem_shared>>
          %dma_wait3A_42 = tpu.memref_squeeze %dma_wait3A : memref<1x640xf32, #tpu.memory_space<vmem_shared>> -> memref<640xf32, #tpu.memory_space<vmem_shared>>
          %dma_wait3A_43 = tpu.memref_slice %arg12[%scan3A_29, %mul3A_2] : memref<16x10240xf32, #tpu.memory_space<vmem_shared>> -> memref<1x640xf32, #tpu.memory_space<vmem_shared>>
          %dma_wait3A_44 = tpu.memref_squeeze %dma_wait3A_43 : memref<1x640xf32, #tpu.memory_space<vmem_shared>> -> memref<640xf32, #tpu.memory_space<vmem_shared>>
          tpu.wait_dma2 semaphore(%run_scoped3A : memref<!tpu.dma_semaphore, #tpu.memory_space<semaphore_mem>>) src(%dma_wait3A_44 : memref<640xf32, #tpu.memory_space<vmem_shared>>) dst(%arg11 : memref<640xf32, #tpu.memory_space<vmem>>)
          tpu.yield
        }) : () -> ()
        %scan3A_31 = arith.constant 0 : i32
        %scan3A_32 = arith.constant 0 : i32
        %scan3A_33 = arith.constant 40 : i32
        %scan3A_34 = arith.addi %scan3A_32, %scan3A_33 : i32
        %scan3A_35 = arith.constant 1 : i32
        %scan3A_36 = scf.for %scan3A_39 = %scan3A_32 to %scan3A_34 step %scan3A_35 iter_args(%scan3A_40 = %scan3A_31) -> (i32)  : i32 {
          %mul3A_41 = arith.constant 16 : i32
          %mul3A_42 = arith.muli %scan3A_39, %mul3A_41 : i32
          %add3A = arith.addi %mul3A_2, %mul3A_42 : i32
          %get3A = arith.index_cast %add3A : i32 to index
          %get3A_43 = tpu.vector_load %arg10[%get3A] {strides = array<i32>} : memref<10240xf32, #tpu.memory_space<vmem>>, vector<16xf32>,
          %mul3A_44 = arith.constant 16 : i32
          %mul3A_45 = arith.muli %scan3A_39, %mul3A_44 : i32
          %get3A_46 = arith.index_cast %mul3A_45 : i32 to index
          %get3A_47 = tpu.vector_load %arg11[%get3A_46] {strides = array<i32>} : memref<640xf32, #tpu.memory_space<vmem>>, vector<16xf32>,
          %add3A_48 = arith.addf %get3A_43, %get3A_47 : vector<16xf32>
          %swap3A = arith.index_cast %add3A : i32 to index
          %swap3A_49 = tpu.vector_load %arg10[%swap3A] {strides = array<i32>} : memref<10240xf32, #tpu.memory_space<vmem>>, vector<16xf32>,
          tpu.vector_store %arg10[%swap3A], %add3A_48 {strides = array<i32>} : memref<10240xf32, #tpu.memory_space<vmem>>, vector<16xf32>,
          %scan3A_50 = arith.constant 0 : i32
          scf.yield %scan3A_50 : i32
        }
        %scan3A_37 = arith.constant 40 : i32
        %scan3A_38 = arith.constant 0 : i32
        scf.yield %scan3A_38 : i32
      }
      %scan3A_28 = arith.constant 16 : i32
      "tpu.region"() ({
        %run_scoped3A = tpu.sem_alloc : memref<!tpu.dma_semaphore, #tpu.memory_space<semaphore_mem>>
        %dma_start3A = tpu.memref_slice %arg10[%mul3A_2] : memref<10240xf32, #tpu.memory_space<vmem>> -> memref<640xf32, #tpu.memory_space<vmem>>
        %dma_start3A_29 = tpu.memref_slice %arg13[%mul3A_2] : memref<10240xf32, #tpu.memory_space<vmem_shared>> -> memref<640xf32, #tpu.memory_space<vmem_shared>>
        %dma_start3A_30 = tpu.memref_slice %arg13[%mul3A_2] : memref<10240xf32, #tpu.memory_space<vmem_shared>> -> memref<640xf32, #tpu.memory_space<vmem_shared>>
        %dma_start3A_31 = tpu.memref_slice %arg10[%mul3A_2] : memref<10240xf32, #tpu.memory_space<vmem>> -> memref<640xf32, #tpu.memory_space<vmem>>
        tpu.enqueue_dma source(%dma_start3A_31 : memref<640xf32, #tpu.memory_space<vmem>>) target(%dma_start3A_30 : memref<640xf32, #tpu.memory_space<vmem_shared>>) target_semaphore(%run_scoped3A : memref<!tpu.dma_semaphore, #tpu.memory_space<semaphore_mem>>)
        %dma_wait3A = tpu.memref_slice %arg10[%mul3A_2] : memref<10240xf32, #tpu.memory_space<vmem>> -> memref<640xf32, #tpu.memory_space<vmem>>
        %dma_wait3A_32 = tpu.memref_slice %arg13[%mul3A_2] : memref<10240xf32, #tpu.memory_space<vmem_shared>> -> memref<640xf32, #tpu.memory_space<vmem_shared>>
        %dma_wait3A_33 = tpu.memref_slice %arg13[%mul3A_2] : memref<10240xf32, #tpu.memory_space<vmem_shared>> -> memref<640xf32, #tpu.memory_space<vmem_shared>>
        %dma_wait3A_34 = tpu.memref_slice %arg10[%mul3A_2] : memref<10240xf32, #tpu.memory_space<vmem>> -> memref<640xf32, #tpu.memory_space<vmem>>
        tpu.wait_dma2 semaphore(%run_scoped3A : memref<!tpu.dma_semaphore, #tpu.memory_space<semaphore_mem>>) src(%dma_wait3A_34 : memref<640xf32, #tpu.memory_space<vmem>>) dst(%dma_wait3A_33 : memref<640xf32, #tpu.memory_space<vmem_shared>>)
        tpu.yield
      }) : () -> ()
      "tpu.region"() ({
        %run_scoped3A = tpu.sem_alloc : memref<!tpu.dma_semaphore, #tpu.memory_space<semaphore_mem>>
        %dma_start3A = tpu.memref_slice %arg10[%mul3A_2] : memref<10240xf32, #tpu.memory_space<vmem>> -> memref<640xf32, #tpu.memory_space<vmem>>
        %dma_start3A_29 = tpu.memref_slice %arg5[%mul3A_2] : memref<10240xf32, #tpu.memory_space<hbm>> -> memref<640xf32, #tpu.memory_space<hbm>>
        %dma_start3A_30 = tpu.memref_slice %arg5[%mul3A_2] : memref<10240xf32, #tpu.memory_space<hbm>> -> memref<640xf32, #tpu.memory_space<hbm>>
        %dma_start3A_31 = tpu.memref_slice %arg10[%mul3A_2] : memref<10240xf32, #tpu.memory_space<vmem>> -> memref<640xf32, #tpu.memory_space<vmem>>
        tpu.enqueue_dma source(%dma_start3A_31 : memref<640xf32, #tpu.memory_space<vmem>>) target(%dma_start3A_30 : memref<640xf32, #tpu.memory_space<hbm>>) target_semaphore(%run_scoped3A : memref<!tpu.dma_semaphore, #tpu.memory_space<semaphore_mem>>)
        %dma_wait3A = tpu.memref_slice %arg10[%mul3A_2] : memref<10240xf32, #tpu.memory_space<vmem>> -> memref<640xf32, #tpu.memory_space<vmem>>
        %dma_wait3A_32 = tpu.memref_slice %arg5[%mul3A_2] : memref<10240xf32, #tpu.memory_space<hbm>> -> memref<640xf32, #tpu.memory_space<hbm>>
        %dma_wait3A_33 = tpu.memref_slice %arg5[%mul3A_2] : memref<10240xf32, #tpu.memory_space<hbm>> -> memref<640xf32, #tpu.memory_space<hbm>>
        %dma_wait3A_34 = tpu.memref_slice %arg10[%mul3A_2] : memref<10240xf32, #tpu.memory_space<vmem>> -> memref<640xf32, #tpu.memory_space<vmem>>
        tpu.wait_dma2 semaphore(%run_scoped3A : memref<!tpu.dma_semaphore, #tpu.memory_space<semaphore_mem>>) src(%dma_wait3A_34 : memref<640xf32, #tpu.memory_space<vmem>>) dst(%dma_wait3A_33 : memref<640xf32, #tpu.memory_space<hbm>>)
        tpu.yield
      }) : () -> ()
    } else {
    }
    %barrier3A_10 = arith.constant 0 : index
    tpu.barrier barrier_id(%barrier3A_10)
    %eq3A_11 = arith.constant 0 : i32
    %eq3A_12 = arith.cmpi eq, %arg0, %eq3A_11 : i32
    %convert_element_type3A_13 = arith.extui %eq3A_12 : i1 to i32
    %cond3A_14 = arith.constant 0 : i32
    %cond3A_15 = arith.cmpi ne, %convert_element_type3A_13, %cond3A_14 : i32
    scf.if %cond3A_15 {
      "tpu.region"() ({
        %run_scoped3A = tpu.sem_alloc : memref<!tpu.dma_semaphore, #tpu.memory_space<semaphore_mem>>
        tpu.enqueue_dma source(%arg13 : memref<10240xf32, #tpu.memory_space<vmem_shared>>) target(%arg10 : memref<10240xf32, #tpu.memory_space<vmem>>) target_semaphore(%run_scoped3A : memref<!tpu.dma_semaphore, #tpu.memory_space<semaphore_mem>>)
        tpu.wait_dma2 semaphore(%run_scoped3A : memref<!tpu.dma_semaphore, #tpu.memory_space<semaphore_mem>>) src(%arg13 : memref<10240xf32, #tpu.memory_space<vmem_shared>>) dst(%arg10 : memref<10240xf32, #tpu.memory_space<vmem>>)
        tpu.yield
      }) : () -> ()
      %scan3A = arith.constant 0 : i32
      %scan3A_16 = arith.constant 0 : i32
      %scan3A_17 = arith.constant 1250 : i32
      %scan3A_18 = arith.addi %scan3A_16, %scan3A_17 : i32
      %scan3A_19 = arith.constant 1 : i32
      %scan3A_20 = scf.for %scan3A_22 = %scan3A_16 to %scan3A_18 step %scan3A_19 iter_args(%scan3A_23 = %scan3A) -> (i32)  : i32 {
        %mul3A_24 = arith.constant 16 : i32
        %mul3A_25 = arith.muli %scan3A_22, %mul3A_24 : i32
        %get3A = arith.index_cast %mul3A_25 : i32 to index
        %get3A_26 = tpu.vector_load %arg6[%get3A] {strides = array<i32>} : memref<20000xi32, #tpu.memory_space<vmem>>, vector<16xi32>,
        %gather3A = tpu.vector_load_idx %arg10[%get3A_26] : memref<10240xf32, #tpu.memory_space<vmem>>[vector<16xi32>], vector<16xf32>,
        %get3A_27 = arith.index_cast %mul3A_25 : i32 to index
        %get3A_28 = tpu.vector_load %arg8[%get3A_27] {strides = array<i32>} : memref<20000xf32, #tpu.memory_space<vmem>>, vector<16xf32>,
        %add3A = arith.constant 1.000000e-16 : f32
        %add3A_29 = vector.broadcast %add3A : f32 to vector<16xf32>
        %add3A_30 = arith.addf %gather3A, %add3A_29 : vector<16xf32>
        %div3A = arith.divf %get3A_28, %add3A_30 : vector<16xf32>
        %swap3A = arith.index_cast %mul3A_25 : i32 to index
        %swap3A_31 = tpu.vector_load %arg7[%swap3A] {strides = array<i32>} : memref<20000xf32, #tpu.memory_space<vmem>>, vector<16xf32>,
        tpu.vector_store %arg7[%swap3A], %div3A {strides = array<i32>} : memref<20000xf32, #tpu.memory_space<vmem>>, vector<16xf32>,
        %scan3A_32 = arith.constant 0 : i32
        scf.yield %scan3A_32 : i32
      }
      %scan3A_21 = arith.constant 1250 : i32
      "tpu.region"() ({
        %run_scoped3A = tpu.sem_alloc : memref<!tpu.dma_semaphore, #tpu.memory_space<semaphore_mem>>
        %dma_start3A = tpu.memref_slice %arg4[%mul3A_0] : memref<320000xf32, #tpu.memory_space<hbm>> -> memref<20000xf32, #tpu.memory_space<hbm>>
        %dma_start3A_22 = tpu.memref_slice %arg4[%mul3A_0] : memref<320000xf32, #tpu.memory_space<hbm>> -> memref<20000xf32, #tpu.memory_space<hbm>>
        tpu.enqueue_dma source(%arg7 : memref<20000xf32, #tpu.memory_space<vmem>>) target(%dma_start3A_22 : memref<20000xf32, #tpu.memory_space<hbm>>) target_semaphore(%run_scoped3A : memref<!tpu.dma_semaphore, #tpu.memory_space<semaphore_mem>>)
        %dma_wait3A = tpu.memref_slice %arg4[%mul3A_0] : memref<320000xf32, #tpu.memory_space<hbm>> -> memref<20000xf32, #tpu.memory_space<hbm>>
        %dma_wait3A_23 = tpu.memref_slice %arg4[%mul3A_0] : memref<320000xf32, #tpu.memory_space<hbm>> -> memref<20000xf32, #tpu.memory_space<hbm>>
        tpu.wait_dma2 semaphore(%run_scoped3A : memref<!tpu.dma_semaphore, #tpu.memory_space<semaphore_mem>>) src(%arg7 : memref<20000xf32, #tpu.memory_space<vmem>>) dst(%dma_wait3A_23 : memref<20000xf32, #tpu.memory_space<hbm>>)
        tpu.yield
      }) : () -> ()
    } else {
    }
    return
  }
}

#map = affine_map<(d0, d1) -> (0, 0)>
#map1 = affine_map<(d0, d1) -> (0)>
module attributes {stable_mosaic.version = 14 : i64} {
  func.func @k(%arg0: i32, %arg1: i32, %arg2: memref<320000x128xf32, #tpu.memory_space<hbm>>, %arg3: memref<320000x128xf32, #tpu.memory_space<hbm>>, %arg4: memref<320000xi32, #tpu.memory_space<hbm>>, %arg5: memref<160x128xf32, #tpu.memory_space<hbm>>, %arg6: memref<20480x128xf32, #tpu.memory_space<hbm>>, %arg7: memref<200xi32, #tpu.memory_space<vmem>>, %arg8: memref<200x128xf32, #tpu.memory_space<vmem>>, %arg9: memref<10240x128xf32, #tpu.memory_space<vmem_shared>>) attributes {dimension_semantics = [#tpu.dimension_semantics<core_parallel>, #tpu.dimension_semantics<subcore_parallel>], iteration_bounds = array<i64: 2, 16>, scalar_prefetch = 0 : i64, scratch_operands = 3 : i64, tpu.core_type = #tpu.core_type<sc_vector_subcore>, window_params = [{transform_indices = #map}, {transform_indices = #map}, {transform_indices = #map1}, {transform_indices = #map}, {transform_indices = #map}]} {
    %mul3A = arith.constant 640 : i32
    %mul3A_0 = arith.muli %arg1, %mul3A : i32
    %scan3A = arith.constant 0 : i32
    %scan3A_1 = arith.constant 0 : i32
    %scan3A_2 = arith.constant 4 : i32
    %scan3A_3 = arith.addi %scan3A_1, %scan3A_2 : i32
    %scan3A_4 = arith.constant 1 : i32
    %scan3A_5 = scf.for %scan3A_24 = %scan3A_1 to %scan3A_3 step %scan3A_4 iter_args(%scan3A_25 = %scan3A) -> (i32)  : i32 {
      "tpu.region"() ({
        %run_scoped3A = tpu.sem_alloc : memref<!tpu.dma_semaphore, #tpu.memory_space<semaphore_mem>>
        %dma_start3A = arith.constant 0 : i32
        %dma_start3A_29 = arith.constant 0 : i32
        %dma_start3A_30 = tpu.memref_slice %arg8[%dma_start3A, %dma_start3A_29] : memref<200x128xf32, #tpu.memory_space<vmem>> -> memref<160x128xf32, #tpu.memory_space<vmem>>
        %dma_start3A_31 = arith.constant 0 : i32
        %dma_start3A_32 = arith.constant 0 : i32
        %dma_start3A_33 = tpu.memref_slice %arg5[%dma_start3A_31, %dma_start3A_32] : memref<160x128xf32, #tpu.memory_space<hbm>> -> memref<160x128xf32, #tpu.memory_space<hbm>>
        %dma_start3A_34 = arith.constant 0 : i32
        %dma_start3A_35 = arith.constant 0 : i32
        %dma_start3A_36 = tpu.memref_slice %arg8[%dma_start3A_34, %dma_start3A_35] : memref<200x128xf32, #tpu.memory_space<vmem>> -> memref<160x128xf32, #tpu.memory_space<vmem>>
        %dma_start3A_37 = arith.constant 0 : i32
        %dma_start3A_38 = arith.constant 0 : i32
        %dma_start3A_39 = tpu.memref_slice %arg5[%dma_start3A_37, %dma_start3A_38] : memref<160x128xf32, #tpu.memory_space<hbm>> -> memref<160x128xf32, #tpu.memory_space<hbm>>
        tpu.enqueue_dma source(%dma_start3A_39 : memref<160x128xf32, #tpu.memory_space<hbm>>) target(%dma_start3A_36 : memref<160x128xf32, #tpu.memory_space<vmem>>) target_semaphore(%run_scoped3A : memref<!tpu.dma_semaphore, #tpu.memory_space<semaphore_mem>>)
        %dma_wait3A = arith.constant 0 : i32
        %dma_wait3A_40 = arith.constant 0 : i32
        %dma_wait3A_41 = tpu.memref_slice %arg8[%dma_wait3A, %dma_wait3A_40] : memref<200x128xf32, #tpu.memory_space<vmem>> -> memref<160x128xf32, #tpu.memory_space<vmem>>
        %dma_wait3A_42 = arith.constant 0 : i32
        %dma_wait3A_43 = arith.constant 0 : i32
        %dma_wait3A_44 = tpu.memref_slice %arg5[%dma_wait3A_42, %dma_wait3A_43] : memref<160x128xf32, #tpu.memory_space<hbm>> -> memref<160x128xf32, #tpu.memory_space<hbm>>
        %dma_wait3A_45 = arith.constant 0 : i32
        %dma_wait3A_46 = arith.constant 0 : i32
        %dma_wait3A_47 = tpu.memref_slice %arg8[%dma_wait3A_45, %dma_wait3A_46] : memref<200x128xf32, #tpu.memory_space<vmem>> -> memref<160x128xf32, #tpu.memory_space<vmem>>
        %dma_wait3A_48 = arith.constant 0 : i32
        %dma_wait3A_49 = arith.constant 0 : i32
        %dma_wait3A_50 = tpu.memref_slice %arg5[%dma_wait3A_48, %dma_wait3A_49] : memref<160x128xf32, #tpu.memory_space<hbm>> -> memref<160x128xf32, #tpu.memory_space<hbm>>
        tpu.wait_dma2 semaphore(%run_scoped3A : memref<!tpu.dma_semaphore, #tpu.memory_space<semaphore_mem>>) src(%dma_wait3A_50 : memref<160x128xf32, #tpu.memory_space<hbm>>) dst(%dma_wait3A_47 : memref<160x128xf32, #tpu.memory_space<vmem>>)
        tpu.yield
      }) : () -> ()
      %mul3A_26 = arith.constant 160 : i32
      %mul3A_27 = arith.muli %scan3A_24, %mul3A_26 : i32
      %add3A = arith.addi %mul3A_0, %mul3A_27 : i32
      "tpu.region"() ({
        %run_scoped3A = tpu.sem_alloc : memref<!tpu.dma_semaphore, #tpu.memory_space<semaphore_mem>>
        %dma_start3A = arith.constant 0 : i32
        %dma_start3A_29 = arith.constant 0 : i32
        %dma_start3A_30 = tpu.memref_slice %arg8[%dma_start3A, %dma_start3A_29] : memref<200x128xf32, #tpu.memory_space<vmem>> -> memref<160x128xf32, #tpu.memory_space<vmem>>
        %dma_start3A_31 = arith.constant 0 : i32
        %dma_start3A_32 = tpu.memref_slice %arg9[%add3A, %dma_start3A_31] : memref<10240x128xf32, #tpu.memory_space<vmem_shared>> -> memref<160x128xf32, #tpu.memory_space<vmem_shared>>
        %dma_start3A_33 = arith.constant 0 : i32
        %dma_start3A_34 = tpu.memref_slice %arg9[%add3A, %dma_start3A_33] : memref<10240x128xf32, #tpu.memory_space<vmem_shared>> -> memref<160x128xf32, #tpu.memory_space<vmem_shared>>
        %dma_start3A_35 = arith.constant 0 : i32
        %dma_start3A_36 = arith.constant 0 : i32
        %dma_start3A_37 = tpu.memref_slice %arg8[%dma_start3A_35, %dma_start3A_36] : memref<200x128xf32, #tpu.memory_space<vmem>> -> memref<160x128xf32, #tpu.memory_space<vmem>>
        tpu.enqueue_dma source(%dma_start3A_37 : memref<160x128xf32, #tpu.memory_space<vmem>>) target(%dma_start3A_34 : memref<160x128xf32, #tpu.memory_space<vmem_shared>>) target_semaphore(%run_scoped3A : memref<!tpu.dma_semaphore, #tpu.memory_space<semaphore_mem>>)
        %dma_wait3A = arith.constant 0 : i32
        %dma_wait3A_38 = arith.constant 0 : i32
        %dma_wait3A_39 = tpu.memref_slice %arg8[%dma_wait3A, %dma_wait3A_38] : memref<200x128xf32, #tpu.memory_space<vmem>> -> memref<160x128xf32, #tpu.memory_space<vmem>>
        %dma_wait3A_40 = arith.constant 0 : i32
        %dma_wait3A_41 = tpu.memref_slice %arg9[%add3A, %dma_wait3A_40] : memref<10240x128xf32, #tpu.memory_space<vmem_shared>> -> memref<160x128xf32, #tpu.memory_space<vmem_shared>>
        %dma_wait3A_42 = arith.constant 0 : i32
        %dma_wait3A_43 = tpu.memref_slice %arg9[%add3A, %dma_wait3A_42] : memref<10240x128xf32, #tpu.memory_space<vmem_shared>> -> memref<160x128xf32, #tpu.memory_space<vmem_shared>>
        %dma_wait3A_44 = arith.constant 0 : i32
        %dma_wait3A_45 = arith.constant 0 : i32
        %dma_wait3A_46 = tpu.memref_slice %arg8[%dma_wait3A_44, %dma_wait3A_45] : memref<200x128xf32, #tpu.memory_space<vmem>> -> memref<160x128xf32, #tpu.memory_space<vmem>>
        tpu.wait_dma2 semaphore(%run_scoped3A : memref<!tpu.dma_semaphore, #tpu.memory_space<semaphore_mem>>) src(%dma_wait3A_46 : memref<160x128xf32, #tpu.memory_space<vmem>>) dst(%dma_wait3A_43 : memref<160x128xf32, #tpu.memory_space<vmem_shared>>)
        tpu.yield
      }) : () -> ()
      %scan3A_28 = arith.constant 0 : i32
      scf.yield %scan3A_28 : i32
    }
    %scan3A_6 = arith.constant 4 : i32
    %barrier3A = arith.constant 0 : index
    tpu.barrier barrier_id(%barrier3A)
    %mul3A_7 = arith.constant 20000 : i32
    %mul3A_8 = arith.muli %arg1, %mul3A_7 : i32
    %eq3A = arith.constant 0 : i32
    %eq3A_9 = arith.cmpi eq, %arg0, %eq3A : i32
    %convert_element_type3A = arith.extui %eq3A_9 : i1 to i32
    %cond3A = arith.constant 0 : i32
    %cond3A_10 = arith.cmpi ne, %convert_element_type3A, %cond3A : i32
    scf.if %cond3A_10 {
      %scan3A_24 = arith.constant 0 : i32
      %scan3A_25 = arith.constant 0 : i32
      %scan3A_26 = arith.constant 100 : i32
      %scan3A_27 = arith.addi %scan3A_25, %scan3A_26 : i32
      %scan3A_28 = arith.constant 1 : i32
      %scan3A_29 = scf.for %scan3A_31 = %scan3A_25 to %scan3A_27 step %scan3A_28 iter_args(%scan3A_32 = %scan3A_24) -> (i32)  : i32 {
        %mul3A_33 = arith.constant 200 : i32
        %mul3A_34 = arith.muli %scan3A_31, %mul3A_33 : i32
        %add3A = arith.addi %mul3A_8, %mul3A_34 : i32
        "tpu.region"() ({
          %run_scoped3A = tpu.sem_alloc : memref<!tpu.dma_semaphore, #tpu.memory_space<semaphore_mem>>
          %dma_start3A = tpu.memref_slice %arg4[%add3A] : memref<320000xi32, #tpu.memory_space<hbm>> -> memref<200xi32, #tpu.memory_space<hbm>>
          %dma_start3A_36 = tpu.memref_slice %arg4[%add3A] : memref<320000xi32, #tpu.memory_space<hbm>> -> memref<200xi32, #tpu.memory_space<hbm>>
          tpu.enqueue_dma source(%dma_start3A_36 : memref<200xi32, #tpu.memory_space<hbm>>) target(%arg7 : memref<200xi32, #tpu.memory_space<vmem>>) target_semaphore(%run_scoped3A : memref<!tpu.dma_semaphore, #tpu.memory_space<semaphore_mem>>)
          %dma_wait3A = tpu.memref_slice %arg4[%add3A] : memref<320000xi32, #tpu.memory_space<hbm>> -> memref<200xi32, #tpu.memory_space<hbm>>
          %dma_wait3A_37 = tpu.memref_slice %arg4[%add3A] : memref<320000xi32, #tpu.memory_space<hbm>> -> memref<200xi32, #tpu.memory_space<hbm>>
          tpu.wait_dma2 semaphore(%run_scoped3A : memref<!tpu.dma_semaphore, #tpu.memory_space<semaphore_mem>>) src(%dma_wait3A_37 : memref<200xi32, #tpu.memory_space<hbm>>) dst(%arg7 : memref<200xi32, #tpu.memory_space<vmem>>)
          tpu.yield
        }) : () -> ()
        "tpu.region"() ({
          %run_scoped3A = tpu.sem_alloc : memref<!tpu.dma_semaphore, #tpu.memory_space<semaphore_mem>>
          %dma_start3A = arith.constant 0 : i32
          %dma_start3A_36 = tpu.memref_slice %arg2[%add3A, %dma_start3A] : memref<320000x128xf32, #tpu.memory_space<hbm>> -> memref<200x128xf32, #tpu.memory_space<hbm>>
          %dma_start3A_37 = arith.constant 0 : i32
          %dma_start3A_38 = tpu.memref_slice %arg2[%add3A, %dma_start3A_37] : memref<320000x128xf32, #tpu.memory_space<hbm>> -> memref<200x128xf32, #tpu.memory_space<hbm>>
          tpu.enqueue_dma source(%dma_start3A_38 : memref<200x128xf32, #tpu.memory_space<hbm>>) target(%arg8 : memref<200x128xf32, #tpu.memory_space<vmem>>) target_semaphore(%run_scoped3A : memref<!tpu.dma_semaphore, #tpu.memory_space<semaphore_mem>>)
          %dma_wait3A = arith.constant 0 : i32
          %dma_wait3A_39 = tpu.memref_slice %arg2[%add3A, %dma_wait3A] : memref<320000x128xf32, #tpu.memory_space<hbm>> -> memref<200x128xf32, #tpu.memory_space<hbm>>
          %dma_wait3A_40 = arith.constant 0 : i32
          %dma_wait3A_41 = tpu.memref_slice %arg2[%add3A, %dma_wait3A_40] : memref<320000x128xf32, #tpu.memory_space<hbm>> -> memref<200x128xf32, #tpu.memory_space<hbm>>
          tpu.wait_dma2 semaphore(%run_scoped3A : memref<!tpu.dma_semaphore, #tpu.memory_space<semaphore_mem>>) src(%dma_wait3A_41 : memref<200x128xf32, #tpu.memory_space<hbm>>) dst(%arg8 : memref<200x128xf32, #tpu.memory_space<vmem>>)
          tpu.yield
        }) : () -> ()
        "tpu.region"() ({
          %run_scoped3A = tpu.sem_alloc : memref<!tpu.dma_semaphore, #tpu.memory_space<semaphore_mem>>
          %dma_start3A = arith.constant 0 : i32
          %dma_start3A_36 = arith.constant 0 : i32
          %dma_start3A_37 = tpu.memref_slice %arg9[%dma_start3A, %dma_start3A_36] : memref<10240x128xf32, #tpu.memory_space<vmem_shared>> -> memref<10240x128xf32, #tpu.memory_space<vmem_shared>>
          tpu.enqueue_indirect_dma source(%arg8 : memref<200x128xf32, #tpu.memory_space<vmem>>) target(%dma_start3A_37 : memref<10240x128xf32, #tpu.memory_space<vmem_shared>>) offsets(%arg7 : memref<200xi32, #tpu.memory_space<vmem>>) semaphore(%run_scoped3A : memref<!tpu.dma_semaphore, #tpu.memory_space<semaphore_mem>>) {add = true}
          %dma_wait3A = arith.constant 0 : i32
          %dma_wait3A_38 = arith.constant 0 : i32
          %dma_wait3A_39 = tpu.memref_slice %arg9[%dma_wait3A, %dma_wait3A_38] : memref<10240x128xf32, #tpu.memory_space<vmem_shared>> -> memref<10240x128xf32, #tpu.memory_space<vmem_shared>>
          tpu.wait_indirect_dma semaphore(%run_scoped3A : memref<!tpu.dma_semaphore, #tpu.memory_space<semaphore_mem>>) src(%arg8 : memref<200x128xf32, #tpu.memory_space<vmem>>) dst(%dma_wait3A_39 : memref<10240x128xf32, #tpu.memory_space<vmem_shared>>)
          tpu.yield
        }) : () -> ()
        %scan3A_35 = arith.constant 0 : i32
        scf.yield %scan3A_35 : i32
      }
      %scan3A_30 = arith.constant 100 : i32
    } else {
    }
    %eq3A_11 = arith.constant 1 : i32
    %eq3A_12 = arith.cmpi eq, %arg0, %eq3A_11 : i32
    %convert_element_type3A_13 = arith.extui %eq3A_12 : i1 to i32
    %cond3A_14 = arith.constant 0 : i32
    %cond3A_15 = arith.cmpi ne, %convert_element_type3A_13, %cond3A_14 : i32
    scf.if %cond3A_15 {
      %scan3A_24 = arith.constant 0 : i32
      %scan3A_25 = arith.constant 0 : i32
      %scan3A_26 = arith.constant 100 : i32
      %scan3A_27 = arith.addi %scan3A_25, %scan3A_26 : i32
      %scan3A_28 = arith.constant 1 : i32
      %scan3A_29 = scf.for %scan3A_31 = %scan3A_25 to %scan3A_27 step %scan3A_28 iter_args(%scan3A_32 = %scan3A_24) -> (i32)  : i32 {
        %mul3A_33 = arith.constant 200 : i32
        %mul3A_34 = arith.muli %scan3A_31, %mul3A_33 : i32
        %add3A = arith.addi %mul3A_8, %mul3A_34 : i32
        "tpu.region"() ({
          %run_scoped3A = tpu.sem_alloc : memref<!tpu.dma_semaphore, #tpu.memory_space<semaphore_mem>>
          %dma_start3A = tpu.memref_slice %arg4[%add3A] : memref<320000xi32, #tpu.memory_space<hbm>> -> memref<200xi32, #tpu.memory_space<hbm>>
          %dma_start3A_36 = tpu.memref_slice %arg4[%add3A] : memref<320000xi32, #tpu.memory_space<hbm>> -> memref<200xi32, #tpu.memory_space<hbm>>
          tpu.enqueue_dma source(%dma_start3A_36 : memref<200xi32, #tpu.memory_space<hbm>>) target(%arg7 : memref<200xi32, #tpu.memory_space<vmem>>) target_semaphore(%run_scoped3A : memref<!tpu.dma_semaphore, #tpu.memory_space<semaphore_mem>>)
          %dma_wait3A = tpu.memref_slice %arg4[%add3A] : memref<320000xi32, #tpu.memory_space<hbm>> -> memref<200xi32, #tpu.memory_space<hbm>>
          %dma_wait3A_37 = tpu.memref_slice %arg4[%add3A] : memref<320000xi32, #tpu.memory_space<hbm>> -> memref<200xi32, #tpu.memory_space<hbm>>
          tpu.wait_dma2 semaphore(%run_scoped3A : memref<!tpu.dma_semaphore, #tpu.memory_space<semaphore_mem>>) src(%dma_wait3A_37 : memref<200xi32, #tpu.memory_space<hbm>>) dst(%arg7 : memref<200xi32, #tpu.memory_space<vmem>>)
          tpu.yield
        }) : () -> ()
        "tpu.region"() ({
          %run_scoped3A = tpu.sem_alloc : memref<!tpu.dma_semaphore, #tpu.memory_space<semaphore_mem>>
          %dma_start3A = arith.constant 0 : i32
          %dma_start3A_36 = tpu.memref_slice %arg3[%add3A, %dma_start3A] : memref<320000x128xf32, #tpu.memory_space<hbm>> -> memref<200x128xf32, #tpu.memory_space<hbm>>
          %dma_start3A_37 = arith.constant 0 : i32
          %dma_start3A_38 = tpu.memref_slice %arg3[%add3A, %dma_start3A_37] : memref<320000x128xf32, #tpu.memory_space<hbm>> -> memref<200x128xf32, #tpu.memory_space<hbm>>
          tpu.enqueue_dma source(%dma_start3A_38 : memref<200x128xf32, #tpu.memory_space<hbm>>) target(%arg8 : memref<200x128xf32, #tpu.memory_space<vmem>>) target_semaphore(%run_scoped3A : memref<!tpu.dma_semaphore, #tpu.memory_space<semaphore_mem>>)
          %dma_wait3A = arith.constant 0 : i32
          %dma_wait3A_39 = tpu.memref_slice %arg3[%add3A, %dma_wait3A] : memref<320000x128xf32, #tpu.memory_space<hbm>> -> memref<200x128xf32, #tpu.memory_space<hbm>>
          %dma_wait3A_40 = arith.constant 0 : i32
          %dma_wait3A_41 = tpu.memref_slice %arg3[%add3A, %dma_wait3A_40] : memref<320000x128xf32, #tpu.memory_space<hbm>> -> memref<200x128xf32, #tpu.memory_space<hbm>>
          tpu.wait_dma2 semaphore(%run_scoped3A : memref<!tpu.dma_semaphore, #tpu.memory_space<semaphore_mem>>) src(%dma_wait3A_41 : memref<200x128xf32, #tpu.memory_space<hbm>>) dst(%arg8 : memref<200x128xf32, #tpu.memory_space<vmem>>)
          tpu.yield
        }) : () -> ()
        "tpu.region"() ({
          %run_scoped3A = tpu.sem_alloc : memref<!tpu.dma_semaphore, #tpu.memory_space<semaphore_mem>>
          %dma_start3A = arith.constant 0 : i32
          %dma_start3A_36 = arith.constant 0 : i32
          %dma_start3A_37 = tpu.memref_slice %arg9[%dma_start3A, %dma_start3A_36] : memref<10240x128xf32, #tpu.memory_space<vmem_shared>> -> memref<10240x128xf32, #tpu.memory_space<vmem_shared>>
          tpu.enqueue_indirect_dma source(%arg8 : memref<200x128xf32, #tpu.memory_space<vmem>>) target(%dma_start3A_37 : memref<10240x128xf32, #tpu.memory_space<vmem_shared>>) offsets(%arg7 : memref<200xi32, #tpu.memory_space<vmem>>) semaphore(%run_scoped3A : memref<!tpu.dma_semaphore, #tpu.memory_space<semaphore_mem>>) {add = true}
          %dma_wait3A = arith.constant 0 : i32
          %dma_wait3A_38 = arith.constant 0 : i32
          %dma_wait3A_39 = tpu.memref_slice %arg9[%dma_wait3A, %dma_wait3A_38] : memref<10240x128xf32, #tpu.memory_space<vmem_shared>> -> memref<10240x128xf32, #tpu.memory_space<vmem_shared>>
          tpu.wait_indirect_dma semaphore(%run_scoped3A : memref<!tpu.dma_semaphore, #tpu.memory_space<semaphore_mem>>) src(%arg8 : memref<200x128xf32, #tpu.memory_space<vmem>>) dst(%dma_wait3A_39 : memref<10240x128xf32, #tpu.memory_space<vmem_shared>>)
          tpu.yield
        }) : () -> ()
        %scan3A_35 = arith.constant 0 : i32
        scf.yield %scan3A_35 : i32
      }
      %scan3A_30 = arith.constant 100 : i32
    } else {
    }
    %barrier3A_16 = arith.constant 0 : index
    tpu.barrier barrier_id(%barrier3A_16)
    %scan3A_17 = arith.constant 0 : i32
    %scan3A_18 = arith.constant 0 : i32
    %scan3A_19 = arith.constant 4 : i32
    %scan3A_20 = arith.addi %scan3A_18, %scan3A_19 : i32
    %scan3A_21 = arith.constant 1 : i32
    %scan3A_22 = scf.for %scan3A_24 = %scan3A_18 to %scan3A_20 step %scan3A_21 iter_args(%scan3A_25 = %scan3A_17) -> (i32)  : i32 {
      %mul3A_26 = arith.constant 160 : i32
      %mul3A_27 = arith.muli %scan3A_24, %mul3A_26 : i32
      %add3A = arith.addi %mul3A_0, %mul3A_27 : i32
      "tpu.region"() ({
        %run_scoped3A = tpu.sem_alloc : memref<!tpu.dma_semaphore, #tpu.memory_space<semaphore_mem>>
        %dma_start3A = arith.constant 0 : i32
        %dma_start3A_32 = arith.constant 0 : i32
        %dma_start3A_33 = tpu.memref_slice %arg8[%dma_start3A, %dma_start3A_32] : memref<200x128xf32, #tpu.memory_space<vmem>> -> memref<160x128xf32, #tpu.memory_space<vmem>>
        %dma_start3A_34 = arith.constant 0 : i32
        %dma_start3A_35 = tpu.memref_slice %arg9[%add3A, %dma_start3A_34] : memref<10240x128xf32, #tpu.memory_space<vmem_shared>> -> memref<160x128xf32, #tpu.memory_space<vmem_shared>>
        %dma_start3A_36 = arith.constant 0 : i32
        %dma_start3A_37 = arith.constant 0 : i32
        %dma_start3A_38 = tpu.memref_slice %arg8[%dma_start3A_36, %dma_start3A_37] : memref<200x128xf32, #tpu.memory_space<vmem>> -> memref<160x128xf32, #tpu.memory_space<vmem>>
        %dma_start3A_39 = arith.constant 0 : i32
        %dma_start3A_40 = tpu.memref_slice %arg9[%add3A, %dma_start3A_39] : memref<10240x128xf32, #tpu.memory_space<vmem_shared>> -> memref<160x128xf32, #tpu.memory_space<vmem_shared>>
        tpu.enqueue_dma source(%dma_start3A_40 : memref<160x128xf32, #tpu.memory_space<vmem_shared>>) target(%dma_start3A_38 : memref<160x128xf32, #tpu.memory_space<vmem>>) target_semaphore(%run_scoped3A : memref<!tpu.dma_semaphore, #tpu.memory_space<semaphore_mem>>)
        %dma_wait3A = arith.constant 0 : i32
        %dma_wait3A_41 = arith.constant 0 : i32
        %dma_wait3A_42 = tpu.memref_slice %arg8[%dma_wait3A, %dma_wait3A_41] : memref<200x128xf32, #tpu.memory_space<vmem>> -> memref<160x128xf32, #tpu.memory_space<vmem>>
        %dma_wait3A_43 = arith.constant 0 : i32
        %dma_wait3A_44 = tpu.memref_slice %arg9[%add3A, %dma_wait3A_43] : memref<10240x128xf32, #tpu.memory_space<vmem_shared>> -> memref<160x128xf32, #tpu.memory_space<vmem_shared>>
        %dma_wait3A_45 = arith.constant 0 : i32
        %dma_wait3A_46 = arith.constant 0 : i32
        %dma_wait3A_47 = tpu.memref_slice %arg8[%dma_wait3A_45, %dma_wait3A_46] : memref<200x128xf32, #tpu.memory_space<vmem>> -> memref<160x128xf32, #tpu.memory_space<vmem>>
        %dma_wait3A_48 = arith.constant 0 : i32
        %dma_wait3A_49 = tpu.memref_slice %arg9[%add3A, %dma_wait3A_48] : memref<10240x128xf32, #tpu.memory_space<vmem_shared>> -> memref<160x128xf32, #tpu.memory_space<vmem_shared>>
        tpu.wait_dma2 semaphore(%run_scoped3A : memref<!tpu.dma_semaphore, #tpu.memory_space<semaphore_mem>>) src(%dma_wait3A_49 : memref<160x128xf32, #tpu.memory_space<vmem_shared>>) dst(%dma_wait3A_47 : memref<160x128xf32, #tpu.memory_space<vmem>>)
        tpu.yield
      }) : () -> ()
      %mul3A_28 = arith.constant 10240 : i32
      %mul3A_29 = arith.muli %arg0, %mul3A_28 : i32
      %add3A_30 = arith.addi %mul3A_29, %add3A : i32
      "tpu.region"() ({
        %run_scoped3A = tpu.sem_alloc : memref<!tpu.dma_semaphore, #tpu.memory_space<semaphore_mem>>
        %dma_start3A = arith.constant 0 : i32
        %dma_start3A_32 = arith.constant 0 : i32
        %dma_start3A_33 = tpu.memref_slice %arg8[%dma_start3A, %dma_start3A_32] : memref<200x128xf32, #tpu.memory_space<vmem>> -> memref<160x128xf32, #tpu.memory_space<vmem>>
        %dma_start3A_34 = arith.constant 0 : i32
        %dma_start3A_35 = tpu.memref_slice %arg6[%add3A_30, %dma_start3A_34] : memref<20480x128xf32, #tpu.memory_space<hbm>> -> memref<160x128xf32, #tpu.memory_space<hbm>>
        %dma_start3A_36 = arith.constant 0 : i32
        %dma_start3A_37 = tpu.memref_slice %arg6[%add3A_30, %dma_start3A_36] : memref<20480x128xf32, #tpu.memory_space<hbm>> -> memref<160x128xf32, #tpu.memory_space<hbm>>
        %dma_start3A_38 = arith.constant 0 : i32
        %dma_start3A_39 = arith.constant 0 : i32
        %dma_start3A_40 = tpu.memref_slice %arg8[%dma_start3A_38, %dma_start3A_39] : memref<200x128xf32, #tpu.memory_space<vmem>> -> memref<160x128xf32, #tpu.memory_space<vmem>>
        tpu.enqueue_dma source(%dma_start3A_40 : memref<160x128xf32, #tpu.memory_space<vmem>>) target(%dma_start3A_37 : memref<160x128xf32, #tpu.memory_space<hbm>>) target_semaphore(%run_scoped3A : memref<!tpu.dma_semaphore, #tpu.memory_space<semaphore_mem>>)
        %dma_wait3A = arith.constant 0 : i32
        %dma_wait3A_41 = arith.constant 0 : i32
        %dma_wait3A_42 = tpu.memref_slice %arg8[%dma_wait3A, %dma_wait3A_41] : memref<200x128xf32, #tpu.memory_space<vmem>> -> memref<160x128xf32, #tpu.memory_space<vmem>>
        %dma_wait3A_43 = arith.constant 0 : i32
        %dma_wait3A_44 = tpu.memref_slice %arg6[%add3A_30, %dma_wait3A_43] : memref<20480x128xf32, #tpu.memory_space<hbm>> -> memref<160x128xf32, #tpu.memory_space<hbm>>
        %dma_wait3A_45 = arith.constant 0 : i32
        %dma_wait3A_46 = tpu.memref_slice %arg6[%add3A_30, %dma_wait3A_45] : memref<20480x128xf32, #tpu.memory_space<hbm>> -> memref<160x128xf32, #tpu.memory_space<hbm>>
        %dma_wait3A_47 = arith.constant 0 : i32
        %dma_wait3A_48 = arith.constant 0 : i32
        %dma_wait3A_49 = tpu.memref_slice %arg8[%dma_wait3A_47, %dma_wait3A_48] : memref<200x128xf32, #tpu.memory_space<vmem>> -> memref<160x128xf32, #tpu.memory_space<vmem>>
        tpu.wait_dma2 semaphore(%run_scoped3A : memref<!tpu.dma_semaphore, #tpu.memory_space<semaphore_mem>>) src(%dma_wait3A_49 : memref<160x128xf32, #tpu.memory_space<vmem>>) dst(%dma_wait3A_46 : memref<160x128xf32, #tpu.memory_space<hbm>>)
        tpu.yield
      }) : () -> ()
      %scan3A_31 = arith.constant 0 : i32
      scf.yield %scan3A_31 : i32
    }
    %scan3A_23 = arith.constant 4 : i32
    return
  }
}

#map = affine_map<(d0, d1) -> (0, 0)>
#map1 = affine_map<(d0, d1) -> (0)>
module attributes {stable_mosaic.version = 14 : i64} {
  func.func @k(%arg0: i32, %arg1: i32, %arg2: memref<10240x256xf32, #tpu.memory_space<hbm>>, %arg3: memref<10240x256xf32, #tpu.memory_space<hbm>>, %arg4: memref<320000xi32, #tpu.memory_space<hbm>>, %arg5: memref<320000xi32, #tpu.memory_space<hbm>>, %arg6: memref<320000x256xf32, #tpu.memory_space<hbm>>, %arg7: memref<320000x256xf32, #tpu.memory_space<hbm>>, %arg8: memref<80xi32, #tpu.memory_space<vmem>>, %arg9: memref<80xi32, #tpu.memory_space<vmem>>, %arg10: memref<80x256xf32, #tpu.memory_space<vmem>>, %arg11: memref<80x256xf32, #tpu.memory_space<vmem>>, %arg12: memref<!tpu.dma_semaphore, #tpu.memory_space<semaphore_mem>>) attributes {dimension_semantics = [#tpu.dimension_semantics<core_parallel>, #tpu.dimension_semantics<subcore_parallel>], iteration_bounds = array<i64: 2, 16>, scalar_prefetch = 0 : i64, scratch_operands = 5 : i64, tpu.core_type = #tpu.core_type<sc_vector_subcore>, window_params = [{transform_indices = #map}, {transform_indices = #map}, {transform_indices = #map1}, {transform_indices = #map1}, {transform_indices = #map}, {transform_indices = #map}]} {
    %mul3A = arith.constant 2 : i32
    %mul3A_0 = arith.muli %arg1, %mul3A : i32
    %add3A = arith.addi %mul3A_0, %arg0 : i32
    %mul3A_1 = arith.constant 10000 : i32
    %mul3A_2 = arith.muli %add3A, %mul3A_1 : i32
    %scan3A = arith.constant 0 : i32
    %scan3A_3 = arith.constant 0 : i32
    %scan3A_4 = arith.constant 62 : i32
    %scan3A_5 = arith.addi %scan3A_3, %scan3A_4 : i32
    %scan3A_6 = arith.constant 1 : i32
    %scan3A_7 = scf.for %scan3A_34 = %scan3A_3 to %scan3A_5 step %scan3A_6 iter_args(%scan3A_35 = %scan3A) -> (i32)  : i32 {
      %mul3A_36 = arith.constant 2 : i32
      %mul3A_37 = arith.muli %mul3A_36, %scan3A_34 : i32
      %add3A_38 = arith.constant 1 : i32
      %add3A_39 = arith.addi %mul3A_37, %add3A_38 : i32
      %mul3A_40 = arith.constant 80 : i32
      %mul3A_41 = arith.muli %mul3A_37, %mul3A_40 : i32
      %add3A_42 = arith.addi %mul3A_2, %mul3A_41 : i32
      "tpu.region"() ({
        %run_scoped3A = tpu.sem_alloc : memref<!tpu.dma_semaphore, #tpu.memory_space<semaphore_mem>>
        %dma_start3A_65 = tpu.memref_slice %arg4[%add3A_42] : memref<320000xi32, #tpu.memory_space<hbm>> -> memref<80xi32, #tpu.memory_space<hbm>>
        %dma_start3A_66 = tpu.memref_slice %arg4[%add3A_42] : memref<320000xi32, #tpu.memory_space<hbm>> -> memref<80xi32, #tpu.memory_space<hbm>>
        tpu.enqueue_dma source(%dma_start3A_66 : memref<80xi32, #tpu.memory_space<hbm>>) target(%arg8 : memref<80xi32, #tpu.memory_space<vmem>>) target_semaphore(%run_scoped3A : memref<!tpu.dma_semaphore, #tpu.memory_space<semaphore_mem>>)
        %dma_wait3A_67 = tpu.memref_slice %arg4[%add3A_42] : memref<320000xi32, #tpu.memory_space<hbm>> -> memref<80xi32, #tpu.memory_space<hbm>>
        %dma_wait3A_68 = tpu.memref_slice %arg4[%add3A_42] : memref<320000xi32, #tpu.memory_space<hbm>> -> memref<80xi32, #tpu.memory_space<hbm>>
        tpu.wait_dma2 semaphore(%run_scoped3A : memref<!tpu.dma_semaphore, #tpu.memory_space<semaphore_mem>>) src(%dma_wait3A_68 : memref<80xi32, #tpu.memory_space<hbm>>) dst(%arg8 : memref<80xi32, #tpu.memory_space<vmem>>)
        tpu.yield
      }) : () -> ()
      %dma_start3A_43 = arith.constant 0 : i32
      %dma_start3A_44 = arith.constant 0 : i32
      %dma_start3A_45 = tpu.memref_slice %arg2[%dma_start3A_43, %dma_start3A_44] : memref<10240x256xf32, #tpu.memory_space<hbm>> -> memref<10240x256xf32, #tpu.memory_space<hbm>>
      tpu.enqueue_indirect_dma source(%dma_start3A_45 : memref<10240x256xf32, #tpu.memory_space<hbm>>) target(%arg10 : memref<80x256xf32, #tpu.memory_space<vmem>>) offsets(%arg8 : memref<80xi32, #tpu.memory_space<vmem>>) semaphore(%arg12 : memref<!tpu.dma_semaphore, #tpu.memory_space<semaphore_mem>>)
      %mul3A_46 = arith.constant 80 : i32
      %mul3A_47 = arith.muli %add3A_39, %mul3A_46 : i32
      %add3A_48 = arith.addi %mul3A_2, %mul3A_47 : i32
      "tpu.region"() ({
        %run_scoped3A = tpu.sem_alloc : memref<!tpu.dma_semaphore, #tpu.memory_space<semaphore_mem>>
        %dma_start3A_65 = tpu.memref_slice %arg4[%add3A_48] : memref<320000xi32, #tpu.memory_space<hbm>> -> memref<80xi32, #tpu.memory_space<hbm>>
        %dma_start3A_66 = tpu.memref_slice %arg4[%add3A_48] : memref<320000xi32, #tpu.memory_space<hbm>> -> memref<80xi32, #tpu.memory_space<hbm>>
        tpu.enqueue_dma source(%dma_start3A_66 : memref<80xi32, #tpu.memory_space<hbm>>) target(%arg9 : memref<80xi32, #tpu.memory_space<vmem>>) target_semaphore(%run_scoped3A : memref<!tpu.dma_semaphore, #tpu.memory_space<semaphore_mem>>)
        %dma_wait3A_67 = tpu.memref_slice %arg4[%add3A_48] : memref<320000xi32, #tpu.memory_space<hbm>> -> memref<80xi32, #tpu.memory_space<hbm>>
        %dma_wait3A_68 = tpu.memref_slice %arg4[%add3A_48] : memref<320000xi32, #tpu.memory_space<hbm>> -> memref<80xi32, #tpu.memory_space<hbm>>
        tpu.wait_dma2 semaphore(%run_scoped3A : memref<!tpu.dma_semaphore, #tpu.memory_space<semaphore_mem>>) src(%dma_wait3A_68 : memref<80xi32, #tpu.memory_space<hbm>>) dst(%arg9 : memref<80xi32, #tpu.memory_space<vmem>>)
        tpu.yield
      }) : () -> ()
      %dma_start3A_49 = arith.constant 0 : i32
      %dma_start3A_50 = arith.constant 0 : i32
      %dma_start3A_51 = tpu.memref_slice %arg2[%dma_start3A_49, %dma_start3A_50] : memref<10240x256xf32, #tpu.memory_space<hbm>> -> memref<10240x256xf32, #tpu.memory_space<hbm>>
      tpu.enqueue_indirect_dma source(%dma_start3A_51 : memref<10240x256xf32, #tpu.memory_space<hbm>>) target(%arg11 : memref<80x256xf32, #tpu.memory_space<vmem>>) offsets(%arg9 : memref<80xi32, #tpu.memory_space<vmem>>) semaphore(%arg12 : memref<!tpu.dma_semaphore, #tpu.memory_space<semaphore_mem>>)
      %dma_wait3A_52 = arith.constant 0 : i32
      %dma_wait3A_53 = arith.constant 0 : i32
      %dma_wait3A_54 = tpu.memref_slice %arg2[%dma_wait3A_52, %dma_wait3A_53] : memref<10240x256xf32, #tpu.memory_space<hbm>> -> memref<10240x256xf32, #tpu.memory_space<hbm>>
      tpu.wait_indirect_dma semaphore(%arg12 : memref<!tpu.dma_semaphore, #tpu.memory_space<semaphore_mem>>) src(%dma_wait3A_54 : memref<10240x256xf32, #tpu.memory_space<hbm>>) dst(%arg10 : memref<80x256xf32, #tpu.memory_space<vmem>>)
      %dma_wait3A_55 = arith.constant 0 : i32
      %dma_wait3A_56 = arith.constant 0 : i32
      %dma_wait3A_57 = tpu.memref_slice %arg2[%dma_wait3A_55, %dma_wait3A_56] : memref<10240x256xf32, #tpu.memory_space<hbm>> -> memref<10240x256xf32, #tpu.memory_space<hbm>>
      tpu.wait_indirect_dma semaphore(%arg12 : memref<!tpu.dma_semaphore, #tpu.memory_space<semaphore_mem>>) src(%dma_wait3A_57 : memref<10240x256xf32, #tpu.memory_space<hbm>>) dst(%arg11 : memref<80x256xf32, #tpu.memory_space<vmem>>)
      %mul3A_58 = arith.constant 80 : i32
      %mul3A_59 = arith.muli %mul3A_37, %mul3A_58 : i32
      %add3A_60 = arith.addi %mul3A_2, %mul3A_59 : i32
      "tpu.region"() ({
        %run_scoped3A = tpu.sem_alloc : memref<!tpu.dma_semaphore, #tpu.memory_space<semaphore_mem>>
        %dma_start3A_65 = arith.constant 0 : i32
        %dma_start3A_66 = tpu.memref_slice %arg6[%add3A_60, %dma_start3A_65] : memref<320000x256xf32, #tpu.memory_space<hbm>> -> memref<80x256xf32, #tpu.memory_space<hbm>>
        %dma_start3A_67 = arith.constant 0 : i32
        %dma_start3A_68 = tpu.memref_slice %arg6[%add3A_60, %dma_start3A_67] : memref<320000x256xf32, #tpu.memory_space<hbm>> -> memref<80x256xf32, #tpu.memory_space<hbm>>
        tpu.enqueue_dma source(%arg10 : memref<80x256xf32, #tpu.memory_space<vmem>>) target(%dma_start3A_68 : memref<80x256xf32, #tpu.memory_space<hbm>>) target_semaphore(%run_scoped3A : memref<!tpu.dma_semaphore, #tpu.memory_space<semaphore_mem>>)
        %dma_wait3A_69 = arith.constant 0 : i32
        %dma_wait3A_70 = tpu.memref_slice %arg6[%add3A_60, %dma_wait3A_69] : memref<320000x256xf32, #tpu.memory_space<hbm>> -> memref<80x256xf32, #tpu.memory_space<hbm>>
        %dma_wait3A_71 = arith.constant 0 : i32
        %dma_wait3A_72 = tpu.memref_slice %arg6[%add3A_60, %dma_wait3A_71] : memref<320000x256xf32, #tpu.memory_space<hbm>> -> memref<80x256xf32, #tpu.memory_space<hbm>>
        tpu.wait_dma2 semaphore(%run_scoped3A : memref<!tpu.dma_semaphore, #tpu.memory_space<semaphore_mem>>) src(%arg10 : memref<80x256xf32, #tpu.memory_space<vmem>>) dst(%dma_wait3A_72 : memref<80x256xf32, #tpu.memory_space<hbm>>)
        tpu.yield
      }) : () -> ()
      %mul3A_61 = arith.constant 80 : i32
      %mul3A_62 = arith.muli %add3A_39, %mul3A_61 : i32
      %add3A_63 = arith.addi %mul3A_2, %mul3A_62 : i32
      "tpu.region"() ({
        %run_scoped3A = tpu.sem_alloc : memref<!tpu.dma_semaphore, #tpu.memory_space<semaphore_mem>>
        %dma_start3A_65 = arith.constant 0 : i32
        %dma_start3A_66 = tpu.memref_slice %arg6[%add3A_63, %dma_start3A_65] : memref<320000x256xf32, #tpu.memory_space<hbm>> -> memref<80x256xf32, #tpu.memory_space<hbm>>
        %dma_start3A_67 = arith.constant 0 : i32
        %dma_start3A_68 = tpu.memref_slice %arg6[%add3A_63, %dma_start3A_67] : memref<320000x256xf32, #tpu.memory_space<hbm>> -> memref<80x256xf32, #tpu.memory_space<hbm>>
        tpu.enqueue_dma source(%arg11 : memref<80x256xf32, #tpu.memory_space<vmem>>) target(%dma_start3A_68 : memref<80x256xf32, #tpu.memory_space<hbm>>) target_semaphore(%run_scoped3A : memref<!tpu.dma_semaphore, #tpu.memory_space<semaphore_mem>>)
        %dma_wait3A_69 = arith.constant 0 : i32
        %dma_wait3A_70 = tpu.memref_slice %arg6[%add3A_63, %dma_wait3A_69] : memref<320000x256xf32, #tpu.memory_space<hbm>> -> memref<80x256xf32, #tpu.memory_space<hbm>>
        %dma_wait3A_71 = arith.constant 0 : i32
        %dma_wait3A_72 = tpu.memref_slice %arg6[%add3A_63, %dma_wait3A_71] : memref<320000x256xf32, #tpu.memory_space<hbm>> -> memref<80x256xf32, #tpu.memory_space<hbm>>
        tpu.wait_dma2 semaphore(%run_scoped3A : memref<!tpu.dma_semaphore, #tpu.memory_space<semaphore_mem>>) src(%arg11 : memref<80x256xf32, #tpu.memory_space<vmem>>) dst(%dma_wait3A_72 : memref<80x256xf32, #tpu.memory_space<hbm>>)
        tpu.yield
      }) : () -> ()
      %scan3A_64 = arith.constant 0 : i32
      scf.yield %scan3A_64 : i32
    }
    %scan3A_8 = arith.constant 62 : i32
    %add3A_9 = arith.constant 9920 : i32
    %add3A_10 = arith.addi %mul3A_2, %add3A_9 : i32
    "tpu.region"() ({
      %run_scoped3A = tpu.sem_alloc : memref<!tpu.dma_semaphore, #tpu.memory_space<semaphore_mem>>
      %dma_start3A_34 = tpu.memref_slice %arg4[%add3A_10] : memref<320000xi32, #tpu.memory_space<hbm>> -> memref<80xi32, #tpu.memory_space<hbm>>
      %dma_start3A_35 = tpu.memref_slice %arg4[%add3A_10] : memref<320000xi32, #tpu.memory_space<hbm>> -> memref<80xi32, #tpu.memory_space<hbm>>
      tpu.enqueue_dma source(%dma_start3A_35 : memref<80xi32, #tpu.memory_space<hbm>>) target(%arg8 : memref<80xi32, #tpu.memory_space<vmem>>) target_semaphore(%run_scoped3A : memref<!tpu.dma_semaphore, #tpu.memory_space<semaphore_mem>>)
      %dma_wait3A_36 = tpu.memref_slice %arg4[%add3A_10] : memref<320000xi32, #tpu.memory_space<hbm>> -> memref<80xi32, #tpu.memory_space<hbm>>
      %dma_wait3A_37 = tpu.memref_slice %arg4[%add3A_10] : memref<320000xi32, #tpu.memory_space<hbm>> -> memref<80xi32, #tpu.memory_space<hbm>>
      tpu.wait_dma2 semaphore(%run_scoped3A : memref<!tpu.dma_semaphore, #tpu.memory_space<semaphore_mem>>) src(%dma_wait3A_37 : memref<80xi32, #tpu.memory_space<hbm>>) dst(%arg8 : memref<80xi32, #tpu.memory_space<vmem>>)
      tpu.yield
    }) : () -> ()
    %dma_start3A = arith.constant 0 : i32
    %dma_start3A_11 = arith.constant 0 : i32
    %dma_start3A_12 = tpu.memref_slice %arg2[%dma_start3A, %dma_start3A_11] : memref<10240x256xf32, #tpu.memory_space<hbm>> -> memref<10240x256xf32, #tpu.memory_space<hbm>>
    tpu.enqueue_indirect_dma source(%dma_start3A_12 : memref<10240x256xf32, #tpu.memory_space<hbm>>) target(%arg10 : memref<80x256xf32, #tpu.memory_space<vmem>>) offsets(%arg8 : memref<80xi32, #tpu.memory_space<vmem>>) semaphore(%arg12 : memref<!tpu.dma_semaphore, #tpu.memory_space<semaphore_mem>>)
    %dma_wait3A = arith.constant 0 : i32
    %dma_wait3A_13 = arith.constant 0 : i32
    %dma_wait3A_14 = tpu.memref_slice %arg2[%dma_wait3A, %dma_wait3A_13] : memref<10240x256xf32, #tpu.memory_space<hbm>> -> memref<10240x256xf32, #tpu.memory_space<hbm>>
    tpu.wait_indirect_dma semaphore(%arg12 : memref<!tpu.dma_semaphore, #tpu.memory_space<semaphore_mem>>) src(%dma_wait3A_14 : memref<10240x256xf32, #tpu.memory_space<hbm>>) dst(%arg10 : memref<80x256xf32, #tpu.memory_space<vmem>>)
    %add3A_15 = arith.constant 9920 : i32
    %add3A_16 = arith.addi %mul3A_2, %add3A_15 : i32
    "tpu.region"() ({
      %run_scoped3A = tpu.sem_alloc : memref<!tpu.dma_semaphore, #tpu.memory_space<semaphore_mem>>
      %dma_start3A_34 = arith.constant 0 : i32
      %dma_start3A_35 = tpu.memref_slice %arg6[%add3A_16, %dma_start3A_34] : memref<320000x256xf32, #tpu.memory_space<hbm>> -> memref<80x256xf32, #tpu.memory_space<hbm>>
      %dma_start3A_36 = arith.constant 0 : i32
      %dma_start3A_37 = tpu.memref_slice %arg6[%add3A_16, %dma_start3A_36] : memref<320000x256xf32, #tpu.memory_space<hbm>> -> memref<80x256xf32, #tpu.memory_space<hbm>>
      tpu.enqueue_dma source(%arg10 : memref<80x256xf32, #tpu.memory_space<vmem>>) target(%dma_start3A_37 : memref<80x256xf32, #tpu.memory_space<hbm>>) target_semaphore(%run_scoped3A : memref<!tpu.dma_semaphore, #tpu.memory_space<semaphore_mem>>)
      %dma_wait3A_38 = arith.constant 0 : i32
      %dma_wait3A_39 = tpu.memref_slice %arg6[%add3A_16, %dma_wait3A_38] : memref<320000x256xf32, #tpu.memory_space<hbm>> -> memref<80x256xf32, #tpu.memory_space<hbm>>
      %dma_wait3A_40 = arith.constant 0 : i32
      %dma_wait3A_41 = tpu.memref_slice %arg6[%add3A_16, %dma_wait3A_40] : memref<320000x256xf32, #tpu.memory_space<hbm>> -> memref<80x256xf32, #tpu.memory_space<hbm>>
      tpu.wait_dma2 semaphore(%run_scoped3A : memref<!tpu.dma_semaphore, #tpu.memory_space<semaphore_mem>>) src(%arg10 : memref<80x256xf32, #tpu.memory_space<vmem>>) dst(%dma_wait3A_41 : memref<80x256xf32, #tpu.memory_space<hbm>>)
      tpu.yield
    }) : () -> ()
    %scan3A_17 = arith.constant 0 : i32
    %scan3A_18 = arith.constant 0 : i32
    %scan3A_19 = arith.constant 62 : i32
    %scan3A_20 = arith.addi %scan3A_18, %scan3A_19 : i32
    %scan3A_21 = arith.constant 1 : i32
    %scan3A_22 = scf.for %scan3A_34 = %scan3A_18 to %scan3A_20 step %scan3A_21 iter_args(%scan3A_35 = %scan3A_17) -> (i32)  : i32 {
      %mul3A_36 = arith.constant 2 : i32
      %mul3A_37 = arith.muli %mul3A_36, %scan3A_34 : i32
      %add3A_38 = arith.constant 1 : i32
      %add3A_39 = arith.addi %mul3A_37, %add3A_38 : i32
      %mul3A_40 = arith.constant 80 : i32
      %mul3A_41 = arith.muli %mul3A_37, %mul3A_40 : i32
      %add3A_42 = arith.addi %mul3A_2, %mul3A_41 : i32
      "tpu.region"() ({
        %run_scoped3A = tpu.sem_alloc : memref<!tpu.dma_semaphore, #tpu.memory_space<semaphore_mem>>
        %dma_start3A_65 = tpu.memref_slice %arg5[%add3A_42] : memref<320000xi32, #tpu.memory_space<hbm>> -> memref<80xi32, #tpu.memory_space<hbm>>
        %dma_start3A_66 = tpu.memref_slice %arg5[%add3A_42] : memref<320000xi32, #tpu.memory_space<hbm>> -> memref<80xi32, #tpu.memory_space<hbm>>
        tpu.enqueue_dma source(%dma_start3A_66 : memref<80xi32, #tpu.memory_space<hbm>>) target(%arg8 : memref<80xi32, #tpu.memory_space<vmem>>) target_semaphore(%run_scoped3A : memref<!tpu.dma_semaphore, #tpu.memory_space<semaphore_mem>>)
        %dma_wait3A_67 = tpu.memref_slice %arg5[%add3A_42] : memref<320000xi32, #tpu.memory_space<hbm>> -> memref<80xi32, #tpu.memory_space<hbm>>
        %dma_wait3A_68 = tpu.memref_slice %arg5[%add3A_42] : memref<320000xi32, #tpu.memory_space<hbm>> -> memref<80xi32, #tpu.memory_space<hbm>>
        tpu.wait_dma2 semaphore(%run_scoped3A : memref<!tpu.dma_semaphore, #tpu.memory_space<semaphore_mem>>) src(%dma_wait3A_68 : memref<80xi32, #tpu.memory_space<hbm>>) dst(%arg8 : memref<80xi32, #tpu.memory_space<vmem>>)
        tpu.yield
      }) : () -> ()
      %dma_start3A_43 = arith.constant 0 : i32
      %dma_start3A_44 = arith.constant 0 : i32
      %dma_start3A_45 = tpu.memref_slice %arg3[%dma_start3A_43, %dma_start3A_44] : memref<10240x256xf32, #tpu.memory_space<hbm>> -> memref<10240x256xf32, #tpu.memory_space<hbm>>
      tpu.enqueue_indirect_dma source(%dma_start3A_45 : memref<10240x256xf32, #tpu.memory_space<hbm>>) target(%arg10 : memref<80x256xf32, #tpu.memory_space<vmem>>) offsets(%arg8 : memref<80xi32, #tpu.memory_space<vmem>>) semaphore(%arg12 : memref<!tpu.dma_semaphore, #tpu.memory_space<semaphore_mem>>)
      %mul3A_46 = arith.constant 80 : i32
      %mul3A_47 = arith.muli %add3A_39, %mul3A_46 : i32
      %add3A_48 = arith.addi %mul3A_2, %mul3A_47 : i32
      "tpu.region"() ({
        %run_scoped3A = tpu.sem_alloc : memref<!tpu.dma_semaphore, #tpu.memory_space<semaphore_mem>>
        %dma_start3A_65 = tpu.memref_slice %arg5[%add3A_48] : memref<320000xi32, #tpu.memory_space<hbm>> -> memref<80xi32, #tpu.memory_space<hbm>>
        %dma_start3A_66 = tpu.memref_slice %arg5[%add3A_48] : memref<320000xi32, #tpu.memory_space<hbm>> -> memref<80xi32, #tpu.memory_space<hbm>>
        tpu.enqueue_dma source(%dma_start3A_66 : memref<80xi32, #tpu.memory_space<hbm>>) target(%arg9 : memref<80xi32, #tpu.memory_space<vmem>>) target_semaphore(%run_scoped3A : memref<!tpu.dma_semaphore, #tpu.memory_space<semaphore_mem>>)
        %dma_wait3A_67 = tpu.memref_slice %arg5[%add3A_48] : memref<320000xi32, #tpu.memory_space<hbm>> -> memref<80xi32, #tpu.memory_space<hbm>>
        %dma_wait3A_68 = tpu.memref_slice %arg5[%add3A_48] : memref<320000xi32, #tpu.memory_space<hbm>> -> memref<80xi32, #tpu.memory_space<hbm>>
        tpu.wait_dma2 semaphore(%run_scoped3A : memref<!tpu.dma_semaphore, #tpu.memory_space<semaphore_mem>>) src(%dma_wait3A_68 : memref<80xi32, #tpu.memory_space<hbm>>) dst(%arg9 : memref<80xi32, #tpu.memory_space<vmem>>)
        tpu.yield
      }) : () -> ()
      %dma_start3A_49 = arith.constant 0 : i32
      %dma_start3A_50 = arith.constant 0 : i32
      %dma_start3A_51 = tpu.memref_slice %arg3[%dma_start3A_49, %dma_start3A_50] : memref<10240x256xf32, #tpu.memory_space<hbm>> -> memref<10240x256xf32, #tpu.memory_space<hbm>>
      tpu.enqueue_indirect_dma source(%dma_start3A_51 : memref<10240x256xf32, #tpu.memory_space<hbm>>) target(%arg11 : memref<80x256xf32, #tpu.memory_space<vmem>>) offsets(%arg9 : memref<80xi32, #tpu.memory_space<vmem>>) semaphore(%arg12 : memref<!tpu.dma_semaphore, #tpu.memory_space<semaphore_mem>>)
      %dma_wait3A_52 = arith.constant 0 : i32
      %dma_wait3A_53 = arith.constant 0 : i32
      %dma_wait3A_54 = tpu.memref_slice %arg3[%dma_wait3A_52, %dma_wait3A_53] : memref<10240x256xf32, #tpu.memory_space<hbm>> -> memref<10240x256xf32, #tpu.memory_space<hbm>>
      tpu.wait_indirect_dma semaphore(%arg12 : memref<!tpu.dma_semaphore, #tpu.memory_space<semaphore_mem>>) src(%dma_wait3A_54 : memref<10240x256xf32, #tpu.memory_space<hbm>>) dst(%arg10 : memref<80x256xf32, #tpu.memory_space<vmem>>)
      %dma_wait3A_55 = arith.constant 0 : i32
      %dma_wait3A_56 = arith.constant 0 : i32
      %dma_wait3A_57 = tpu.memref_slice %arg3[%dma_wait3A_55, %dma_wait3A_56] : memref<10240x256xf32, #tpu.memory_space<hbm>> -> memref<10240x256xf32, #tpu.memory_space<hbm>>
      tpu.wait_indirect_dma semaphore(%arg12 : memref<!tpu.dma_semaphore, #tpu.memory_space<semaphore_mem>>) src(%dma_wait3A_57 : memref<10240x256xf32, #tpu.memory_space<hbm>>) dst(%arg11 : memref<80x256xf32, #tpu.memory_space<vmem>>)
      %mul3A_58 = arith.constant 80 : i32
      %mul3A_59 = arith.muli %mul3A_37, %mul3A_58 : i32
      %add3A_60 = arith.addi %mul3A_2, %mul3A_59 : i32
      "tpu.region"() ({
        %run_scoped3A = tpu.sem_alloc : memref<!tpu.dma_semaphore, #tpu.memory_space<semaphore_mem>>
        %dma_start3A_65 = arith.constant 0 : i32
        %dma_start3A_66 = tpu.memref_slice %arg7[%add3A_60, %dma_start3A_65] : memref<320000x256xf32, #tpu.memory_space<hbm>> -> memref<80x256xf32, #tpu.memory_space<hbm>>
        %dma_start3A_67 = arith.constant 0 : i32
        %dma_start3A_68 = tpu.memref_slice %arg7[%add3A_60, %dma_start3A_67] : memref<320000x256xf32, #tpu.memory_space<hbm>> -> memref<80x256xf32, #tpu.memory_space<hbm>>
        tpu.enqueue_dma source(%arg10 : memref<80x256xf32, #tpu.memory_space<vmem>>) target(%dma_start3A_68 : memref<80x256xf32, #tpu.memory_space<hbm>>) target_semaphore(%run_scoped3A : memref<!tpu.dma_semaphore, #tpu.memory_space<semaphore_mem>>)
        %dma_wait3A_69 = arith.constant 0 : i32
        %dma_wait3A_70 = tpu.memref_slice %arg7[%add3A_60, %dma_wait3A_69] : memref<320000x256xf32, #tpu.memory_space<hbm>> -> memref<80x256xf32, #tpu.memory_space<hbm>>
        %dma_wait3A_71 = arith.constant 0 : i32
        %dma_wait3A_72 = tpu.memref_slice %arg7[%add3A_60, %dma_wait3A_71] : memref<320000x256xf32, #tpu.memory_space<hbm>> -> memref<80x256xf32, #tpu.memory_space<hbm>>
        tpu.wait_dma2 semaphore(%run_scoped3A : memref<!tpu.dma_semaphore, #tpu.memory_space<semaphore_mem>>) src(%arg10 : memref<80x256xf32, #tpu.memory_space<vmem>>) dst(%dma_wait3A_72 : memref<80x256xf32, #tpu.memory_space<hbm>>)
        tpu.yield
      }) : () -> ()
      %mul3A_61 = arith.constant 80 : i32
      %mul3A_62 = arith.muli %add3A_39, %mul3A_61 : i32
      %add3A_63 = arith.addi %mul3A_2, %mul3A_62 : i32
      "tpu.region"() ({
        %run_scoped3A = tpu.sem_alloc : memref<!tpu.dma_semaphore, #tpu.memory_space<semaphore_mem>>
        %dma_start3A_65 = arith.constant 0 : i32
        %dma_start3A_66 = tpu.memref_slice %arg7[%add3A_63, %dma_start3A_65] : memref<320000x256xf32, #tpu.memory_space<hbm>> -> memref<80x256xf32, #tpu.memory_space<hbm>>
        %dma_start3A_67 = arith.constant 0 : i32
        %dma_start3A_68 = tpu.memref_slice %arg7[%add3A_63, %dma_start3A_67] : memref<320000x256xf32, #tpu.memory_space<hbm>> -> memref<80x256xf32, #tpu.memory_space<hbm>>
        tpu.enqueue_dma source(%arg11 : memref<80x256xf32, #tpu.memory_space<vmem>>) target(%dma_start3A_68 : memref<80x256xf32, #tpu.memory_space<hbm>>) target_semaphore(%run_scoped3A : memref<!tpu.dma_semaphore, #tpu.memory_space<semaphore_mem>>)
        %dma_wait3A_69 = arith.constant 0 : i32
        %dma_wait3A_70 = tpu.memref_slice %arg7[%add3A_63, %dma_wait3A_69] : memref<320000x256xf32, #tpu.memory_space<hbm>> -> memref<80x256xf32, #tpu.memory_space<hbm>>
        %dma_wait3A_71 = arith.constant 0 : i32
        %dma_wait3A_72 = tpu.memref_slice %arg7[%add3A_63, %dma_wait3A_71] : memref<320000x256xf32, #tpu.memory_space<hbm>> -> memref<80x256xf32, #tpu.memory_space<hbm>>
        tpu.wait_dma2 semaphore(%run_scoped3A : memref<!tpu.dma_semaphore, #tpu.memory_space<semaphore_mem>>) src(%arg11 : memref<80x256xf32, #tpu.memory_space<vmem>>) dst(%dma_wait3A_72 : memref<80x256xf32, #tpu.memory_space<hbm>>)
        tpu.yield
      }) : () -> ()
      %scan3A_64 = arith.constant 0 : i32
      scf.yield %scan3A_64 : i32
    }
    %scan3A_23 = arith.constant 62 : i32
    %add3A_24 = arith.constant 9920 : i32
    %add3A_25 = arith.addi %mul3A_2, %add3A_24 : i32
    "tpu.region"() ({
      %run_scoped3A = tpu.sem_alloc : memref<!tpu.dma_semaphore, #tpu.memory_space<semaphore_mem>>
      %dma_start3A_34 = tpu.memref_slice %arg5[%add3A_25] : memref<320000xi32, #tpu.memory_space<hbm>> -> memref<80xi32, #tpu.memory_space<hbm>>
      %dma_start3A_35 = tpu.memref_slice %arg5[%add3A_25] : memref<320000xi32, #tpu.memory_space<hbm>> -> memref<80xi32, #tpu.memory_space<hbm>>
      tpu.enqueue_dma source(%dma_start3A_35 : memref<80xi32, #tpu.memory_space<hbm>>) target(%arg8 : memref<80xi32, #tpu.memory_space<vmem>>) target_semaphore(%run_scoped3A : memref<!tpu.dma_semaphore, #tpu.memory_space<semaphore_mem>>)
      %dma_wait3A_36 = tpu.memref_slice %arg5[%add3A_25] : memref<320000xi32, #tpu.memory_space<hbm>> -> memref<80xi32, #tpu.memory_space<hbm>>
      %dma_wait3A_37 = tpu.memref_slice %arg5[%add3A_25] : memref<320000xi32, #tpu.memory_space<hbm>> -> memref<80xi32, #tpu.memory_space<hbm>>
      tpu.wait_dma2 semaphore(%run_scoped3A : memref<!tpu.dma_semaphore, #tpu.memory_space<semaphore_mem>>) src(%dma_wait3A_37 : memref<80xi32, #tpu.memory_space<hbm>>) dst(%arg8 : memref<80xi32, #tpu.memory_space<vmem>>)
      tpu.yield
    }) : () -> ()
    %dma_start3A_26 = arith.constant 0 : i32
    %dma_start3A_27 = arith.constant 0 : i32
    %dma_start3A_28 = tpu.memref_slice %arg3[%dma_start3A_26, %dma_start3A_27] : memref<10240x256xf32, #tpu.memory_space<hbm>> -> memref<10240x256xf32, #tpu.memory_space<hbm>>
    tpu.enqueue_indirect_dma source(%dma_start3A_28 : memref<10240x256xf32, #tpu.memory_space<hbm>>) target(%arg10 : memref<80x256xf32, #tpu.memory_space<vmem>>) offsets(%arg8 : memref<80xi32, #tpu.memory_space<vmem>>) semaphore(%arg12 : memref<!tpu.dma_semaphore, #tpu.memory_space<semaphore_mem>>)
    %dma_wait3A_29 = arith.constant 0 : i32
    %dma_wait3A_30 = arith.constant 0 : i32
    %dma_wait3A_31 = tpu.memref_slice %arg3[%dma_wait3A_29, %dma_wait3A_30] : memref<10240x256xf32, #tpu.memory_space<hbm>> -> memref<10240x256xf32, #tpu.memory_space<hbm>>
    tpu.wait_indirect_dma semaphore(%arg12 : memref<!tpu.dma_semaphore, #tpu.memory_space<semaphore_mem>>) src(%dma_wait3A_31 : memref<10240x256xf32, #tpu.memory_space<hbm>>) dst(%arg10 : memref<80x256xf32, #tpu.memory_space<vmem>>)
    %add3A_32 = arith.constant 9920 : i32
    %add3A_33 = arith.addi %mul3A_2, %add3A_32 : i32
    "tpu.region"() ({
      %run_scoped3A = tpu.sem_alloc : memref<!tpu.dma_semaphore, #tpu.memory_space<semaphore_mem>>
      %dma_start3A_34 = arith.constant 0 : i32
      %dma_start3A_35 = tpu.memref_slice %arg7[%add3A_33, %dma_start3A_34] : memref<320000x256xf32, #tpu.memory_space<hbm>> -> memref<80x256xf32, #tpu.memory_space<hbm>>
      %dma_start3A_36 = arith.constant 0 : i32
      %dma_start3A_37 = tpu.memref_slice %arg7[%add3A_33, %dma_start3A_36] : memref<320000x256xf32, #tpu.memory_space<hbm>> -> memref<80x256xf32, #tpu.memory_space<hbm>>
      tpu.enqueue_dma source(%arg10 : memref<80x256xf32, #tpu.memory_space<vmem>>) target(%dma_start3A_37 : memref<80x256xf32, #tpu.memory_space<hbm>>) target_semaphore(%run_scoped3A : memref<!tpu.dma_semaphore, #tpu.memory_space<semaphore_mem>>)
      %dma_wait3A_38 = arith.constant 0 : i32
      %dma_wait3A_39 = tpu.memref_slice %arg7[%add3A_33, %dma_wait3A_38] : memref<320000x256xf32, #tpu.memory_space<hbm>> -> memref<80x256xf32, #tpu.memory_space<hbm>>
      %dma_wait3A_40 = arith.constant 0 : i32
      %dma_wait3A_41 = tpu.memref_slice %arg7[%add3A_33, %dma_wait3A_40] : memref<320000x256xf32, #tpu.memory_space<hbm>> -> memref<80x256xf32, #tpu.memory_space<hbm>>
      tpu.wait_dma2 semaphore(%run_scoped3A : memref<!tpu.dma_semaphore, #tpu.memory_space<semaphore_mem>>) src(%arg10 : memref<80x256xf32, #tpu.memory_space<vmem>>) dst(%dma_wait3A_41 : memref<80x256xf32, #tpu.memory_space<hbm>>)
      tpu.yield
    }) : () -> ()
    return
  }
}

module attributes {stable_mosaic.version = 14 : i64} {
  func.func @body(%arg0: i32, %arg1: memref<512x128xf32, #tpu.memory_space<vmem>>, %arg2: memref<1x128xf32, #tpu.memory_space<vmem>>, %arg3: memref<128x256xf32, #tpu.memory_space<vmem>>, %arg4: memref<1x256xf32, #tpu.memory_space<vmem>>, %arg5: memref<256x256xf32, #tpu.memory_space<vmem>>, %arg6: memref<1x256xf32, #tpu.memory_space<vmem>>, %arg7: memref<256x256xf32, #tpu.memory_space<vmem>>, %arg8: memref<256x512xf32, #tpu.memory_space<vmem>>, %arg9: memref<512x256xf32, #tpu.memory_space<vmem>>, %arg10: memref<512x256xf32, #tpu.memory_space<vmem>>, %arg11: memref<512x512xf32, #tpu.memory_space<vmem>>) attributes {dimension_semantics = [#tpu.dimension_semantics<arbitrary>], iteration_bounds = array<i64: 20>, scalar_prefetch = 0 : i64, scratch_operands = 0 : i64, tpu.core_type = #tpu.core_type<tc>, window_params = [{transform_indices = @transform_0, window_bounds = array<i64: 512, 128>}, {pipeline_mode = #tpu.pipeline_mode<synchronous>, transform_indices = @transform_1, window_bounds = array<i64: 1, 128>}, {pipeline_mode = #tpu.pipeline_mode<synchronous>, transform_indices = @transform_2, window_bounds = array<i64: 128, 256>}, {pipeline_mode = #tpu.pipeline_mode<synchronous>, transform_indices = @transform_3, window_bounds = array<i64: 1, 256>}, {pipeline_mode = #tpu.pipeline_mode<synchronous>, transform_indices = @transform_4, window_bounds = array<i64: 256, 256>}, {pipeline_mode = #tpu.pipeline_mode<synchronous>, transform_indices = @transform_5, window_bounds = array<i64: 1, 256>}, {pipeline_mode = #tpu.pipeline_mode<synchronous>, transform_indices = @transform_6, window_bounds = array<i64: 256, 256>}, {pipeline_mode = #tpu.pipeline_mode<synchronous>, transform_indices = @transform_7, window_bounds = array<i64: 256, 512>}, {transform_indices = @transform_8, window_bounds = array<i64: 512, 256>}, {transform_indices = @transform_9, window_bounds = array<i64: 512, 256>}, {transform_indices = @transform_10, window_bounds = array<i64: 512, 512>}]} {
    %get3A = arith.constant 0 : index
    %get3A_0 = arith.constant 0 : index
    %get3A_1 = vector.load %arg1[%get3A, %get3A_0] : memref<512x128xf32, #tpu.memory_space<vmem>>, vector<512x128xf32>
    %slice3A = vector.extract_strided_slice %get3A_1 {offsets = [0, 0], sizes = [512, 1], strides = [1, 1]} : vector<512x128xf32> to vector<512x1xf32>
    %eq3A = arith.constant -9.990000e+02 : f32
    %eq3A_2 = vector.broadcast %eq3A : f32 to vector<512x1xf32>
    %eq3A_3 = arith.cmpf oeq, %slice3A, %eq3A_2 : vector<512x1xf32>
    %get3A_4 = arith.constant 0 : index
    %get3A_5 = arith.constant 0 : index
    %get3A_6 = vector.load %arg2[%get3A_4, %get3A_5] : memref<1x128xf32, #tpu.memory_space<vmem>>, vector<1x128xf32>
    %broadcast_in_dim3A = vector.shape_cast %eq3A_3 : vector<512x1xi1> to vector<512x1xi1>
    %broadcast_in_dim3A_7 = vector.broadcast %broadcast_in_dim3A : vector<512x1xi1> to vector<512x128xi1>
    %broadcast_in_dim3A_8 = vector.shape_cast %get3A_6 : vector<1x128xf32> to vector<1x128xf32>
    %broadcast_in_dim3A_9 = vector.broadcast %broadcast_in_dim3A_8 : vector<1x128xf32> to vector<512x128xf32>
    %select_n3A = arith.select %broadcast_in_dim3A_7, %broadcast_in_dim3A_9, %get3A_1 : vector<512x128xi1>, vector<512x128xf32>
    %get3A_10 = arith.constant 0 : index
    %get3A_11 = arith.constant 0 : index
    %get3A_12 = vector.load %arg3[%get3A_10, %get3A_11] : memref<128x256xf32, #tpu.memory_space<vmem>>, vector<128x256xf32>
    %dot_general3A = arith.constant dense<0.000000e+00> : vector<512x256xf32>
    %dot_general3A_13 = tpu.matmul %select_n3A, %get3A_12, %dot_general3A {dimension_numbers = #tpu.dot_dimension_numbers<[1], [0], [0], [1], [0, 0, 1, 1], [], []>, transpose_lhs_hint = false} : vector<512x128xf32>, vector<128x256xf32>, vector<512x256xf32> -> vector<512x256xf32>
    %get3A_14 = arith.constant 0 : index
    %get3A_15 = arith.constant 0 : index
    %get3A_16 = vector.load %arg4[%get3A_14, %get3A_15] : memref<1x256xf32, #tpu.memory_space<vmem>>, vector<1x256xf32>
    %add3A = vector.broadcast %get3A_16 : vector<1x256xf32> to vector<512x256xf32>
    %add3A_17 = arith.addf %dot_general3A_13, %add3A : vector<512x256xf32>
    %max3A = arith.constant 0.000000e+00 : f32
    %max3A_18 = vector.broadcast %max3A : f32 to vector<512x256xf32>
    %max3A_19 = arith.maximumf %add3A_17, %max3A_18 : vector<512x256xf32>
    %get3A_20 = arith.constant 0 : index
    %get3A_21 = arith.constant 0 : index
    %get3A_22 = vector.load %arg5[%get3A_20, %get3A_21] : memref<256x256xf32, #tpu.memory_space<vmem>>, vector<256x256xf32>
    %dot_general3A_23 = arith.constant dense<0.000000e+00> : vector<512x256xf32>
    %dot_general3A_24 = tpu.matmul %max3A_19, %get3A_22, %dot_general3A_23 {dimension_numbers = #tpu.dot_dimension_numbers<[1], [0], [0], [1], [0, 0, 1, 1], [], []>, transpose_lhs_hint = false} : vector<512x256xf32>, vector<256x256xf32>, vector<512x256xf32> -> vector<512x256xf32>
    %get3A_25 = arith.constant 0 : index
    %get3A_26 = arith.constant 0 : index
    %get3A_27 = vector.load %arg6[%get3A_25, %get3A_26] : memref<1x256xf32, #tpu.memory_space<vmem>>, vector<1x256xf32>
    %add3A_28 = vector.broadcast %get3A_27 : vector<1x256xf32> to vector<512x256xf32>
    %add3A_29 = arith.addf %dot_general3A_24, %add3A_28 : vector<512x256xf32>
    %swap3A = arith.constant 0 : index
    %swap3A_30 = arith.constant 0 : index
    %swap3A_31 = vector.load %arg9[%swap3A, %swap3A_30] : memref<512x256xf32, #tpu.memory_space<vmem>>, vector<512x256xf32>
    tpu.vector_store %arg9[%swap3A, %swap3A_30], %add3A_29 {strides = array<i32>} : memref<512x256xf32, #tpu.memory_space<vmem>>, vector<512x256xf32>,
    %get3A_32 = arith.constant 0 : index
    %get3A_33 = arith.constant 0 : index
    %get3A_34 = vector.load %arg7[%get3A_32, %get3A_33] : memref<256x256xf32, #tpu.memory_space<vmem>>, vector<256x256xf32>
    %dot_general3A_35 = arith.constant dense<0.000000e+00> : vector<512x256xf32>
    %dot_general3A_36 = tpu.matmul %add3A_29, %get3A_34, %dot_general3A_35 {dimension_numbers = #tpu.dot_dimension_numbers<[1], [0], [0], [1], [0, 0, 1, 1], [], []>, transpose_lhs_hint = false} : vector<512x256xf32>, vector<256x256xf32>, vector<512x256xf32> -> vector<512x256xf32>
    %swap3A_37 = arith.constant 0 : index
    %swap3A_38 = arith.constant 0 : index
    %swap3A_39 = vector.load %arg10[%swap3A_37, %swap3A_38] : memref<512x256xf32, #tpu.memory_space<vmem>>, vector<512x256xf32>
    tpu.vector_store %arg10[%swap3A_37, %swap3A_38], %dot_general3A_36 {strides = array<i32>} : memref<512x256xf32, #tpu.memory_space<vmem>>, vector<512x256xf32>,
    %get3A_40 = arith.constant 0 : index
    %get3A_41 = arith.constant 0 : index
    %get3A_42 = vector.load %arg8[%get3A_40, %get3A_41] : memref<256x512xf32, #tpu.memory_space<vmem>>, vector<256x512xf32>
    %dot_general3A_43 = arith.constant dense<0.000000e+00> : vector<512x512xf32>
    %dot_general3A_44 = tpu.matmul %add3A_29, %get3A_42, %dot_general3A_43 {dimension_numbers = #tpu.dot_dimension_numbers<[1], [0], [0], [1], [0, 0, 1, 1], [], []>, transpose_lhs_hint = false} : vector<512x256xf32>, vector<256x512xf32>, vector<512x512xf32> -> vector<512x512xf32>
    %swap3A_45 = arith.constant 0 : index
    %swap3A_46 = arith.constant 0 : index
    %swap3A_47 = vector.load %arg11[%swap3A_45, %swap3A_46] : memref<512x512xf32, #tpu.memory_space<vmem>>, vector<512x512xf32>
    tpu.vector_store %arg11[%swap3A_45, %swap3A_46], %dot_general3A_44 {strides = array<i32>} : memref<512x512xf32, #tpu.memory_space<vmem>>, vector<512x512xf32>,
    return
  }
  func.func @transform_0(%arg0: i32) -> (i32, i32) {
    %c0_i32 = arith.constant 0 : i32
    %c0_i32_0 = arith.constant 0 : i32
    return %arg0, %c0_i32 : i32, i32
  }
  func.func @transform_1(%arg0: i32) -> (i32, i32) {
    %c0_i32 = arith.constant 0 : i32
    %c0_i32_0 = arith.constant 0 : i32
    %c0_i32_1 = arith.constant 0 : i32
    return %c0_i32, %c0_i32_0 : i32, i32
  }
  func.func @transform_2(%arg0: i32) -> (i32, i32) {
    %c0_i32 = arith.constant 0 : i32
    %c0_i32_0 = arith.constant 0 : i32
    %c0_i32_1 = arith.constant 0 : i32
    return %c0_i32, %c0_i32_0 : i32, i32
  }
  func.func @transform_3(%arg0: i32) -> (i32, i32) {
    %c0_i32 = arith.constant 0 : i32
    %c0_i32_0 = arith.constant 0 : i32
    %c0_i32_1 = arith.constant 0 : i32
    return %c0_i32, %c0_i32_0 : i32, i32
  }
  func.func @transform_4(%arg0: i32) -> (i32, i32) {
    %c0_i32 = arith.constant 0 : i32
    %c0_i32_0 = arith.constant 0 : i32
    %c0_i32_1 = arith.constant 0 : i32
    return %c0_i32, %c0_i32_0 : i32, i32
  }
  func.func @transform_5(%arg0: i32) -> (i32, i32) {
    %c0_i32 = arith.constant 0 : i32
    %c0_i32_0 = arith.constant 0 : i32
    %c0_i32_1 = arith.constant 0 : i32
    return %c0_i32, %c0_i32_0 : i32, i32
  }
  func.func @transform_6(%arg0: i32) -> (i32, i32) {
    %c0_i32 = arith.constant 0 : i32
    %c0_i32_0 = arith.constant 0 : i32
    %c0_i32_1 = arith.constant 0 : i32
    return %c0_i32, %c0_i32_0 : i32, i32
  }
  func.func @transform_7(%arg0: i32) -> (i32, i32) {
    %c0_i32 = arith.constant 0 : i32
    %c0_i32_0 = arith.constant 0 : i32
    %c0_i32_1 = arith.constant 0 : i32
    return %c0_i32, %c0_i32_0 : i32, i32
  }
  func.func @transform_8(%arg0: i32) -> (i32, i32) {
    %c0_i32 = arith.constant 0 : i32
    %c0_i32_0 = arith.constant 0 : i32
    return %arg0, %c0_i32 : i32, i32
  }
  func.func @transform_9(%arg0: i32) -> (i32, i32) {
    %c0_i32 = arith.constant 0 : i32
    %c0_i32_0 = arith.constant 0 : i32
    return %arg0, %c0_i32 : i32, i32
  }
  func.func @transform_10(%arg0: i32) -> (i32, i32) {
    %c0_i32 = arith.constant 0 : i32
    %c0_i32_0 = arith.constant 0 : i32
    return %arg0, %c0_i32 : i32, i32
  }
}

module attributes {stable_mosaic.version = 14 : i64} {
  func.func @body(%arg0: i32, %arg1: memref<512x16xf32, #tpu.memory_space<vmem>>, %arg2: memref<512x256xf32, #tpu.memory_space<vmem>>, %arg3: memref<512x256xf32, #tpu.memory_space<vmem>>, %arg4: memref<16x256xf32, #tpu.memory_space<vmem>>, %arg5: memref<1x256xf32, #tpu.memory_space<vmem>>, %arg6: memref<256x256xbf16, #tpu.memory_space<vmem>>, %arg7: memref<1x256xf32, #tpu.memory_space<vmem>>, %arg8: memref<256x1xf32, #tpu.memory_space<vmem>>, %arg9: memref<1x1xf32, #tpu.memory_space<vmem>>, %arg10: memref<512x1xf32, #tpu.memory_space<vmem>>) attributes {dimension_semantics = [#tpu.dimension_semantics<arbitrary>], iteration_bounds = array<i64: 625>, scalar_prefetch = 0 : i64, scratch_operands = 0 : i64, tpu.core_type = #tpu.core_type<tc>, window_params = [{transform_indices = @transform_0, window_bounds = array<i64: 512, 16>}, {transform_indices = @transform_1, window_bounds = array<i64: 512, 256>}, {transform_indices = @transform_2, window_bounds = array<i64: 512, 256>}, {pipeline_mode = #tpu.pipeline_mode<synchronous>, transform_indices = @transform_3, window_bounds = array<i64: 16, 256>}, {pipeline_mode = #tpu.pipeline_mode<synchronous>, transform_indices = @transform_4, window_bounds = array<i64: 1, 256>}, {pipeline_mode = #tpu.pipeline_mode<synchronous>, transform_indices = @transform_5, window_bounds = array<i64: 256, 256>}, {pipeline_mode = #tpu.pipeline_mode<synchronous>, transform_indices = @transform_6, window_bounds = array<i64: 1, 256>}, {pipeline_mode = #tpu.pipeline_mode<synchronous>, transform_indices = @transform_7, window_bounds = array<i64: 256, 1>}, {pipeline_mode = #tpu.pipeline_mode<synchronous>, transform_indices = @transform_8, window_bounds = array<i64: 1, 1>}, {transform_indices = @transform_9, window_bounds = array<i64: 512, 1>}]} {
    %get3A = arith.constant 0 : index
    %get3A_0 = arith.constant 0 : index
    %get3A_1 = vector.load %arg1[%get3A, %get3A_0] : memref<512x16xf32, #tpu.memory_space<vmem>>, vector<512x16xf32>
    %get3A_2 = arith.constant 0 : index
    %get3A_3 = arith.constant 0 : index
    %get3A_4 = vector.load %arg4[%get3A_2, %get3A_3] : memref<16x256xf32, #tpu.memory_space<vmem>>, vector<16x256xf32>
    %dot_general3A = arith.constant dense<0.000000e+00> : vector<512x256xf32>
    %dot_general3A_5 = tpu.matmul %get3A_1, %get3A_4, %dot_general3A {dimension_numbers = #tpu.dot_dimension_numbers<[1], [0], [0], [1], [0, 0, 1, 1], [], []>, transpose_lhs_hint = false} : vector<512x16xf32>, vector<16x256xf32>, vector<512x256xf32> -> vector<512x256xf32>
    %get3A_6 = arith.constant 0 : index
    %get3A_7 = arith.constant 0 : index
    %get3A_8 = vector.load %arg5[%get3A_6, %get3A_7] : memref<1x256xf32, #tpu.memory_space<vmem>>, vector<1x256xf32>
    %add3A = vector.broadcast %get3A_8 : vector<1x256xf32> to vector<512x256xf32>
    %add3A_9 = arith.addf %dot_general3A_5, %add3A : vector<512x256xf32>
    %max3A = arith.constant 0.000000e+00 : f32
    %max3A_10 = vector.broadcast %max3A : f32 to vector<512x256xf32>
    %max3A_11 = arith.maximumf %add3A_9, %max3A_10 : vector<512x256xf32>
    %get3A_12 = arith.constant 0 : index
    %get3A_13 = arith.constant 0 : index
    %get3A_14 = vector.load %arg2[%get3A_12, %get3A_13] : memref<512x256xf32, #tpu.memory_space<vmem>>, vector<512x256xf32>
    %get3A_15 = arith.constant 0 : index
    %get3A_16 = arith.constant 0 : index
    %get3A_17 = vector.load %arg3[%get3A_15, %get3A_16] : memref<512x256xf32, #tpu.memory_space<vmem>>, vector<512x256xf32>
    %add3A_18 = arith.addf %get3A_14, %get3A_17 : vector<512x256xf32>
    %get3A_19 = arith.constant 0 : index
    %get3A_20 = arith.constant 0 : index
    %get3A_21 = vector.load %arg7[%get3A_19, %get3A_20] : memref<1x256xf32, #tpu.memory_space<vmem>>, vector<1x256xf32>
    %add3A_22 = vector.broadcast %get3A_21 : vector<1x256xf32> to vector<512x256xf32>
    %add3A_23 = arith.addf %add3A_18, %add3A_22 : vector<512x256xf32>
    %convert_element_type3A = arith.truncf %max3A_11 : vector<512x256xf32> to vector<512x256xbf16>
    %get3A_24 = arith.constant 0 : index
    %get3A_25 = arith.constant 0 : index
    %get3A_26 = vector.load %arg6[%get3A_24, %get3A_25] : memref<256x256xbf16, #tpu.memory_space<vmem>>, vector<256x256xbf16>
    %dot_general3A_27 = arith.constant dense<0.000000e+00> : vector<512x256xf32>
    %dot_general3A_28 = tpu.matmul %convert_element_type3A, %get3A_26, %dot_general3A_27 {dimension_numbers = #tpu.dot_dimension_numbers<[1], [0], [0], [1], [0, 0, 1, 1], [], []>, transpose_lhs_hint = false} : vector<512x256xbf16>, vector<256x256xbf16>, vector<512x256xf32> -> vector<512x256xf32>
    %add3A_29 = arith.addf %add3A_23, %dot_general3A_28 : vector<512x256xf32>
    %max3A_30 = arith.constant 0.000000e+00 : f32
    %max3A_31 = vector.broadcast %max3A_30 : f32 to vector<512x256xf32>
    %max3A_32 = arith.maximumf %add3A_29, %max3A_31 : vector<512x256xf32>
    %get3A_33 = arith.constant 0 : index
    %get3A_34 = arith.constant 0 : index
    %get3A_35 = vector.load %arg8[%get3A_33, %get3A_34] : memref<256x1xf32, #tpu.memory_space<vmem>>, vector<256x1xf32>
    %dot_general3A_36 = arith.constant dense<0.000000e+00> : vector<512x1xf32>
    %dot_general3A_37 = tpu.matmul %max3A_32, %get3A_35, %dot_general3A_36 {dimension_numbers = #tpu.dot_dimension_numbers<[1], [0], [0], [1], [0, 0, 1, 1], [], []>, transpose_lhs_hint = false} : vector<512x256xf32>, vector<256x1xf32>, vector<512x1xf32> -> vector<512x1xf32>
    %get3A_38 = arith.constant 0 : index
    %get3A_39 = arith.constant 0 : index
    %get3A_40 = vector.load %arg9[%get3A_38, %get3A_39] : memref<1x1xf32, #tpu.memory_space<vmem>>, vector<1x1xf32>
    %add3A_41 = vector.broadcast %get3A_40 : vector<1x1xf32> to vector<512x1xf32>
    %add3A_42 = arith.addf %dot_general3A_37, %add3A_41 : vector<512x1xf32>
    %swap3A = arith.constant 0 : index
    %swap3A_43 = arith.constant 0 : index
    %swap3A_44 = vector.load %arg10[%swap3A, %swap3A_43] : memref<512x1xf32, #tpu.memory_space<vmem>>, vector<512x1xf32>
    tpu.vector_store %arg10[%swap3A, %swap3A_43], %add3A_42 {strides = array<i32>} : memref<512x1xf32, #tpu.memory_space<vmem>>, vector<512x1xf32>,
    return
  }
  func.func @transform_0(%arg0: i32) -> (i32, i32) {
    %c0_i32 = arith.constant 0 : i32
    %c0_i32_0 = arith.constant 0 : i32
    return %arg0, %c0_i32 : i32, i32
  }
  func.func @transform_1(%arg0: i32) -> (i32, i32) {
    %c0_i32 = arith.constant 0 : i32
    %c0_i32_0 = arith.constant 0 : i32
    return %arg0, %c0_i32 : i32, i32
  }
  func.func @transform_2(%arg0: i32) -> (i32, i32) {
    %c0_i32 = arith.constant 0 : i32
    %c0_i32_0 = arith.constant 0 : i32
    return %arg0, %c0_i32 : i32, i32
  }
  func.func @transform_3(%arg0: i32) -> (i32, i32) {
    %c0_i32 = arith.constant 0 : i32
    %c0_i32_0 = arith.constant 0 : i32
    %c0_i32_1 = arith.constant 0 : i32
    return %c0_i32, %c0_i32_0 : i32, i32
  }
  func.func @transform_4(%arg0: i32) -> (i32, i32) {
    %c0_i32 = arith.constant 0 : i32
    %c0_i32_0 = arith.constant 0 : i32
    %c0_i32_1 = arith.constant 0 : i32
    return %c0_i32, %c0_i32_0 : i32, i32
  }
  func.func @transform_5(%arg0: i32) -> (i32, i32) {
    %c0_i32 = arith.constant 0 : i32
    %c0_i32_0 = arith.constant 0 : i32
    %c0_i32_1 = arith.constant 0 : i32
    return %c0_i32, %c0_i32_0 : i32, i32
  }
  func.func @transform_6(%arg0: i32) -> (i32, i32) {
    %c0_i32 = arith.constant 0 : i32
    %c0_i32_0 = arith.constant 0 : i32
    %c0_i32_1 = arith.constant 0 : i32
    return %c0_i32, %c0_i32_0 : i32, i32
  }
  func.func @transform_7(%arg0: i32) -> (i32, i32) {
    %c0_i32 = arith.constant 0 : i32
    %c0_i32_0 = arith.constant 0 : i32
    %c0_i32_1 = arith.constant 0 : i32
    return %c0_i32, %c0_i32_0 : i32, i32
  }
  func.func @transform_8(%arg0: i32) -> (i32, i32) {
    %c0_i32 = arith.constant 0 : i32
    %c0_i32_0 = arith.constant 0 : i32
    %c0_i32_1 = arith.constant 0 : i32
    return %c0_i32, %c0_i32_0 : i32, i32
  }
  func.func @transform_9(%arg0: i32) -> (i32, i32) {
    %c0_i32 = arith.constant 0 : i32
    %c0_i32_0 = arith.constant 0 : i32
    return %arg0, %c0_i32 : i32, i32
  }
}

module attributes {stable_mosaic.version = 14 : i64} {
  func.func @body(%arg0: i32, %arg1: memref<512x16xf32, #tpu.memory_space<vmem>>, %arg2: memref<512x256xf32, #tpu.memory_space<vmem>>, %arg3: memref<512x1xf32, #tpu.memory_space<vmem>>, %arg4: memref<16x256xf32, #tpu.memory_space<vmem>>, %arg5: memref<1x256xf32, #tpu.memory_space<vmem>>, %arg6: memref<256x256xbf16, #tpu.memory_space<vmem>>, %arg7: memref<1x256xf32, #tpu.memory_space<vmem>>, %arg8: memref<512x128xf32, #tpu.memory_space<vmem>>, %arg9: memref<512x128xf32, #tpu.memory_space<vmem>>) attributes {dimension_semantics = [#tpu.dimension_semantics<arbitrary>], iteration_bounds = array<i64: 625>, scalar_prefetch = 0 : i64, scratch_operands = 0 : i64, tpu.core_type = #tpu.core_type<tc>, window_params = [{transform_indices = @transform_0, window_bounds = array<i64: 512, 16>}, {transform_indices = @transform_1, window_bounds = array<i64: 512, 256>}, {transform_indices = @transform_2, window_bounds = array<i64: 512, 1>}, {pipeline_mode = #tpu.pipeline_mode<synchronous>, transform_indices = @transform_3, window_bounds = array<i64: 16, 256>}, {pipeline_mode = #tpu.pipeline_mode<synchronous>, transform_indices = @transform_4, window_bounds = array<i64: 1, 256>}, {pipeline_mode = #tpu.pipeline_mode<synchronous>, transform_indices = @transform_5, window_bounds = array<i64: 256, 256>}, {pipeline_mode = #tpu.pipeline_mode<synchronous>, transform_indices = @transform_6, window_bounds = array<i64: 1, 256>}, {transform_indices = @transform_7, window_bounds = array<i64: 512, 128>}, {transform_indices = @transform_8, window_bounds = array<i64: 512, 128>}]} {
    %get3A = arith.constant 0 : index
    %get3A_0 = arith.constant 0 : index
    %get3A_1 = vector.load %arg1[%get3A, %get3A_0] : memref<512x16xf32, #tpu.memory_space<vmem>>, vector<512x16xf32>
    %get3A_2 = arith.constant 0 : index
    %get3A_3 = arith.constant 0 : index
    %get3A_4 = vector.load %arg4[%get3A_2, %get3A_3] : memref<16x256xf32, #tpu.memory_space<vmem>>, vector<16x256xf32>
    %dot_general3A = arith.constant dense<0.000000e+00> : vector<512x256xf32>
    %dot_general3A_5 = tpu.matmul %get3A_1, %get3A_4, %dot_general3A {dimension_numbers = #tpu.dot_dimension_numbers<[1], [0], [0], [1], [0, 0, 1, 1], [], []>, transpose_lhs_hint = false} : vector<512x16xf32>, vector<16x256xf32>, vector<512x256xf32> -> vector<512x256xf32>
    %get3A_6 = arith.constant 0 : index
    %get3A_7 = arith.constant 0 : index
    %get3A_8 = vector.load %arg5[%get3A_6, %get3A_7] : memref<1x256xf32, #tpu.memory_space<vmem>>, vector<1x256xf32>
    %add3A = vector.broadcast %get3A_8 : vector<1x256xf32> to vector<512x256xf32>
    %add3A_9 = arith.addf %dot_general3A_5, %add3A : vector<512x256xf32>
    %max3A = arith.constant 0.000000e+00 : f32
    %max3A_10 = vector.broadcast %max3A : f32 to vector<512x256xf32>
    %max3A_11 = arith.maximumf %add3A_9, %max3A_10 : vector<512x256xf32>
    %get3A_12 = arith.constant 0 : index
    %get3A_13 = arith.constant 0 : index
    %get3A_14 = vector.load %arg2[%get3A_12, %get3A_13] : memref<512x256xf32, #tpu.memory_space<vmem>>, vector<512x256xf32>
    %get3A_15 = arith.constant 0 : index
    %get3A_16 = arith.constant 0 : index
    %get3A_17 = vector.load %arg7[%get3A_15, %get3A_16] : memref<1x256xf32, #tpu.memory_space<vmem>>, vector<1x256xf32>
    %add3A_18 = vector.broadcast %get3A_17 : vector<1x256xf32> to vector<512x256xf32>
    %add3A_19 = arith.addf %get3A_14, %add3A_18 : vector<512x256xf32>
    %convert_element_type3A = arith.truncf %max3A_11 : vector<512x256xf32> to vector<512x256xbf16>
    %get3A_20 = arith.constant 0 : index
    %get3A_21 = arith.constant 0 : index
    %get3A_22 = vector.load %arg6[%get3A_20, %get3A_21] : memref<256x256xbf16, #tpu.memory_space<vmem>>, vector<256x256xbf16>
    %dot_general3A_23 = arith.constant dense<0.000000e+00> : vector<512x256xf32>
    %dot_general3A_24 = tpu.matmul %convert_element_type3A, %get3A_22, %dot_general3A_23 {dimension_numbers = #tpu.dot_dimension_numbers<[1], [0], [0], [1], [0, 0, 1, 1], [], []>, transpose_lhs_hint = false} : vector<512x256xbf16>, vector<256x256xbf16>, vector<512x256xf32> -> vector<512x256xf32>
    %add3A_25 = arith.addf %add3A_19, %dot_general3A_24 : vector<512x256xf32>
    %max3A_26 = arith.constant 0.000000e+00 : f32
    %max3A_27 = vector.broadcast %max3A_26 : f32 to vector<512x256xf32>
    %max3A_28 = arith.maximumf %add3A_25, %max3A_27 : vector<512x256xf32>
    %get3A_29 = arith.constant 0 : index
    %get3A_30 = arith.constant 0 : index
    %get3A_31 = vector.load %arg3[%get3A_29, %get3A_30] : memref<512x1xf32, #tpu.memory_space<vmem>>, vector<512x1xf32>
    %mul3A = vector.broadcast %get3A_31 : vector<512x1xf32> to vector<512x256xf32>
    %mul3A_32 = arith.mulf %mul3A, %max3A_28 : vector<512x256xf32>
    %slice3A = vector.extract_strided_slice %mul3A_32 {offsets = [0, 0], sizes = [512, 128], strides = [1, 1]} : vector<512x256xf32> to vector<512x128xf32>
    %swap3A = arith.constant 0 : index
    %swap3A_33 = arith.constant 0 : index
    %swap3A_34 = vector.load %arg8[%swap3A, %swap3A_33] : memref<512x128xf32, #tpu.memory_space<vmem>>, vector<512x128xf32>
    tpu.vector_store %arg8[%swap3A, %swap3A_33], %slice3A {strides = array<i32>} : memref<512x128xf32, #tpu.memory_space<vmem>>, vector<512x128xf32>,
    %slice3A_35 = vector.extract_strided_slice %mul3A_32 {offsets = [0, 128], sizes = [512, 128], strides = [1, 1]} : vector<512x256xf32> to vector<512x128xf32>
    %swap3A_36 = arith.constant 0 : index
    %swap3A_37 = arith.constant 0 : index
    %swap3A_38 = vector.load %arg9[%swap3A_36, %swap3A_37] : memref<512x128xf32, #tpu.memory_space<vmem>>, vector<512x128xf32>
    tpu.vector_store %arg9[%swap3A_36, %swap3A_37], %slice3A_35 {strides = array<i32>} : memref<512x128xf32, #tpu.memory_space<vmem>>, vector<512x128xf32>,
    return
  }
  func.func @transform_0(%arg0: i32) -> (i32, i32) {
    %c0_i32 = arith.constant 0 : i32
    %c0_i32_0 = arith.constant 0 : i32
    return %arg0, %c0_i32 : i32, i32
  }
  func.func @transform_1(%arg0: i32) -> (i32, i32) {
    %c1_i32 = arith.constant 1 : i32
    %c0_i32 = arith.constant 0 : i32
    return %arg0, %c1_i32 : i32, i32
  }
  func.func @transform_2(%arg0: i32) -> (i32, i32) {
    %c0_i32 = arith.constant 0 : i32
    %c0_i32_0 = arith.constant 0 : i32
    return %arg0, %c0_i32 : i32, i32
  }
  func.func @transform_3(%arg0: i32) -> (i32, i32) {
    %c0_i32 = arith.constant 0 : i32
    %c0_i32_0 = arith.constant 0 : i32
    %c0_i32_1 = arith.constant 0 : i32
    return %c0_i32, %c0_i32_0 : i32, i32
  }
  func.func @transform_4(%arg0: i32) -> (i32, i32) {
    %c0_i32 = arith.constant 0 : i32
    %c0_i32_0 = arith.constant 0 : i32
    %c0_i32_1 = arith.constant 0 : i32
    return %c0_i32, %c0_i32_0 : i32, i32
  }
  func.func @transform_5(%arg0: i32) -> (i32, i32) {
    %c0_i32 = arith.constant 0 : i32
    %c0_i32_0 = arith.constant 0 : i32
    %c0_i32_1 = arith.constant 0 : i32
    return %c0_i32, %c0_i32_0 : i32, i32
  }
  func.func @transform_6(%arg0: i32) -> (i32, i32) {
    %c0_i32 = arith.constant 0 : i32
    %c0_i32_0 = arith.constant 0 : i32
    %c0_i32_1 = arith.constant 0 : i32
    return %c0_i32, %c0_i32_0 : i32, i32
  }
  func.func @transform_7(%arg0: i32) -> (i32, i32) {
    %c0_i32 = arith.constant 0 : i32
    %c0_i32_0 = arith.constant 0 : i32
    return %arg0, %c0_i32 : i32, i32
  }
  func.func @transform_8(%arg0: i32) -> (i32, i32) {
    %c0_i32 = arith.constant 0 : i32
    %c0_i32_0 = arith.constant 0 : i32
    return %arg0, %c0_i32 : i32, i32
  }
}

module attributes {stable_mosaic.version = 14 : i64} {
  func.func @body(%arg0: i32, %arg1: memref<512x128xf32, #tpu.memory_space<vmem>>, %arg2: memref<512x128xf32, #tpu.memory_space<vmem>>, %arg3: memref<1x512xf32, #tpu.memory_space<vmem>>, %arg4: memref<512x256xf32, #tpu.memory_space<vmem>>, %arg5: memref<128x256xf32, #tpu.memory_space<vmem>>, %arg6: memref<128x256xf32, #tpu.memory_space<vmem>>, %arg7: memref<1x256xf32, #tpu.memory_space<vmem>>, %arg8: memref<1x256xf32, #tpu.memory_space<vmem>>, %arg9: memref<1x256xf32, #tpu.memory_space<vmem>>, %arg10: memref<256x256xf32, #tpu.memory_space<vmem>>, %arg11: memref<256x512xf32, #tpu.memory_space<vmem>>, %arg12: memref<512x256xf32, #tpu.memory_space<vmem>>, %arg13: memref<512x256xf32, #tpu.memory_space<vmem>>, %arg14: memref<512x512xf32, #tpu.memory_space<vmem>>) attributes {dimension_semantics = [#tpu.dimension_semantics<arbitrary>], iteration_bounds = array<i64: 20>, scalar_prefetch = 0 : i64, scratch_operands = 0 : i64, tpu.core_type = #tpu.core_type<tc>, window_params = [{transform_indices = @transform_0, window_bounds = array<i64: 512, 128>}, {transform_indices = @transform_1, window_bounds = array<i64: 512, 128>}, {transform_indices = @transform_2, window_bounds = array<i64: 1, 512>}, {transform_indices = @transform_3, window_bounds = array<i64: 512, 256>}, {pipeline_mode = #tpu.pipeline_mode<synchronous>, transform_indices = @transform_4, window_bounds = array<i64: 128, 256>}, {pipeline_mode = #tpu.pipeline_mode<synchronous>, transform_indices = @transform_5, window_bounds = array<i64: 128, 256>}, {pipeline_mode = #tpu.pipeline_mode<synchronous>, transform_indices = @transform_6, window_bounds = array<i64: 1, 256>}, {pipeline_mode = #tpu.pipeline_mode<synchronous>, transform_indices = @transform_7, window_bounds = array<i64: 1, 256>}, {pipeline_mode = #tpu.pipeline_mode<synchronous>, transform_indices = @transform_8, window_bounds = array<i64: 1, 256>}, {pipeline_mode = #tpu.pipeline_mode<synchronous>, transform_indices = @transform_9, window_bounds = array<i64: 256, 256>}, {pipeline_mode = #tpu.pipeline_mode<synchronous>, transform_indices = @transform_10, window_bounds = array<i64: 256, 512>}, {transform_indices = @transform_11, window_bounds = array<i64: 512, 256>}, {transform_indices = @transform_12, window_bounds = array<i64: 512, 256>}, {transform_indices = @transform_13, window_bounds = array<i64: 512, 512>}]} {
    %get3A = arith.constant 0 : index
    %get3A_0 = arith.constant 0 : index
    %get3A_1 = vector.load %arg1[%get3A, %get3A_0] : memref<512x128xf32, #tpu.memory_space<vmem>>, vector<512x128xf32>
    %get3A_2 = arith.constant 0 : index
    %get3A_3 = arith.constant 0 : index
    %get3A_4 = vector.load %arg5[%get3A_2, %get3A_3] : memref<128x256xf32, #tpu.memory_space<vmem>>, vector<128x256xf32>
    %dot_general3A = arith.constant dense<0.000000e+00> : vector<512x256xf32>
    %dot_general3A_5 = tpu.matmul %get3A_1, %get3A_4, %dot_general3A {dimension_numbers = #tpu.dot_dimension_numbers<[1], [0], [0], [1], [0, 0, 1, 1], [], []>, transpose_lhs_hint = false} : vector<512x128xf32>, vector<128x256xf32>, vector<512x256xf32> -> vector<512x256xf32>
    %get3A_6 = arith.constant 0 : index
    %get3A_7 = arith.constant 0 : index
    %get3A_8 = vector.load %arg2[%get3A_6, %get3A_7] : memref<512x128xf32, #tpu.memory_space<vmem>>, vector<512x128xf32>
    %get3A_9 = arith.constant 0 : index
    %get3A_10 = arith.constant 0 : index
    %get3A_11 = vector.load %arg6[%get3A_9, %get3A_10] : memref<128x256xf32, #tpu.memory_space<vmem>>, vector<128x256xf32>
    %dot_general3A_12 = arith.constant dense<0.000000e+00> : vector<512x256xf32>
    %dot_general3A_13 = tpu.matmul %get3A_8, %get3A_11, %dot_general3A_12 {dimension_numbers = #tpu.dot_dimension_numbers<[1], [0], [0], [1], [0, 0, 1, 1], [], []>, transpose_lhs_hint = false} : vector<512x128xf32>, vector<128x256xf32>, vector<512x256xf32> -> vector<512x256xf32>
    %add3A = arith.addf %dot_general3A_5, %dot_general3A_13 : vector<512x256xf32>
    %get3A_14 = arith.constant 0 : index
    %get3A_15 = arith.constant 0 : index
    %get3A_16 = vector.load %arg3[%get3A_14, %get3A_15] : memref<1x512xf32, #tpu.memory_space<vmem>>, vector<1x512xf32>
    %get3A_17 = vector.shape_cast %get3A_16 : vector<1x512xf32> to vector<512xf32>
    %add3A_18 = arith.constant 1.000000e-16 : f32
    %add3A_19 = vector.broadcast %add3A_18 : f32 to vector<512xf32>
    %add3A_20 = arith.addf %get3A_17, %add3A_19 : vector<512xf32>
    %div3A = arith.divf %get3A_17, %add3A_20 : vector<512xf32>
    %broadcast_in_dim3A = vector.shape_cast %div3A : vector<512xf32> to vector<512x1xf32>
    %get3A_21 = arith.constant 0 : index
    %get3A_22 = arith.constant 0 : index
    %get3A_23 = vector.load %arg7[%get3A_21, %get3A_22] : memref<1x256xf32, #tpu.memory_space<vmem>>, vector<1x256xf32>
    %mul3A = vector.broadcast %broadcast_in_dim3A : vector<512x1xf32> to vector<512x256xf32>
    %mul3A_24 = vector.broadcast %get3A_23 : vector<1x256xf32> to vector<512x256xf32>
    %mul3A_25 = arith.mulf %mul3A, %mul3A_24 : vector<512x256xf32>
    %add3A_26 = arith.addf %add3A, %mul3A_25 : vector<512x256xf32>
    %get3A_27 = arith.constant 0 : index
    %get3A_28 = arith.constant 0 : index
    %get3A_29 = vector.load %arg4[%get3A_27, %get3A_28] : memref<512x256xf32, #tpu.memory_space<vmem>>, vector<512x256xf32>
    %add3A_30 = arith.addf %add3A_26, %get3A_29 : vector<512x256xf32>
    %reduce_sum3A = arith.constant dense<0.000000e+00> : vector<512xf32>
    %reduce_sum3A_31 = vector.multi_reduction <add>, %add3A_30, %reduce_sum3A [1] : vector<512x256xf32> to vector<512xf32>
    %broadcast_in_dim3A_32 = vector.shape_cast %reduce_sum3A_31 : vector<512xf32> to vector<512x1xf32>
    %div3A_33 = arith.constant 2.560000e+02 : f32
    %div3A_34 = vector.broadcast %div3A_33 : f32 to vector<512x1xf32>
    %div3A_35 = arith.divf %broadcast_in_dim3A_32, %div3A_34 : vector<512x1xf32>
    %sub3A = vector.broadcast %div3A_35 : vector<512x1xf32> to vector<512x256xf32>
    %sub3A_36 = arith.subf %add3A_30, %sub3A : vector<512x256xf32>
    %integer_pow3A = arith.mulf %sub3A_36, %sub3A_36 : vector<512x256xf32>
    %reduce_sum3A_37 = arith.constant dense<0.000000e+00> : vector<512xf32>
    %reduce_sum3A_38 = vector.multi_reduction <add>, %integer_pow3A, %reduce_sum3A_37 [1] : vector<512x256xf32> to vector<512xf32>
    %broadcast_in_dim3A_39 = vector.shape_cast %reduce_sum3A_38 : vector<512xf32> to vector<512x1xf32>
    %div3A_40 = arith.constant 2.560000e+02 : f32
    %div3A_41 = vector.broadcast %div3A_40 : f32 to vector<512x1xf32>
    %div3A_42 = arith.divf %broadcast_in_dim3A_39, %div3A_41 : vector<512x1xf32>
    %sub3A_43 = vector.broadcast %div3A_35 : vector<512x1xf32> to vector<512x256xf32>
    %sub3A_44 = arith.subf %add3A_30, %sub3A_43 : vector<512x256xf32>
    %add3A_45 = arith.constant 9.99999974E-6 : f32
    %add3A_46 = vector.broadcast %add3A_45 : f32 to vector<512x1xf32>
    %add3A_47 = arith.addf %div3A_42, %add3A_46 : vector<512x1xf32>
    %rsqrt3A = math.rsqrt %add3A_47 : vector<512x1xf32>
    %mul3A_48 = vector.broadcast %rsqrt3A : vector<512x1xf32> to vector<512x256xf32>
    %mul3A_49 = arith.mulf %sub3A_44, %mul3A_48 : vector<512x256xf32>
    %get3A_50 = arith.constant 0 : index
    %get3A_51 = arith.constant 0 : index
    %get3A_52 = vector.load %arg8[%get3A_50, %get3A_51] : memref<1x256xf32, #tpu.memory_space<vmem>>, vector<1x256xf32>
    %mul3A_53 = vector.broadcast %get3A_52 : vector<1x256xf32> to vector<512x256xf32>
    %mul3A_54 = arith.mulf %mul3A_49, %mul3A_53 : vector<512x256xf32>
    %get3A_55 = arith.constant 0 : index
    %get3A_56 = arith.constant 0 : index
    %get3A_57 = vector.load %arg9[%get3A_55, %get3A_56] : memref<1x256xf32, #tpu.memory_space<vmem>>, vector<1x256xf32>
    %add3A_58 = vector.broadcast %get3A_57 : vector<1x256xf32> to vector<512x256xf32>
    %add3A_59 = arith.addf %mul3A_54, %add3A_58 : vector<512x256xf32>
    %max3A = arith.constant 0.000000e+00 : f32
    %max3A_60 = vector.broadcast %max3A : f32 to vector<512x256xf32>
    %max3A_61 = arith.maximumf %add3A_59, %max3A_60 : vector<512x256xf32>
    %swap3A = arith.constant 0 : index
    %swap3A_62 = arith.constant 0 : index
    %swap3A_63 = vector.load %arg12[%swap3A, %swap3A_62] : memref<512x256xf32, #tpu.memory_space<vmem>>, vector<512x256xf32>
    tpu.vector_store %arg12[%swap3A, %swap3A_62], %max3A_61 {strides = array<i32>} : memref<512x256xf32, #tpu.memory_space<vmem>>, vector<512x256xf32>,
    %get3A_64 = arith.constant 0 : index
    %get3A_65 = arith.constant 0 : index
    %get3A_66 = vector.load %arg10[%get3A_64, %get3A_65] : memref<256x256xf32, #tpu.memory_space<vmem>>, vector<256x256xf32>
    %dot_general3A_67 = arith.constant dense<0.000000e+00> : vector<512x256xf32>
    %dot_general3A_68 = tpu.matmul %max3A_61, %get3A_66, %dot_general3A_67 {dimension_numbers = #tpu.dot_dimension_numbers<[1], [0], [0], [1], [0, 0, 1, 1], [], []>, transpose_lhs_hint = false} : vector<512x256xf32>, vector<256x256xf32>, vector<512x256xf32> -> vector<512x256xf32>
    %swap3A_69 = arith.constant 0 : index
    %swap3A_70 = arith.constant 0 : index
    %swap3A_71 = vector.load %arg13[%swap3A_69, %swap3A_70] : memref<512x256xf32, #tpu.memory_space<vmem>>, vector<512x256xf32>
    tpu.vector_store %arg13[%swap3A_69, %swap3A_70], %dot_general3A_68 {strides = array<i32>} : memref<512x256xf32, #tpu.memory_space<vmem>>, vector<512x256xf32>,
    %get3A_72 = arith.constant 0 : index
    %get3A_73 = arith.constant 0 : index
    %get3A_74 = vector.load %arg11[%get3A_72, %get3A_73] : memref<256x512xf32, #tpu.memory_space<vmem>>, vector<256x512xf32>
    %dot_general3A_75 = arith.constant dense<0.000000e+00> : vector<512x512xf32>
    %dot_general3A_76 = tpu.matmul %max3A_61, %get3A_74, %dot_general3A_75 {dimension_numbers = #tpu.dot_dimension_numbers<[1], [0], [0], [1], [0, 0, 1, 1], [], []>, transpose_lhs_hint = false} : vector<512x256xf32>, vector<256x512xf32>, vector<512x512xf32> -> vector<512x512xf32>
    %swap3A_77 = arith.constant 0 : index
    %swap3A_78 = arith.constant 0 : index
    %swap3A_79 = vector.load %arg14[%swap3A_77, %swap3A_78] : memref<512x512xf32, #tpu.memory_space<vmem>>, vector<512x512xf32>
    tpu.vector_store %arg14[%swap3A_77, %swap3A_78], %dot_general3A_76 {strides = array<i32>} : memref<512x512xf32, #tpu.memory_space<vmem>>, vector<512x512xf32>,
    return
  }
  func.func @transform_0(%arg0: i32) -> (i32, i32) {
    %c0_i32 = arith.constant 0 : i32
    %c0_i32_0 = arith.constant 0 : i32
    return %arg0, %c0_i32 : i32, i32
  }
  func.func @transform_1(%arg0: i32) -> (i32, i32) {
    %c0_i32 = arith.constant 0 : i32
    %c0_i32_0 = arith.constant 0 : i32
    return %arg0, %c0_i32 : i32, i32
  }
  func.func @transform_2(%arg0: i32) -> (i32, i32) {
    %c0_i32 = arith.constant 0 : i32
    %c0_i32_0 = arith.constant 0 : i32
    return %c0_i32, %arg0 : i32, i32
  }
  func.func @transform_3(%arg0: i32) -> (i32, i32) {
    %c0_i32 = arith.constant 0 : i32
    %c0_i32_0 = arith.constant 0 : i32
    return %arg0, %c0_i32 : i32, i32
  }
  func.func @transform_4(%arg0: i32) -> (i32, i32) {
    %c0_i32 = arith.constant 0 : i32
    %c0_i32_0 = arith.constant 0 : i32
    %c0_i32_1 = arith.constant 0 : i32
    return %c0_i32, %c0_i32_0 : i32, i32
  }
  func.func @transform_5(%arg0: i32) -> (i32, i32) {
    %c0_i32 = arith.constant 0 : i32
    %c0_i32_0 = arith.constant 0 : i32
    %c0_i32_1 = arith.constant 0 : i32
    return %c0_i32, %c0_i32_0 : i32, i32
  }
  func.func @transform_6(%arg0: i32) -> (i32, i32) {
    %c0_i32 = arith.constant 0 : i32
    %c0_i32_0 = arith.constant 0 : i32
    %c0_i32_1 = arith.constant 0 : i32
    return %c0_i32, %c0_i32_0 : i32, i32
  }
  func.func @transform_7(%arg0: i32) -> (i32, i32) {
    %c0_i32 = arith.constant 0 : i32
    %c0_i32_0 = arith.constant 0 : i32
    %c0_i32_1 = arith.constant 0 : i32
    return %c0_i32, %c0_i32_0 : i32, i32
  }
  func.func @transform_8(%arg0: i32) -> (i32, i32) {
    %c0_i32 = arith.constant 0 : i32
    %c0_i32_0 = arith.constant 0 : i32
    %c0_i32_1 = arith.constant 0 : i32
    return %c0_i32, %c0_i32_0 : i32, i32
  }
  func.func @transform_9(%arg0: i32) -> (i32, i32) {
    %c0_i32 = arith.constant 0 : i32
    %c0_i32_0 = arith.constant 0 : i32
    %c0_i32_1 = arith.constant 0 : i32
    return %c0_i32, %c0_i32_0 : i32, i32
  }
  func.func @transform_10(%arg0: i32) -> (i32, i32) {
    %c0_i32 = arith.constant 0 : i32
    %c0_i32_0 = arith.constant 0 : i32
    %c0_i32_1 = arith.constant 0 : i32
    return %c0_i32, %c0_i32_0 : i32, i32
  }
  func.func @transform_11(%arg0: i32) -> (i32, i32) {
    %c0_i32 = arith.constant 0 : i32
    %c0_i32_0 = arith.constant 0 : i32
    return %arg0, %c0_i32 : i32, i32
  }
  func.func @transform_12(%arg0: i32) -> (i32, i32) {
    %c0_i32 = arith.constant 0 : i32
    %c0_i32_0 = arith.constant 0 : i32
    return %arg0, %c0_i32 : i32, i32
  }
  func.func @transform_13(%arg0: i32) -> (i32, i32) {
    %c0_i32 = arith.constant 0 : i32
    %c0_i32_0 = arith.constant 0 : i32
    return %arg0, %c0_i32 : i32, i32
  }
}

module attributes {stable_mosaic.version = 14 : i64} {
  func.func @body(%arg0: i32, %arg1: memref<512x128xf32, #tpu.memory_space<vmem>>, %arg2: memref<512x128xf32, #tpu.memory_space<vmem>>, %arg3: memref<1x512xf32, #tpu.memory_space<vmem>>, %arg4: memref<512x256xf32, #tpu.memory_space<vmem>>, %arg5: memref<128x256xf32, #tpu.memory_space<vmem>>, %arg6: memref<128x256xf32, #tpu.memory_space<vmem>>, %arg7: memref<1x256xf32, #tpu.memory_space<vmem>>, %arg8: memref<1x256xf32, #tpu.memory_space<vmem>>, %arg9: memref<1x256xf32, #tpu.memory_space<vmem>>, %arg10: memref<256x256xf32, #tpu.memory_space<vmem>>, %arg11: memref<256x256xf32, #tpu.memory_space<vmem>>, %arg12: memref<256x256xf32, #tpu.memory_space<vmem>>, %arg13: memref<1x256xf32, #tpu.memory_space<vmem>>, %arg14: memref<256x8xf32, #tpu.memory_space<vmem>>, %arg15: memref<1x8xf32, #tpu.memory_space<vmem>>, %arg16: memref<512x256xf32, #tpu.memory_space<vmem>>, %arg17: memref<512x256xf32, #tpu.memory_space<vmem>>, %arg18: memref<512x8xf32, #tpu.memory_space<vmem>>, %arg19: memref<512x8xf32, #tpu.memory_space<vmem>>) attributes {dimension_semantics = [#tpu.dimension_semantics<arbitrary>], iteration_bounds = array<i64: 20>, scalar_prefetch = 0 : i64, scratch_operands = 0 : i64, tpu.core_type = #tpu.core_type<tc>, window_params = [{transform_indices = @transform_0, window_bounds = array<i64: 512, 128>}, {transform_indices = @transform_1, window_bounds = array<i64: 512, 128>}, {transform_indices = @transform_2, window_bounds = array<i64: 1, 512>}, {transform_indices = @transform_3, window_bounds = array<i64: 512, 256>}, {pipeline_mode = #tpu.pipeline_mode<synchronous>, transform_indices = @transform_4, window_bounds = array<i64: 128, 256>}, {pipeline_mode = #tpu.pipeline_mode<synchronous>, transform_indices = @transform_5, window_bounds = array<i64: 128, 256>}, {pipeline_mode = #tpu.pipeline_mode<synchronous>, transform_indices = @transform_6, window_bounds = array<i64: 1, 256>}, {pipeline_mode = #tpu.pipeline_mode<synchronous>, transform_indices = @transform_7, window_bounds = array<i64: 1, 256>}, {pipeline_mode = #tpu.pipeline_mode<synchronous>, transform_indices = @transform_8, window_bounds = array<i64: 1, 256>}, {pipeline_mode = #tpu.pipeline_mode<synchronous>, transform_indices = @transform_9, window_bounds = array<i64: 256, 256>}, {pipeline_mode = #tpu.pipeline_mode<synchronous>, transform_indices = @transform_10, window_bounds = array<i64: 256, 256>}, {pipeline_mode = #tpu.pipeline_mode<synchronous>, transform_indices = @transform_11, window_bounds = array<i64: 256, 256>}, {pipeline_mode = #tpu.pipeline_mode<synchronous>, transform_indices = @transform_12, window_bounds = array<i64: 1, 256>}, {pipeline_mode = #tpu.pipeline_mode<synchronous>, transform_indices = @transform_13, window_bounds = array<i64: 256, 8>}, {pipeline_mode = #tpu.pipeline_mode<synchronous>, transform_indices = @transform_14, window_bounds = array<i64: 1, 8>}, {transform_indices = @transform_15, window_bounds = array<i64: 512, 256>}, {transform_indices = @transform_16, window_bounds = array<i64: 512, 256>}, {transform_indices = @transform_17, window_bounds = array<i64: 512, 8>}, {transform_indices = @transform_18, window_bounds = array<i64: 512, 8>}]} {
    %get3A = arith.constant 0 : index
    %get3A_0 = arith.constant 0 : index
    %get3A_1 = vector.load %arg1[%get3A, %get3A_0] : memref<512x128xf32, #tpu.memory_space<vmem>>, vector<512x128xf32>
    %get3A_2 = arith.constant 0 : index
    %get3A_3 = arith.constant 0 : index
    %get3A_4 = vector.load %arg5[%get3A_2, %get3A_3] : memref<128x256xf32, #tpu.memory_space<vmem>>, vector<128x256xf32>
    %dot_general3A = arith.constant dense<0.000000e+00> : vector<512x256xf32>
    %dot_general3A_5 = tpu.matmul %get3A_1, %get3A_4, %dot_general3A {dimension_numbers = #tpu.dot_dimension_numbers<[1], [0], [0], [1], [0, 0, 1, 1], [], []>, transpose_lhs_hint = false} : vector<512x128xf32>, vector<128x256xf32>, vector<512x256xf32> -> vector<512x256xf32>
    %get3A_6 = arith.constant 0 : index
    %get3A_7 = arith.constant 0 : index
    %get3A_8 = vector.load %arg2[%get3A_6, %get3A_7] : memref<512x128xf32, #tpu.memory_space<vmem>>, vector<512x128xf32>
    %get3A_9 = arith.constant 0 : index
    %get3A_10 = arith.constant 0 : index
    %get3A_11 = vector.load %arg6[%get3A_9, %get3A_10] : memref<128x256xf32, #tpu.memory_space<vmem>>, vector<128x256xf32>
    %dot_general3A_12 = arith.constant dense<0.000000e+00> : vector<512x256xf32>
    %dot_general3A_13 = tpu.matmul %get3A_8, %get3A_11, %dot_general3A_12 {dimension_numbers = #tpu.dot_dimension_numbers<[1], [0], [0], [1], [0, 0, 1, 1], [], []>, transpose_lhs_hint = false} : vector<512x128xf32>, vector<128x256xf32>, vector<512x256xf32> -> vector<512x256xf32>
    %add3A = arith.addf %dot_general3A_5, %dot_general3A_13 : vector<512x256xf32>
    %get3A_14 = arith.constant 0 : index
    %get3A_15 = arith.constant 0 : index
    %get3A_16 = vector.load %arg3[%get3A_14, %get3A_15] : memref<1x512xf32, #tpu.memory_space<vmem>>, vector<1x512xf32>
    %get3A_17 = vector.shape_cast %get3A_16 : vector<1x512xf32> to vector<512xf32>
    %add3A_18 = arith.constant 1.000000e-16 : f32
    %add3A_19 = vector.broadcast %add3A_18 : f32 to vector<512xf32>
    %add3A_20 = arith.addf %get3A_17, %add3A_19 : vector<512xf32>
    %div3A = arith.divf %get3A_17, %add3A_20 : vector<512xf32>
    %broadcast_in_dim3A = vector.shape_cast %div3A : vector<512xf32> to vector<512x1xf32>
    %get3A_21 = arith.constant 0 : index
    %get3A_22 = arith.constant 0 : index
    %get3A_23 = vector.load %arg7[%get3A_21, %get3A_22] : memref<1x256xf32, #tpu.memory_space<vmem>>, vector<1x256xf32>
    %mul3A = vector.broadcast %broadcast_in_dim3A : vector<512x1xf32> to vector<512x256xf32>
    %mul3A_24 = vector.broadcast %get3A_23 : vector<1x256xf32> to vector<512x256xf32>
    %mul3A_25 = arith.mulf %mul3A, %mul3A_24 : vector<512x256xf32>
    %add3A_26 = arith.addf %add3A, %mul3A_25 : vector<512x256xf32>
    %get3A_27 = arith.constant 0 : index
    %get3A_28 = arith.constant 0 : index
    %get3A_29 = vector.load %arg4[%get3A_27, %get3A_28] : memref<512x256xf32, #tpu.memory_space<vmem>>, vector<512x256xf32>
    %add3A_30 = arith.addf %add3A_26, %get3A_29 : vector<512x256xf32>
    %reduce_sum3A = arith.constant dense<0.000000e+00> : vector<512xf32>
    %reduce_sum3A_31 = vector.multi_reduction <add>, %add3A_30, %reduce_sum3A [1] : vector<512x256xf32> to vector<512xf32>
    %broadcast_in_dim3A_32 = vector.shape_cast %reduce_sum3A_31 : vector<512xf32> to vector<512x1xf32>
    %div3A_33 = arith.constant 2.560000e+02 : f32
    %div3A_34 = vector.broadcast %div3A_33 : f32 to vector<512x1xf32>
    %div3A_35 = arith.divf %broadcast_in_dim3A_32, %div3A_34 : vector<512x1xf32>
    %sub3A = vector.broadcast %div3A_35 : vector<512x1xf32> to vector<512x256xf32>
    %sub3A_36 = arith.subf %add3A_30, %sub3A : vector<512x256xf32>
    %integer_pow3A = arith.mulf %sub3A_36, %sub3A_36 : vector<512x256xf32>
    %reduce_sum3A_37 = arith.constant dense<0.000000e+00> : vector<512xf32>
    %reduce_sum3A_38 = vector.multi_reduction <add>, %integer_pow3A, %reduce_sum3A_37 [1] : vector<512x256xf32> to vector<512xf32>
    %broadcast_in_dim3A_39 = vector.shape_cast %reduce_sum3A_38 : vector<512xf32> to vector<512x1xf32>
    %div3A_40 = arith.constant 2.560000e+02 : f32
    %div3A_41 = vector.broadcast %div3A_40 : f32 to vector<512x1xf32>
    %div3A_42 = arith.divf %broadcast_in_dim3A_39, %div3A_41 : vector<512x1xf32>
    %sub3A_43 = vector.broadcast %div3A_35 : vector<512x1xf32> to vector<512x256xf32>
    %sub3A_44 = arith.subf %add3A_30, %sub3A_43 : vector<512x256xf32>
    %add3A_45 = arith.constant 9.99999974E-6 : f32
    %add3A_46 = vector.broadcast %add3A_45 : f32 to vector<512x1xf32>
    %add3A_47 = arith.addf %div3A_42, %add3A_46 : vector<512x1xf32>
    %rsqrt3A = math.rsqrt %add3A_47 : vector<512x1xf32>
    %mul3A_48 = vector.broadcast %rsqrt3A : vector<512x1xf32> to vector<512x256xf32>
    %mul3A_49 = arith.mulf %sub3A_44, %mul3A_48 : vector<512x256xf32>
    %get3A_50 = arith.constant 0 : index
    %get3A_51 = arith.constant 0 : index
    %get3A_52 = vector.load %arg8[%get3A_50, %get3A_51] : memref<1x256xf32, #tpu.memory_space<vmem>>, vector<1x256xf32>
    %mul3A_53 = vector.broadcast %get3A_52 : vector<1x256xf32> to vector<512x256xf32>
    %mul3A_54 = arith.mulf %mul3A_49, %mul3A_53 : vector<512x256xf32>
    %get3A_55 = arith.constant 0 : index
    %get3A_56 = arith.constant 0 : index
    %get3A_57 = vector.load %arg9[%get3A_55, %get3A_56] : memref<1x256xf32, #tpu.memory_space<vmem>>, vector<1x256xf32>
    %add3A_58 = vector.broadcast %get3A_57 : vector<1x256xf32> to vector<512x256xf32>
    %add3A_59 = arith.addf %mul3A_54, %add3A_58 : vector<512x256xf32>
    %max3A = arith.constant 0.000000e+00 : f32
    %max3A_60 = vector.broadcast %max3A : f32 to vector<512x256xf32>
    %max3A_61 = arith.maximumf %add3A_59, %max3A_60 : vector<512x256xf32>
    %get3A_62 = arith.constant 0 : index
    %get3A_63 = arith.constant 0 : index
    %get3A_64 = vector.load %arg10[%get3A_62, %get3A_63] : memref<256x256xf32, #tpu.memory_space<vmem>>, vector<256x256xf32>
    %dot_general3A_65 = arith.constant dense<0.000000e+00> : vector<512x256xf32>
    %dot_general3A_66 = tpu.matmul %max3A_61, %get3A_64, %dot_general3A_65 {dimension_numbers = #tpu.dot_dimension_numbers<[1], [0], [0], [1], [0, 0, 1, 1], [], []>, transpose_lhs_hint = false} : vector<512x256xf32>, vector<256x256xf32>, vector<512x256xf32> -> vector<512x256xf32>
    %swap3A = arith.constant 0 : index
    %swap3A_67 = arith.constant 0 : index
    %swap3A_68 = vector.load %arg16[%swap3A, %swap3A_67] : memref<512x256xf32, #tpu.memory_space<vmem>>, vector<512x256xf32>
    tpu.vector_store %arg16[%swap3A, %swap3A_67], %dot_general3A_66 {strides = array<i32>} : memref<512x256xf32, #tpu.memory_space<vmem>>, vector<512x256xf32>,
    %get3A_69 = arith.constant 0 : index
    %get3A_70 = arith.constant 0 : index
    %get3A_71 = vector.load %arg11[%get3A_69, %get3A_70] : memref<256x256xf32, #tpu.memory_space<vmem>>, vector<256x256xf32>
    %dot_general3A_72 = arith.constant dense<0.000000e+00> : vector<512x256xf32>
    %dot_general3A_73 = tpu.matmul %max3A_61, %get3A_71, %dot_general3A_72 {dimension_numbers = #tpu.dot_dimension_numbers<[1], [0], [0], [1], [0, 0, 1, 1], [], []>, transpose_lhs_hint = false} : vector<512x256xf32>, vector<256x256xf32>, vector<512x256xf32> -> vector<512x256xf32>
    %swap3A_74 = arith.constant 0 : index
    %swap3A_75 = arith.constant 0 : index
    %swap3A_76 = vector.load %arg17[%swap3A_74, %swap3A_75] : memref<512x256xf32, #tpu.memory_space<vmem>>, vector<512x256xf32>
    tpu.vector_store %arg17[%swap3A_74, %swap3A_75], %dot_general3A_73 {strides = array<i32>} : memref<512x256xf32, #tpu.memory_space<vmem>>, vector<512x256xf32>,
    %get3A_77 = arith.constant 0 : index
    %get3A_78 = arith.constant 0 : index
    %get3A_79 = vector.load %arg12[%get3A_77, %get3A_78] : memref<256x256xf32, #tpu.memory_space<vmem>>, vector<256x256xf32>
    %dot_general3A_80 = arith.constant dense<0.000000e+00> : vector<512x256xf32>
    %dot_general3A_81 = tpu.matmul %max3A_61, %get3A_79, %dot_general3A_80 {dimension_numbers = #tpu.dot_dimension_numbers<[1], [0], [0], [1], [0, 0, 1, 1], [], []>, transpose_lhs_hint = false} : vector<512x256xf32>, vector<256x256xf32>, vector<512x256xf32> -> vector<512x256xf32>
    %get3A_82 = arith.constant 0 : index
    %get3A_83 = arith.constant 0 : index
    %get3A_84 = vector.load %arg13[%get3A_82, %get3A_83] : memref<1x256xf32, #tpu.memory_space<vmem>>, vector<1x256xf32>
    %add3A_85 = vector.broadcast %get3A_84 : vector<1x256xf32> to vector<512x256xf32>
    %add3A_86 = arith.addf %dot_general3A_81, %add3A_85 : vector<512x256xf32>
    %max3A_87 = arith.constant 0.000000e+00 : f32
    %max3A_88 = vector.broadcast %max3A_87 : f32 to vector<512x256xf32>
    %max3A_89 = arith.maximumf %add3A_86, %max3A_88 : vector<512x256xf32>
    %get3A_90 = arith.constant 0 : index
    %get3A_91 = arith.constant 0 : index
    %get3A_92 = vector.load %arg14[%get3A_90, %get3A_91] : memref<256x8xf32, #tpu.memory_space<vmem>>, vector<256x8xf32>
    %dot_general3A_93 = arith.constant dense<0.000000e+00> : vector<512x8xf32>
    %dot_general3A_94 = tpu.matmul %max3A_89, %get3A_92, %dot_general3A_93 {dimension_numbers = #tpu.dot_dimension_numbers<[1], [0], [0], [1], [0, 0, 1, 1], [], []>, transpose_lhs_hint = false} : vector<512x256xf32>, vector<256x8xf32>, vector<512x8xf32> -> vector<512x8xf32>
    %get3A_95 = arith.constant 0 : index
    %get3A_96 = arith.constant 0 : index
    %get3A_97 = vector.load %arg15[%get3A_95, %get3A_96] : memref<1x8xf32, #tpu.memory_space<vmem>>, vector<1x8xf32>
    %add3A_98 = vector.broadcast %get3A_97 : vector<1x8xf32> to vector<512x8xf32>
    %add3A_99 = arith.addf %dot_general3A_94, %add3A_98 : vector<512x8xf32>
    %swap3A_100 = arith.constant 0 : index
    %swap3A_101 = arith.constant 0 : index
    %swap3A_102 = vector.load %arg18[%swap3A_100, %swap3A_101] : memref<512x8xf32, #tpu.memory_space<vmem>>, vector<512x8xf32>
    tpu.vector_store %arg18[%swap3A_100, %swap3A_101], %add3A_99 {strides = array<i32>} : memref<512x8xf32, #tpu.memory_space<vmem>>, vector<512x8xf32>,
    %reduce_max3A = arith.constant dense<0xFF800000> : vector<512xf32>
    %reduce_max3A_103 = vector.multi_reduction <maximumf>, %add3A_99, %reduce_max3A [1] : vector<512x8xf32> to vector<512xf32>
    %broadcast_in_dim3A_104 = vector.shape_cast %reduce_max3A_103 : vector<512xf32> to vector<512x1xf32>
    %sub3A_105 = vector.broadcast %broadcast_in_dim3A_104 : vector<512x1xf32> to vector<512x8xf32>
    %sub3A_106 = arith.subf %add3A_99, %sub3A_105 : vector<512x8xf32>
    %exp3A = math.exp %sub3A_106 : vector<512x8xf32>
    %reduce_sum3A_107 = arith.constant dense<0.000000e+00> : vector<512xf32>
    %reduce_sum3A_108 = vector.multi_reduction <add>, %exp3A, %reduce_sum3A_107 [1] : vector<512x8xf32> to vector<512xf32>
    %broadcast_in_dim3A_109 = vector.shape_cast %reduce_sum3A_108 : vector<512xf32> to vector<512x1xf32>
    %div3A_110 = vector.broadcast %broadcast_in_dim3A_109 : vector<512x1xf32> to vector<512x8xf32>
    %div3A_111 = arith.divf %exp3A, %div3A_110 : vector<512x8xf32>
    %swap3A_112 = arith.constant 0 : index
    %swap3A_113 = arith.constant 0 : index
    %swap3A_114 = vector.load %arg19[%swap3A_112, %swap3A_113] : memref<512x8xf32, #tpu.memory_space<vmem>>, vector<512x8xf32>
    tpu.vector_store %arg19[%swap3A_112, %swap3A_113], %div3A_111 {strides = array<i32>} : memref<512x8xf32, #tpu.memory_space<vmem>>, vector<512x8xf32>,
    return
  }
  func.func @transform_0(%arg0: i32) -> (i32, i32) {
    %c0_i32 = arith.constant 0 : i32
    %c0_i32_0 = arith.constant 0 : i32
    return %arg0, %c0_i32 : i32, i32
  }
  func.func @transform_1(%arg0: i32) -> (i32, i32) {
    %c0_i32 = arith.constant 0 : i32
    %c0_i32_0 = arith.constant 0 : i32
    return %arg0, %c0_i32 : i32, i32
  }
  func.func @transform_2(%arg0: i32) -> (i32, i32) {
    %c0_i32 = arith.constant 0 : i32
    %c0_i32_0 = arith.constant 0 : i32
    return %c0_i32, %arg0 : i32, i32
  }
  func.func @transform_3(%arg0: i32) -> (i32, i32) {
    %c0_i32 = arith.constant 0 : i32
    %c0_i32_0 = arith.constant 0 : i32
    return %arg0, %c0_i32 : i32, i32
  }
  func.func @transform_4(%arg0: i32) -> (i32, i32) {
    %c0_i32 = arith.constant 0 : i32
    %c0_i32_0 = arith.constant 0 : i32
    %c0_i32_1 = arith.constant 0 : i32
    return %c0_i32, %c0_i32_0 : i32, i32
  }
  func.func @transform_5(%arg0: i32) -> (i32, i32) {
    %c0_i32 = arith.constant 0 : i32
    %c0_i32_0 = arith.constant 0 : i32
    %c0_i32_1 = arith.constant 0 : i32
    return %c0_i32, %c0_i32_0 : i32, i32
  }
  func.func @transform_6(%arg0: i32) -> (i32, i32) {
    %c0_i32 = arith.constant 0 : i32
    %c0_i32_0 = arith.constant 0 : i32
    %c0_i32_1 = arith.constant 0 : i32
    return %c0_i32, %c0_i32_0 : i32, i32
  }
  func.func @transform_7(%arg0: i32) -> (i32, i32) {
    %c0_i32 = arith.constant 0 : i32
    %c0_i32_0 = arith.constant 0 : i32
    %c0_i32_1 = arith.constant 0 : i32
    return %c0_i32, %c0_i32_0 : i32, i32
  }
  func.func @transform_8(%arg0: i32) -> (i32, i32) {
    %c0_i32 = arith.constant 0 : i32
    %c0_i32_0 = arith.constant 0 : i32
    %c0_i32_1 = arith.constant 0 : i32
    return %c0_i32, %c0_i32_0 : i32, i32
  }
  func.func @transform_9(%arg0: i32) -> (i32, i32) {
    %c0_i32 = arith.constant 0 : i32
    %c0_i32_0 = arith.constant 0 : i32
    %c0_i32_1 = arith.constant 0 : i32
    return %c0_i32, %c0_i32_0 : i32, i32
  }
  func.func @transform_10(%arg0: i32) -> (i32, i32) {
    %c0_i32 = arith.constant 0 : i32
    %c0_i32_0 = arith.constant 0 : i32
    %c0_i32_1 = arith.constant 0 : i32
    return %c0_i32, %c0_i32_0 : i32, i32
  }
  func.func @transform_11(%arg0: i32) -> (i32, i32) {
    %c0_i32 = arith.constant 0 : i32
    %c0_i32_0 = arith.constant 0 : i32
    %c0_i32_1 = arith.constant 0 : i32
    return %c0_i32, %c0_i32_0 : i32, i32
  }
  func.func @transform_12(%arg0: i32) -> (i32, i32) {
    %c0_i32 = arith.constant 0 : i32
    %c0_i32_0 = arith.constant 0 : i32
    %c0_i32_1 = arith.constant 0 : i32
    return %c0_i32, %c0_i32_0 : i32, i32
  }
  func.func @transform_13(%arg0: i32) -> (i32, i32) {
    %c0_i32 = arith.constant 0 : i32
    %c0_i32_0 = arith.constant 0 : i32
    %c0_i32_1 = arith.constant 0 : i32
    return %c0_i32, %c0_i32_0 : i32, i32
  }
  func.func @transform_14(%arg0: i32) -> (i32, i32) {
    %c0_i32 = arith.constant 0 : i32
    %c0_i32_0 = arith.constant 0 : i32
    %c0_i32_1 = arith.constant 0 : i32
    return %c0_i32, %c0_i32_0 : i32, i32
  }
  func.func @transform_15(%arg0: i32) -> (i32, i32) {
    %c0_i32 = arith.constant 0 : i32
    %c0_i32_0 = arith.constant 0 : i32
    return %arg0, %c0_i32 : i32, i32
  }
  func.func @transform_16(%arg0: i32) -> (i32, i32) {
    %c0_i32 = arith.constant 0 : i32
    %c0_i32_0 = arith.constant 0 : i32
    return %arg0, %c0_i32 : i32, i32
  }
  func.func @transform_17(%arg0: i32) -> (i32, i32) {
    %c0_i32 = arith.constant 0 : i32
    %c0_i32_0 = arith.constant 0 : i32
    return %arg0, %c0_i32 : i32, i32
  }
  func.func @transform_18(%arg0: i32) -> (i32, i32) {
    %c0_i32 = arith.constant 0 : i32
    %c0_i32_0 = arith.constant 0 : i32
    return %arg0, %c0_i32 : i32, i32
  }
}

module attributes {stable_mosaic.version = 14 : i64} {
  func.func @body(%arg0: i32, %arg1: memref<512x16xf32, #tpu.memory_space<vmem>>, %arg2: memref<512x256xf32, #tpu.memory_space<vmem>>, %arg3: memref<512x256xf32, #tpu.memory_space<vmem>>, %arg4: memref<16x256xf32, #tpu.memory_space<vmem>>, %arg5: memref<1x256xf32, #tpu.memory_space<vmem>>, %arg6: memref<256x256xbf16, #tpu.memory_space<vmem>>, %arg7: memref<1x256xf32, #tpu.memory_space<vmem>>, %arg8: memref<256x1xf32, #tpu.memory_space<vmem>>, %arg9: memref<1x1xf32, #tpu.memory_space<vmem>>, %arg10: memref<512x1xf32, #tpu.memory_space<vmem>>, %arg11: memref<512x1xf32, #tpu.memory_space<vmem>>) attributes {dimension_semantics = [#tpu.dimension_semantics<arbitrary>], iteration_bounds = array<i64: 625>, scalar_prefetch = 0 : i64, scratch_operands = 0 : i64, tpu.core_type = #tpu.core_type<tc>, window_params = [{transform_indices = @transform_0, window_bounds = array<i64: 512, 16>}, {transform_indices = @transform_1, window_bounds = array<i64: 512, 256>}, {transform_indices = @transform_2, window_bounds = array<i64: 512, 256>}, {pipeline_mode = #tpu.pipeline_mode<synchronous>, transform_indices = @transform_3, window_bounds = array<i64: 16, 256>}, {pipeline_mode = #tpu.pipeline_mode<synchronous>, transform_indices = @transform_4, window_bounds = array<i64: 1, 256>}, {pipeline_mode = #tpu.pipeline_mode<synchronous>, transform_indices = @transform_5, window_bounds = array<i64: 256, 256>}, {pipeline_mode = #tpu.pipeline_mode<synchronous>, transform_indices = @transform_6, window_bounds = array<i64: 1, 256>}, {pipeline_mode = #tpu.pipeline_mode<synchronous>, transform_indices = @transform_7, window_bounds = array<i64: 256, 1>}, {pipeline_mode = #tpu.pipeline_mode<synchronous>, transform_indices = @transform_8, window_bounds = array<i64: 1, 1>}, {transform_indices = @transform_9, window_bounds = array<i64: 512, 1>}, {transform_indices = @transform_10, window_bounds = array<i64: 512, 1>}]} {
    %get3A = arith.constant 0 : index
    %get3A_0 = arith.constant 0 : index
    %get3A_1 = vector.load %arg1[%get3A, %get3A_0] : memref<512x16xf32, #tpu.memory_space<vmem>>, vector<512x16xf32>
    %get3A_2 = arith.constant 0 : index
    %get3A_3 = arith.constant 0 : index
    %get3A_4 = vector.load %arg4[%get3A_2, %get3A_3] : memref<16x256xf32, #tpu.memory_space<vmem>>, vector<16x256xf32>
    %dot_general3A = arith.constant dense<0.000000e+00> : vector<512x256xf32>
    %dot_general3A_5 = tpu.matmul %get3A_1, %get3A_4, %dot_general3A {dimension_numbers = #tpu.dot_dimension_numbers<[1], [0], [0], [1], [0, 0, 1, 1], [], []>, transpose_lhs_hint = false} : vector<512x16xf32>, vector<16x256xf32>, vector<512x256xf32> -> vector<512x256xf32>
    %get3A_6 = arith.constant 0 : index
    %get3A_7 = arith.constant 0 : index
    %get3A_8 = vector.load %arg5[%get3A_6, %get3A_7] : memref<1x256xf32, #tpu.memory_space<vmem>>, vector<1x256xf32>
    %add3A = vector.broadcast %get3A_8 : vector<1x256xf32> to vector<512x256xf32>
    %add3A_9 = arith.addf %dot_general3A_5, %add3A : vector<512x256xf32>
    %max3A = arith.constant 0.000000e+00 : f32
    %max3A_10 = vector.broadcast %max3A : f32 to vector<512x256xf32>
    %max3A_11 = arith.maximumf %add3A_9, %max3A_10 : vector<512x256xf32>
    %get3A_12 = arith.constant 0 : index
    %get3A_13 = arith.constant 0 : index
    %get3A_14 = vector.load %arg2[%get3A_12, %get3A_13] : memref<512x256xf32, #tpu.memory_space<vmem>>, vector<512x256xf32>
    %get3A_15 = arith.constant 0 : index
    %get3A_16 = arith.constant 0 : index
    %get3A_17 = vector.load %arg3[%get3A_15, %get3A_16] : memref<512x256xf32, #tpu.memory_space<vmem>>, vector<512x256xf32>
    %add3A_18 = arith.addf %get3A_14, %get3A_17 : vector<512x256xf32>
    %get3A_19 = arith.constant 0 : index
    %get3A_20 = arith.constant 0 : index
    %get3A_21 = vector.load %arg7[%get3A_19, %get3A_20] : memref<1x256xf32, #tpu.memory_space<vmem>>, vector<1x256xf32>
    %add3A_22 = vector.broadcast %get3A_21 : vector<1x256xf32> to vector<512x256xf32>
    %add3A_23 = arith.addf %add3A_18, %add3A_22 : vector<512x256xf32>
    %convert_element_type3A = arith.truncf %max3A_11 : vector<512x256xf32> to vector<512x256xbf16>
    %get3A_24 = arith.constant 0 : index
    %get3A_25 = arith.constant 0 : index
    %get3A_26 = vector.load %arg6[%get3A_24, %get3A_25] : memref<256x256xbf16, #tpu.memory_space<vmem>>, vector<256x256xbf16>
    %dot_general3A_27 = arith.constant dense<0.000000e+00> : vector<512x256xf32>
    %dot_general3A_28 = tpu.matmul %convert_element_type3A, %get3A_26, %dot_general3A_27 {dimension_numbers = #tpu.dot_dimension_numbers<[1], [0], [0], [1], [0, 0, 1, 1], [], []>, transpose_lhs_hint = false} : vector<512x256xbf16>, vector<256x256xbf16>, vector<512x256xf32> -> vector<512x256xf32>
    %add3A_29 = arith.addf %add3A_23, %dot_general3A_28 : vector<512x256xf32>
    %max3A_30 = arith.constant 0.000000e+00 : f32
    %max3A_31 = vector.broadcast %max3A_30 : f32 to vector<512x256xf32>
    %max3A_32 = arith.maximumf %add3A_29, %max3A_31 : vector<512x256xf32>
    %get3A_33 = arith.constant 0 : index
    %get3A_34 = arith.constant 0 : index
    %get3A_35 = vector.load %arg8[%get3A_33, %get3A_34] : memref<256x1xf32, #tpu.memory_space<vmem>>, vector<256x1xf32>
    %dot_general3A_36 = arith.constant dense<0.000000e+00> : vector<512x1xf32>
    %dot_general3A_37 = tpu.matmul %max3A_32, %get3A_35, %dot_general3A_36 {dimension_numbers = #tpu.dot_dimension_numbers<[1], [0], [0], [1], [0, 0, 1, 1], [], []>, transpose_lhs_hint = false} : vector<512x256xf32>, vector<256x1xf32>, vector<512x1xf32> -> vector<512x1xf32>
    %get3A_38 = arith.constant 0 : index
    %get3A_39 = arith.constant 0 : index
    %get3A_40 = vector.load %arg9[%get3A_38, %get3A_39] : memref<1x1xf32, #tpu.memory_space<vmem>>, vector<1x1xf32>
    %add3A_41 = vector.broadcast %get3A_40 : vector<1x1xf32> to vector<512x1xf32>
    %add3A_42 = arith.addf %dot_general3A_37, %add3A_41 : vector<512x1xf32>
    %swap3A = arith.constant 0 : index
    %swap3A_43 = arith.constant 0 : index
    %swap3A_44 = vector.load %arg10[%swap3A, %swap3A_43] : memref<512x1xf32, #tpu.memory_space<vmem>>, vector<512x1xf32>
    tpu.vector_store %arg10[%swap3A, %swap3A_43], %add3A_42 {strides = array<i32>} : memref<512x1xf32, #tpu.memory_space<vmem>>, vector<512x1xf32>,
    %logistic3A = arith.negf %add3A_42 : vector<512x1xf32>
    %logistic3A_45 = math.exp %logistic3A : vector<512x1xf32>
    %logistic3A_46 = arith.constant 1.000000e+00 : f32
    %logistic3A_47 = vector.broadcast %logistic3A_46 : f32 to vector<512x1xf32>
    %logistic3A_48 = arith.addf %logistic3A_47, %logistic3A_45 : vector<512x1xf32>
    %logistic3A_49 = arith.divf %logistic3A_47, %logistic3A_48 : vector<512x1xf32>
    %swap3A_50 = arith.constant 0 : index
    %swap3A_51 = arith.constant 0 : index
    %swap3A_52 = vector.load %arg11[%swap3A_50, %swap3A_51] : memref<512x1xf32, #tpu.memory_space<vmem>>, vector<512x1xf32>
    tpu.vector_store %arg11[%swap3A_50, %swap3A_51], %logistic3A_49 {strides = array<i32>} : memref<512x1xf32, #tpu.memory_space<vmem>>, vector<512x1xf32>,
    return
  }
  func.func @transform_0(%arg0: i32) -> (i32, i32) {
    %c0_i32 = arith.constant 0 : i32
    %c0_i32_0 = arith.constant 0 : i32
    return %arg0, %c0_i32 : i32, i32
  }
  func.func @transform_1(%arg0: i32) -> (i32, i32) {
    %c0_i32 = arith.constant 0 : i32
    %c0_i32_0 = arith.constant 0 : i32
    return %arg0, %c0_i32 : i32, i32
  }
  func.func @transform_2(%arg0: i32) -> (i32, i32) {
    %c0_i32 = arith.constant 0 : i32
    %c0_i32_0 = arith.constant 0 : i32
    return %arg0, %c0_i32 : i32, i32
  }
  func.func @transform_3(%arg0: i32) -> (i32, i32) {
    %c0_i32 = arith.constant 0 : i32
    %c0_i32_0 = arith.constant 0 : i32
    %c0_i32_1 = arith.constant 0 : i32
    return %c0_i32, %c0_i32_0 : i32, i32
  }
  func.func @transform_4(%arg0: i32) -> (i32, i32) {
    %c0_i32 = arith.constant 0 : i32
    %c0_i32_0 = arith.constant 0 : i32
    %c0_i32_1 = arith.constant 0 : i32
    return %c0_i32, %c0_i32_0 : i32, i32
  }
  func.func @transform_5(%arg0: i32) -> (i32, i32) {
    %c0_i32 = arith.constant 0 : i32
    %c0_i32_0 = arith.constant 0 : i32
    %c0_i32_1 = arith.constant 0 : i32
    return %c0_i32, %c0_i32_0 : i32, i32
  }
  func.func @transform_6(%arg0: i32) -> (i32, i32) {
    %c0_i32 = arith.constant 0 : i32
    %c0_i32_0 = arith.constant 0 : i32
    %c0_i32_1 = arith.constant 0 : i32
    return %c0_i32, %c0_i32_0 : i32, i32
  }
  func.func @transform_7(%arg0: i32) -> (i32, i32) {
    %c0_i32 = arith.constant 0 : i32
    %c0_i32_0 = arith.constant 0 : i32
    %c0_i32_1 = arith.constant 0 : i32
    return %c0_i32, %c0_i32_0 : i32, i32
  }
  func.func @transform_8(%arg0: i32) -> (i32, i32) {
    %c0_i32 = arith.constant 0 : i32
    %c0_i32_0 = arith.constant 0 : i32
    %c0_i32_1 = arith.constant 0 : i32
    return %c0_i32, %c0_i32_0 : i32, i32
  }
  func.func @transform_9(%arg0: i32) -> (i32, i32) {
    %c0_i32 = arith.constant 0 : i32
    %c0_i32_0 = arith.constant 0 : i32
    return %arg0, %c0_i32 : i32, i32
  }
  func.func @transform_10(%arg0: i32) -> (i32, i32) {
    %c0_i32 = arith.constant 0 : i32
    %c0_i32_0 = arith.constant 0 : i32
    return %arg0, %c0_i32 : i32, i32
  }
}

</mosaic_0001>

<sc_bundles>
// kernel: kernel.17.cloned.1.call-start
scs
__scs_entry_jumppad:
0x0: {  	(pc) =	sbr.rel $0x88, $3  }
0x1: {  	(tag) =	ssettag $0x0;
	lr =	simm.s32 $0x1  }
0x2: {  	[smem:$0x3F79] =	sst lr;
	_ =	strace $0xD0000000  }
0x3: {  	_ = 	snop  }
0x4: {  	_ = 	snop  }
0x5: {  	_ = 	snop  }
0x6: {  	_ = 	snop  }
0x7: {  	_ = 	snop  }
__scs_overlays_trampoline_lowered:
0x8: {  	[smem:$0x3F88] =	sst s0  }
0x9: {  	[smem:$0x3F89] =	sst s1  }
0xa: {  	[smem:$0x3F8A] =	sst s2  }
0xb: {  	[smem:$0x3F8B] =	sst s3  }
0xc: {  	[smem:$0x3F8C] =	sst s4  }
0xd: {  	[smem:$0x3F8D] =	sst s5  }
0xe: {  	[smem:$0x3F8E] =	sst s6  }
0xf: {  	[smem:$0x3F8F] =	sst s7  }
0x10: {  	[smem:$0x3F90] =	sst s8  }
0x11: {  	[smem:$0x3F91] =	sst s9;
	s0 =	simm.s32 @!p0 $0x0  }
0x12: {  	s1 =	sld [smem:$0x3F77];
	s0 =	simm.s32 @p0 $0x1  }
0x13: {  	[smem:$0x3F92] =	sst s0;
	s0 =	simm.s32 @!p1 $0x0  }
0x14: {  	s2 =	sld [smem:$0x3F76];
	s0 =	simm.s32 @p1 $0x1  }
0x15: {  	[smem:$0x3F93] =	sst s0;
	s0 =	simm.s32 @!p2 $0x0  }
0x16: {  	s3 =	sld [smem:$0x3FDB];
	s0 =	simm.s32 @p2 $0x1  }
0x17: {  	s4 =	simm.s32 $0x1BF5;
	[smem:$0x3F95] =	sst s0  }
0x18: {  	s0 =	sld [smem:$0x3F78];
	_ =	swait.ge [sflag:s4], $0x0  }
0x19: {  	s7 =	sld [smem:$0x3F79]  }
0x1a: {  	s8 =	sadd.s32 $0xFFFFE003, lr  }
0x1b: {  	s9 =	sadd.s32 $0xFFFFFEF7, lr;
	s5 =	simm.s32 $0xFFFFFFFF;
	p2 =	slt.u32 s8, $0xFFFFF086  }
0x1c: {  	p1 =	slt.u32 s9, $0xF7A;
	s5 =	simm.s32 @!p2 $0x0  }
0x1d: {  	s5 =	simm.s32 @p1 $0x1;
	p0 =	seq.s32 s7, s2  }
0x1e: {  	s7 =	smul.u32 @!p0 $0xF7A, s2;
	p2 =	seq.s32 @!p0 s5, $0x0  }
0x1f: {  	s9 =	smul.u32 $0xF7A, s1;
	s8 =	simm.s32 @!p0 $0x1BF5;
	p2 =	por !p2, p0  }
0x20: {  	[sflag:s8] =	ssyncset.s32 @!p0 $0xFFFFF086;
	s6 =	sadd.s32 @!p0 s3, s7;
	s7 =	simm.s32 @!p0 $0x108  }
0x21: {  	s3 =	sadd.s32 s3, s9;
	s6 =	sadd.s32 @!p0 $0x88, s6;
	s7 =	simm.s32 @p2 $0x1082  }
0x22: {  	[simem:s7], [sflag:s8] =	dma.local @!p0 [hbm:s6], $0xF7A  }
0x23: {  	s9 =	sor.u32 $0xD0000000, s2;
	s6 =	simm.s32 $0x108;
	_ =	swait.ge @!p0 [sflag:s8], $0x0  }
0x24: {  	s3 =	sadd.s32 $0x88, s3;
	s6 =	simm.s32 @!p1 $0x1082;
	[sflag:s4] =	ssyncset.s32 $0xFFFFF086  }
0x25: {  	[simem:s6], [sflag:s4] =	dma.local [hbm:s3], $0xF7A  }
0x26: {  	[smem:$0x3F79] =	sst s1;
	(tag) =	ssettag s2;
	_ =	strace s9  }
0x27: {  	s1 =	sld [smem:$0x3F89]  }
0x28: {  	s2 =	sld [smem:$0x3F8A]  }
0x29: {  	s4 =	sld [smem:$0x3F8C]  }
0x2a: {  	p0 =	seq.s32 s5, $0x0;
	s5 =	sld [smem:$0x3F8D]  }
0x2b: {  	s6 =	sld [smem:$0x3F8E]  }
0x2c: {  	s7 =	sld [smem:$0x3F8F]  }
0x2d: {  	s3 =	simm.s32 $0x108;
	s8 =	sld [smem:$0x3F90]  }
0x2e: {  	s3 =	simm.s32 @!p0 $0x1082;
	s9 =	sld [smem:$0x3F91]  }
0x2f: {  	lr =	sadd.s32 s0, s3;
	s0 =	sld [smem:$0x3F88]  }
0x30: {  	s3 =	sld [smem:$0x3F8B]  }
0x31: {  	[smem:$0x3F94] =	sst s10  }
0x32: {  	s10 =	sld [smem:$0x3F92];
	_ =	sdelay $0x3  }
0x33: {  	p0 =	seq.s32 s10, $0x1;
	s10 =	sld [smem:$0x3F94];
	_ =	sdelay $0x3  }
0x34: {  	[smem:$0x3F94] =	sst s10  }
0x35: {  	s10 =	sld [smem:$0x3F93];
	_ =	sdelay $0x3  }
0x36: {  	p1 =	seq.s32 s10, $0x1;
	s10 =	sld [smem:$0x3F94];
	_ =	sdelay $0x3  }
0x37: {  	[smem:$0x3F94] =	sst s10  }
0x38: {  	s10 =	sld [smem:$0x3F95]  }
0x39: {  	_ = 	snop;
	(pc) =	sbr.ind lr, $3  }
0x3a: {  	_ = 	snop  }
0x3b: {  	_ = 	snop  }
0x3c: {  	p2 =	seq.s32 s10, $0x1;
	s10 =	sld [smem:$0x3F94]  }
0x3d: {  	_ =	shalt  }
0x3e: {  	_ =	shalt  }
0x3f: {  	_ =	shalt  }
0x40: {  	_ =	shalt  }
0x41: {  	_ =	shalt  }
0x42: {  	_ =	shalt  }
0x43: {  	_ =	shalt  }
0x44: {  	_ =	shalt  }
0x45: {  	_ =	shalt  }
0x46: {  	_ =	shalt  }
0x47: {  	_ =	shalt  }
0x48: {  	_ =	shalt  }
0x49: {  	_ =	shalt  }
0x4a: {  	_ =	shalt  }
0x4b: {  	_ =	shalt  }
0x4c: {  	_ =	shalt  }
0x4d: {  	_ =	shalt  }
0x4e: {  	_ =	shalt  }
0x4f: {  	_ =	shalt  }
0x50: {  	_ =	shalt  }
0x51: {  	_ =	shalt  }
0x52: {  	_ =	shalt  }
0x53: {  	_ =	shalt  }
0x54: {  	_ =	shalt  }
0x55: {  	_ =	shalt  }
0x56: {  	_ =	shalt  }
0x57: {  	_ =	shalt  }
0x58: {  	_ =	shalt  }
0x59: {  	_ =	shalt  }
0x5a: {  	_ =	shalt  }
0x5b: {  	_ =	shalt  }
0x5c: {  	_ =	shalt  }
0x5d: {  	_ =	shalt  }
0x5e: {  	_ =	shalt  }
0x5f: {  	_ =	shalt  }
0x60: {  	_ =	shalt  }
0x61: {  	_ =	shalt  }
0x62: {  	_ =	shalt  }
0x63: {  	_ =	shalt  }
0x64: {  	_ =	shalt  }
0x65: {  	_ =	shalt  }
0x66: {  	_ =	shalt  }
0x67: {  	_ =	shalt  }
0x68: {  	_ =	shalt  }
0x69: {  	_ =	shalt  }
0x6a: {  	_ =	shalt  }
0x6b: {  	_ =	shalt  }
0x6c: {  	_ =	shalt  }
0x6d: {  	_ =	shalt  }
0x6e: {  	_ =	shalt  }
0x6f: {  	_ =	shalt  }
0x70: {  	_ =	shalt  }
0x71: {  	_ =	shalt  }
0x72: {  	_ =	shalt  }
0x73: {  	_ =	shalt  }
0x74: {  	_ =	shalt  }
0x75: {  	_ =	shalt  }
0x76: {  	_ =	shalt  }
0x77: {  	_ =	shalt  }
0x78: {  	_ =	shalt  }
0x79: {  	_ =	shalt  }
0x7a: {  	_ =	shalt  }
0x7b: {  	_ =	shalt  }
0x7c: {  	_ =	shalt  }
0x7d: {  	_ =	shalt  }
0x7e: {  	_ =	shalt  }
0x7f: {  	_ =	shalt  }
0x80: {  	_ =	shalt  }
0x81: {  	_ =	shalt  }
0x82: {  	_ =	shalt  }
0x83: {  	_ =	shalt  }
0x84: {  	_ =	shalt  }
0x85: {  	_ =	shalt  }
0x86: {  	_ =	shalt  }
0x87: {  	_ =	shalt  }
.Lfunc_end0:
.L_simem_size_0:
called_computation_lowered:
.L_overlay_start_0:
0x88: {  	s2 =	sld [smem:$0x3FD9]  }
0x89: {  	s3 =	sld [smem:$0x3FFE];
	_ =	sdelay $0x1  }
0x8a: {  	s1 =	srdreg.scid  }
0x8b: {  	s0 =	sand.u32 $0x1, s1  }
0x8c: {  	s16 =	sshll.u32 s0, $0xA;
	s2 =	sadd.s32 s3, s2  }
0x8d: {  	s2 =	sadd.s32 s2, s16  }
0x8e: {  	[smem:$0x3FA0] =	sst s2  }
0x8f: {  	_ = 	snop  }
0x90: {  	(tm) =	ssettm $0x1  }
0x91: {  	s17 =	sld [smem:$0x3FFB];
	_ =	sdelay $0x3  }
0x92: {  	_ =	strace s17  }
0x93: {  	s2 =	sld [smem:$0x3FFC];
	_ =	sdelay $0x3  }
0x94: {  	_ =	strace s2  }
0x95: {  	s2 =	sld [smem:$0x3FFD];
	_ =	sdelay $0x3  }
0x96: {  	_ =	strace s2  }
0x97: {  	_ =	strace $0x8FFFFFFF  }
0x98: {  	s18 =	sld [smem:$0x3FDB];
	_ =	sdelay $0x1  }
0x99: {  	s19 =	simm.s32 $_scs_section_size  }
0x9a: {  	s4 =	simm.s32 $_size__tile_overlayer_lowered;
	s5 =	simm.s32 $_tile_overlayer_lowered  }
0x9b: {  	s22 =	simm.s32 $0x1BFF;
	s21 =	sshll.u32 s5, $0x1;
	s2 =	sadd.s32 s19, s18  }
0x9c: {  	s6 =	simm.s32 $0x0;
	s20 =	sshll.u32 s4, $0x1;
	s4 =	sadd.s32 s21, s2  }
0x9d: {  	[timem:s6], [sflag:s22] =	dma.local [hbm:s4], s20  }
0x9e: {  	_ =	swait.ge [sflag:s22], s20  }
0x9f: {  	s3 =	ssub.s32 $0x0, s20;
	[sflag:s22] =	ssyncset.done $0x0  }
0xa0: {  	[sflag:s22] =	ssyncadd.s32 s3;
	_ =	sdelay $0x1  }
0xa1: {  	s23 =	simm.s32 $0x1B8B  }
0xa2: {  	_ =	swait.ge [sflag:s23], $0x1  }
0xa3: {  	[sflag:s23] =	ssyncset.done $0x0  }
0xa4: {  	s25 =	simm.s32 $0x1B8E;
	s24 =	sld [smem:$0x3FFE];
	[sflag:s23] =	ssyncadd.s32 $0xFFFFFFFF  }
0xa5: {  	s26 =	simm.s32 $execute0_lowered;
	[smem:$0x3FD2] =	sst s25  }
0xa6: {  	s4 =	sshll.u32 s26, $0x1;
	_ =	strace $0x80000046;
	[dreg:$0x1] =	wrdreg $0xFFFFFFFF  }
0xa7: {  	s28 =	simm.s32 $_size_execute0_lowered;
	s2 =	sadd.s32 s2, s4;
	[dreg:$0x0] =	wrdreg $0x0  }
0xa8: {  	s4 =	sshll.u32 s28, $0x1;
	[dreg:$0x2] =	wrdreg s2  }
0xa9: {  	[dreg:$0x3] =	wrdreg s4  }
0xaa: {  	[dreg:$0x4] =	wrdreg $0xC0  }
0xab: {  	_ =	task [dreg:s6], $0x5FFFF  }
0xac: {  	[dreg:$0x1] =	wrdreg $0xFFFFFFFF  }
0xad: {  	[dreg:$0x0] =	wrdreg $0x60  }
0xae: {  	[dreg:$0x2] =	wrdreg s24  }
0xaf: {  	[dreg:$0x3] =	wrdreg $0x9  }
0xb0: {  	_ =	task.clear_ibuf [dreg:s6], $0x4FFFF;
	_ =	strace $0x90000046  }
0xb1: {  	s29 =	simm.s32 $0x9;
	_ =	strace $0x80000048  }
0xb2: {  	_ =	swait.ge [sflag:s29], $0x1  }
0xb3: {  	[sflag:s29] =	ssyncadd.s32 $0xFFFFFFFF  }
0xb4: {  	_ =	strace $0x90000048  }
0xb5: {  	_ =	sfence  }
0xb6: {  	s30 =	sld [smem:$0x0];
	_ =	sdelay $0x2  }
0xb7: {  	s31 =	sshll.u32 s1, $0xD;
	s1 =	sshrl.u32 s1, $0x2  }
0xb8: {  	s3 =	sand.u32 $0x4000, s31;
	s1 =	sadd.s32 s1, s30  }
0xb9: {  	s0 =	sor.u32 s3, s0;
	s1 =	sshll.u32 s1, $0x11  }
0xba: {  	s0 =	sor.u32 s1, s0  }
0xbb: {  	s0 =	sadd.s32 $0x8F2B, s0  }
0xbc: {  	[sflag:s0] =	ssyncadd.remote.s32 $0x1  }
0xbd: {  	_ =	sfence.sel $0xFFFF  }
0xbe: {  	[dreg:$0x0] =	wrdreg $0xFFFFFFFF;
	(pc) =	sbr.abs _section_cstart, $3  }
0xbf: {  	[dreg:$0x1] =	wrdreg $0xFFFFFFFF  }
0xc0: {  	_ =	task.clear_ibuf [dreg:s6], $0x2FFFF;
	_ =	strace $0x9FFFFFFF  }
0xc1: {  	(tm) =	ssettm $0x7FFFFFFF  }
tec
execute0_lowered:
.L_overlay_start_1:
0x0: {  	(tag) =	ssettag $0x1  }
0x1: {  	s0 =	rddreg [dreg:$0x0];
	s2 =	simm.s32 $0x0  }
0x2: {  	s15 =	stileid.u32;
	s1 =	srdreg.scid;
	s28 =	simm.s32 $0x80  }
0x3: {  	[smem:$0x7FF] =	sst s2;
	s1 =	sand.u32 $0x1, s1;
	s5 =	smul.u32 $0x138800, s15  }
0x4: {  	s4 =	sshll.u32 s15, $0x1;
	s3 =	sadd.s32 $0x1E800, s0;
	s11 =	smul.u32 $0x4E20, s15  }
0x5: {  	s8 =	sadd.s32 $0x14A00, s0;
	s7 =	sadd.s32 $0x15E800, s0;
	s30 =	smul.u32 $0x9C400, s15  }
0x6: {  	s9 =	sadd.s32 $0xAC00, s0;
	_ =	strace $0x80000047;
	s14 =	smul.u32 $0x2710, s1  }
0x7: {  	s6 =	sor.u32 s1, s4;
	s4 =	sadd.s32 $0x6E800, s0;
	s31 =	smul.u32 $0x4E200, s1  }
0x8: {  	s10 =	ssub.s32 $0x2, s1;
	s1 =	smul.u32 $0x9C400, s1;
	[dreg:$0x4] =	wrdreg s28  }
0x9: {  	s6 =	smul.u32 $0x2710, s6;
	s5 =	sadd.s32 s5, s0;
	s12 =	sshrl.u32 s10, $0x1  }
0xa: {  	s15 =	sadd.s32 s30, s7;
	s30 =	simm.s32 $0xAA00;
	s10 =	ssub.s32 s10, s12  }
0xb: {  	s11 =	sadd.s32 s14, s11;
	s17 =	sadd.s32 s31, s15;
	s24 =	sadd.s32 s1, s5  }
0xc: {  	s12 =	simm.s32 $0x200;
	[dreg:$0x8] =	wrdreg s30;
	s31 =	simm.s32 $0xB200  }
0xd: {  	s1 =	simm.s32 $0x1;
	s6 =	sadd.s32 $0x26C0, s6;
	s16 =	sadd.s32 $0x50, s11  }
0xe: {  	s10 =	smax.u32 s10, $0x1;
	s20 =	sshrl.u32 s11, $0x3;
	[dreg:$0x9] =	wrdreg s31  }
0xf: {  	s21 =	sadd.s32 $0x28, s11;
	[dreg:$0xc] =	wrdreg s10;
	s22 =	sadd.s32 s20, s8  }
0x10: {  	s13 =	sshrl.u32 s6, $0x3;
	s26 =	sadd.s32 s20, s9;
	[dreg:$0x3] =	wrdreg s22  }
0x11: {  	s6 =	sshll.u32 s6, $0x5;
	s29 =	sadd.s32 s8, s13;
	[dreg:$0x6] =	wrdreg s26  }
0x12: {  	s18 =	sshrl.u32 s16, $0x3;
	s6 =	sadd.s32 s7, s6;
	[dreg:$0xa] =	wrdreg s29  }
0x13: {  	s7 =	sadd.s32 $0x6E900, s0;
	s0 =	sadd.s32 $0xA00, s17;
	[dreg:$0xb] =	wrdreg s6  }
0x14: {  	s23 =	sshrl.u32 s21, $0x3;
	s19 =	sadd.s32 s18, s8;
	[dreg:$0xd] =	wrdreg s0  }
0x15: {  	s5 =	simm.s32 $0xA200;
	s25 =	sadd.s32 s23, s9;
	[dreg:$0x2] =	wrdreg s19  }
0x16: {  	v2 =	vlaneseq.u32;
	s11 =	simm.s32 $0x2;
	s0 =	sadd.s32 $0xB23200, s24;
	[dreg:$0x5] =	wrdreg s25  }
0x17: {  	vm0 =	vmmov $0xffff;
	v1 =	vshrl.u32 v2, $0x3;
	s16 =	simm.s32 $0xF200;
	s29 =	simm.s32 $0x100;
	[dreg:$0xe] =	wrdreg s0  }
0x18: {  	v0 =	vand.u32 $0x7, v2;
	v2 =	vor.u32 $0x8, v2;
	v1 =	vmul.u32 $0x8, v1;
	s22 =	simm.s32 $0x5200;
	s6 =	simm.s32 $0x0;
	[dreg:$0x7] =	wrdreg s29  }
.LBB2_1:
0x19: {  	[dreg:$0xf] =	wrdreg s6  }
0x1a: {  	s29 =	rddreg [dreg:$0xd];
	s30 =	simm.s32 $0x0;
	s8 =	simm.s32 $0x1200  }
0x1b: {  	s9 =	simm.s32 $0x1A00;
	s10 =	simm.s32 $0x2200;
	s13 =	simm.s32 $0x2A00  }
0x1c: {  	s14 =	simm.s32 $0x3200;
	s15 =	simm.s32 $0x3A00;
	s6 =	simm.s32 $0xA00  }
0x1d: {  	s18 =	simm.s32 $0x5A00;
	s24 =	simm.s32 $0x6200;
	s19 =	simm.s32 $0x6A00  }
0x1e: {  	s20 =	simm.s32 $0x7200;
	s25 =	simm.s32 $0x7A00;
	s26 =	simm.s32 $0x8200  }
0x1f: {  	s21 =	simm.s32 $0x8A00;
	s28 =	simm.s32 $0x9200;
	s17 =	simm.s32 $0x9A00  }
.LBB2_2:
0x20: {  	s31 =	rddreg [dreg:$0x3]  }
0x21: {  	s31 =	sadd.s32 s30, s31  }
0x22: {  	[tilespmem:s2], [sflag:$0x2] =	stream.linear.gather [hbm4b:s31+s2], $0x50, $0x38;
	[tilespmem:$0x14200] =	vst v63  }
0x23: {  	_ =	swait.ge [sflag:s11], $0x50  }
0x24: {  	[sflag:s11] =	ssyncset.done $0x0  }
0x25: {  	[sflag:s11] =	ssyncadd.s32 $0xFFFFFFB0  }
0x26: {  	v3 =	vld [tilespmem:$0x0];
	_ =	sdelay $0x4  }
0x27: {  	v4 =	vshll.u32 v3, $0x1  }
0x28: {  	v3 =	vand.u32 $0x7, v3;
	v4 =	vand.u32 $0xFFFFFFF0, v4  }
0x29: {  	v3 =	vor.u32 v3, v4  }
0x2a: {  	v4 =	vperm.xlane v3, v0;
	_ =	sdelay $0x1  }
0x2b: {  	v3 =	vperm.xlane v3, v2;
	v4 =	vadd.s32 v1, v4;
	_ =	sdelay $0x1  }
0x2c: {  	v3 =	vadd.s32 v1, v3;
	_ =	sdelay $0x2  }
0x2d: {  	[tilespmem:s12], [sflag:$0x1] =	stream.indirect_vreg.gather [hbm4b:s3+s2], $0x80, v4, vm0, $0xb8;
	[tilespmem:$0x14200] =	vst v63  }
0x2e: {  	_ = 	snop  }
0x2f: {  	[tilespmem:s6], [sflag:$0x1] =	stream.indirect_vreg.gather [hbm4b:s3+s2], $0x80, v3, vm0, $0xb8;
	[tilespmem:$0x14200] =	vst v63  }
0x30: {  	v3 =	vld [tilespmem:$0x10];
	_ =	sdelay $0x4  }
0x31: {  	v55 =	vshll.u32 v3, $0x1  }
0x32: {  	v3 =	vand.u32 $0x7, v3;
	v4 =	vand.u32 $0xFFFFFFF0, v55  }
0x33: {  	v3 =	vor.u32 v3, v4  }
0x34: {  	v4 =	vperm.xlane v3, v0;
	_ =	sdelay $0x1  }
0x35: {  	v3 =	vperm.xlane v3, v2;
	v4 =	vadd.s32 v1, v4;
	_ =	sdelay $0x1  }
0x36: {  	v3 =	vadd.s32 v1, v3;
	_ =	sdelay $0x2  }
0x37: {  	[tilespmem:s8], [sflag:$0x1] =	stream.indirect_vreg.gather [hbm4b:s3+s2], $0x80, v4, vm0, $0xb8;
	[tilespmem:$0x14200] =	vst v63  }
0x38: {  	_ = 	snop  }
0x39: {  	[tilespmem:s9], [sflag:$0x1] =	stream.indirect_vreg.gather [hbm4b:s3+s2], $0x80, v3, vm0, $0xb8;
	[tilespmem:$0x14200] =	vst v63  }
0x3a: {  	v3 =	vld [tilespmem:$0x20];
	_ =	sdelay $0x4  }
0x3b: {  	v56 =	vshll.u32 v3, $0x1  }
0x3c: {  	v3 =	vand.u32 $0x7, v3;
	v4 =	vand.u32 $0xFFFFFFF0, v56  }
0x3d: {  	v3 =	vor.u32 v3, v4  }
0x3e: {  	v4 =	vperm.xlane v3, v0;
	_ =	sdelay $0x1  }
0x3f: {  	v3 =	vperm.xlane v3, v2;
	v4 =	vadd.s32 v1, v4;
	_ =	sdelay $0x1  }
0x40: {  	v3 =	vadd.s32 v1, v3;
	_ =	sdelay $0x2  }
0x41: {  	[tilespmem:s10], [sflag:$0x1] =	stream.indirect_vreg.gather [hbm4b:s3+s2], $0x80, v4, vm0, $0xb8;
	[tilespmem:$0x14200] =	vst v63  }
0x42: {  	_ = 	snop  }
0x43: {  	[tilespmem:s13], [sflag:$0x1] =	stream.indirect_vreg.gather [hbm4b:s3+s2], $0x80, v3, vm0, $0xb8;
	[tilespmem:$0x14200] =	vst v63  }
0x44: {  	v3 =	vld [tilespmem:$0x30];
	_ =	sdelay $0x4  }
0x45: {  	v57 =	vshll.u32 v3, $0x1  }
0x46: {  	v3 =	vand.u32 $0x7, v3;
	v4 =	vand.u32 $0xFFFFFFF0, v57  }
0x47: {  	v3 =	vor.u32 v3, v4  }
0x48: {  	v4 =	vperm.xlane v3, v0;
	_ =	sdelay $0x1  }
0x49: {  	v3 =	vperm.xlane v3, v2;
	v4 =	vadd.s32 v1, v4;
	_ =	sdelay $0x1  }
0x4a: {  	v3 =	vadd.s32 v1, v3;
	_ =	sdelay $0x2  }
0x4b: {  	[tilespmem:s14], [sflag:$0x1] =	stream.indirect_vreg.gather [hbm4b:s3+s2], $0x80, v4, vm0, $0xb8;
	[tilespmem:$0x14200] =	vst v63  }
0x4c: {  	_ = 	snop  }
0x4d: {  	[tilespmem:s15], [sflag:$0x1] =	stream.indirect_vreg.gather [hbm4b:s3+s2], $0x80, v3, vm0, $0xb8;
	[tilespmem:$0x14200] =	vst v63  }
0x4e: {  	v3 =	vld [tilespmem:$0x40];
	_ =	sdelay $0x4  }
0x4f: {  	v58 =	vshll.u32 v3, $0x1  }
0x50: {  	v3 =	vand.u32 $0x7, v3;
	v4 =	vand.u32 $0xFFFFFFF0, v58  }
0x51: {  	v3 =	vor.u32 v3, v4  }
0x52: {  	v4 =	vperm.xlane v3, v0;
	_ =	sdelay $0x1  }
0x53: {  	v3 =	vperm.xlane v3, v2;
	v4 =	vadd.s32 v1, v4;
	_ =	sdelay $0x1  }
0x54: {  	v3 =	vadd.s32 v1, v3;
	_ =	sdelay $0x1  }
0x55: {  	s0 =	simm.s32 $0x4200  }
0x56: {  	[tilespmem:s0], [sflag:$0x1] =	stream.indirect_vreg.gather [hbm4b:s3+s2], $0x80, v4, vm0, $0xb8;
	[tilespmem:$0x14200] =	vst v63  }
0x57: {  	s23 =	simm.s32 $0x4A00;
	s31 =	rddreg [dreg:$0x2]  }
0x58: {  	[tilespmem:s23], [sflag:$0x1] =	stream.indirect_vreg.gather [hbm4b:s3+s2], $0x80, v3, vm0, $0xb8;
	[tilespmem:$0x14200] =	vst v63  }
0x59: {  	s31 =	sadd.s32 s30, s31;
	s0 =	rddreg [dreg:$0x4]  }
0x5a: {  	[tilespmem:s0], [sflag:$0x2] =	stream.linear.gather [hbm4b:s31+s2], $0x50, $0x38;
	[tilespmem:$0x14200] =	vst v63  }
0x5b: {  	_ =	swait.ge [sflag:s11], $0x50  }
0x5c: {  	[sflag:s11] =	ssyncset.done $0x0  }
0x5d: {  	[sflag:s11] =	ssyncadd.s32 $0xFFFFFFB0  }
0x5e: {  	v3 =	vld [tilespmem:$0x80];
	_ =	sdelay $0x4  }
0x5f: {  	v59 =	vshll.u32 v3, $0x1  }
0x60: {  	v3 =	vand.u32 $0x7, v3;
	v4 =	vand.u32 $0xFFFFFFF0, v59  }
0x61: {  	v3 =	vor.u32 v3, v4  }
0x62: {  	v4 =	vperm.xlane v3, v0;
	_ =	sdelay $0x1  }
0x63: {  	v3 =	vperm.xlane v3, v2;
	v4 =	vadd.s32 v1, v4;
	_ =	sdelay $0x1  }
0x64: {  	v3 =	vadd.s32 v1, v3;
	_ =	sdelay $0x2  }
0x65: {  	[tilespmem:s22], [sflag:$0x1] =	stream.indirect_vreg.gather [hbm4b:s3+s2], $0x80, v4, vm0, $0xb8;
	[tilespmem:$0x14200] =	vst v63  }
0x66: {  	_ = 	snop  }
0x67: {  	[tilespmem:s18], [sflag:$0x1] =	stream.indirect_vreg.gather [hbm4b:s3+s2], $0x80, v3, vm0, $0xb8;
	[tilespmem:$0x14200] =	vst v63  }
0x68: {  	v3 =	vld [tilespmem:$0x90];
	_ =	sdelay $0x4  }
0x69: {  	v60 =	vshll.u32 v3, $0x1  }
0x6a: {  	v3 =	vand.u32 $0x7, v3;
	v4 =	vand.u32 $0xFFFFFFF0, v60  }
0x6b: {  	v3 =	vor.u32 v3, v4  }
0x6c: {  	v4 =	vperm.xlane v3, v0;
	_ =	sdelay $0x1  }
0x6d: {  	v3 =	vperm.xlane v3, v2;
	v4 =	vadd.s32 v1, v4;
	_ =	sdelay $0x1  }
0x6e: {  	v3 =	vadd.s32 v1, v3;
	_ =	sdelay $0x2  }
0x6f: {  	[tilespmem:s24], [sflag:$0x1] =	stream.indirect_vreg.gather [hbm4b:s3+s2], $0x80, v4, vm0, $0xb8;
	[tilespmem:$0x14200] =	vst v63  }
0x70: {  	_ = 	snop  }
0x71: {  	[tilespmem:s19], [sflag:$0x1] =	stream.indirect_vreg.gather [hbm4b:s3+s2], $0x80, v3, vm0, $0xb8;
	[tilespmem:$0x14200] =	vst v63  }
0x72: {  	v3 =	vld [tilespmem:$0xA0];
	_ =	sdelay $0x4  }
0x73: {  	v61 =	vshll.u32 v3, $0x1  }
0x74: {  	v3 =	vand.u32 $0x7, v3;
	v4 =	vand.u32 $0xFFFFFFF0, v61  }
0x75: {  	v3 =	vor.u32 v3, v4  }
0x76: {  	v4 =	vperm.xlane v3, v0;
	_ =	sdelay $0x1  }
0x77: {  	v3 =	vperm.xlane v3, v2;
	v4 =	vadd.s32 v1, v4;
	_ =	sdelay $0x1  }
0x78: {  	v3 =	vadd.s32 v1, v3;
	_ =	sdelay $0x2  }
0x79: {  	[tilespmem:s20], [sflag:$0x1] =	stream.indirect_vreg.gather [hbm4b:s3+s2], $0x80, v4, vm0, $0xb8;
	[tilespmem:$0x14200] =	vst v63  }
0x7a: {  	_ = 	snop  }
0x7b: {  	[tilespmem:s25], [sflag:$0x1] =	stream.indirect_vreg.gather [hbm4b:s3+s2], $0x80, v3, vm0, $0xb8;
	[tilespmem:$0x14200] =	vst v63  }
0x7c: {  	v3 =	vld [tilespmem:$0xB0];
	_ =	sdelay $0x4  }
0x7d: {  	v62 =	vshll.u32 v3, $0x1  }
0x7e: {  	v3 =	vand.u32 $0x7, v3;
	v4 =	vand.u32 $0xFFFFFFF0, v62  }
0x7f: {  	v3 =	vor.u32 v3, v4  }
0x80: {  	v4 =	vperm.xlane v3, v0;
	_ =	sdelay $0x1  }
0x81: {  	v3 =	vperm.xlane v3, v2;
	v4 =	vadd.s32 v1, v4;
	_ =	sdelay $0x1  }
0x82: {  	v3 =	vadd.s32 v1, v3;
	_ =	sdelay $0x2  }
0x83: {  	[tilespmem:s26], [sflag:$0x1] =	stream.indirect_vreg.gather [hbm4b:s3+s2], $0x80, v4, vm0, $0xb8;
	[tilespmem:$0x14200] =	vst v63  }
0x84: {  	_ = 	snop  }
0x85: {  	[tilespmem:s21], [sflag:$0x1] =	stream.indirect_vreg.gather [hbm4b:s3+s2], $0x80, v3, vm0, $0xb8;
	[tilespmem:$0x14200] =	vst v63  }
0x86: {  	v3 =	vld [tilespmem:$0xC0];
	_ =	sdelay $0x4  }
0x87: {  	v63 =	vshll.u32 v3, $0x1  }
0x88: {  	v3 =	vand.u32 $0x7, v3;
	v4 =	vand.u32 $0xFFFFFFF0, v63  }
0x89: {  	v3 =	vor.u32 v3, v4  }
0x8a: {  	v4 =	vperm.xlane v3, v0;
	_ =	sdelay $0x1  }
0x8b: {  	v3 =	vperm.xlane v3, v2;
	v4 =	vadd.s32 v1, v4;
	_ =	sdelay $0x1  }
0x8c: {  	v3 =	vadd.s32 v1, v3;
	_ =	sdelay $0x2  }
0x8d: {  	[tilespmem:s28], [sflag:$0x1] =	stream.indirect_vreg.gather [hbm4b:s3+s2], $0x80, v4, vm0, $0xb8;
	[tilespmem:$0x14200] =	vst v63  }
0x8e: {  	_ = 	snop  }
0x8f: {  	[tilespmem:s17], [sflag:$0x1] =	stream.indirect_vreg.gather [hbm4b:s3+s2], $0x80, v3, vm0, $0xb8;
	[tilespmem:$0x14200] =	vst v63  }
0x90: {  	_ =	swait.ge [sflag:s1], $0x5000  }
0x91: {  	[sflag:s1] =	ssyncset.done $0x0  }
0x92: {  	[sflag:s1] =	ssyncadd.s32 $0xFFFFB000  }
0x93: {  	_ =	swait.ge [sflag:s1], $0x5000  }
0x94: {  	[sflag:s1] =	ssyncset.done $0x0  }
0x95: {  	s31 =	sadd.s32 $0xFFFFF600, s29;
	[sflag:s1] =	ssyncadd.s32 $0xFFFFB000  }
0x96: {  	[hbm4b:s31+s2] =	stream.linear.scatter [tilespmem:s12], [sflag:$0x2], $0x5000, $0x38;
	[tilespmem:$0x14200] =	vst v63  }
0x97: {  	_ =	swait.ge [sflag:s11], $0x5000  }
0x98: {  	p0 =	sne.s32 s30, $0x4C4;
	[sflag:s11] =	ssyncset.done $0x0  }
.Ltmp0:
0x99: {  	[sflag:s11] =	ssyncadd.s32 $0xFFFFB000;
	(pc) =	sbr.rel @p0 .LBB2_2-.Ltmp0, $4  }
0x9a: {  	[hbm4b:s29+s2] =	stream.linear.scatter [tilespmem:s22], [sflag:$0x2], $0x5000, $0x38;
	[tilespmem:$0x14200] =	vst v63  }
0x9b: {  	_ =	swait.ge [sflag:s11], $0x5000  }
0x9c: {  	[sflag:s11] =	ssyncset.done $0x0  }
0x9d: {  	s30 =	sadd.s32 $0x14, s30;
	s29 =	sadd.s32 $0x1400, s29;
	[sflag:s11] =	ssyncadd.s32 $0xFFFFB000  }
0x9e: {  	s29 =	simm.s32 $0x0;
	s0 =	rddreg [dreg:$0xa]  }
0x9f: {  	[tilespmem:s29], [sflag:$0x2] =	stream.linear.gather [hbm4b:s0+s29], $0x50, $0x38;
	[tilespmem:$0x14200] =	vst v63  }
0xa0: {  	_ =	swait.ge [sflag:s11], $0x50  }
0xa1: {  	[sflag:s11] =	ssyncset.done $0x0  }
0xa2: {  	[sflag:s11] =	ssyncadd.s32 $0xFFFFFFB0  }
0xa3: {  	v3 =	vld [tilespmem:$0x0];
	_ =	sdelay $0x4  }
0xa4: {  	v4 =	vshll.u32 v3, $0x1  }
0xa5: {  	v3 =	vand.u32 $0x7, v3;
	v4 =	vand.u32 $0xFFFFFFF0, v4  }
0xa6: {  	v3 =	vor.u32 v3, v4  }
0xa7: {  	v4 =	vperm.xlane v3, v0;
	_ =	sdelay $0x1  }
0xa8: {  	v3 =	vperm.xlane v3, v2;
	v4 =	vadd.s32 v1, v4;
	_ =	sdelay $0x1  }
0xa9: {  	v3 =	vadd.s32 v1, v3;
	_ =	sdelay $0x2  }
0xaa: {  	[tilespmem:s12], [sflag:$0x1] =	stream.indirect_vreg.gather [hbm4b:s3+s29], $0x80, v4, vm0, $0xb8;
	[tilespmem:$0x14200] =	vst v63  }
0xab: {  	_ = 	snop  }
0xac: {  	[tilespmem:s6], [sflag:$0x1] =	stream.indirect_vreg.gather [hbm4b:s3+s29], $0x80, v3, vm0, $0xb8;
	[tilespmem:$0x14200] =	vst v63  }
0xad: {  	v3 =	vld [tilespmem:$0x10];
	_ =	sdelay $0x4  }
0xae: {  	v60 =	vshll.u32 v3, $0x1  }
0xaf: {  	v3 =	vand.u32 $0x7, v3;
	v4 =	vand.u32 $0xFFFFFFF0, v60  }
0xb0: {  	v3 =	vor.u32 v3, v4  }
0xb1: {  	v4 =	vperm.xlane v3, v0;
	_ =	sdelay $0x1  }
0xb2: {  	v3 =	vperm.xlane v3, v2;
	v4 =	vadd.s32 v1, v4;
	_ =	sdelay $0x1  }
0xb3: {  	v3 =	vadd.s32 v1, v3;
	_ =	sdelay $0x2  }
0xb4: {  	[tilespmem:s8], [sflag:$0x1] =	stream.indirect_vreg.gather [hbm4b:s3+s29], $0x80, v4, vm0, $0xb8;
	[tilespmem:$0x14200] =	vst v63  }
0xb5: {  	_ = 	snop  }
0xb6: {  	[tilespmem:s9], [sflag:$0x1] =	stream.indirect_vreg.gather [hbm4b:s3+s29], $0x80, v3, vm0, $0xb8;
	[tilespmem:$0x14200] =	vst v63  }
0xb7: {  	v3 =	vld [tilespmem:$0x20];
	_ =	sdelay $0x4  }
0xb8: {  	v61 =	vshll.u32 v3, $0x1  }
0xb9: {  	v3 =	vand.u32 $0x7, v3;
	v4 =	vand.u32 $0xFFFFFFF0, v61  }
0xba: {  	v3 =	vor.u32 v3, v4  }
0xbb: {  	v4 =	vperm.xlane v3, v0;
	_ =	sdelay $0x1  }
0xbc: {  	v3 =	vperm.xlane v3, v2;
	v4 =	vadd.s32 v1, v4;
	_ =	sdelay $0x1  }
0xbd: {  	v3 =	vadd.s32 v1, v3;
	_ =	sdelay $0x2  }
0xbe: {  	[tilespmem:s10], [sflag:$0x1] =	stream.indirect_vreg.gather [hbm4b:s3+s29], $0x80, v4, vm0, $0xb8;
	[tilespmem:$0x14200] =	vst v63  }
0xbf: {  	_ = 	snop  }
0xc0: {  	[tilespmem:s13], [sflag:$0x1] =	stream.indirect_vreg.gather [hbm4b:s3+s29], $0x80, v3, vm0, $0xb8;
	[tilespmem:$0x14200] =	vst v63  }
0xc1: {  	v3 =	vld [tilespmem:$0x30];
	_ =	sdelay $0x4  }
0xc2: {  	v62 =	vshll.u32 v3, $0x1  }
0xc3: {  	v3 =	vand.u32 $0x7, v3;
	v4 =	vand.u32 $0xFFFFFFF0, v62  }
0xc4: {  	v3 =	vor.u32 v3, v4  }
0xc5: {  	v4 =	vperm.xlane v3, v0;
	_ =	sdelay $0x1  }
0xc6: {  	v3 =	vperm.xlane v3, v2;
	v4 =	vadd.s32 v1, v4;
	_ =	sdelay $0x1  }
0xc7: {  	v3 =	vadd.s32 v1, v3;
	_ =	sdelay $0x2  }
0xc8: {  	[tilespmem:s14], [sflag:$0x1] =	stream.indirect_vreg.gather [hbm4b:s3+s29], $0x80, v4, vm0, $0xb8;
	[tilespmem:$0x14200] =	vst v63  }
0xc9: {  	_ = 	snop  }
0xca: {  	[tilespmem:s15], [sflag:$0x1] =	stream.indirect_vreg.gather [hbm4b:s3+s29], $0x80, v3, vm0, $0xb8;
	[tilespmem:$0x14200] =	vst v63  }
0xcb: {  	v3 =	vld [tilespmem:$0x40];
	_ =	sdelay $0x4  }
0xcc: {  	v63 =	vshll.u32 v3, $0x1  }
0xcd: {  	v3 =	vand.u32 $0x7, v3;
	v4 =	vand.u32 $0xFFFFFFF0, v63  }
0xce: {  	v3 =	vor.u32 v3, v4  }
0xcf: {  	v4 =	vperm.xlane v3, v0;
	_ =	sdelay $0x1  }
0xd0: {  	v3 =	vperm.xlane v3, v2;
	v4 =	vadd.s32 v1, v4;
	_ =	sdelay $0x1  }
0xd1: {  	v3 =	vadd.s32 v1, v3  }
0xd2: {  	s25 =	simm.s32 $0x4200;
	s26 =	simm.s32 $0x4A00;
	s17 =	simm.s32 $0x180  }
0xd3: {  	s18 =	simm.s32 $0xFA00;
	s19 =	simm.s32 $0x10200;
	s20 =	simm.s32 $0x10A00  }
0xd4: {  	[tilespmem:s25], [sflag:$0x1] =	stream.indirect_vreg.gather [hbm4b:s3+s29], $0x80, v4, vm0, $0xb8;
	[tilespmem:$0x14200] =	vst v63  }
0xd5: {  	s21 =	simm.s32 $0x11200;
	s23 =	simm.s32 $0x11A00;
	s24 =	simm.s32 $0x12200  }
0xd6: {  	[tilespmem:s26], [sflag:$0x1] =	stream.indirect_vreg.gather [hbm4b:s3+s29], $0x80, v3, vm0, $0xb8;
	[tilespmem:$0x14200] =	vst v63  }
0xd7: {  	s28 =	simm.s32 $0x13A00;
	s6 =	simm.s32 $0xBA00;
	_ =	swait.ge [sflag:s1], $0x5000  }
0xd8: {  	s8 =	simm.s32 $0xC200;
	s9 =	simm.s32 $0xCA00;
	[sflag:s1] =	ssyncset.done $0x0  }
0xd9: {  	s10 =	simm.s32 $0xD200;
	s31 =	rddreg [dreg:$0xb];
	[sflag:s1] =	ssyncadd.s32 $0xFFFFB000  }
0xda: {  	[hbm4b:s31+s29] =	stream.linear.scatter [tilespmem:s12], [sflag:$0x2], $0x5000, $0x38;
	[tilespmem:$0x14200] =	vst v63  }
0xdb: {  	s13 =	simm.s32 $0xDA00;
	s14 =	simm.s32 $0xE200;
	_ =	swait.ge [sflag:s11], $0x5000  }
0xdc: {  	s15 =	simm.s32 $0xEA00;
	s25 =	simm.s32 $0x12A00;
	[sflag:s11] =	ssyncset.done $0x0  }
0xdd: {  	s26 =	simm.s32 $0x13200;
	s30 =	rddreg [dreg:$0xe];
	[sflag:s11] =	ssyncadd.s32 $0xFFFFB000  }
.LBB2_4:
0xde: {  	s0 =	rddreg [dreg:$0x6]  }
0xdf: {  	s31 =	rddreg [dreg:$0x7];
	s0 =	sadd.s32 s29, s0  }
0xe0: {  	[tilespmem:s31], [sflag:$0x2] =	stream.linear.gather [hbm4b:s0+s2], $0x28, $0x38;
	[tilespmem:$0x14200] =	vst v63  }
0xe1: {  	_ =	swait.ge [sflag:s11], $0x28  }
0xe2: {  	[sflag:s11] =	ssyncset.done $0x0  }
0xe3: {  	[sflag:s11] =	ssyncadd.s32 $0xFFFFFFD8  }
0xe4: {  	v3 =	vld [tilespmem:$0x100];
	_ =	sdelay $0x4  }
0xe5: {  	v4 =	vshll.u32 v3, $0x2  }
0xe6: {  	v3 =	vand.u32 $0x7, v3;
	v4 =	vand.u32 $0xFFFFFFE0, v4  }
0xe7: {  	v3 =	vor.u32 v3, v4  }
0xe8: {  	v4 =	vperm.xlane v3, v0;
	_ =	sdelay $0x1  }
0xe9: {  	v4 =	vadd.s32 v1, v4;
	_ =	sdelay $0x1  }
0xea: {  	v3 =	vperm.xlane v3, v2;
	_ =	sdelay $0x1  }
0xeb: {  	v3 =	vadd.s32 v1, v3  }
0xec: {  	[tilespmem:s5], [sflag:$0x1] =	stream.indirect_vreg.gather [hbm4b:s4+s2], $0x80, v4, vm0, $0xb8;
	[tilespmem:$0x14200] =	vst v63  }
0xed: {  	s0 =	rddreg [dreg:$0x8]  }
0xee: {  	[tilespmem:s0], [sflag:$0x1] =	stream.indirect_vreg.gather [hbm4b:s7+s2], $0x80, v4, vm0, $0xb8;
	[tilespmem:$0x14200] =	vst v63  }
0xef: {  	s31 =	rddreg [dreg:$0x9]  }
0xf0: {  	[tilespmem:s31], [sflag:$0x1] =	stream.indirect_vreg.gather [hbm4b:s4+s2], $0x80, v3, vm0, $0xb8;
	[tilespmem:$0x14200] =	vst v63  }
0xf1: {  	_ = 	snop  }
0xf2: {  	[tilespmem:s6], [sflag:$0x1] =	stream.indirect_vreg.gather [hbm4b:s7+s2], $0x80, v3, vm0, $0xb8;
	[tilespmem:$0x14200] =	vst v63  }
0xf3: {  	v3 =	vld [tilespmem:$0x110];
	_ =	sdelay $0x4  }
0xf4: {  	v59 =	vshll.u32 v3, $0x2  }
0xf5: {  	v3 =	vand.u32 $0x7, v3;
	v4 =	vand.u32 $0xFFFFFFE0, v59  }
0xf6: {  	v3 =	vor.u32 v3, v4  }
0xf7: {  	v4 =	vperm.xlane v3, v0;
	_ =	sdelay $0x1  }
0xf8: {  	v4 =	vadd.s32 v1, v4;
	_ =	sdelay $0x1  }
0xf9: {  	v3 =	vperm.xlane v3, v2;
	_ =	sdelay $0x1  }
0xfa: {  	v3 =	vadd.s32 v1, v3  }
0xfb: {  	[tilespmem:s8], [sflag:$0x1] =	stream.indirect_vreg.gather [hbm4b:s4+s2], $0x80, v4, vm0, $0xb8;
	[tilespmem:$0x14200] =	vst v63  }
0xfc: {  	_ = 	snop  }
0xfd: {  	[tilespmem:s9], [sflag:$0x1] =	stream.indirect_vreg.gather [hbm4b:s7+s2], $0x80, v4, vm0, $0xb8;
	[tilespmem:$0x14200] =	vst v63  }
0xfe: {  	_ = 	snop  }
0xff: {  	[tilespmem:s10], [sflag:$0x1] =	stream.indirect_vreg.gather [hbm4b:s4+s2], $0x80, v3, vm0, $0xb8;
	[tilespmem:$0x14200] =	vst v63  }
0x100: {  	_ = 	snop  }
0x101: {  	[tilespmem:s13], [sflag:$0x1] =	stream.indirect_vreg.gather [hbm4b:s7+s2], $0x80, v3, vm0, $0xb8;
	[tilespmem:$0x14200] =	vst v63  }
0x102: {  	v3 =	vld.msk [tilespmem:$0x120], $0xff;
	_ =	sdelay $0x4  }
0x103: {  	v60 =	vshll.u32 v3, $0x2  }
0x104: {  	v3 =	vand.u32 $0x7, v3;
	v4 =	vand.u32 $0xFFFFFFE0, v60  }
0x105: {  	v3 =	vor.u32 v3, v4  }
0x106: {  	v3 =	vperm.xlane v3, v0;
	_ =	sdelay $0x1  }
0x107: {  	v3 =	vadd.s32 v1, v3;
	_ =	sdelay $0x4  }
0x108: {  	[tilespmem:s14], [sflag:$0x1] =	stream.indirect_vreg.gather [hbm4b:s4+s2], $0x80, v3, vm0, $0xb8;
	[tilespmem:$0x14200] =	vst v63  }
0x109: {  	s31 =	rddreg [dreg:$0x5]  }
0x10a: {  	[tilespmem:s15], [sflag:$0x1] =	stream.indirect_vreg.gather [hbm4b:s7+s2], $0x80, v3, vm0, $0xb8;
	[tilespmem:$0x14200] =	vst v63  }
0x10b: {  	s0 =	sadd.s32 s29, s31  }
0x10c: {  	[tilespmem:s17], [sflag:$0x2] =	stream.linear.gather [hbm4b:s0+s2], $0x28, $0x38;
	[tilespmem:$0x14200] =	vst v63  }
0x10d: {  	_ =	swait.ge [sflag:s11], $0x28  }
0x10e: {  	[sflag:s11] =	ssyncset.done $0x0  }
0x10f: {  	[sflag:s11] =	ssyncadd.s32 $0xFFFFFFD8  }
0x110: {  	v3 =	vld [tilespmem:$0x180];
	_ =	sdelay $0x4  }
0x111: {  	v61 =	vshll.u32 v3, $0x2  }
0x112: {  	v3 =	vand.u32 $0x7, v3;
	v4 =	vand.u32 $0xFFFFFFE0, v61  }
0x113: {  	v3 =	vor.u32 v3, v4  }
0x114: {  	v4 =	vperm.xlane v3, v0;
	_ =	sdelay $0x1  }
0x115: {  	v4 =	vadd.s32 v1, v4;
	_ =	sdelay $0x1  }
0x116: {  	v3 =	vperm.xlane v3, v2;
	_ =	sdelay $0x1  }
0x117: {  	v3 =	vadd.s32 v1, v3  }
0x118: {  	[tilespmem:s16], [sflag:$0x1] =	stream.indirect_vreg.gather [hbm4b:s4+s2], $0x80, v4, vm0, $0xb8;
	[tilespmem:$0x14200] =	vst v63  }
0x119: {  	_ = 	snop  }
0x11a: {  	[tilespmem:s18], [sflag:$0x1] =	stream.indirect_vreg.gather [hbm4b:s7+s2], $0x80, v4, vm0, $0xb8;
	[tilespmem:$0x14200] =	vst v63  }
0x11b: {  	_ = 	snop  }
0x11c: {  	[tilespmem:s19], [sflag:$0x1] =	stream.indirect_vreg.gather [hbm4b:s4+s2], $0x80, v3, vm0, $0xb8;
	[tilespmem:$0x14200] =	vst v63  }
0x11d: {  	_ = 	snop  }
0x11e: {  	[tilespmem:s20], [sflag:$0x1] =	stream.indirect_vreg.gather [hbm4b:s7+s2], $0x80, v3, vm0, $0xb8;
	[tilespmem:$0x14200] =	vst v63  }
0x11f: {  	v3 =	vld [tilespmem:$0x190];
	_ =	sdelay $0x4  }
0x120: {  	v62 =	vshll.u32 v3, $0x2  }
0x121: {  	v3 =	vand.u32 $0x7, v3;
	v4 =	vand.u32 $0xFFFFFFE0, v62  }
0x122: {  	v3 =	vor.u32 v3, v4  }
0x123: {  	v4 =	vperm.xlane v3, v0;
	_ =	sdelay $0x1  }
0x124: {  	v4 =	vadd.s32 v1, v4;
	_ =	sdelay $0x1  }
0x125: {  	v3 =	vperm.xlane v3, v2;
	_ =	sdelay $0x1  }
0x126: {  	v3 =	vadd.s32 v1, v3  }
0x127: {  	[tilespmem:s21], [sflag:$0x1] =	stream.indirect_vreg.gather [hbm4b:s4+s2], $0x80, v4, vm0, $0xb8;
	[tilespmem:$0x14200] =	vst v63  }
0x128: {  	_ = 	snop  }
0x129: {  	[tilespmem:s23], [sflag:$0x1] =	stream.indirect_vreg.gather [hbm4b:s7+s2], $0x80, v4, vm0, $0xb8;
	[tilespmem:$0x14200] =	vst v63  }
0x12a: {  	_ = 	snop  }
0x12b: {  	[tilespmem:s24], [sflag:$0x1] =	stream.indirect_vreg.gather [hbm4b:s4+s2], $0x80, v3, vm0, $0xb8;
	[tilespmem:$0x14200] =	vst v63  }
0x12c: {  	_ = 	snop  }
0x12d: {  	[tilespmem:s25], [sflag:$0x1] =	stream.indirect_vreg.gather [hbm4b:s7+s2], $0x80, v3, vm0, $0xb8;
	[tilespmem:$0x14200] =	vst v63  }
0x12e: {  	v3 =	vld.msk [tilespmem:$0x1A0], $0xff;
	_ =	sdelay $0x4  }
0x12f: {  	v63 =	vshll.u32 v3, $0x2  }
0x130: {  	v3 =	vand.u32 $0x7, v3;
	v4 =	vand.u32 $0xFFFFFFE0, v63  }
0x131: {  	v3 =	vor.u32 v3, v4  }
0x132: {  	v3 =	vperm.xlane v3, v0;
	_ =	sdelay $0x1  }
0x133: {  	v3 =	vadd.s32 v1, v3;
	_ =	sdelay $0x4  }
0x134: {  	[tilespmem:s26], [sflag:$0x1] =	stream.indirect_vreg.gather [hbm4b:s4+s2], $0x80, v3, vm0, $0xb8;
	[tilespmem:$0x14200] =	vst v63  }
0x135: {  	_ = 	snop  }
0x136: {  	[tilespmem:s28], [sflag:$0x1] =	stream.indirect_vreg.gather [hbm4b:s7+s2], $0x80, v3, vm0, $0xb8;
	[tilespmem:$0x14200] =	vst v63  }
0x137: {  	_ =	swait.ge [sflag:s1], $0x5000  }
0x138: {  	[sflag:s1] =	ssyncset.done $0x0  }
0x139: {  	[sflag:s1] =	ssyncadd.s32 $0xFFFFB000  }
0x13a: {  	_ =	swait.ge [sflag:s1], $0x5000  }
0x13b: {  	[sflag:s1] =	ssyncset.done $0x0  }
0x13c: {  	s31 =	sadd.s32 $0xFFFFF600, s30;
	[sflag:s1] =	ssyncadd.s32 $0xFFFFB000  }
0x13d: {  	[hbm4b:s31+s2] =	stream.linear.scatter [tilespmem:s5], [sflag:$0x2], $0x5000, $0x38;
	[tilespmem:$0x14200] =	vst v63  }
0x13e: {  	_ =	swait.ge [sflag:s11], $0x5000  }
0x13f: {  	p0 =	sne.s32 s29, $0x4D8;
	[sflag:s11] =	ssyncset.done $0x0  }
.Ltmp1:
0x140: {  	[sflag:s11] =	ssyncadd.s32 $0xFFFFB000;
	(pc) =	sbr.rel @p0 .LBB2_4-.Ltmp1, $4  }
0x141: {  	[hbm4b:s30+s2] =	stream.linear.scatter [tilespmem:s16], [sflag:$0x2], $0x5000, $0x38;
	[tilespmem:$0x14200] =	vst v63  }
0x142: {  	_ =	swait.ge [sflag:s11], $0x5000  }
0x143: {  	[sflag:s11] =	ssyncset.done $0x0  }
0x144: {  	s29 =	sadd.s32 $0xA, s29;
	s30 =	sadd.s32 $0x1400, s30;
	[sflag:s11] =	ssyncadd.s32 $0xFFFFB000  }
0x145: {  	s6 =	rddreg [dreg:$0xf]  }
0x146: {  	s0 =	rddreg [dreg:$0xc];
	s6 =	sadd.s32 $0x1, s6  }
0x147: {  	p0 =	sne.s32 s6, s0  }
.Ltmp2:
0x148: {  	_ = 	snop;
	(pc) =	sbr.rel @p0 .LBB2_1-.Ltmp2, $1  }
0x149: {  	_ =	sdelay $0x3  }
0x14a: {  	_ =	sfence.sel $0x180000  }
0x14b: {  	[bflag:$0x0] =	sbarrier.arrive $0xFFFF  }
0x14c: {  	_ =	strace $0x90000047  }
0x14d: {  	s0 =	stileid.u32;
	[bflag:$0x2] =	sbarrier.arrive $0xFFFF  }
0x14e: {  	p0 =	sne.s32 s0, $0x0;
	s0 =	rddreg [dreg:$0x1]  }
0x14f: {  	s0 =	sadd.s32 @!p0 $0x100000, s0  }
0x150: {  	[sflag:s0] =	ssyncadd.tile.s32 @!p0 $0x1;
	_ =	shalt  }
.Lfunc_end2:
_tile_overlayer_lowered:
.L_overlay_start_2:
0x151: {  	(tag) =	ssettag $0x2  }
0x152: {  	s0 =	rddreg [dreg:$0x0];
	s2 =	stileid.u32  }
0x153: {  	s1 =	rddreg [dreg:$0x1];
	p0 =	sne.s32 s2, $0x0  }
0x154: {  	s3 =	rddreg [dreg:$0x2];
	[bflag:$0x3] =	sbarrier.arrive $0xFFFF;
	s2 =	simm.s32 @!p0 $0x1C02  }
0x155: {  	[timem:s3], [sflag:s2] =	dma.local @!p0 [hbm:s0], s1  }
0x156: {  	s0 =	simm.s32 @!p0 $0x2  }
0x157: {  	_ =	swait.ge @!p0 [sflag:s0], s1  }
0x158: {  	s1 =	ssub.s32 @!p0 $0x0, s1;
	[sflag:s0] =	ssyncset.done @!p0 $0x0  }
0x159: {  	[sflag:s0] =	ssyncadd.s32 @!p0 s1  }
0x15a: {  	[bflag:$0x3] =	sbarrier.arrive $0xFFFF  }
0x15b: {  	_ =	shalt  }

// kernel: kernel.20.cloned.1.call-start
scs
__scs_entry_jumppad:
0x0: {  	(pc) =	sbr.rel $0x88, $3  }
0x1: {  	(tag) =	ssettag $0x0;
	lr =	simm.s32 $0x1  }
0x2: {  	[smem:$0x3F79] =	sst lr;
	_ =	strace $0xD0000000  }
0x3: {  	_ = 	snop  }
0x4: {  	_ = 	snop  }
0x5: {  	_ = 	snop  }
0x6: {  	_ = 	snop  }
0x7: {  	_ = 	snop  }
__scs_overlays_trampoline_lowered:
0x8: {  	[smem:$0x3F88] =	sst s0  }
0x9: {  	[smem:$0x3F89] =	sst s1  }
0xa: {  	[smem:$0x3F8A] =	sst s2  }
0xb: {  	[smem:$0x3F8B] =	sst s3  }
0xc: {  	[smem:$0x3F8C] =	sst s4  }
0xd: {  	[smem:$0x3F8D] =	sst s5  }
0xe: {  	[smem:$0x3F8E] =	sst s6  }
0xf: {  	[smem:$0x3F8F] =	sst s7  }
0x10: {  	[smem:$0x3F90] =	sst s8  }
0x11: {  	[smem:$0x3F91] =	sst s9;
	s0 =	simm.s32 @!p0 $0x0  }
0x12: {  	s1 =	sld [smem:$0x3F77];
	s0 =	simm.s32 @p0 $0x1  }
0x13: {  	[smem:$0x3F92] =	sst s0;
	s0 =	simm.s32 @!p1 $0x0  }
0x14: {  	s2 =	sld [smem:$0x3F76];
	s0 =	simm.s32 @p1 $0x1  }
0x15: {  	[smem:$0x3F93] =	sst s0;
	s0 =	simm.s32 @!p2 $0x0  }
0x16: {  	s3 =	sld [smem:$0x3FDB];
	s0 =	simm.s32 @p2 $0x1  }
0x17: {  	s4 =	simm.s32 $0x1BF5;
	[smem:$0x3F95] =	sst s0  }
0x18: {  	s0 =	sld [smem:$0x3F78];
	_ =	swait.ge [sflag:s4], $0x0  }
0x19: {  	s7 =	sld [smem:$0x3F79]  }
0x1a: {  	s8 =	sadd.s32 $0xFFFFE003, lr  }
0x1b: {  	s9 =	sadd.s32 $0xFFFFFEF7, lr;
	s5 =	simm.s32 $0xFFFFFFFF;
	p2 =	slt.u32 s8, $0xFFFFF086  }
0x1c: {  	p1 =	slt.u32 s9, $0xF7A;
	s5 =	simm.s32 @!p2 $0x0  }
0x1d: {  	s5 =	simm.s32 @p1 $0x1;
	p0 =	seq.s32 s7, s2  }
0x1e: {  	s7 =	smul.u32 @!p0 $0xF7A, s2;
	p2 =	seq.s32 @!p0 s5, $0x0  }
0x1f: {  	s9 =	smul.u32 $0xF7A, s1;
	s8 =	simm.s32 @!p0 $0x1BF5;
	p2 =	por !p2, p0  }
0x20: {  	[sflag:s8] =	ssyncset.s32 @!p0 $0xFFFFF086;
	s6 =	sadd.s32 @!p0 s3, s7;
	s7 =	simm.s32 @!p0 $0x108  }
0x21: {  	s3 =	sadd.s32 s3, s9;
	s6 =	sadd.s32 @!p0 $0x88, s6;
	s7 =	simm.s32 @p2 $0x1082  }
0x22: {  	[simem:s7], [sflag:s8] =	dma.local @!p0 [hbm:s6], $0xF7A  }
0x23: {  	s9 =	sor.u32 $0xD0000000, s2;
	s6 =	simm.s32 $0x108;
	_ =	swait.ge @!p0 [sflag:s8], $0x0  }
0x24: {  	s3 =	sadd.s32 $0x88, s3;
	s6 =	simm.s32 @!p1 $0x1082;
	[sflag:s4] =	ssyncset.s32 $0xFFFFF086  }
0x25: {  	[simem:s6], [sflag:s4] =	dma.local [hbm:s3], $0xF7A  }
0x26: {  	[smem:$0x3F79] =	sst s1;
	(tag) =	ssettag s2;
	_ =	strace s9  }
0x27: {  	s1 =	sld [smem:$0x3F89]  }
0x28: {  	s2 =	sld [smem:$0x3F8A]  }
0x29: {  	s4 =	sld [smem:$0x3F8C]  }
0x2a: {  	p0 =	seq.s32 s5, $0x0;
	s5 =	sld [smem:$0x3F8D]  }
0x2b: {  	s6 =	sld [smem:$0x3F8E]  }
0x2c: {  	s7 =	sld [smem:$0x3F8F]  }
0x2d: {  	s3 =	simm.s32 $0x108;
	s8 =	sld [smem:$0x3F90]  }
0x2e: {  	s3 =	simm.s32 @!p0 $0x1082;
	s9 =	sld [smem:$0x3F91]  }
0x2f: {  	lr =	sadd.s32 s0, s3;
	s0 =	sld [smem:$0x3F88]  }
0x30: {  	s3 =	sld [smem:$0x3F8B]  }
0x31: {  	[smem:$0x3F94] =	sst s10  }
0x32: {  	s10 =	sld [smem:$0x3F92];
	_ =	sdelay $0x3  }
0x33: {  	p0 =	seq.s32 s10, $0x1;
	s10 =	sld [smem:$0x3F94];
	_ =	sdelay $0x3  }
0x34: {  	[smem:$0x3F94] =	sst s10  }
0x35: {  	s10 =	sld [smem:$0x3F93];
	_ =	sdelay $0x3  }
0x36: {  	p1 =	seq.s32 s10, $0x1;
	s10 =	sld [smem:$0x3F94];
	_ =	sdelay $0x3  }
0x37: {  	[smem:$0x3F94] =	sst s10  }
0x38: {  	s10 =	sld [smem:$0x3F95]  }
0x39: {  	_ = 	snop;
	(pc) =	sbr.ind lr, $3  }
0x3a: {  	_ = 	snop  }
0x3b: {  	_ = 	snop  }
0x3c: {  	p2 =	seq.s32 s10, $0x1;
	s10 =	sld [smem:$0x3F94]  }
0x3d: {  	_ =	shalt  }
0x3e: {  	_ =	shalt  }
0x3f: {  	_ =	shalt  }
0x40: {  	_ =	shalt  }
0x41: {  	_ =	shalt  }
0x42: {  	_ =	shalt  }
0x43: {  	_ =	shalt  }
0x44: {  	_ =	shalt  }
0x45: {  	_ =	shalt  }
0x46: {  	_ =	shalt  }
0x47: {  	_ =	shalt  }
0x48: {  	_ =	shalt  }
0x49: {  	_ =	shalt  }
0x4a: {  	_ =	shalt  }
0x4b: {  	_ =	shalt  }
0x4c: {  	_ =	shalt  }
0x4d: {  	_ =	shalt  }
0x4e: {  	_ =	shalt  }
0x4f: {  	_ =	shalt  }
0x50: {  	_ =	shalt  }
0x51: {  	_ =	shalt  }
0x52: {  	_ =	shalt  }
0x53: {  	_ =	shalt  }
0x54: {  	_ =	shalt  }
0x55: {  	_ =	shalt  }
0x56: {  	_ =	shalt  }
0x57: {  	_ =	shalt  }
0x58: {  	_ =	shalt  }
0x59: {  	_ =	shalt  }
0x5a: {  	_ =	shalt  }
0x5b: {  	_ =	shalt  }
0x5c: {  	_ =	shalt  }
0x5d: {  	_ =	shalt  }
0x5e: {  	_ =	shalt  }
0x5f: {  	_ =	shalt  }
0x60: {  	_ =	shalt  }
0x61: {  	_ =	shalt  }
0x62: {  	_ =	shalt  }
0x63: {  	_ =	shalt  }
0x64: {  	_ =	shalt  }
0x65: {  	_ =	shalt  }
0x66: {  	_ =	shalt  }
0x67: {  	_ =	shalt  }
0x68: {  	_ =	shalt  }
0x69: {  	_ =	shalt  }
0x6a: {  	_ =	shalt  }
0x6b: {  	_ =	shalt  }
0x6c: {  	_ =	shalt  }
0x6d: {  	_ =	shalt  }
0x6e: {  	_ =	shalt  }
0x6f: {  	_ =	shalt  }
0x70: {  	_ =	shalt  }
0x71: {  	_ =	shalt  }
0x72: {  	_ =	shalt  }
0x73: {  	_ =	shalt  }
0x74: {  	_ =	shalt  }
0x75: {  	_ =	shalt  }
0x76: {  	_ =	shalt  }
0x77: {  	_ =	shalt  }
0x78: {  	_ =	shalt  }
0x79: {  	_ =	shalt  }
0x7a: {  	_ =	shalt  }
0x7b: {  	_ =	shalt  }
0x7c: {  	_ =	shalt  }
0x7d: {  	_ =	shalt  }
0x7e: {  	_ =	shalt  }
0x7f: {  	_ =	shalt  }
0x80: {  	_ =	shalt  }
0x81: {  	_ =	shalt  }
0x82: {  	_ =	shalt  }
0x83: {  	_ =	shalt  }
0x84: {  	_ =	shalt  }
0x85: {  	_ =	shalt  }
0x86: {  	_ =	shalt  }
0x87: {  	_ =	shalt  }
.Lfunc_end0:
.L_simem_size_0:
called_computation.1_lowered:
.L_overlay_start_0:
0x88: {  	s2 =	sld [smem:$0x3FD9]  }
0x89: {  	s3 =	sld [smem:$0x3FFE];
	_ =	sdelay $0x1  }
0x8a: {  	s1 =	srdreg.scid  }
0x8b: {  	s0 =	sand.u32 $0x1, s1  }
0x8c: {  	s14 =	sshll.u32 s0, $0xA;
	s2 =	sadd.s32 s3, s2  }
0x8d: {  	s2 =	sadd.s32 s2, s14  }
0x8e: {  	[smem:$0x3FA0] =	sst s2  }
0x8f: {  	_ = 	snop  }
0x90: {  	s2 =	sld [smem:$0x3FD0];
	_ =	sdelay $0x2  }
0x91: {  	s15 =	simm.s32 $0xA;
	s4 =	simm.s32 $0x10  }
0x92: {  	[smem:s4], [sflag:s15] =	dma.local [hbm:s2], $0x1  }
0x93: {  	_ =	swait.eq [sflag:s15], $0x1  }
0x94: {  	[sflag:s15] =	ssyncset.done $0x0  }
0x95: {  	[sflag:s15] =	ssyncadd.s32 $0xFFFFFFFF  }
0x96: {  	s16 =	sld [smem:$0x10];
	(tm) =	ssettm $0x1  }
0x97: {  	s17 =	sld [smem:$0x3FFB];
	_ =	sdelay $0x3  }
0x98: {  	_ =	strace s17  }
0x99: {  	s3 =	sld [smem:$0x3FFC];
	_ =	sdelay $0x3  }
0x9a: {  	_ =	strace s3  }
0x9b: {  	s3 =	sld [smem:$0x3FFD];
	_ =	sdelay $0x3  }
0x9c: {  	_ =	strace s3  }
0x9d: {  	_ =	strace $0x8FFFFFFF  }
0x9e: {  	s18 =	sld [smem:$0x3FDB];
	_ =	sdelay $0x1  }
0x9f: {  	s19 =	simm.s32 $_scs_section_size  }
0xa0: {  	s5 =	simm.s32 $_size__tile_overlayer_lowered;
	s6 =	simm.s32 $_tile_overlayer_lowered  }
0xa1: {  	s22 =	simm.s32 $0x1BFF;
	s21 =	sshll.u32 s6, $0x1;
	s3 =	sadd.s32 s19, s18  }
0xa2: {  	s7 =	simm.s32 $0x0;
	s20 =	sshll.u32 s5, $0x1;
	s5 =	sadd.s32 s21, s3  }
0xa3: {  	[timem:s7], [sflag:s22] =	dma.local [hbm:s5], s20  }
0xa4: {  	_ =	swait.ge [sflag:s22], s20  }
0xa5: {  	s4 =	ssub.s32 $0x0, s20;
	[sflag:s22] =	ssyncset.done $0x0  }
0xa6: {  	[sflag:s22] =	ssyncadd.s32 s4;
	_ =	sdelay $0x1  }
0xa7: {  	s23 =	simm.s32 $0x1B8B  }
0xa8: {  	_ =	swait.ge [sflag:s23], $0x1  }
0xa9: {  	[sflag:s23] =	ssyncset.done $0x0  }
0xaa: {  	s25 =	simm.s32 $0x1B8E;
	s24 =	sld [smem:$0x3FFE];
	[sflag:s23] =	ssyncadd.s32 $0xFFFFFFFF  }
0xab: {  	s26 =	simm.s32 $execute0_lowered;
	[smem:$0x3FD2] =	sst s25  }
0xac: {  	s5 =	sshll.u32 s26, $0x1;
	_ =	strace $0x80000049;
	[dreg:$0x1] =	wrdreg $0xFFFFFFFF  }
0xad: {  	s28 =	simm.s32 $_size_execute0_lowered;
	s3 =	sadd.s32 s3, s5;
	[dreg:$0x0] =	wrdreg $0x0  }
0xae: {  	s5 =	sshll.u32 s28, $0x1;
	[dreg:$0x2] =	wrdreg s3  }
0xaf: {  	[dreg:$0x3] =	wrdreg s5  }
0xb0: {  	[dreg:$0x4] =	wrdreg $0xC0  }
0xb1: {  	_ =	task [dreg:s7], $0x5FFFF  }
0xb2: {  	[dreg:$0x1] =	wrdreg $0xFFFFFFFF  }
0xb3: {  	[dreg:$0x0] =	wrdreg $0x60  }
0xb4: {  	[dreg:$0x2] =	wrdreg s24  }
0xb5: {  	[dreg:$0x3] =	wrdreg s16  }
0xb6: {  	[dreg:$0x4] =	wrdreg $0x13E000  }
0xb7: {  	[dreg:$0x5] =	wrdreg $0x166000  }
0xb8: {  	[dreg:$0x6] =	wrdreg $0x9  }
0xb9: {  	_ =	task.clear_ibuf [dreg:s7], $0x7FFFF;
	_ =	strace $0x90000049  }
0xba: {  	s29 =	simm.s32 $0x9;
	_ =	strace $0x8000004B  }
0xbb: {  	_ =	swait.ge [sflag:s29], $0x1  }
0xbc: {  	[sflag:s29] =	ssyncadd.s32 $0xFFFFFFFF  }
0xbd: {  	_ =	strace $0x9000004B  }
0xbe: {  	_ =	sfence  }
0xbf: {  	s30 =	sld [smem:$0x0];
	_ =	sdelay $0x2  }
0xc0: {  	s31 =	sshll.u32 s1, $0xD;
	s1 =	sshrl.u32 s1, $0x2  }
0xc1: {  	s3 =	sand.u32 $0x4000, s31;
	s1 =	sadd.s32 s1, s30  }
0xc2: {  	s0 =	sor.u32 s3, s0;
	s1 =	sshll.u32 s1, $0x11  }
0xc3: {  	s0 =	sor.u32 s1, s0  }
0xc4: {  	s0 =	sadd.s32 $0x8F2B, s0  }
0xc5: {  	[sflag:s0] =	ssyncadd.remote.s32 $0x1  }
0xc6: {  	_ =	sfence.sel $0xFFFF  }
0xc7: {  	[dreg:$0x0] =	wrdreg $0xFFFFFFFF;
	(pc) =	sbr.abs _section_cstart, $3  }
0xc8: {  	[dreg:$0x1] =	wrdreg $0xFFFFFFFF  }
0xc9: {  	_ =	task.clear_ibuf [dreg:s7], $0x2FFFF;
	_ =	strace $0x9FFFFFFF  }
0xca: {  	(tm) =	ssettm $0x7FFFFFFF  }
0xcb: {  	_ =	shalt  }
tec
execute0_lowered:
.L_overlay_start_1:
0x0: {  	(tag) =	ssettag $0x1  }
0x1: {  	s4 =	rddreg [dreg:$0x0]  }
0x2: {  	s11 =	rddreg [dreg:$0x1]  }
0x3: {  	s8 =	rddreg [dreg:$0x2]  }
0x4: {  	s1 =	rddreg [dreg:$0x3]  }
0x5: {  	s0 =	rddreg [dreg:$0x4]  }
0x6: {  	s3 =	simm.s32 $0x0;
	s5 =	srdreg.scid;
	s2 =	stileid.u32  }
0x7: {  	s16 =	simm.s32 $0xEB80;
	s17 =	simm.s32 $0x80;
	s18 =	simm.s32 $0x400  }
0x8: {  	s19 =	simm.s32 $0x11380;
	s20 =	simm.s32 $0x0;
	[smem:$0x7FF] =	sst s3  }
0x9: {  	s14 =	sand.u32 $0x1, s5;
	s29 =	smul.u32 $0x9C4, s2;
	s7 =	sshrl.u32 s2, $0x3  }
0xa: {  	s30 =	sshll.u32 s2, $0x7;
	s31 =	smul.u32 $0x5000, s2;
	s6 =	ssub.s32 $0x2, s14  }
0xb: {  	_ =	strace $0x8000004A;
	s7 =	smul.u32 $0x50000, s7;
	s10 =	sand.u32 $0x380, s30  }
0xc: {  	p0 =	sne.s32 s14, $0x0;
	s14 =	simm.s32 $0x1;
	s9 =	sshrl.u32 s6, $0x1  }
0xd: {  	s12 =	sadd.s32 s29, s4;
	s4 =	smul.u32 $0x280, s2;
	s13 =	ssub.s32 s6, s9  }
.Ltmp0:
0xe: {  	s7 =	sshrl.u32 s7, $0x2;
	s5 =	sadd.s32 $0x14A00, s12;
	(pc) =	sbr.rel .LBB2_1-.Ltmp0, $4  }
0xf: {  	s6 =	sadd.s32 $0x1E800, s12;
	s9 =	sshrl.u32 s31, $0x2;
	s12 =	sadd.s32 $0x28600, s12  }
0x10: {  	s7 =	sadd.s32 s7, s8;
	s8 =	sadd.s32 s9, s8;
	s9 =	sadd.s32 s4, s1  }
0x11: {  	s15 =	sshrl.u32 s4, $0x3;
	s13 =	smax.u32 s13, $0x1;
	s7 =	sadd.s32 s10, s7  }
0x12: {  	v0 =	vimm.f32 $0.0e+00;
	s10 =	sadd.s32 $0x11380, s4;
	s11 =	sadd.s32 s11, s15;
	s15 =	simm.s32 $0x4E80  }
.LBB2_17:
0x13: {  	[bflag:$0x0] =	sbarrier.arrive $0xFFFF  }
0x14: {  	[bflag:$0x0] =	sbarrier.arrive $0xFFFF  }
.LBB2_15:
0x15: {  	s20 =	sadd.s32 $0x1, s20  }
0x16: {  	p1 =	sne.s32 s20, s13  }
.Ltmp1:
0x17: {  	_ = 	snop;
	(pc) =	sbr.rel @!p1 .LBB2_16-.Ltmp1, $1  }
0x18: {  	_ =	sdelay $0x3  }
.LBB2_1:
.Ltmp2:
0x19: {  	(pc) =	sbr.rel @p0 .LBB2_17-.Ltmp2, $1  }
0x1a: {  	_ =	sdelay $0x3  }
0x1b: {  	s21 =	simm.s32 $0x0  }
0x1c: {  	[tilespmem:s21], [sflag:$0x1] =	stream.linear.gather [hbm4b:s5+s21], $0x4E20, $0x38;
	[tilespmem:$0x16880] =	vst v63  }
0x1d: {  	_ =	swait.ge [sflag:s14], $0x4E20  }
0x1e: {  	[sflag:s14] =	ssyncset.done $0x0  }
0x1f: {  	[sflag:s14] =	ssyncadd.s32 $0xFFFFB1E0  }
0x20: {  	[tilespmem:s15], [sflag:$0x1] =	stream.linear.gather [hbm4b:s6+s21], $0x4E20, $0x38;
	[tilespmem:$0x16880] =	vst v63  }
0x21: {  	_ =	swait.ge [sflag:s14], $0x4E20  }
0x22: {  	[sflag:s14] =	ssyncset.done $0x0  }
0x23: {  	s22 =	simm.s32 $0x0;
	s21 =	simm.s32 $0x40;
	[sflag:s14] =	ssyncadd.s32 $0xFFFFB1E0  }
.LBB2_3:
0x24: {  	p1 =	sne.s32 s21, $0x9FC0;
	[tilespmem:s22+$0xEB80] =	vst v0;
	s22 =	smov.u32 s21;
	s21 =	sadd.s32 $0x40, s21  }
.Ltmp3:
0x25: {  	(pc) =	sbr.rel @p1 .LBB2_3-.Ltmp3, $2  }
0x26: {  	_ =	sdelay $0x2  }
0x27: {  	s22 =	sshra.s32 s22, $0x2  }
0x28: {  	[tilespmem:s22+$0xEB80] =	vst v0;
	s21 =	simm.s32 $0x0  }
0x29: {  	s22 =	simm.s32 $0x40;
	v1 =	vld [tilespmem:s21+$0x4E80]  }
.LBB2_5:
0x2a: {  	p1 =	sne.s32 s22, $0x13840;
	_ =	sdelay $0x3  }
0x2b: {  	v1 =	vmul.f32 $1.442695020e+00, v1;
	_ =	sdelay $0x1  }
0x2c: {  	(erf) = vpow2.f32 v1;
	_ =	sdelay $0x2  }
0x2d: {  	v1 =	vld [tilespmem:s21+$0x0];
	_ =	sdelay $0x4  }
.Ltmp4:
0x2e: {  	(pc) =	sbr.rel @p1 .LBB2_5-.Ltmp4, $4  }
0x2f: {  	v2 =	vpop (erf)  }
0x30: {  	[tilespmem:s21+$0x9D00] =	vst v2  }
0x31: {  	s21 =	sshra.s32 s22, $0x2;
	[tilespmem:v1+s16+$0x0] =	vst.idx.add.f32.msk $0xffff, v2  }
0x32: {  	s22 =	sadd.s32 $0x40, s22;
	v1 =	vld [tilespmem:s21+$0x4E80]  }
0x33: {  	_ =	sdelay $0x3  }
0x34: {  	v1 =	vmul.f32 $1.442695020e+00, v1;
	_ =	sdelay $0x1  }
0x35: {  	(erf) = vpow2.f32 v1;
	_ =	sdelay $0x2  }
0x36: {  	v1 =	vld [tilespmem:s21+$0x0];
	_ =	sdelay $0x5  }
0x37: {  	v2 =	vpop (erf)  }
0x38: {  	[tilespmem:s21+$0x9D00] =	vst v2  }
0x39: {  	[tilespmem:v1+s16+$0x0] =	vst.idx.add.f32.msk $0xffff, v2  }
0x3a: {  	[spmem:s7] =	stream.strided.scatter [tilespmem:s16], [sflag:$0x1], $0x2800, s18, s17, $0x38;
	[tilespmem:$0x16880] =	vst v63  }
0x3b: {  	_ =	swait.ge [sflag:s14], $0x2800  }
0x3c: {  	s22 =	sadd.s32 $0x0, s4;
	s21 =	simm.s32 $0x0;
	[sflag:s14] =	ssyncset.done $0x0  }
0x3d: {  	s23 =	sand.u32 $0x7F80, s22;
	s24 =	sand.u32 $0x70, s21;
	[sflag:s14] =	ssyncadd.s32 $0xFFFFD800  }
0x3e: {  	s22 =	simm.s32 $0x10;
	s23 =	sor.u32 s24, s23;
	[bflag:$0x0] =	sbarrier.arrive $0xFFFF  }
.LBB2_7:
0x3f: {  	p1 =	sne.s32 s22, $0x270;
	[tilespmem:s23+$0x11380] =	vst v0;
	s23 =	smov.u32 s22;
	s22 =	sadd.s32 $0x10, s22  }
.Ltmp5:
0x40: {  	(pc) =	sbr.rel @p1 .LBB2_7-.Ltmp5, $4  }
0x41: {  	_ = 	snop  }
0x42: {  	s24 =	sadd.s32 s23, s4  }
0x43: {  	s23 =	sand.u32 $0x70, s23;
	s24 =	sand.u32 $0x7F80, s24  }
0x44: {  	s23 =	sor.u32 s23, s24  }
0x45: {  	[tilespmem:s23+$0x11380] =	vst v0  }
.LBB2_9:
0x46: {  	s22 =	sshrl.u32 s21, $0x3  }
0x47: {  	s22 =	smul.u32 $0x50000, s22;
	_ =	sdelay $0x1  }
0x48: {  	s23 =	sshll.u32 s21, $0x7;
	s22 =	sshra.s32 s22, $0x2  }
0x49: {  	s23 =	sand.u32 $0x380, s23;
	s22 =	sadd.s32 s22, s8  }
0x4a: {  	s30 =	simm.s32 $0x13B80;
	s22 =	sadd.s32 s23, s22  }
0x4b: {  	[tilespmem:s30], [sflag:$0x1] =	stream.strided.gather [spmem:s22], $0x280, s18, s17, $0x38;
	[tilespmem:$0x16880] =	vst v63  }
0x4c: {  	_ =	swait.ge [sflag:s14], $0x280  }
0x4d: {  	s31 =	simm.s32 $0x0;
	s24 =	sadd.s32 $0x0, s4;
	[sflag:s14] =	ssyncset.done $0x0  }
0x4e: {  	s24 =	sand.u32 $0x7F80, s24;
	s22 =	sand.u32 $0x70, s31;
	[sflag:s14] =	ssyncadd.s32 $0xFFFFFD80  }
0x4f: {  	s22 =	sor.u32 s22, s24;
	v1 =	vld [tilespmem:s30+$0x0]  }
0x50: {  	v2 =	vld [tilespmem:s22+$0x11380];
	_ =	sdelay $0x4  }
0x51: {  	s26 =	sadd.s32 $0x10, s4;
	v1 =	vadd.f32 v1, v2  }
0x52: {  	s25 =	simm.s32 $0x20;
	s23 =	simm.s32 $0x13B90;
	s24 =	simm.s32 $0x10  }
.LBB2_10:
0x53: {  	p1 =	sne.s32 s25, $0x270;
	s26 =	sand.u32 $0x7F80, s26;
	s24 =	sand.u32 $0x70, s24;
	[tilespmem:s22+$0x11380] =	vst v1  }
0x54: {  	s22 =	sor.u32 s24, s26;
	v1 =	vld [tilespmem:s23+$0x0];
	s24 =	smov.u32 s25  }
0x55: {  	v2 =	vld [tilespmem:s22+$0x11380];
	_ =	sdelay $0x1  }
.Ltmp6:
0x56: {  	(pc) =	sbr.rel @p1 .LBB2_10-.Ltmp6, $3  }
0x57: {  	_ =	sdelay $0x1  }
0x58: {  	v1 =	vadd.f32 v1, v2  }
0x59: {  	s25 =	sadd.s32 $0x10, s25;
	s23 =	sadd.s32 $0x10, s23;
	s26 =	sadd.s32 s24, s4  }
0x5a: {  	s25 =	sand.u32 $0x7F80, s26;
	s24 =	sand.u32 $0x70, s24;
	[tilespmem:s22+$0x11380] =	vst v1  }
0x5b: {  	s31 =	sor.u32 s24, s25;
	v1 =	vld [tilespmem:s23+$0x0]  }
0x5c: {  	v2 =	vld [tilespmem:s31+$0x11380]  }
0x5d: {  	s21 =	sadd.s32 $0x1, s21  }
0x5e: {  	p1 =	seq.s32 s21, $0x10  }
.Ltmp7:
0x5f: {  	_ = 	snop;
	(pc) =	sbr.rel @!p1 .LBB2_9-.Ltmp7, $3  }
0x60: {  	_ = 	snop  }
0x61: {  	v1 =	vadd.f32 v1, v2;
	_ =	sdelay $0x1  }
0x62: {  	[tilespmem:s31+$0x11380] =	vst v1  }
0x63: {  	[spmem:s9] =	stream.linear.scatter [tilespmem:s10], [sflag:$0x1], $0x280, $0x38;
	[tilespmem:$0x16880] =	vst v63  }
0x64: {  	_ =	swait.ge [sflag:s14], $0x280  }
0x65: {  	[sflag:s14] =	ssyncset.done $0x0  }
0x66: {  	s21 =	simm.s32 $0x0;
	[sflag:s14] =	ssyncadd.s32 $0xFFFFFD80  }
0x67: {  	[hbm4b:s11+s21] =	stream.linear.scatter [tilespmem:s10], [sflag:$0x1], $0x280, $0x38;
	[tilespmem:$0x16880] =	vst v63  }
0x68: {  	_ =	swait.ge [sflag:s14], $0x280  }
0x69: {  	[sflag:s14] =	ssyncset.done $0x0  }
0x6a: {  	[sflag:s14] =	ssyncadd.s32 $0xFFFFFD80  }
0x6b: {  	[bflag:$0x0] =	sbarrier.arrive $0xFFFF  }
0x6c: {  	[tilespmem:s19], [sflag:$0x1] =	stream.linear.gather [spmem:s1], $0x2800, $0x38;
	[tilespmem:$0x16880] =	vst v63  }
0x6d: {  	_ =	swait.ge [sflag:s14], $0x2800  }
0x6e: {  	[sflag:s14] =	ssyncset.done $0x0  }
0x6f: {  	s21 =	simm.s32 $0x0;
	[sflag:s14] =	ssyncadd.s32 $0xFFFFD800  }
0x70: {  	v1 =	vld [tilespmem:s21+$0x0];
	_ =	sdelay $0x7  }
0x71: {  	v1 =	vld.idx.msk [tilespmem:v1+s19+$0x0], $0xffff;
	_ =	sdelay $0x4  }
0x72: {  	v1 =	vadd.f32 $1.000000020e-16, v1;
	_ =	sdelay $0x1  }
0x73: {  	(erf) = vrcp.f32 v1;
	_ =	sdelay $0x3  }
0x74: {  	s23 =	simm.s32 $0x10;
	s22 =	simm.s32 $0x80;
	v1 =	vld [tilespmem:s21+$0x9D00]  }
.LBB2_13:
0x75: {  	p1 =	sne.s32 s22, $0x13840;
	v2 =	vld [tilespmem:s23+$0x0];
	_ =	sdelay $0x3  }
0x76: {  	v3 =	vpop (erf)  }
0x77: {  	v1 =	vmul.f32 v3, v1;
	_ =	sdelay $0x1  }
0x78: {  	[tilespmem:s21+$0x4E80] =	vst v1;
	s21 =	smov.u32 s23  }
0x79: {  	v1 =	vld.idx.msk [tilespmem:v2+s19+$0x0], $0xffff;
	_ =	sdelay $0x5  }
0x7a: {  	v1 =	vadd.f32 $1.000000020e-16, v1;
	_ =	sdelay $0x1  }
.Ltmp8:
0x7b: {  	(erf) = vrcp.f32 v1;
	(pc) =	sbr.rel @p1 .LBB2_13-.Ltmp8, $2  }
0x7c: {  	_ =	sdelay $0x2  }
0x7d: {  	s23 =	sshra.s32 s22, $0x2;
	s22 =	sadd.s32 $0x40, s22;
	v1 =	vld [tilespmem:s21+$0x9D00]  }
0x7e: {  	v2 =	vld [tilespmem:s23+$0x0];
	_ =	sdelay $0x3  }
0x7f: {  	v3 =	vpop (erf)  }
0x80: {  	v1 =	vmul.f32 v3, v1;
	_ =	sdelay $0x1  }
0x81: {  	[tilespmem:s21+$0x4E80] =	vst v1  }
0x82: {  	v1 =	vld.idx.msk [tilespmem:v2+s19+$0x0], $0xffff;
	_ =	sdelay $0x4  }
0x83: {  	v1 =	vadd.f32 $1.000000020e-16, v1;
	_ =	sdelay $0x1  }
0x84: {  	(erf) = vrcp.f32 v1;
	_ =	sdelay $0x4  }
0x85: {  	v1 =	vld [tilespmem:s23+$0x9D00];
	_ =	sdelay $0x3  }
0x86: {  	v2 =	vpop (erf)  }
0x87: {  	v1 =	vmul.f32 v2, v1;
	_ =	sdelay $0x1  }
.Ltmp9:
0x88: {  	[tilespmem:s23+$0x4E80] =	vst v1;
	(pc) =	sbr.rel .LBB2_15-.Ltmp9, $4  }
0x89: {  	[hbm4b:s12+s3] =	stream.linear.scatter [tilespmem:s15], [sflag:$0x1], $0x4E20, $0x38;
	[tilespmem:$0x16880] =	vst v63  }
0x8a: {  	_ =	swait.ge [sflag:s14], $0x4E20  }
0x8b: {  	[sflag:s14] =	ssyncset.done $0x0  }
0x8c: {  	[sflag:s14] =	ssyncadd.s32 $0xFFFFB1E0  }
.LBB2_16:
0x8d: {  	_ =	sfence.sel $0x180000  }
0x8e: {  	[bflag:$0x0] =	sbarrier.arrive $0xFFFF  }
0x8f: {  	p0 =	sne.s32 s2, $0x0;
	_ =	strace $0x9000004A  }
0x90: {  	s0 =	sadd.s32 @!p0 $0x100000, s0;
	[bflag:$0x2] =	sbarrier.arrive $0xFFFF  }
0x91: {  	[sflag:s0] =	ssyncadd.tile.s32 @!p0 $0x1;
	_ =	shalt  }
.Lfunc_end2:
_tile_overlayer_lowered:
.L_overlay_start_2:
0x92: {  	(tag) =	ssettag $0x2  }
0x93: {  	s0 =	rddreg [dreg:$0x0];
	s2 =	stileid.u32  }
0x94: {  	s1 =	rddreg [dreg:$0x1];
	p0 =	sne.s32 s2, $0x0  }
0x95: {  	s3 =	rddreg [dreg:$0x2];
	[bflag:$0x3] =	sbarrier.arrive $0xFFFF;
	s2 =	simm.s32 @!p0 $0x1C01  }
0x96: {  	[timem:s3], [sflag:s2] =	dma.local @!p0 [hbm:s0], s1  }
0x97: {  	s0 =	simm.s32 @!p0 $0x1  }
0x98: {  	_ =	swait.ge @!p0 [sflag:s0], s1  }
0x99: {  	s1 =	ssub.s32 @!p0 $0x0, s1;
	[sflag:s0] =	ssyncset.done @!p0 $0x0  }
0x9a: {  	[sflag:s0] =	ssyncadd.s32 @!p0 s1  }
0x9b: {  	[bflag:$0x3] =	sbarrier.arrive $0xFFFF  }
0x9c: {  	_ =	shalt  }

// kernel: kernel.23.cloned.1.call-start
scs
__scs_entry_jumppad:
0x0: {  	(pc) =	sbr.rel $0x88, $3  }
0x1: {  	(tag) =	ssettag $0x0;
	lr =	simm.s32 $0x1  }
0x2: {  	[smem:$0x3F79] =	sst lr;
	_ =	strace $0xD0000000  }
0x3: {  	_ = 	snop  }
0x4: {  	_ = 	snop  }
0x5: {  	_ = 	snop  }
0x6: {  	_ = 	snop  }
0x7: {  	_ = 	snop  }
__scs_overlays_trampoline_lowered:
0x8: {  	[smem:$0x3F88] =	sst s0  }
0x9: {  	[smem:$0x3F89] =	sst s1  }
0xa: {  	[smem:$0x3F8A] =	sst s2  }
0xb: {  	[smem:$0x3F8B] =	sst s3  }
0xc: {  	[smem:$0x3F8C] =	sst s4  }
0xd: {  	[smem:$0x3F8D] =	sst s5  }
0xe: {  	[smem:$0x3F8E] =	sst s6  }
0xf: {  	[smem:$0x3F8F] =	sst s7  }
0x10: {  	[smem:$0x3F90] =	sst s8  }
0x11: {  	[smem:$0x3F91] =	sst s9;
	s0 =	simm.s32 @!p0 $0x0  }
0x12: {  	s1 =	sld [smem:$0x3F77];
	s0 =	simm.s32 @p0 $0x1  }
0x13: {  	[smem:$0x3F92] =	sst s0;
	s0 =	simm.s32 @!p1 $0x0  }
0x14: {  	s2 =	sld [smem:$0x3F76];
	s0 =	simm.s32 @p1 $0x1  }
0x15: {  	[smem:$0x3F93] =	sst s0;
	s0 =	simm.s32 @!p2 $0x0  }
0x16: {  	s3 =	sld [smem:$0x3FDB];
	s0 =	simm.s32 @p2 $0x1  }
0x17: {  	s4 =	simm.s32 $0x1BF5;
	[smem:$0x3F95] =	sst s0  }
0x18: {  	s0 =	sld [smem:$0x3F78];
	_ =	swait.ge [sflag:s4], $0x0  }
0x19: {  	s7 =	sld [smem:$0x3F79]  }
0x1a: {  	s8 =	sadd.s32 $0xFFFFE003, lr  }
0x1b: {  	s9 =	sadd.s32 $0xFFFFFEF7, lr;
	s5 =	simm.s32 $0xFFFFFFFF;
	p2 =	slt.u32 s8, $0xFFFFF086  }
0x1c: {  	p1 =	slt.u32 s9, $0xF7A;
	s5 =	simm.s32 @!p2 $0x0  }
0x1d: {  	s5 =	simm.s32 @p1 $0x1;
	p0 =	seq.s32 s7, s2  }
0x1e: {  	s7 =	smul.u32 @!p0 $0xF7A, s2;
	p2 =	seq.s32 @!p0 s5, $0x0  }
0x1f: {  	s9 =	smul.u32 $0xF7A, s1;
	s8 =	simm.s32 @!p0 $0x1BF5;
	p2 =	por !p2, p0  }
0x20: {  	[sflag:s8] =	ssyncset.s32 @!p0 $0xFFFFF086;
	s6 =	sadd.s32 @!p0 s3, s7;
	s7 =	simm.s32 @!p0 $0x108  }
0x21: {  	s3 =	sadd.s32 s3, s9;
	s6 =	sadd.s32 @!p0 $0x88, s6;
	s7 =	simm.s32 @p2 $0x1082  }
0x22: {  	[simem:s7], [sflag:s8] =	dma.local @!p0 [hbm:s6], $0xF7A  }
0x23: {  	s9 =	sor.u32 $0xD0000000, s2;
	s6 =	simm.s32 $0x108;
	_ =	swait.ge @!p0 [sflag:s8], $0x0  }
0x24: {  	s3 =	sadd.s32 $0x88, s3;
	s6 =	simm.s32 @!p1 $0x1082;
	[sflag:s4] =	ssyncset.s32 $0xFFFFF086  }
0x25: {  	[simem:s6], [sflag:s4] =	dma.local [hbm:s3], $0xF7A  }
0x26: {  	[smem:$0x3F79] =	sst s1;
	(tag) =	ssettag s2;
	_ =	strace s9  }
0x27: {  	s1 =	sld [smem:$0x3F89]  }
0x28: {  	s2 =	sld [smem:$0x3F8A]  }
0x29: {  	s4 =	sld [smem:$0x3F8C]  }
0x2a: {  	p0 =	seq.s32 s5, $0x0;
	s5 =	sld [smem:$0x3F8D]  }
0x2b: {  	s6 =	sld [smem:$0x3F8E]  }
0x2c: {  	s7 =	sld [smem:$0x3F8F]  }
0x2d: {  	s3 =	simm.s32 $0x108;
	s8 =	sld [smem:$0x3F90]  }
0x2e: {  	s3 =	simm.s32 @!p0 $0x1082;
	s9 =	sld [smem:$0x3F91]  }
0x2f: {  	lr =	sadd.s32 s0, s3;
	s0 =	sld [smem:$0x3F88]  }
0x30: {  	s3 =	sld [smem:$0x3F8B]  }
0x31: {  	[smem:$0x3F94] =	sst s10  }
0x32: {  	s10 =	sld [smem:$0x3F92];
	_ =	sdelay $0x3  }
0x33: {  	p0 =	seq.s32 s10, $0x1;
	s10 =	sld [smem:$0x3F94];
	_ =	sdelay $0x3  }
0x34: {  	[smem:$0x3F94] =	sst s10  }
0x35: {  	s10 =	sld [smem:$0x3F93];
	_ =	sdelay $0x3  }
0x36: {  	p1 =	seq.s32 s10, $0x1;
	s10 =	sld [smem:$0x3F94];
	_ =	sdelay $0x3  }
0x37: {  	[smem:$0x3F94] =	sst s10  }
0x38: {  	s10 =	sld [smem:$0x3F95]  }
0x39: {  	_ = 	snop;
	(pc) =	sbr.ind lr, $3  }
0x3a: {  	_ = 	snop  }
0x3b: {  	_ = 	snop  }
0x3c: {  	p2 =	seq.s32 s10, $0x1;
	s10 =	sld [smem:$0x3F94]  }
0x3d: {  	_ =	shalt  }
0x3e: {  	_ =	shalt  }
0x3f: {  	_ =	shalt  }
0x40: {  	_ =	shalt  }
0x41: {  	_ =	shalt  }
0x42: {  	_ =	shalt  }
0x43: {  	_ =	shalt  }
0x44: {  	_ =	shalt  }
0x45: {  	_ =	shalt  }
0x46: {  	_ =	shalt  }
0x47: {  	_ =	shalt  }
0x48: {  	_ =	shalt  }
0x49: {  	_ =	shalt  }
0x4a: {  	_ =	shalt  }
0x4b: {  	_ =	shalt  }
0x4c: {  	_ =	shalt  }
0x4d: {  	_ =	shalt  }
0x4e: {  	_ =	shalt  }
0x4f: {  	_ =	shalt  }
0x50: {  	_ =	shalt  }
0x51: {  	_ =	shalt  }
0x52: {  	_ =	shalt  }
0x53: {  	_ =	shalt  }
0x54: {  	_ =	shalt  }
0x55: {  	_ =	shalt  }
0x56: {  	_ =	shalt  }
0x57: {  	_ =	shalt  }
0x58: {  	_ =	shalt  }
0x59: {  	_ =	shalt  }
0x5a: {  	_ =	shalt  }
0x5b: {  	_ =	shalt  }
0x5c: {  	_ =	shalt  }
0x5d: {  	_ =	shalt  }
0x5e: {  	_ =	shalt  }
0x5f: {  	_ =	shalt  }
0x60: {  	_ =	shalt  }
0x61: {  	_ =	shalt  }
0x62: {  	_ =	shalt  }
0x63: {  	_ =	shalt  }
0x64: {  	_ =	shalt  }
0x65: {  	_ =	shalt  }
0x66: {  	_ =	shalt  }
0x67: {  	_ =	shalt  }
0x68: {  	_ =	shalt  }
0x69: {  	_ =	shalt  }
0x6a: {  	_ =	shalt  }
0x6b: {  	_ =	shalt  }
0x6c: {  	_ =	shalt  }
0x6d: {  	_ =	shalt  }
0x6e: {  	_ =	shalt  }
0x6f: {  	_ =	shalt  }
0x70: {  	_ =	shalt  }
0x71: {  	_ =	shalt  }
0x72: {  	_ =	shalt  }
0x73: {  	_ =	shalt  }
0x74: {  	_ =	shalt  }
0x75: {  	_ =	shalt  }
0x76: {  	_ =	shalt  }
0x77: {  	_ =	shalt  }
0x78: {  	_ =	shalt  }
0x79: {  	_ =	shalt  }
0x7a: {  	_ =	shalt  }
0x7b: {  	_ =	shalt  }
0x7c: {  	_ =	shalt  }
0x7d: {  	_ =	shalt  }
0x7e: {  	_ =	shalt  }
0x7f: {  	_ =	shalt  }
0x80: {  	_ =	shalt  }
0x81: {  	_ =	shalt  }
0x82: {  	_ =	shalt  }
0x83: {  	_ =	shalt  }
0x84: {  	_ =	shalt  }
0x85: {  	_ =	shalt  }
0x86: {  	_ =	shalt  }
0x87: {  	_ =	shalt  }
.Lfunc_end0:
.L_simem_size_0:
called_computation.2_lowered:
.L_overlay_start_0:
0x88: {  	s2 =	sld [smem:$0x3FD9]  }
0x89: {  	s3 =	sld [smem:$0x3FFE];
	_ =	sdelay $0x1  }
0x8a: {  	s1 =	srdreg.scid  }
0x8b: {  	s0 =	sand.u32 $0x1, s1  }
0x8c: {  	s14 =	sshll.u32 s0, $0xA;
	s2 =	sadd.s32 s3, s2  }
0x8d: {  	s2 =	sadd.s32 s2, s14  }
0x8e: {  	[smem:$0x3FA0] =	sst s2  }
0x8f: {  	_ = 	snop  }
0x90: {  	s2 =	sld [smem:$0x3FD0];
	_ =	sdelay $0x2  }
0x91: {  	s15 =	simm.s32 $0xA;
	s4 =	simm.s32 $0x10  }
0x92: {  	[smem:s4], [sflag:s15] =	dma.local [hbm:s2], $0x1  }
0x93: {  	_ =	swait.eq [sflag:s15], $0x1  }
0x94: {  	[sflag:s15] =	ssyncset.done $0x0  }
0x95: {  	[sflag:s15] =	ssyncadd.s32 $0xFFFFFFFF  }
0x96: {  	s16 =	sld [smem:$0x12];
	(tm) =	ssettm $0x1  }
0x97: {  	s17 =	sld [smem:$0x3FFB];
	_ =	sdelay $0x3  }
0x98: {  	_ =	strace s17  }
0x99: {  	s3 =	sld [smem:$0x3FFC];
	_ =	sdelay $0x3  }
0x9a: {  	_ =	strace s3  }
0x9b: {  	s3 =	sld [smem:$0x3FFD];
	_ =	sdelay $0x3  }
0x9c: {  	_ =	strace s3  }
0x9d: {  	_ =	strace $0x8FFFFFFF  }
0x9e: {  	s18 =	sld [smem:$0x3FDB];
	_ =	sdelay $0x1  }
0x9f: {  	s19 =	simm.s32 $_scs_section_size  }
0xa0: {  	s5 =	simm.s32 $_size__tile_overlayer_lowered;
	s6 =	simm.s32 $_tile_overlayer_lowered  }
0xa1: {  	s22 =	simm.s32 $0x1BFF;
	s21 =	sshll.u32 s6, $0x1;
	s3 =	sadd.s32 s19, s18  }
0xa2: {  	s7 =	simm.s32 $0x0;
	s20 =	sshll.u32 s5, $0x1;
	s5 =	sadd.s32 s21, s3  }
0xa3: {  	[timem:s7], [sflag:s22] =	dma.local [hbm:s5], s20  }
0xa4: {  	_ =	swait.ge [sflag:s22], s20  }
0xa5: {  	s4 =	ssub.s32 $0x0, s20;
	[sflag:s22] =	ssyncset.done $0x0  }
0xa6: {  	[sflag:s22] =	ssyncadd.s32 s4;
	_ =	sdelay $0x1  }
0xa7: {  	s23 =	simm.s32 $0x1B8B  }
0xa8: {  	_ =	swait.ge [sflag:s23], $0x1  }
0xa9: {  	[sflag:s23] =	ssyncset.done $0x0  }
0xaa: {  	s25 =	simm.s32 $0x1B8E;
	s24 =	sld [smem:$0x3FFE];
	[sflag:s23] =	ssyncadd.s32 $0xFFFFFFFF  }
0xab: {  	s26 =	simm.s32 $execute0_lowered;
	[smem:$0x3FD2] =	sst s25  }
0xac: {  	s5 =	sshll.u32 s26, $0x1;
	_ =	strace $0x8000004C;
	[dreg:$0x1] =	wrdreg $0xFFFFFFFF  }
0xad: {  	s28 =	simm.s32 $_size_execute0_lowered;
	s3 =	sadd.s32 s3, s5;
	[dreg:$0x0] =	wrdreg $0x0  }
0xae: {  	s5 =	sshll.u32 s28, $0x1;
	[dreg:$0x2] =	wrdreg s3  }
0xaf: {  	[dreg:$0x3] =	wrdreg s5  }
0xb0: {  	[dreg:$0x4] =	wrdreg $0xC0  }
0xb1: {  	_ =	task [dreg:s7], $0x5FFFF  }
0xb2: {  	[dreg:$0x1] =	wrdreg $0xFFFFFFFF  }
0xb3: {  	[dreg:$0x0] =	wrdreg $0x60  }
0xb4: {  	[dreg:$0x2] =	wrdreg s24  }
0xb5: {  	[dreg:$0x3] =	wrdreg s16  }
0xb6: {  	[dreg:$0x4] =	wrdreg $0x65000  }
0xb7: {  	[dreg:$0x5] =	wrdreg $0x9  }
0xb8: {  	_ =	task.clear_ibuf [dreg:s7], $0x6FFFF;
	_ =	strace $0x9000004C  }
0xb9: {  	s29 =	simm.s32 $0x9;
	_ =	strace $0x8000004E  }
0xba: {  	_ =	swait.ge [sflag:s29], $0x1  }
0xbb: {  	[sflag:s29] =	ssyncadd.s32 $0xFFFFFFFF  }
0xbc: {  	_ =	strace $0x9000004E  }
0xbd: {  	_ =	sfence  }
0xbe: {  	s30 =	sld [smem:$0x0];
	_ =	sdelay $0x2  }
0xbf: {  	s31 =	sshll.u32 s1, $0xD;
	s1 =	sshrl.u32 s1, $0x2  }
0xc0: {  	s3 =	sand.u32 $0x4000, s31;
	s1 =	sadd.s32 s1, s30  }
0xc1: {  	s0 =	sor.u32 s3, s0;
	s1 =	sshll.u32 s1, $0x11  }
0xc2: {  	s0 =	sor.u32 s1, s0  }
0xc3: {  	s0 =	sadd.s32 $0x8F2B, s0  }
0xc4: {  	[sflag:s0] =	ssyncadd.remote.s32 $0x1  }
0xc5: {  	_ =	sfence.sel $0xFFFF  }
0xc6: {  	[dreg:$0x0] =	wrdreg $0xFFFFFFFF;
	(pc) =	sbr.abs _section_cstart, $3  }
0xc7: {  	[dreg:$0x1] =	wrdreg $0xFFFFFFFF  }
0xc8: {  	_ =	task.clear_ibuf [dreg:s7], $0x2FFFF;
	_ =	strace $0x9FFFFFFF  }
0xc9: {  	(tm) =	ssettm $0x7FFFFFFF  }
tec
execute0_lowered:
.L_overlay_start_1:
0x0: {  	(tag) =	ssettag $0x1  }
0x1: {  	s5 =	rddreg [dreg:$0x0]  }
0x2: {  	s2 =	rddreg [dreg:$0x1]  }
0x3: {  	s3 =	rddreg [dreg:$0x2];
	s1 =	stileid.u32  }
0x4: {  	s0 =	rddreg [dreg:$0x3];
	s6 =	smul.u32 $0x4E200, s1  }
0x5: {  	s4 =	simm.s32 $0x0;
	s7 =	srdreg.scid;
	s8 =	smul.u32 $0x9C4, s1  }
0x6: {  	s19 =	simm.s32 $0xC8;
	s20 =	simm.s32 $0x0;
	s10 =	smul.u32 $0x280, s1  }
0x7: {  	[smem:$0x7FF] =	sst s4;
	s7 =	sand.u32 $0x1, s7;
	s11 =	smul.u32 $0x50000, s1  }
0x8: {  	s13 =	sadd.s32 $0x1E800, s5;
	_ =	strace $0x8000004D;
	s9 =	ssub.s32 $0x2, s7  }
0x9: {  	p0 =	seq.s32 s7, $0x1;
	s12 =	smul.u32 $0x2800, s7;
	s16 =	sadd.s32 s6, s5  }
0xa: {  	s24 =	sshrl.u32 s9, $0x1;
	s15 =	sadd.s32 s8, s5;
	s25 =	sshrl.u32 s11, $0x2  }
0xb: {  	s26 =	sadd.s32 $0xA0, s10;
	s14 =	sadd.s32 $0x140, s10;
	s17 =	sadd.s32 $0x1E0, s10  }
0xc: {  	s6 =	ssub.s32 s9, s24;
	s5 =	sadd.s32 s25, s3;
	s28 =	sshll.u32 s26, $0x7  }
0xd: {  	s29 =	sshll.u32 s14, $0x7;
	s30 =	sadd.s32 s12, s10;
	s31 =	sshll.u32 s17, $0x7  }
0xe: {  	s11 =	sadd.s32 s12, s26;
	s14 =	sadd.s32 s12, s14;
	s12 =	sadd.s32 s12, s17  }
0xf: {  	s15 =	sadd.s32 $0x14A00, s15;
	s6 =	smax.u32 s6, $0x1;
	s7 =	sadd.s32 s28, s3  }
.Ltmp0:
0x10: {  	s8 =	sadd.s32 s29, s3;
	s18 =	sshll.u32 s30, $0x4;
	(pc) =	sbr.rel .LBB2_1-.Ltmp0, $4  }
0x11: {  	s9 =	sadd.s32 s31, s3;
	s11 =	sshll.u32 s11, $0x4;
	s14 =	sshll.u32 s14, $0x4  }
0x12: {  	s17 =	sshll.u32 s12, $0x4;
	s10 =	sadd.s32 s13, s18;
	s11 =	sadd.s32 s13, s11  }
0x13: {  	s12 =	sadd.s32 s13, s14;
	s13 =	sadd.s32 s13, s17;
	s14 =	sadd.s32 $0x640800, s16  }
0x14: {  	s16 =	sadd.s32 $0x238C800, s16;
	s17 =	simm.s32 $0x100;
	s18 =	simm.s32 $0x1  }
.LBB2_7:
0x15: {  	s22 =	sadd.s32 s22, s15;
	[sflag:s18] =	ssyncadd.s32 $0xFFFF9C00  }
0x16: {  	[tilespmem:s4], [sflag:$0x1] =	stream.linear.gather [hbm4b:s22+s4], $0xC8, $0x38;
	[tilespmem:$0x1A500] =	vst v63  }
0x17: {  	_ =	swait.ge [sflag:s18], $0xC8  }
0x18: {  	[sflag:s18] =	ssyncset.done $0x0  }
0x19: {  	[sflag:s18] =	ssyncadd.s32 $0xFFFFFF38  }
0x1a: {  	[tilespmem:s17], [sflag:$0x1] =	stream.linear.gather [hbm4b:s21+s4], $0x6400, $0x38;
	[tilespmem:$0x1A500] =	vst v63  }
0x1b: {  	_ =	swait.ge [sflag:s18], $0x6400  }
0x1c: {  	[sflag:s18] =	ssyncset.done $0x0  }
0x1d: {  	[sflag:s18] =	ssyncadd.s32 $0xFFFF9C00  }
0x1e: {  	[spmem:s3] =	stream.indirect.scatter.add.f32 [tilespmem:s17], [sflag:$0x1], $0x80, s4, s19, $0xb8;
	[tilespmem:$0x1A500] =	vst v63  }
0x1f: {  	_ =	swait.ge [sflag:s18], $0x6400  }
0x20: {  	[sflag:s18] =	ssyncset.done $0x0  }
0x21: {  	[sflag:s18] =	ssyncadd.s32 $0xFFFF9C00  }
.LBB2_8:
0x22: {  	[bflag:$0x0] =	sbarrier.arrive $0xFFFF  }
0x23: {  	[tilespmem:s17], [sflag:$0x1] =	stream.linear.gather [spmem:s5], $0x5000, $0x38;
	[tilespmem:$0x1A500] =	vst v63  }
0x24: {  	_ =	swait.ge [sflag:s18], $0x5000  }
0x25: {  	[sflag:s18] =	ssyncset.done $0x0  }
0x26: {  	[sflag:s18] =	ssyncadd.s32 $0xFFFFB000  }
0x27: {  	[hbm4b:s10+s4] =	stream.linear.scatter [tilespmem:s17], [sflag:$0x1], $0x5000, $0x38;
	[tilespmem:$0x1A500] =	vst v63  }
0x28: {  	_ =	swait.ge [sflag:s18], $0x5000  }
0x29: {  	[sflag:s18] =	ssyncset.done $0x0  }
0x2a: {  	[sflag:s18] =	ssyncadd.s32 $0xFFFFB000  }
0x2b: {  	[tilespmem:s17], [sflag:$0x1] =	stream.linear.gather [spmem:s7], $0x5000, $0x38;
	[tilespmem:$0x1A500] =	vst v63  }
0x2c: {  	_ =	swait.ge [sflag:s18], $0x5000  }
0x2d: {  	[sflag:s18] =	ssyncset.done $0x0  }
0x2e: {  	[sflag:s18] =	ssyncadd.s32 $0xFFFFB000  }
0x2f: {  	[hbm4b:s11+s4] =	stream.linear.scatter [tilespmem:s17], [sflag:$0x1], $0x5000, $0x38;
	[tilespmem:$0x1A500] =	vst v63  }
0x30: {  	_ =	swait.ge [sflag:s18], $0x5000  }
0x31: {  	[sflag:s18] =	ssyncset.done $0x0  }
0x32: {  	[sflag:s18] =	ssyncadd.s32 $0xFFFFB000  }
0x33: {  	[tilespmem:s17], [sflag:$0x1] =	stream.linear.gather [spmem:s8], $0x5000, $0x38;
	[tilespmem:$0x1A500] =	vst v63  }
0x34: {  	_ =	swait.ge [sflag:s18], $0x5000  }
0x35: {  	[sflag:s18] =	ssyncset.done $0x0  }
0x36: {  	[sflag:s18] =	ssyncadd.s32 $0xFFFFB000  }
0x37: {  	[hbm4b:s12+s4] =	stream.linear.scatter [tilespmem:s17], [sflag:$0x1], $0x5000, $0x38;
	[tilespmem:$0x1A500] =	vst v63  }
0x38: {  	_ =	swait.ge [sflag:s18], $0x5000  }
0x39: {  	[sflag:s18] =	ssyncset.done $0x0  }
0x3a: {  	[sflag:s18] =	ssyncadd.s32 $0xFFFFB000  }
0x3b: {  	[tilespmem:s17], [sflag:$0x1] =	stream.linear.gather [spmem:s9], $0x5000, $0x38;
	[tilespmem:$0x1A500] =	vst v63  }
0x3c: {  	s20 =	sadd.s32 $0x1, s20;
	_ =	swait.ge [sflag:s18], $0x5000  }
0x3d: {  	p1 =	sne.s32 s20, s6;
	[sflag:s18] =	ssyncset.done $0x0  }
.Ltmp1:
0x3e: {  	[sflag:s18] =	ssyncadd.s32 $0xFFFFB000;
	(pc) =	sbr.rel @!p1 .LBB2_9-.Ltmp1, $4  }
0x3f: {  	[hbm4b:s13+s4] =	stream.linear.scatter [tilespmem:s17], [sflag:$0x1], $0x5000, $0x38;
	[tilespmem:$0x1A500] =	vst v63  }
0x40: {  	_ =	swait.ge [sflag:s18], $0x5000  }
0x41: {  	[sflag:s18] =	ssyncset.done $0x0  }
0x42: {  	[sflag:s18] =	ssyncadd.s32 $0xFFFFB000  }
.LBB2_1:
0x43: {  	[tilespmem:s17], [sflag:$0x1] =	stream.linear.gather [hbm4b:s2+s4], $0x5000, $0x38;
	[tilespmem:$0x1A500] =	vst v63  }
0x44: {  	_ =	swait.ge [sflag:s18], $0x5000  }
0x45: {  	[sflag:s18] =	ssyncset.done $0x0  }
0x46: {  	[sflag:s18] =	ssyncadd.s32 $0xFFFFB000  }
0x47: {  	[spmem:s5] =	stream.linear.scatter [tilespmem:s17], [sflag:$0x1], $0x5000, $0x38;
	[tilespmem:$0x1A500] =	vst v63  }
0x48: {  	_ =	swait.ge [sflag:s18], $0x5000  }
0x49: {  	[sflag:s18] =	ssyncset.done $0x0  }
0x4a: {  	[sflag:s18] =	ssyncadd.s32 $0xFFFFB000  }
0x4b: {  	[tilespmem:s17], [sflag:$0x1] =	stream.linear.gather [hbm4b:s2+s4], $0x5000, $0x38;
	[tilespmem:$0x1A500] =	vst v63  }
0x4c: {  	_ =	swait.ge [sflag:s18], $0x5000  }
0x4d: {  	[sflag:s18] =	ssyncset.done $0x0  }
0x4e: {  	[sflag:s18] =	ssyncadd.s32 $0xFFFFB000  }
0x4f: {  	[spmem:s7] =	stream.linear.scatter [tilespmem:s17], [sflag:$0x1], $0x5000, $0x38;
	[tilespmem:$0x1A500] =	vst v63  }
0x50: {  	_ =	swait.ge [sflag:s18], $0x5000  }
0x51: {  	[sflag:s18] =	ssyncset.done $0x0  }
0x52: {  	[sflag:s18] =	ssyncadd.s32 $0xFFFFB000  }
0x53: {  	[tilespmem:s17], [sflag:$0x1] =	stream.linear.gather [hbm4b:s2+s4], $0x5000, $0x38;
	[tilespmem:$0x1A500] =	vst v63  }
0x54: {  	_ =	swait.ge [sflag:s18], $0x5000  }
0x55: {  	[sflag:s18] =	ssyncset.done $0x0  }
0x56: {  	[sflag:s18] =	ssyncadd.s32 $0xFFFFB000  }
0x57: {  	[spmem:s8] =	stream.linear.scatter [tilespmem:s17], [sflag:$0x1], $0x5000, $0x38;
	[tilespmem:$0x1A500] =	vst v63  }
0x58: {  	_ =	swait.ge [sflag:s18], $0x5000  }
0x59: {  	[sflag:s18] =	ssyncset.done $0x0  }
0x5a: {  	[sflag:s18] =	ssyncadd.s32 $0xFFFFB000  }
0x5b: {  	[tilespmem:s17], [sflag:$0x1] =	stream.linear.gather [hbm4b:s2+s4], $0x5000, $0x38;
	[tilespmem:$0x1A500] =	vst v63  }
0x5c: {  	_ =	swait.ge [sflag:s18], $0x5000  }
0x5d: {  	[sflag:s18] =	ssyncset.done $0x0  }
0x5e: {  	[sflag:s18] =	ssyncadd.s32 $0xFFFFB000  }
0x5f: {  	[spmem:s9] =	stream.linear.scatter [tilespmem:s17], [sflag:$0x1], $0x5000, $0x38;
	[tilespmem:$0x1A500] =	vst v63  }
.Ltmp2:
0x60: {  	_ =	swait.ge [sflag:s18], $0x5000;
	(pc) =	sbr.rel @!p0 .LBB2_2-.Ltmp2, $4  }
0x61: {  	[sflag:s18] =	ssyncset.done $0x0  }
0x62: {  	[sflag:s18] =	ssyncadd.s32 $0xFFFFB000  }
0x63: {  	[bflag:$0x0] =	sbarrier.arrive $0xFFFF  }
0x64: {  	s21 =	sadd.s32 $0x0, s15  }
0x65: {  	[tilespmem:s4], [sflag:$0x1] =	stream.linear.gather [hbm4b:s21+s4], $0xC8, $0x38;
	[tilespmem:$0x1A500] =	vst v63  }
0x66: {  	_ =	swait.ge [sflag:s18], $0xC8  }
0x67: {  	[sflag:s18] =	ssyncset.done $0x0  }
0x68: {  	[sflag:s18] =	ssyncadd.s32 $0xFFFFFF38  }
0x69: {  	[tilespmem:s17], [sflag:$0x1] =	stream.linear.gather [hbm4b:s16+s4], $0x6400, $0x38;
	[tilespmem:$0x1A500] =	vst v63  }
0x6a: {  	_ =	swait.ge [sflag:s18], $0x6400  }
0x6b: {  	[sflag:s18] =	ssyncset.done $0x0  }
0x6c: {  	[sflag:s18] =	ssyncadd.s32 $0xFFFF9C00  }
0x6d: {  	[spmem:s3] =	stream.indirect.scatter.add.f32 [tilespmem:s17], [sflag:$0x1], $0x80, s4, s19, $0xb8;
	[tilespmem:$0x1A500] =	vst v63  }
0x6e: {  	s22 =	simm.s32 $0x19;
	_ =	swait.ge [sflag:s18], $0x6400  }
0x6f: {  	s23 =	simm.s32 $0x32;
	s21 =	sadd.s32 $0xC80, s16;
	[sflag:s18] =	ssyncset.done $0x0  }
.LBB2_6:
0x70: {  	s24 =	sadd.s32 s22, s15  }
0x71: {  	[sflag:s18] =	ssyncadd.s32 $0xFFFF9C00;
	s22 =	smov.u32 s23;
	s25 =	sadd.s32 $0x19, s23  }
0x72: {  	[tilespmem:s4], [sflag:$0x1] =	stream.linear.gather [hbm4b:s24+s4], $0xC8, $0x38;
	[tilespmem:$0x1A500] =	vst v63  }
0x73: {  	p1 =	sne.s32 s23, $0x9AB;
	_ =	swait.ge [sflag:s18], $0xC8  }
0x74: {  	[sflag:s18] =	ssyncset.done $0x0  }
0x75: {  	[sflag:s18] =	ssyncadd.s32 $0xFFFFFF38  }
0x76: {  	[tilespmem:s17], [sflag:$0x1] =	stream.linear.gather [hbm4b:s21+s4], $0x6400, $0x38;
	[tilespmem:$0x1A500] =	vst v63  }
0x77: {  	_ =	swait.ge [sflag:s18], $0x6400  }
.Ltmp3:
0x78: {  	[sflag:s18] =	ssyncset.done $0x0;
	(pc) =	sbr.rel @p1 .LBB2_6-.Ltmp3, $4  }
0x79: {  	[sflag:s18] =	ssyncadd.s32 $0xFFFF9C00  }
0x7a: {  	[spmem:s3] =	stream.indirect.scatter.add.f32 [tilespmem:s17], [sflag:$0x1], $0x80, s4, s19, $0xb8;
	[tilespmem:$0x1A500] =	vst v63  }
0x7b: {  	_ =	swait.ge [sflag:s18], $0x6400  }
0x7c: {  	s23 =	smov.u32 s25;
	s21 =	sadd.s32 $0xC80, s21;
	[sflag:s18] =	ssyncset.done $0x0  }
.Ltmp4:
0x7d: {  	_ = 	snop;
	(pc) =	sbr.rel .LBB2_7-.Ltmp4, $1  }
0x7e: {  	_ =	sdelay $0x3  }
.LBB2_2:
0x7f: {  	[tilespmem:s4], [sflag:$0x1] =	stream.linear.gather [hbm4b:s21+s4], $0xC8, $0x38;
	[tilespmem:$0x1A500] =	vst v63  }
0x80: {  	_ =	swait.ge [sflag:s18], $0xC8  }
0x81: {  	[sflag:s18] =	ssyncset.done $0x0  }
0x82: {  	[sflag:s18] =	ssyncadd.s32 $0xFFFFFF38  }
0x83: {  	[tilespmem:s17], [sflag:$0x1] =	stream.linear.gather [hbm4b:s14+s4], $0x6400, $0x38;
	[tilespmem:$0x1A500] =	vst v63  }
0x84: {  	_ =	swait.ge [sflag:s18], $0x6400  }
0x85: {  	[sflag:s18] =	ssyncset.done $0x0  }
0x86: {  	[sflag:s18] =	ssyncadd.s32 $0xFFFF9C00  }
0x87: {  	[spmem:s3] =	stream.indirect.scatter.add.f32 [tilespmem:s17], [sflag:$0x1], $0x80, s4, s19, $0xb8;
	[tilespmem:$0x1A500] =	vst v63  }
0x88: {  	s22 =	simm.s32 $0x19;
	_ =	swait.ge [sflag:s18], $0x6400  }
0x89: {  	s23 =	simm.s32 $0x32;
	s21 =	sadd.s32 $0xC80, s14;
	[sflag:s18] =	ssyncset.done $0x0  }
.LBB2_3:
0x8a: {  	s24 =	sadd.s32 s22, s15  }
0x8b: {  	[sflag:s18] =	ssyncadd.s32 $0xFFFF9C00;
	s22 =	smov.u32 s23;
	s25 =	sadd.s32 $0x19, s23  }
0x8c: {  	[tilespmem:s4], [sflag:$0x1] =	stream.linear.gather [hbm4b:s24+s4], $0xC8, $0x38;
	[tilespmem:$0x1A500] =	vst v63  }
0x8d: {  	p1 =	seq.s32 s23, $0x9AB;
	_ =	swait.ge [sflag:s18], $0xC8  }
0x8e: {  	[sflag:s18] =	ssyncset.done $0x0  }
0x8f: {  	[sflag:s18] =	ssyncadd.s32 $0xFFFFFF38  }
0x90: {  	[tilespmem:s17], [sflag:$0x1] =	stream.linear.gather [hbm4b:s21+s4], $0x6400, $0x38;
	[tilespmem:$0x1A500] =	vst v63  }
0x91: {  	_ =	swait.ge [sflag:s18], $0x6400  }
.Ltmp5:
0x92: {  	[sflag:s18] =	ssyncset.done $0x0;
	(pc) =	sbr.rel @!p1 .LBB2_3-.Ltmp5, $4  }
0x93: {  	[sflag:s18] =	ssyncadd.s32 $0xFFFF9C00  }
0x94: {  	[spmem:s3] =	stream.indirect.scatter.add.f32 [tilespmem:s17], [sflag:$0x1], $0x80, s4, s19, $0xb8;
	[tilespmem:$0x1A500] =	vst v63  }
0x95: {  	_ =	swait.ge [sflag:s18], $0x6400  }
0x96: {  	s23 =	smov.u32 s25;
	s21 =	sadd.s32 $0xC80, s21;
	[sflag:s18] =	ssyncset.done $0x0  }
0x97: {  	s22 =	sadd.s32 s22, s15;
	[sflag:s18] =	ssyncadd.s32 $0xFFFF9C00  }
0x98: {  	[tilespmem:s4], [sflag:$0x1] =	stream.linear.gather [hbm4b:s22+s4], $0xC8, $0x38;
	[tilespmem:$0x1A500] =	vst v63  }
0x99: {  	_ =	swait.ge [sflag:s18], $0xC8  }
0x9a: {  	[sflag:s18] =	ssyncset.done $0x0  }
0x9b: {  	[sflag:s18] =	ssyncadd.s32 $0xFFFFFF38  }
0x9c: {  	[tilespmem:s17], [sflag:$0x1] =	stream.linear.gather [hbm4b:s21+s4], $0x6400, $0x38;
	[tilespmem:$0x1A500] =	vst v63  }
0x9d: {  	_ =	swait.ge [sflag:s18], $0x6400  }
0x9e: {  	[sflag:s18] =	ssyncset.done $0x0  }
.Ltmp6:
0x9f: {  	[sflag:s18] =	ssyncadd.s32 $0xFFFF9C00;
	(pc) =	sbr.rel .LBB2_8-.Ltmp6, $4  }
0xa0: {  	[spmem:s3] =	stream.indirect.scatter.add.f32 [tilespmem:s17], [sflag:$0x1], $0x80, s4, s19, $0xb8;
	[tilespmem:$0x1A500] =	vst v63  }
0xa1: {  	_ =	swait.ge [sflag:s18], $0x6400  }
0xa2: {  	[sflag:s18] =	ssyncset.done $0x0  }
0xa3: {  	[sflag:s18] =	ssyncadd.s32 $0xFFFF9C00  }
.LBB2_9:
0xa4: {  	_ =	sfence.sel $0x180000  }
0xa5: {  	[bflag:$0x0] =	sbarrier.arrive $0xFFFF  }
0xa6: {  	p0 =	sne.s32 s1, $0x0;
	_ =	strace $0x9000004D  }
0xa7: {  	s0 =	sadd.s32 @!p0 $0x100000, s0;
	[bflag:$0x2] =	sbarrier.arrive $0xFFFF  }
0xa8: {  	[sflag:s0] =	ssyncadd.tile.s32 @!p0 $0x1;
	_ =	shalt  }
.Lfunc_end2:
_tile_overlayer_lowered:
.L_overlay_start_2:
0xa9: {  	(tag) =	ssettag $0x2  }
0xaa: {  	s0 =	rddreg [dreg:$0x0];
	s2 =	stileid.u32  }
0xab: {  	s1 =	rddreg [dreg:$0x1];
	p0 =	sne.s32 s2, $0x0  }
0xac: {  	s3 =	rddreg [dreg:$0x2];
	[bflag:$0x3] =	sbarrier.arrive $0xFFFF;
	s2 =	simm.s32 @!p0 $0x1C01  }
0xad: {  	[timem:s3], [sflag:s2] =	dma.local @!p0 [hbm:s0], s1  }
0xae: {  	s0 =	simm.s32 @!p0 $0x1  }
0xaf: {  	_ =	swait.ge @!p0 [sflag:s0], s1  }
0xb0: {  	s1 =	ssub.s32 @!p0 $0x0, s1;
	[sflag:s0] =	ssyncset.done @!p0 $0x0  }
0xb1: {  	[sflag:s0] =	ssyncadd.s32 @!p0 s1  }
0xb2: {  	[bflag:$0x3] =	sbarrier.arrive $0xFFFF  }
0xb3: {  	_ =	shalt  }

// kernel: kernel.26.cloned.1.call-start
scs
__scs_entry_jumppad:
0x0: {  	(pc) =	sbr.rel $0x88, $3  }
0x1: {  	(tag) =	ssettag $0x0;
	lr =	simm.s32 $0x1  }
0x2: {  	[smem:$0x3F79] =	sst lr;
	_ =	strace $0xD0000000  }
0x3: {  	_ = 	snop  }
0x4: {  	_ = 	snop  }
0x5: {  	_ = 	snop  }
0x6: {  	_ = 	snop  }
0x7: {  	_ = 	snop  }
__scs_overlays_trampoline_lowered:
0x8: {  	[smem:$0x3F88] =	sst s0  }
0x9: {  	[smem:$0x3F89] =	sst s1  }
0xa: {  	[smem:$0x3F8A] =	sst s2  }
0xb: {  	[smem:$0x3F8B] =	sst s3  }
0xc: {  	[smem:$0x3F8C] =	sst s4  }
0xd: {  	[smem:$0x3F8D] =	sst s5  }
0xe: {  	[smem:$0x3F8E] =	sst s6  }
0xf: {  	[smem:$0x3F8F] =	sst s7  }
0x10: {  	[smem:$0x3F90] =	sst s8  }
0x11: {  	[smem:$0x3F91] =	sst s9;
	s0 =	simm.s32 @!p0 $0x0  }
0x12: {  	s1 =	sld [smem:$0x3F77];
	s0 =	simm.s32 @p0 $0x1  }
0x13: {  	[smem:$0x3F92] =	sst s0;
	s0 =	simm.s32 @!p1 $0x0  }
0x14: {  	s2 =	sld [smem:$0x3F76];
	s0 =	simm.s32 @p1 $0x1  }
0x15: {  	[smem:$0x3F93] =	sst s0;
	s0 =	simm.s32 @!p2 $0x0  }
0x16: {  	s3 =	sld [smem:$0x3FDB];
	s0 =	simm.s32 @p2 $0x1  }
0x17: {  	s4 =	simm.s32 $0x1BF5;
	[smem:$0x3F95] =	sst s0  }
0x18: {  	s0 =	sld [smem:$0x3F78];
	_ =	swait.ge [sflag:s4], $0x0  }
0x19: {  	s7 =	sld [smem:$0x3F79]  }
0x1a: {  	s8 =	sadd.s32 $0xFFFFE003, lr  }
0x1b: {  	s9 =	sadd.s32 $0xFFFFFEF7, lr;
	s5 =	simm.s32 $0xFFFFFFFF;
	p2 =	slt.u32 s8, $0xFFFFF086  }
0x1c: {  	p1 =	slt.u32 s9, $0xF7A;
	s5 =	simm.s32 @!p2 $0x0  }
0x1d: {  	s5 =	simm.s32 @p1 $0x1;
	p0 =	seq.s32 s7, s2  }
0x1e: {  	s7 =	smul.u32 @!p0 $0xF7A, s2;
	p2 =	seq.s32 @!p0 s5, $0x0  }
0x1f: {  	s9 =	smul.u32 $0xF7A, s1;
	s8 =	simm.s32 @!p0 $0x1BF5;
	p2 =	por !p2, p0  }
0x20: {  	[sflag:s8] =	ssyncset.s32 @!p0 $0xFFFFF086;
	s6 =	sadd.s32 @!p0 s3, s7;
	s7 =	simm.s32 @!p0 $0x108  }
0x21: {  	s3 =	sadd.s32 s3, s9;
	s6 =	sadd.s32 @!p0 $0x88, s6;
	s7 =	simm.s32 @p2 $0x1082  }
0x22: {  	[simem:s7], [sflag:s8] =	dma.local @!p0 [hbm:s6], $0xF7A  }
0x23: {  	s9 =	sor.u32 $0xD0000000, s2;
	s6 =	simm.s32 $0x108;
	_ =	swait.ge @!p0 [sflag:s8], $0x0  }
0x24: {  	s3 =	sadd.s32 $0x88, s3;
	s6 =	simm.s32 @!p1 $0x1082;
	[sflag:s4] =	ssyncset.s32 $0xFFFFF086  }
0x25: {  	[simem:s6], [sflag:s4] =	dma.local [hbm:s3], $0xF7A  }
0x26: {  	[smem:$0x3F79] =	sst s1;
	(tag) =	ssettag s2;
	_ =	strace s9  }
0x27: {  	s1 =	sld [smem:$0x3F89]  }
0x28: {  	s2 =	sld [smem:$0x3F8A]  }
0x29: {  	s4 =	sld [smem:$0x3F8C]  }
0x2a: {  	p0 =	seq.s32 s5, $0x0;
	s5 =	sld [smem:$0x3F8D]  }
0x2b: {  	s6 =	sld [smem:$0x3F8E]  }
0x2c: {  	s7 =	sld [smem:$0x3F8F]  }
0x2d: {  	s3 =	simm.s32 $0x108;
	s8 =	sld [smem:$0x3F90]  }
0x2e: {  	s3 =	simm.s32 @!p0 $0x1082;
	s9 =	sld [smem:$0x3F91]  }
0x2f: {  	lr =	sadd.s32 s0, s3;
	s0 =	sld [smem:$0x3F88]  }
0x30: {  	s3 =	sld [smem:$0x3F8B]  }
0x31: {  	[smem:$0x3F94] =	sst s10  }
0x32: {  	s10 =	sld [smem:$0x3F92];
	_ =	sdelay $0x3  }
0x33: {  	p0 =	seq.s32 s10, $0x1;
	s10 =	sld [smem:$0x3F94];
	_ =	sdelay $0x3  }
0x34: {  	[smem:$0x3F94] =	sst s10  }
0x35: {  	s10 =	sld [smem:$0x3F93];
	_ =	sdelay $0x3  }
0x36: {  	p1 =	seq.s32 s10, $0x1;
	s10 =	sld [smem:$0x3F94];
	_ =	sdelay $0x3  }
0x37: {  	[smem:$0x3F94] =	sst s10  }
0x38: {  	s10 =	sld [smem:$0x3F95]  }
0x39: {  	_ = 	snop;
	(pc) =	sbr.ind lr, $3  }
0x3a: {  	_ = 	snop  }
0x3b: {  	_ = 	snop  }
0x3c: {  	p2 =	seq.s32 s10, $0x1;
	s10 =	sld [smem:$0x3F94]  }
0x3d: {  	_ =	shalt  }
0x3e: {  	_ =	shalt  }
0x3f: {  	_ =	shalt  }
0x40: {  	_ =	shalt  }
0x41: {  	_ =	shalt  }
0x42: {  	_ =	shalt  }
0x43: {  	_ =	shalt  }
0x44: {  	_ =	shalt  }
0x45: {  	_ =	shalt  }
0x46: {  	_ =	shalt  }
0x47: {  	_ =	shalt  }
0x48: {  	_ =	shalt  }
0x49: {  	_ =	shalt  }
0x4a: {  	_ =	shalt  }
0x4b: {  	_ =	shalt  }
0x4c: {  	_ =	shalt  }
0x4d: {  	_ =	shalt  }
0x4e: {  	_ =	shalt  }
0x4f: {  	_ =	shalt  }
0x50: {  	_ =	shalt  }
0x51: {  	_ =	shalt  }
0x52: {  	_ =	shalt  }
0x53: {  	_ =	shalt  }
0x54: {  	_ =	shalt  }
0x55: {  	_ =	shalt  }
0x56: {  	_ =	shalt  }
0x57: {  	_ =	shalt  }
0x58: {  	_ =	shalt  }
0x59: {  	_ =	shalt  }
0x5a: {  	_ =	shalt  }
0x5b: {  	_ =	shalt  }
0x5c: {  	_ =	shalt  }
0x5d: {  	_ =	shalt  }
0x5e: {  	_ =	shalt  }
0x5f: {  	_ =	shalt  }
0x60: {  	_ =	shalt  }
0x61: {  	_ =	shalt  }
0x62: {  	_ =	shalt  }
0x63: {  	_ =	shalt  }
0x64: {  	_ =	shalt  }
0x65: {  	_ =	shalt  }
0x66: {  	_ =	shalt  }
0x67: {  	_ =	shalt  }
0x68: {  	_ =	shalt  }
0x69: {  	_ =	shalt  }
0x6a: {  	_ =	shalt  }
0x6b: {  	_ =	shalt  }
0x6c: {  	_ =	shalt  }
0x6d: {  	_ =	shalt  }
0x6e: {  	_ =	shalt  }
0x6f: {  	_ =	shalt  }
0x70: {  	_ =	shalt  }
0x71: {  	_ =	shalt  }
0x72: {  	_ =	shalt  }
0x73: {  	_ =	shalt  }
0x74: {  	_ =	shalt  }
0x75: {  	_ =	shalt  }
0x76: {  	_ =	shalt  }
0x77: {  	_ =	shalt  }
0x78: {  	_ =	shalt  }
0x79: {  	_ =	shalt  }
0x7a: {  	_ =	shalt  }
0x7b: {  	_ =	shalt  }
0x7c: {  	_ =	shalt  }
0x7d: {  	_ =	shalt  }
0x7e: {  	_ =	shalt  }
0x7f: {  	_ =	shalt  }
0x80: {  	_ =	shalt  }
0x81: {  	_ =	shalt  }
0x82: {  	_ =	shalt  }
0x83: {  	_ =	shalt  }
0x84: {  	_ =	shalt  }
0x85: {  	_ =	shalt  }
0x86: {  	_ =	shalt  }
0x87: {  	_ =	shalt  }
.Lfunc_end0:
.L_simem_size_0:
called_computation.3_lowered:
.L_overlay_start_0:
0x88: {  	s2 =	sld [smem:$0x3FD9]  }
0x89: {  	s3 =	sld [smem:$0x3FFE];
	_ =	sdelay $0x1  }
0x8a: {  	s1 =	srdreg.scid  }
0x8b: {  	s0 =	sand.u32 $0x1, s1  }
0x8c: {  	s16 =	sshll.u32 s0, $0xA;
	s2 =	sadd.s32 s3, s2  }
0x8d: {  	s2 =	sadd.s32 s2, s16  }
0x8e: {  	[smem:$0x3FA0] =	sst s2  }
0x8f: {  	_ = 	snop  }
0x90: {  	(tm) =	ssettm $0x1  }
0x91: {  	s17 =	sld [smem:$0x3FFB];
	_ =	sdelay $0x3  }
0x92: {  	_ =	strace s17  }
0x93: {  	s2 =	sld [smem:$0x3FFC];
	_ =	sdelay $0x3  }
0x94: {  	_ =	strace s2  }
0x95: {  	s2 =	sld [smem:$0x3FFD];
	_ =	sdelay $0x3  }
0x96: {  	_ =	strace s2  }
0x97: {  	_ =	strace $0x8FFFFFFF  }
0x98: {  	s18 =	sld [smem:$0x3FDB];
	_ =	sdelay $0x1  }
0x99: {  	s19 =	simm.s32 $_scs_section_size  }
0x9a: {  	s4 =	simm.s32 $_size__tile_overlayer_lowered;
	s5 =	simm.s32 $_tile_overlayer_lowered  }
0x9b: {  	s22 =	simm.s32 $0x1BFF;
	s21 =	sshll.u32 s5, $0x1;
	s2 =	sadd.s32 s19, s18  }
0x9c: {  	s6 =	simm.s32 $0x0;
	s20 =	sshll.u32 s4, $0x1;
	s4 =	sadd.s32 s21, s2  }
0x9d: {  	[timem:s6], [sflag:s22] =	dma.local [hbm:s4], s20  }
0x9e: {  	_ =	swait.ge [sflag:s22], s20  }
0x9f: {  	s3 =	ssub.s32 $0x0, s20;
	[sflag:s22] =	ssyncset.done $0x0  }
0xa0: {  	[sflag:s22] =	ssyncadd.s32 s3;
	_ =	sdelay $0x1  }
0xa1: {  	s23 =	simm.s32 $0x1B8B  }
0xa2: {  	_ =	swait.ge [sflag:s23], $0x1  }
0xa3: {  	[sflag:s23] =	ssyncset.done $0x0  }
0xa4: {  	s25 =	simm.s32 $0x1B8E;
	s24 =	sld [smem:$0x3FFE];
	[sflag:s23] =	ssyncadd.s32 $0xFFFFFFFF  }
0xa5: {  	s26 =	simm.s32 $execute0_lowered;
	[smem:$0x3FD2] =	sst s25  }
0xa6: {  	s4 =	sshll.u32 s26, $0x1;
	_ =	strace $0x8000004F;
	[dreg:$0x1] =	wrdreg $0xFFFFFFFF  }
0xa7: {  	s28 =	simm.s32 $_size_execute0_lowered;
	s2 =	sadd.s32 s2, s4;
	[dreg:$0x0] =	wrdreg $0x0  }
0xa8: {  	s4 =	sshll.u32 s28, $0x1;
	[dreg:$0x2] =	wrdreg s2  }
0xa9: {  	[dreg:$0x3] =	wrdreg s4  }
0xaa: {  	[dreg:$0x4] =	wrdreg $0xC0  }
0xab: {  	_ =	task [dreg:s6], $0x5FFFF  }
0xac: {  	[dreg:$0x1] =	wrdreg $0xFFFFFFFF  }
0xad: {  	[dreg:$0x0] =	wrdreg $0x60  }
0xae: {  	[dreg:$0x2] =	wrdreg s24  }
0xaf: {  	[dreg:$0x3] =	wrdreg $0x9  }
0xb0: {  	_ =	task.clear_ibuf [dreg:s6], $0x4FFFF;
	_ =	strace $0x9000004F  }
0xb1: {  	s29 =	simm.s32 $0x9;
	_ =	strace $0x80000051  }
0xb2: {  	_ =	swait.ge [sflag:s29], $0x1  }
0xb3: {  	[sflag:s29] =	ssyncadd.s32 $0xFFFFFFFF  }
0xb4: {  	_ =	strace $0x90000051  }
0xb5: {  	_ =	sfence  }
0xb6: {  	s30 =	sld [smem:$0x0];
	_ =	sdelay $0x2  }
0xb7: {  	s31 =	sshll.u32 s1, $0xD;
	s1 =	sshrl.u32 s1, $0x2  }
0xb8: {  	s3 =	sand.u32 $0x4000, s31;
	s1 =	sadd.s32 s1, s30  }
0xb9: {  	s0 =	sor.u32 s3, s0;
	s1 =	sshll.u32 s1, $0x11  }
0xba: {  	s0 =	sor.u32 s1, s0  }
0xbb: {  	s0 =	sadd.s32 $0x8F2B, s0  }
0xbc: {  	[sflag:s0] =	ssyncadd.remote.s32 $0x1  }
0xbd: {  	_ =	sfence.sel $0xFFFF  }
0xbe: {  	[dreg:$0x0] =	wrdreg $0xFFFFFFFF;
	(pc) =	sbr.abs _section_cstart, $3  }
0xbf: {  	[dreg:$0x1] =	wrdreg $0xFFFFFFFF  }
0xc0: {  	_ =	task.clear_ibuf [dreg:s6], $0x2FFFF;
	_ =	strace $0x9FFFFFFF  }
0xc1: {  	(tm) =	ssettm $0x7FFFFFFF  }
tec
execute0_lowered:
.L_overlay_start_1:
0x0: {  	(tag) =	ssettag $0x1  }
0x1: {  	s0 =	rddreg [dreg:$0x0];
	s2 =	simm.s32 $0x0  }
0x2: {  	s15 =	stileid.u32;
	s1 =	srdreg.scid;
	s28 =	simm.s32 $0x80  }
0x3: {  	[smem:$0x7FF] =	sst s2;
	s1 =	sand.u32 $0x1, s1;
	s5 =	smul.u32 $0x138800, s15  }
0x4: {  	s4 =	sshll.u32 s15, $0x1;
	s3 =	sadd.s32 $0x1E800, s0;
	s11 =	smul.u32 $0x4E20, s15  }
0x5: {  	s8 =	sadd.s32 $0x14A00, s0;
	s7 =	sadd.s32 $0x15E800, s0;
	s30 =	smul.u32 $0x9C400, s15  }
0x6: {  	s9 =	sadd.s32 $0xAC00, s0;
	_ =	strace $0x80000050;
	s14 =	smul.u32 $0x2710, s1  }
0x7: {  	s6 =	sor.u32 s1, s4;
	s4 =	sadd.s32 $0x6E800, s0;
	s31 =	smul.u32 $0x4E200, s1  }
0x8: {  	s10 =	ssub.s32 $0x2, s1;
	s1 =	smul.u32 $0x9C400, s1;
	[dreg:$0x4] =	wrdreg s28  }
0x9: {  	s6 =	smul.u32 $0x2710, s6;
	s5 =	sadd.s32 s5, s0;
	s12 =	sshrl.u32 s10, $0x1  }
0xa: {  	s15 =	sadd.s32 s30, s7;
	s30 =	simm.s32 $0xAA00;
	s10 =	ssub.s32 s10, s12  }
0xb: {  	s11 =	sadd.s32 s14, s11;
	s17 =	sadd.s32 s31, s15;
	s24 =	sadd.s32 s1, s5  }
0xc: {  	s12 =	simm.s32 $0x200;
	[dreg:$0x8] =	wrdreg s30;
	s31 =	simm.s32 $0xB200  }
0xd: {  	s1 =	simm.s32 $0x1;
	s6 =	sadd.s32 $0x26C0, s6;
	s16 =	sadd.s32 $0x50, s11  }
0xe: {  	s10 =	smax.u32 s10, $0x1;
	s20 =	sshrl.u32 s11, $0x3;
	[dreg:$0x9] =	wrdreg s31  }
0xf: {  	s21 =	sadd.s32 $0x28, s11;
	[dreg:$0xc] =	wrdreg s10;
	s22 =	sadd.s32 s20, s8  }
0x10: {  	s13 =	sshrl.u32 s6, $0x3;
	s26 =	sadd.s32 s20, s9;
	[dreg:$0x3] =	wrdreg s22  }
0x11: {  	s6 =	sshll.u32 s6, $0x5;
	s29 =	sadd.s32 s8, s13;
	[dreg:$0x6] =	wrdreg s26  }
0x12: {  	s18 =	sshrl.u32 s16, $0x3;
	s6 =	sadd.s32 s7, s6;
	[dreg:$0xa] =	wrdreg s29  }
0x13: {  	s7 =	sadd.s32 $0x6E900, s0;
	s0 =	sadd.s32 $0xA00, s17;
	[dreg:$0xb] =	wrdreg s6  }
0x14: {  	s23 =	sshrl.u32 s21, $0x3;
	s19 =	sadd.s32 s18, s8;
	[dreg:$0xd] =	wrdreg s0  }
0x15: {  	s5 =	simm.s32 $0xA200;
	s25 =	sadd.s32 s23, s9;
	[dreg:$0x2] =	wrdreg s19  }
0x16: {  	v2 =	vlaneseq.u32;
	s11 =	simm.s32 $0x2;
	s0 =	sadd.s32 $0xB23200, s24;
	[dreg:$0x5] =	wrdreg s25  }
0x17: {  	vm0 =	vmmov $0xffff;
	v1 =	vshrl.u32 v2, $0x3;
	s16 =	simm.s32 $0xF200;
	s29 =	simm.s32 $0x100;
	[dreg:$0xe] =	wrdreg s0  }
0x18: {  	v0 =	vand.u32 $0x7, v2;
	v2 =	vor.u32 $0x8, v2;
	v1 =	vmul.u32 $0x8, v1;
	s22 =	simm.s32 $0x5200;
	s6 =	simm.s32 $0x0;
	[dreg:$0x7] =	wrdreg s29  }
.LBB2_1:
0x19: {  	[dreg:$0xf] =	wrdreg s6  }
0x1a: {  	s29 =	rddreg [dreg:$0xd];
	s30 =	simm.s32 $0x0;
	s8 =	simm.s32 $0x1200  }
0x1b: {  	s9 =	simm.s32 $0x1A00;
	s10 =	simm.s32 $0x2200;
	s13 =	simm.s32 $0x2A00  }
0x1c: {  	s14 =	simm.s32 $0x3200;
	s15 =	simm.s32 $0x3A00;
	s6 =	simm.s32 $0xA00  }
0x1d: {  	s18 =	simm.s32 $0x5A00;
	s24 =	simm.s32 $0x6200;
	s19 =	simm.s32 $0x6A00  }
0x1e: {  	s20 =	simm.s32 $0x7200;
	s25 =	simm.s32 $0x7A00;
	s26 =	simm.s32 $0x8200  }
0x1f: {  	s21 =	simm.s32 $0x8A00;
	s28 =	simm.s32 $0x9200;
	s17 =	simm.s32 $0x9A00  }
.LBB2_2:
0x20: {  	s31 =	rddreg [dreg:$0x3]  }
0x21: {  	s31 =	sadd.s32 s30, s31  }
0x22: {  	[tilespmem:s2], [sflag:$0x2] =	stream.linear.gather [hbm4b:s31+s2], $0x50, $0x38;
	[tilespmem:$0x14200] =	vst v63  }
0x23: {  	_ =	swait.ge [sflag:s11], $0x50  }
0x24: {  	[sflag:s11] =	ssyncset.done $0x0  }
0x25: {  	[sflag:s11] =	ssyncadd.s32 $0xFFFFFFB0  }
0x26: {  	v3 =	vld [tilespmem:$0x0];
	_ =	sdelay $0x4  }
0x27: {  	v4 =	vshll.u32 v3, $0x1  }
0x28: {  	v3 =	vand.u32 $0x7, v3;
	v4 =	vand.u32 $0xFFFFFFF0, v4  }
0x29: {  	v3 =	vor.u32 v3, v4  }
0x2a: {  	v4 =	vperm.xlane v3, v0;
	_ =	sdelay $0x1  }
0x2b: {  	v3 =	vperm.xlane v3, v2;
	v4 =	vadd.s32 v1, v4;
	_ =	sdelay $0x1  }
0x2c: {  	v3 =	vadd.s32 v1, v3;
	_ =	sdelay $0x2  }
0x2d: {  	[tilespmem:s12], [sflag:$0x1] =	stream.indirect_vreg.gather [hbm4b:s3+s2], $0x80, v4, vm0, $0xb8;
	[tilespmem:$0x14200] =	vst v63  }
0x2e: {  	_ = 	snop  }
0x2f: {  	[tilespmem:s6], [sflag:$0x1] =	stream.indirect_vreg.gather [hbm4b:s3+s2], $0x80, v3, vm0, $0xb8;
	[tilespmem:$0x14200] =	vst v63  }
0x30: {  	v3 =	vld [tilespmem:$0x10];
	_ =	sdelay $0x4  }
0x31: {  	v55 =	vshll.u32 v3, $0x1  }
0x32: {  	v3 =	vand.u32 $0x7, v3;
	v4 =	vand.u32 $0xFFFFFFF0, v55  }
0x33: {  	v3 =	vor.u32 v3, v4  }
0x34: {  	v4 =	vperm.xlane v3, v0;
	_ =	sdelay $0x1  }
0x35: {  	v3 =	vperm.xlane v3, v2;
	v4 =	vadd.s32 v1, v4;
	_ =	sdelay $0x1  }
0x36: {  	v3 =	vadd.s32 v1, v3;
	_ =	sdelay $0x2  }
0x37: {  	[tilespmem:s8], [sflag:$0x1] =	stream.indirect_vreg.gather [hbm4b:s3+s2], $0x80, v4, vm0, $0xb8;
	[tilespmem:$0x14200] =	vst v63  }
0x38: {  	_ = 	snop  }
0x39: {  	[tilespmem:s9], [sflag:$0x1] =	stream.indirect_vreg.gather [hbm4b:s3+s2], $0x80, v3, vm0, $0xb8;
	[tilespmem:$0x14200] =	vst v63  }
0x3a: {  	v3 =	vld [tilespmem:$0x20];
	_ =	sdelay $0x4  }
0x3b: {  	v56 =	vshll.u32 v3, $0x1  }
0x3c: {  	v3 =	vand.u32 $0x7, v3;
	v4 =	vand.u32 $0xFFFFFFF0, v56  }
0x3d: {  	v3 =	vor.u32 v3, v4  }
0x3e: {  	v4 =	vperm.xlane v3, v0;
	_ =	sdelay $0x1  }
0x3f: {  	v3 =	vperm.xlane v3, v2;
	v4 =	vadd.s32 v1, v4;
	_ =	sdelay $0x1  }
0x40: {  	v3 =	vadd.s32 v1, v3;
	_ =	sdelay $0x2  }
0x41: {  	[tilespmem:s10], [sflag:$0x1] =	stream.indirect_vreg.gather [hbm4b:s3+s2], $0x80, v4, vm0, $0xb8;
	[tilespmem:$0x14200] =	vst v63  }
0x42: {  	_ = 	snop  }
0x43: {  	[tilespmem:s13], [sflag:$0x1] =	stream.indirect_vreg.gather [hbm4b:s3+s2], $0x80, v3, vm0, $0xb8;
	[tilespmem:$0x14200] =	vst v63  }
0x44: {  	v3 =	vld [tilespmem:$0x30];
	_ =	sdelay $0x4  }
0x45: {  	v57 =	vshll.u32 v3, $0x1  }
0x46: {  	v3 =	vand.u32 $0x7, v3;
	v4 =	vand.u32 $0xFFFFFFF0, v57  }
0x47: {  	v3 =	vor.u32 v3, v4  }
0x48: {  	v4 =	vperm.xlane v3, v0;
	_ =	sdelay $0x1  }
0x49: {  	v3 =	vperm.xlane v3, v2;
	v4 =	vadd.s32 v1, v4;
	_ =	sdelay $0x1  }
0x4a: {  	v3 =	vadd.s32 v1, v3;
	_ =	sdelay $0x2  }
0x4b: {  	[tilespmem:s14], [sflag:$0x1] =	stream.indirect_vreg.gather [hbm4b:s3+s2], $0x80, v4, vm0, $0xb8;
	[tilespmem:$0x14200] =	vst v63  }
0x4c: {  	_ = 	snop  }
0x4d: {  	[tilespmem:s15], [sflag:$0x1] =	stream.indirect_vreg.gather [hbm4b:s3+s2], $0x80, v3, vm0, $0xb8;
	[tilespmem:$0x14200] =	vst v63  }
0x4e: {  	v3 =	vld [tilespmem:$0x40];
	_ =	sdelay $0x4  }
0x4f: {  	v58 =	vshll.u32 v3, $0x1  }
0x50: {  	v3 =	vand.u32 $0x7, v3;
	v4 =	vand.u32 $0xFFFFFFF0, v58  }
0x51: {  	v3 =	vor.u32 v3, v4  }
0x52: {  	v4 =	vperm.xlane v3, v0;
	_ =	sdelay $0x1  }
0x53: {  	v3 =	vperm.xlane v3, v2;
	v4 =	vadd.s32 v1, v4;
	_ =	sdelay $0x1  }
0x54: {  	v3 =	vadd.s32 v1, v3;
	_ =	sdelay $0x1  }
0x55: {  	s0 =	simm.s32 $0x4200  }
0x56: {  	[tilespmem:s0], [sflag:$0x1] =	stream.indirect_vreg.gather [hbm4b:s3+s2], $0x80, v4, vm0, $0xb8;
	[tilespmem:$0x14200] =	vst v63  }
0x57: {  	s23 =	simm.s32 $0x4A00;
	s31 =	rddreg [dreg:$0x2]  }
0x58: {  	[tilespmem:s23], [sflag:$0x1] =	stream.indirect_vreg.gather [hbm4b:s3+s2], $0x80, v3, vm0, $0xb8;
	[tilespmem:$0x14200] =	vst v63  }
0x59: {  	s31 =	sadd.s32 s30, s31;
	s0 =	rddreg [dreg:$0x4]  }
0x5a: {  	[tilespmem:s0], [sflag:$0x2] =	stream.linear.gather [hbm4b:s31+s2], $0x50, $0x38;
	[tilespmem:$0x14200] =	vst v63  }
0x5b: {  	_ =	swait.ge [sflag:s11], $0x50  }
0x5c: {  	[sflag:s11] =	ssyncset.done $0x0  }
0x5d: {  	[sflag:s11] =	ssyncadd.s32 $0xFFFFFFB0  }
0x5e: {  	v3 =	vld [tilespmem:$0x80];
	_ =	sdelay $0x4  }
0x5f: {  	v59 =	vshll.u32 v3, $0x1  }
0x60: {  	v3 =	vand.u32 $0x7, v3;
	v4 =	vand.u32 $0xFFFFFFF0, v59  }
0x61: {  	v3 =	vor.u32 v3, v4  }
0x62: {  	v4 =	vperm.xlane v3, v0;
	_ =	sdelay $0x1  }
0x63: {  	v3 =	vperm.xlane v3, v2;
	v4 =	vadd.s32 v1, v4;
	_ =	sdelay $0x1  }
0x64: {  	v3 =	vadd.s32 v1, v3;
	_ =	sdelay $0x2  }
0x65: {  	[tilespmem:s22], [sflag:$0x1] =	stream.indirect_vreg.gather [hbm4b:s3+s2], $0x80, v4, vm0, $0xb8;
	[tilespmem:$0x14200] =	vst v63  }
0x66: {  	_ = 	snop  }
0x67: {  	[tilespmem:s18], [sflag:$0x1] =	stream.indirect_vreg.gather [hbm4b:s3+s2], $0x80, v3, vm0, $0xb8;
	[tilespmem:$0x14200] =	vst v63  }
0x68: {  	v3 =	vld [tilespmem:$0x90];
	_ =	sdelay $0x4  }
0x69: {  	v60 =	vshll.u32 v3, $0x1  }
0x6a: {  	v3 =	vand.u32 $0x7, v3;
	v4 =	vand.u32 $0xFFFFFFF0, v60  }
0x6b: {  	v3 =	vor.u32 v3, v4  }
0x6c: {  	v4 =	vperm.xlane v3, v0;
	_ =	sdelay $0x1  }
0x6d: {  	v3 =	vperm.xlane v3, v2;
	v4 =	vadd.s32 v1, v4;
	_ =	sdelay $0x1  }
0x6e: {  	v3 =	vadd.s32 v1, v3;
	_ =	sdelay $0x2  }
0x6f: {  	[tilespmem:s24], [sflag:$0x1] =	stream.indirect_vreg.gather [hbm4b:s3+s2], $0x80, v4, vm0, $0xb8;
	[tilespmem:$0x14200] =	vst v63  }
0x70: {  	_ = 	snop  }
0x71: {  	[tilespmem:s19], [sflag:$0x1] =	stream.indirect_vreg.gather [hbm4b:s3+s2], $0x80, v3, vm0, $0xb8;
	[tilespmem:$0x14200] =	vst v63  }
0x72: {  	v3 =	vld [tilespmem:$0xA0];
	_ =	sdelay $0x4  }
0x73: {  	v61 =	vshll.u32 v3, $0x1  }
0x74: {  	v3 =	vand.u32 $0x7, v3;
	v4 =	vand.u32 $0xFFFFFFF0, v61  }
0x75: {  	v3 =	vor.u32 v3, v4  }
0x76: {  	v4 =	vperm.xlane v3, v0;
	_ =	sdelay $0x1  }
0x77: {  	v3 =	vperm.xlane v3, v2;
	v4 =	vadd.s32 v1, v4;
	_ =	sdelay $0x1  }
0x78: {  	v3 =	vadd.s32 v1, v3;
	_ =	sdelay $0x2  }
0x79: {  	[tilespmem:s20], [sflag:$0x1] =	stream.indirect_vreg.gather [hbm4b:s3+s2], $0x80, v4, vm0, $0xb8;
	[tilespmem:$0x14200] =	vst v63  }
0x7a: {  	_ = 	snop  }
0x7b: {  	[tilespmem:s25], [sflag:$0x1] =	stream.indirect_vreg.gather [hbm4b:s3+s2], $0x80, v3, vm0, $0xb8;
	[tilespmem:$0x14200] =	vst v63  }
0x7c: {  	v3 =	vld [tilespmem:$0xB0];
	_ =	sdelay $0x4  }
0x7d: {  	v62 =	vshll.u32 v3, $0x1  }
0x7e: {  	v3 =	vand.u32 $0x7, v3;
	v4 =	vand.u32 $0xFFFFFFF0, v62  }
0x7f: {  	v3 =	vor.u32 v3, v4  }
0x80: {  	v4 =	vperm.xlane v3, v0;
	_ =	sdelay $0x1  }
0x81: {  	v3 =	vperm.xlane v3, v2;
	v4 =	vadd.s32 v1, v4;
	_ =	sdelay $0x1  }
0x82: {  	v3 =	vadd.s32 v1, v3;
	_ =	sdelay $0x2  }
0x83: {  	[tilespmem:s26], [sflag:$0x1] =	stream.indirect_vreg.gather [hbm4b:s3+s2], $0x80, v4, vm0, $0xb8;
	[tilespmem:$0x14200] =	vst v63  }
0x84: {  	_ = 	snop  }
0x85: {  	[tilespmem:s21], [sflag:$0x1] =	stream.indirect_vreg.gather [hbm4b:s3+s2], $0x80, v3, vm0, $0xb8;
	[tilespmem:$0x14200] =	vst v63  }
0x86: {  	v3 =	vld [tilespmem:$0xC0];
	_ =	sdelay $0x4  }
0x87: {  	v63 =	vshll.u32 v3, $0x1  }
0x88: {  	v3 =	vand.u32 $0x7, v3;
	v4 =	vand.u32 $0xFFFFFFF0, v63  }
0x89: {  	v3 =	vor.u32 v3, v4  }
0x8a: {  	v4 =	vperm.xlane v3, v0;
	_ =	sdelay $0x1  }
0x8b: {  	v3 =	vperm.xlane v3, v2;
	v4 =	vadd.s32 v1, v4;
	_ =	sdelay $0x1  }
0x8c: {  	v3 =	vadd.s32 v1, v3;
	_ =	sdelay $0x2  }
0x8d: {  	[tilespmem:s28], [sflag:$0x1] =	stream.indirect_vreg.gather [hbm4b:s3+s2], $0x80, v4, vm0, $0xb8;
	[tilespmem:$0x14200] =	vst v63  }
0x8e: {  	_ = 	snop  }
0x8f: {  	[tilespmem:s17], [sflag:$0x1] =	stream.indirect_vreg.gather [hbm4b:s3+s2], $0x80, v3, vm0, $0xb8;
	[tilespmem:$0x14200] =	vst v63  }
0x90: {  	_ =	swait.ge [sflag:s1], $0x5000  }
0x91: {  	[sflag:s1] =	ssyncset.done $0x0  }
0x92: {  	[sflag:s1] =	ssyncadd.s32 $0xFFFFB000  }
0x93: {  	_ =	swait.ge [sflag:s1], $0x5000  }
0x94: {  	[sflag:s1] =	ssyncset.done $0x0  }
0x95: {  	s31 =	sadd.s32 $0xFFFFF600, s29;
	[sflag:s1] =	ssyncadd.s32 $0xFFFFB000  }
0x96: {  	[hbm4b:s31+s2] =	stream.linear.scatter [tilespmem:s12], [sflag:$0x2], $0x5000, $0x38;
	[tilespmem:$0x14200] =	vst v63  }
0x97: {  	_ =	swait.ge [sflag:s11], $0x5000  }
0x98: {  	p0 =	sne.s32 s30, $0x4C4;
	[sflag:s11] =	ssyncset.done $0x0  }
.Ltmp0:
0x99: {  	[sflag:s11] =	ssyncadd.s32 $0xFFFFB000;
	(pc) =	sbr.rel @p0 .LBB2_2-.Ltmp0, $4  }
0x9a: {  	[hbm4b:s29+s2] =	stream.linear.scatter [tilespmem:s22], [sflag:$0x2], $0x5000, $0x38;
	[tilespmem:$0x14200] =	vst v63  }
0x9b: {  	_ =	swait.ge [sflag:s11], $0x5000  }
0x9c: {  	[sflag:s11] =	ssyncset.done $0x0  }
0x9d: {  	s30 =	sadd.s32 $0x14, s30;
	s29 =	sadd.s32 $0x1400, s29;
	[sflag:s11] =	ssyncadd.s32 $0xFFFFB000  }
0x9e: {  	s29 =	simm.s32 $0x0;
	s0 =	rddreg [dreg:$0xa]  }
0x9f: {  	[tilespmem:s29], [sflag:$0x2] =	stream.linear.gather [hbm4b:s0+s29], $0x50, $0x38;
	[tilespmem:$0x14200] =	vst v63  }
0xa0: {  	_ =	swait.ge [sflag:s11], $0x50  }
0xa1: {  	[sflag:s11] =	ssyncset.done $0x0  }
0xa2: {  	[sflag:s11] =	ssyncadd.s32 $0xFFFFFFB0  }
0xa3: {  	v3 =	vld [tilespmem:$0x0];
	_ =	sdelay $0x4  }
0xa4: {  	v4 =	vshll.u32 v3, $0x1  }
0xa5: {  	v3 =	vand.u32 $0x7, v3;
	v4 =	vand.u32 $0xFFFFFFF0, v4  }
0xa6: {  	v3 =	vor.u32 v3, v4  }
0xa7: {  	v4 =	vperm.xlane v3, v0;
	_ =	sdelay $0x1  }
0xa8: {  	v3 =	vperm.xlane v3, v2;
	v4 =	vadd.s32 v1, v4;
	_ =	sdelay $0x1  }
0xa9: {  	v3 =	vadd.s32 v1, v3;
	_ =	sdelay $0x2  }
0xaa: {  	[tilespmem:s12], [sflag:$0x1] =	stream.indirect_vreg.gather [hbm4b:s3+s29], $0x80, v4, vm0, $0xb8;
	[tilespmem:$0x14200] =	vst v63  }
0xab: {  	_ = 	snop  }
0xac: {  	[tilespmem:s6], [sflag:$0x1] =	stream.indirect_vreg.gather [hbm4b:s3+s29], $0x80, v3, vm0, $0xb8;
	[tilespmem:$0x14200] =	vst v63  }
0xad: {  	v3 =	vld [tilespmem:$0x10];
	_ =	sdelay $0x4  }
0xae: {  	v60 =	vshll.u32 v3, $0x1  }
0xaf: {  	v3 =	vand.u32 $0x7, v3;
	v4 =	vand.u32 $0xFFFFFFF0, v60  }
0xb0: {  	v3 =	vor.u32 v3, v4  }
0xb1: {  	v4 =	vperm.xlane v3, v0;
	_ =	sdelay $0x1  }
0xb2: {  	v3 =	vperm.xlane v3, v2;
	v4 =	vadd.s32 v1, v4;
	_ =	sdelay $0x1  }
0xb3: {  	v3 =	vadd.s32 v1, v3;
	_ =	sdelay $0x2  }
0xb4: {  	[tilespmem:s8], [sflag:$0x1] =	stream.indirect_vreg.gather [hbm4b:s3+s29], $0x80, v4, vm0, $0xb8;
	[tilespmem:$0x14200] =	vst v63  }
0xb5: {  	_ = 	snop  }
0xb6: {  	[tilespmem:s9], [sflag:$0x1] =	stream.indirect_vreg.gather [hbm4b:s3+s29], $0x80, v3, vm0, $0xb8;
	[tilespmem:$0x14200] =	vst v63  }
0xb7: {  	v3 =	vld [tilespmem:$0x20];
	_ =	sdelay $0x4  }
0xb8: {  	v61 =	vshll.u32 v3, $0x1  }
0xb9: {  	v3 =	vand.u32 $0x7, v3;
	v4 =	vand.u32 $0xFFFFFFF0, v61  }
0xba: {  	v3 =	vor.u32 v3, v4  }
0xbb: {  	v4 =	vperm.xlane v3, v0;
	_ =	sdelay $0x1  }
0xbc: {  	v3 =	vperm.xlane v3, v2;
	v4 =	vadd.s32 v1, v4;
	_ =	sdelay $0x1  }
0xbd: {  	v3 =	vadd.s32 v1, v3;
	_ =	sdelay $0x2  }
0xbe: {  	[tilespmem:s10], [sflag:$0x1] =	stream.indirect_vreg.gather [hbm4b:s3+s29], $0x80, v4, vm0, $0xb8;
	[tilespmem:$0x14200] =	vst v63  }
0xbf: {  	_ = 	snop  }
0xc0: {  	[tilespmem:s13], [sflag:$0x1] =	stream.indirect_vreg.gather [hbm4b:s3+s29], $0x80, v3, vm0, $0xb8;
	[tilespmem:$0x14200] =	vst v63  }
0xc1: {  	v3 =	vld [tilespmem:$0x30];
	_ =	sdelay $0x4  }
0xc2: {  	v62 =	vshll.u32 v3, $0x1  }
0xc3: {  	v3 =	vand.u32 $0x7, v3;
	v4 =	vand.u32 $0xFFFFFFF0, v62  }
0xc4: {  	v3 =	vor.u32 v3, v4  }
0xc5: {  	v4 =	vperm.xlane v3, v0;
	_ =	sdelay $0x1  }
0xc6: {  	v3 =	vperm.xlane v3, v2;
	v4 =	vadd.s32 v1, v4;
	_ =	sdelay $0x1  }
0xc7: {  	v3 =	vadd.s32 v1, v3;
	_ =	sdelay $0x2  }
0xc8: {  	[tilespmem:s14], [sflag:$0x1] =	stream.indirect_vreg.gather [hbm4b:s3+s29], $0x80, v4, vm0, $0xb8;
	[tilespmem:$0x14200] =	vst v63  }
0xc9: {  	_ = 	snop  }
0xca: {  	[tilespmem:s15], [sflag:$0x1] =	stream.indirect_vreg.gather [hbm4b:s3+s29], $0x80, v3, vm0, $0xb8;
	[tilespmem:$0x14200] =	vst v63  }
0xcb: {  	v3 =	vld [tilespmem:$0x40];
	_ =	sdelay $0x4  }
0xcc: {  	v63 =	vshll.u32 v3, $0x1  }
0xcd: {  	v3 =	vand.u32 $0x7, v3;
	v4 =	vand.u32 $0xFFFFFFF0, v63  }
0xce: {  	v3 =	vor.u32 v3, v4  }
0xcf: {  	v4 =	vperm.xlane v3, v0;
	_ =	sdelay $0x1  }
0xd0: {  	v3 =	vperm.xlane v3, v2;
	v4 =	vadd.s32 v1, v4;
	_ =	sdelay $0x1  }
0xd1: {  	v3 =	vadd.s32 v1, v3  }
0xd2: {  	s25 =	simm.s32 $0x4200;
	s26 =	simm.s32 $0x4A00;
	s17 =	simm.s32 $0x180  }
0xd3: {  	s18 =	simm.s32 $0xFA00;
	s19 =	simm.s32 $0x10200;
	s20 =	simm.s32 $0x10A00  }
0xd4: {  	[tilespmem:s25], [sflag:$0x1] =	stream.indirect_vreg.gather [hbm4b:s3+s29], $0x80, v4, vm0, $0xb8;
	[tilespmem:$0x14200] =	vst v63  }
0xd5: {  	s21 =	simm.s32 $0x11200;
	s23 =	simm.s32 $0x11A00;
	s24 =	simm.s32 $0x12200  }
0xd6: {  	[tilespmem:s26], [sflag:$0x1] =	stream.indirect_vreg.gather [hbm4b:s3+s29], $0x80, v3, vm0, $0xb8;
	[tilespmem:$0x14200] =	vst v63  }
0xd7: {  	s28 =	simm.s32 $0x13A00;
	s6 =	simm.s32 $0xBA00;
	_ =	swait.ge [sflag:s1], $0x5000  }
0xd8: {  	s8 =	simm.s32 $0xC200;
	s9 =	simm.s32 $0xCA00;
	[sflag:s1] =	ssyncset.done $0x0  }
0xd9: {  	s10 =	simm.s32 $0xD200;
	s31 =	rddreg [dreg:$0xb];
	[sflag:s1] =	ssyncadd.s32 $0xFFFFB000  }
0xda: {  	[hbm4b:s31+s29] =	stream.linear.scatter [tilespmem:s12], [sflag:$0x2], $0x5000, $0x38;
	[tilespmem:$0x14200] =	vst v63  }
0xdb: {  	s13 =	simm.s32 $0xDA00;
	s14 =	simm.s32 $0xE200;
	_ =	swait.ge [sflag:s11], $0x5000  }
0xdc: {  	s15 =	simm.s32 $0xEA00;
	s25 =	simm.s32 $0x12A00;
	[sflag:s11] =	ssyncset.done $0x0  }
0xdd: {  	s26 =	simm.s32 $0x13200;
	s30 =	rddreg [dreg:$0xe];
	[sflag:s11] =	ssyncadd.s32 $0xFFFFB000  }
.LBB2_4:
0xde: {  	s0 =	rddreg [dreg:$0x6]  }
0xdf: {  	s31 =	rddreg [dreg:$0x7];
	s0 =	sadd.s32 s29, s0  }
0xe0: {  	[tilespmem:s31], [sflag:$0x2] =	stream.linear.gather [hbm4b:s0+s2], $0x28, $0x38;
	[tilespmem:$0x14200] =	vst v63  }
0xe1: {  	_ =	swait.ge [sflag:s11], $0x28  }
0xe2: {  	[sflag:s11] =	ssyncset.done $0x0  }
0xe3: {  	[sflag:s11] =	ssyncadd.s32 $0xFFFFFFD8  }
0xe4: {  	v3 =	vld [tilespmem:$0x100];
	_ =	sdelay $0x4  }
0xe5: {  	v4 =	vshll.u32 v3, $0x2  }
0xe6: {  	v3 =	vand.u32 $0x7, v3;
	v4 =	vand.u32 $0xFFFFFFE0, v4  }
0xe7: {  	v3 =	vor.u32 v3, v4  }
0xe8: {  	v4 =	vperm.xlane v3, v0;
	_ =	sdelay $0x1  }
0xe9: {  	v4 =	vadd.s32 v1, v4;
	_ =	sdelay $0x1  }
0xea: {  	v3 =	vperm.xlane v3, v2;
	_ =	sdelay $0x1  }
0xeb: {  	v3 =	vadd.s32 v1, v3  }
0xec: {  	[tilespmem:s5], [sflag:$0x1] =	stream.indirect_vreg.gather [hbm4b:s4+s2], $0x80, v4, vm0, $0xb8;
	[tilespmem:$0x14200] =	vst v63  }
0xed: {  	s0 =	rddreg [dreg:$0x8]  }
0xee: {  	[tilespmem:s0], [sflag:$0x1] =	stream.indirect_vreg.gather [hbm4b:s7+s2], $0x80, v4, vm0, $0xb8;
	[tilespmem:$0x14200] =	vst v63  }
0xef: {  	s31 =	rddreg [dreg:$0x9]  }
0xf0: {  	[tilespmem:s31], [sflag:$0x1] =	stream.indirect_vreg.gather [hbm4b:s4+s2], $0x80, v3, vm0, $0xb8;
	[tilespmem:$0x14200] =	vst v63  }
0xf1: {  	_ = 	snop  }
0xf2: {  	[tilespmem:s6], [sflag:$0x1] =	stream.indirect_vreg.gather [hbm4b:s7+s2], $0x80, v3, vm0, $0xb8;
	[tilespmem:$0x14200] =	vst v63  }
0xf3: {  	v3 =	vld [tilespmem:$0x110];
	_ =	sdelay $0x4  }
0xf4: {  	v59 =	vshll.u32 v3, $0x2  }
0xf5: {  	v3 =	vand.u32 $0x7, v3;
	v4 =	vand.u32 $0xFFFFFFE0, v59  }
0xf6: {  	v3 =	vor.u32 v3, v4  }
0xf7: {  	v4 =	vperm.xlane v3, v0;
	_ =	sdelay $0x1  }
0xf8: {  	v4 =	vadd.s32 v1, v4;
	_ =	sdelay $0x1  }
0xf9: {  	v3 =	vperm.xlane v3, v2;
	_ =	sdelay $0x1  }
0xfa: {  	v3 =	vadd.s32 v1, v3  }
0xfb: {  	[tilespmem:s8], [sflag:$0x1] =	stream.indirect_vreg.gather [hbm4b:s4+s2], $0x80, v4, vm0, $0xb8;
	[tilespmem:$0x14200] =	vst v63  }
0xfc: {  	_ = 	snop  }
0xfd: {  	[tilespmem:s9], [sflag:$0x1] =	stream.indirect_vreg.gather [hbm4b:s7+s2], $0x80, v4, vm0, $0xb8;
	[tilespmem:$0x14200] =	vst v63  }
0xfe: {  	_ = 	snop  }
0xff: {  	[tilespmem:s10], [sflag:$0x1] =	stream.indirect_vreg.gather [hbm4b:s4+s2], $0x80, v3, vm0, $0xb8;
	[tilespmem:$0x14200] =	vst v63  }
0x100: {  	_ = 	snop  }
0x101: {  	[tilespmem:s13], [sflag:$0x1] =	stream.indirect_vreg.gather [hbm4b:s7+s2], $0x80, v3, vm0, $0xb8;
	[tilespmem:$0x14200] =	vst v63  }
0x102: {  	v3 =	vld.msk [tilespmem:$0x120], $0xff;
	_ =	sdelay $0x4  }
0x103: {  	v60 =	vshll.u32 v3, $0x2  }
0x104: {  	v3 =	vand.u32 $0x7, v3;
	v4 =	vand.u32 $0xFFFFFFE0, v60  }
0x105: {  	v3 =	vor.u32 v3, v4  }
0x106: {  	v3 =	vperm.xlane v3, v0;
	_ =	sdelay $0x1  }
0x107: {  	v3 =	vadd.s32 v1, v3;
	_ =	sdelay $0x4  }
0x108: {  	[tilespmem:s14], [sflag:$0x1] =	stream.indirect_vreg.gather [hbm4b:s4+s2], $0x80, v3, vm0, $0xb8;
	[tilespmem:$0x14200] =	vst v63  }
0x109: {  	s31 =	rddreg [dreg:$0x5]  }
0x10a: {  	[tilespmem:s15], [sflag:$0x1] =	stream.indirect_vreg.gather [hbm4b:s7+s2], $0x80, v3, vm0, $0xb8;
	[tilespmem:$0x14200] =	vst v63  }
0x10b: {  	s0 =	sadd.s32 s29, s31  }
0x10c: {  	[tilespmem:s17], [sflag:$0x2] =	stream.linear.gather [hbm4b:s0+s2], $0x28, $0x38;
	[tilespmem:$0x14200] =	vst v63  }
0x10d: {  	_ =	swait.ge [sflag:s11], $0x28  }
0x10e: {  	[sflag:s11] =	ssyncset.done $0x0  }
0x10f: {  	[sflag:s11] =	ssyncadd.s32 $0xFFFFFFD8  }
0x110: {  	v3 =	vld [tilespmem:$0x180];
	_ =	sdelay $0x4  }
0x111: {  	v61 =	vshll.u32 v3, $0x2  }
0x112: {  	v3 =	vand.u32 $0x7, v3;
	v4 =	vand.u32 $0xFFFFFFE0, v61  }
0x113: {  	v3 =	vor.u32 v3, v4  }
0x114: {  	v4 =	vperm.xlane v3, v0;
	_ =	sdelay $0x1  }
0x115: {  	v4 =	vadd.s32 v1, v4;
	_ =	sdelay $0x1  }
0x116: {  	v3 =	vperm.xlane v3, v2;
	_ =	sdelay $0x1  }
0x117: {  	v3 =	vadd.s32 v1, v3  }
0x118: {  	[tilespmem:s16], [sflag:$0x1] =	stream.indirect_vreg.gather [hbm4b:s4+s2], $0x80, v4, vm0, $0xb8;
	[tilespmem:$0x14200] =	vst v63  }
0x119: {  	_ = 	snop  }
0x11a: {  	[tilespmem:s18], [sflag:$0x1] =	stream.indirect_vreg.gather [hbm4b:s7+s2], $0x80, v4, vm0, $0xb8;
	[tilespmem:$0x14200] =	vst v63  }
0x11b: {  	_ = 	snop  }
0x11c: {  	[tilespmem:s19], [sflag:$0x1] =	stream.indirect_vreg.gather [hbm4b:s4+s2], $0x80, v3, vm0, $0xb8;
	[tilespmem:$0x14200] =	vst v63  }
0x11d: {  	_ = 	snop  }
0x11e: {  	[tilespmem:s20], [sflag:$0x1] =	stream.indirect_vreg.gather [hbm4b:s7+s2], $0x80, v3, vm0, $0xb8;
	[tilespmem:$0x14200] =	vst v63  }
0x11f: {  	v3 =	vld [tilespmem:$0x190];
	_ =	sdelay $0x4  }
0x120: {  	v62 =	vshll.u32 v3, $0x2  }
0x121: {  	v3 =	vand.u32 $0x7, v3;
	v4 =	vand.u32 $0xFFFFFFE0, v62  }
0x122: {  	v3 =	vor.u32 v3, v4  }
0x123: {  	v4 =	vperm.xlane v3, v0;
	_ =	sdelay $0x1  }
0x124: {  	v4 =	vadd.s32 v1, v4;
	_ =	sdelay $0x1  }
0x125: {  	v3 =	vperm.xlane v3, v2;
	_ =	sdelay $0x1  }
0x126: {  	v3 =	vadd.s32 v1, v3  }
0x127: {  	[tilespmem:s21], [sflag:$0x1] =	stream.indirect_vreg.gather [hbm4b:s4+s2], $0x80, v4, vm0, $0xb8;
	[tilespmem:$0x14200] =	vst v63  }
0x128: {  	_ = 	snop  }
0x129: {  	[tilespmem:s23], [sflag:$0x1] =	stream.indirect_vreg.gather [hbm4b:s7+s2], $0x80, v4, vm0, $0xb8;
	[tilespmem:$0x14200] =	vst v63  }
0x12a: {  	_ = 	snop  }
0x12b: {  	[tilespmem:s24], [sflag:$0x1] =	stream.indirect_vreg.gather [hbm4b:s4+s2], $0x80, v3, vm0, $0xb8;
	[tilespmem:$0x14200] =	vst v63  }
0x12c: {  	_ = 	snop  }
0x12d: {  	[tilespmem:s25], [sflag:$0x1] =	stream.indirect_vreg.gather [hbm4b:s7+s2], $0x80, v3, vm0, $0xb8;
	[tilespmem:$0x14200] =	vst v63  }
0x12e: {  	v3 =	vld.msk [tilespmem:$0x1A0], $0xff;
	_ =	sdelay $0x4  }
0x12f: {  	v63 =	vshll.u32 v3, $0x2  }
0x130: {  	v3 =	vand.u32 $0x7, v3;
	v4 =	vand.u32 $0xFFFFFFE0, v63  }
0x131: {  	v3 =	vor.u32 v3, v4  }
0x132: {  	v3 =	vperm.xlane v3, v0;
	_ =	sdelay $0x1  }
0x133: {  	v3 =	vadd.s32 v1, v3;
	_ =	sdelay $0x4  }
0x134: {  	[tilespmem:s26], [sflag:$0x1] =	stream.indirect_vreg.gather [hbm4b:s4+s2], $0x80, v3, vm0, $0xb8;
	[tilespmem:$0x14200] =	vst v63  }
0x135: {  	_ = 	snop  }
0x136: {  	[tilespmem:s28], [sflag:$0x1] =	stream.indirect_vreg.gather [hbm4b:s7+s2], $0x80, v3, vm0, $0xb8;
	[tilespmem:$0x14200] =	vst v63  }
0x137: {  	_ =	swait.ge [sflag:s1], $0x5000  }
0x138: {  	[sflag:s1] =	ssyncset.done $0x0  }
0x139: {  	[sflag:s1] =	ssyncadd.s32 $0xFFFFB000  }
0x13a: {  	_ =	swait.ge [sflag:s1], $0x5000  }
0x13b: {  	[sflag:s1] =	ssyncset.done $0x0  }
0x13c: {  	s31 =	sadd.s32 $0xFFFFF600, s30;
	[sflag:s1] =	ssyncadd.s32 $0xFFFFB000  }
0x13d: {  	[hbm4b:s31+s2] =	stream.linear.scatter [tilespmem:s5], [sflag:$0x2], $0x5000, $0x38;
	[tilespmem:$0x14200] =	vst v63  }
0x13e: {  	_ =	swait.ge [sflag:s11], $0x5000  }
0x13f: {  	p0 =	sne.s32 s29, $0x4D8;
	[sflag:s11] =	ssyncset.done $0x0  }
.Ltmp1:
0x140: {  	[sflag:s11] =	ssyncadd.s32 $0xFFFFB000;
	(pc) =	sbr.rel @p0 .LBB2_4-.Ltmp1, $4  }
0x141: {  	[hbm4b:s30+s2] =	stream.linear.scatter [tilespmem:s16], [sflag:$0x2], $0x5000, $0x38;
	[tilespmem:$0x14200] =	vst v63  }
0x142: {  	_ =	swait.ge [sflag:s11], $0x5000  }
0x143: {  	[sflag:s11] =	ssyncset.done $0x0  }
0x144: {  	s29 =	sadd.s32 $0xA, s29;
	s30 =	sadd.s32 $0x1400, s30;
	[sflag:s11] =	ssyncadd.s32 $0xFFFFB000  }
0x145: {  	s6 =	rddreg [dreg:$0xf]  }
0x146: {  	s0 =	rddreg [dreg:$0xc];
	s6 =	sadd.s32 $0x1, s6  }
0x147: {  	p0 =	sne.s32 s6, s0  }
.Ltmp2:
0x148: {  	_ = 	snop;
	(pc) =	sbr.rel @p0 .LBB2_1-.Ltmp2, $1  }
0x149: {  	_ =	sdelay $0x3  }
0x14a: {  	_ =	sfence.sel $0x180000  }
0x14b: {  	[bflag:$0x0] =	sbarrier.arrive $0xFFFF  }
0x14c: {  	_ =	strace $0x90000050  }
0x14d: {  	s0 =	stileid.u32;
	[bflag:$0x2] =	sbarrier.arrive $0xFFFF  }
0x14e: {  	p0 =	sne.s32 s0, $0x0;
	s0 =	rddreg [dreg:$0x1]  }
0x14f: {  	s0 =	sadd.s32 @!p0 $0x100000, s0  }
0x150: {  	[sflag:s0] =	ssyncadd.tile.s32 @!p0 $0x1;
	_ =	shalt  }
.Lfunc_end2:
_tile_overlayer_lowered:
.L_overlay_start_2:
0x151: {  	(tag) =	ssettag $0x2  }
0x152: {  	s0 =	rddreg [dreg:$0x0];
	s2 =	stileid.u32  }
0x153: {  	s1 =	rddreg [dreg:$0x1];
	p0 =	sne.s32 s2, $0x0  }
0x154: {  	s3 =	rddreg [dreg:$0x2];
	[bflag:$0x3] =	sbarrier.arrive $0xFFFF;
	s2 =	simm.s32 @!p0 $0x1C02  }
0x155: {  	[timem:s3], [sflag:s2] =	dma.local @!p0 [hbm:s0], s1  }
0x156: {  	s0 =	simm.s32 @!p0 $0x2  }
0x157: {  	_ =	swait.ge @!p0 [sflag:s0], s1  }
0x158: {  	s1 =	ssub.s32 @!p0 $0x0, s1;
	[sflag:s0] =	ssyncset.done @!p0 $0x0  }
0x159: {  	[sflag:s0] =	ssyncadd.s32 @!p0 s1  }
0x15a: {  	[bflag:$0x3] =	sbarrier.arrive $0xFFFF  }
0x15b: {  	_ =	shalt  }

// kernel: kernel.29.cloned.1.call-start
scs
__scs_entry_jumppad:
0x0: {  	(pc) =	sbr.rel $0x88, $3  }
0x1: {  	(tag) =	ssettag $0x0;
	lr =	simm.s32 $0x1  }
0x2: {  	[smem:$0x3F79] =	sst lr;
	_ =	strace $0xD0000000  }
0x3: {  	_ = 	snop  }
0x4: {  	_ = 	snop  }
0x5: {  	_ = 	snop  }
0x6: {  	_ = 	snop  }
0x7: {  	_ = 	snop  }
__scs_overlays_trampoline_lowered:
0x8: {  	[smem:$0x3F88] =	sst s0  }
0x9: {  	[smem:$0x3F89] =	sst s1  }
0xa: {  	[smem:$0x3F8A] =	sst s2  }
0xb: {  	[smem:$0x3F8B] =	sst s3  }
0xc: {  	[smem:$0x3F8C] =	sst s4  }
0xd: {  	[smem:$0x3F8D] =	sst s5  }
0xe: {  	[smem:$0x3F8E] =	sst s6  }
0xf: {  	[smem:$0x3F8F] =	sst s7  }
0x10: {  	[smem:$0x3F90] =	sst s8  }
0x11: {  	[smem:$0x3F91] =	sst s9;
	s0 =	simm.s32 @!p0 $0x0  }
0x12: {  	s1 =	sld [smem:$0x3F77];
	s0 =	simm.s32 @p0 $0x1  }
0x13: {  	[smem:$0x3F92] =	sst s0;
	s0 =	simm.s32 @!p1 $0x0  }
0x14: {  	s2 =	sld [smem:$0x3F76];
	s0 =	simm.s32 @p1 $0x1  }
0x15: {  	[smem:$0x3F93] =	sst s0;
	s0 =	simm.s32 @!p2 $0x0  }
0x16: {  	s3 =	sld [smem:$0x3FDB];
	s0 =	simm.s32 @p2 $0x1  }
0x17: {  	s4 =	simm.s32 $0x1BF5;
	[smem:$0x3F95] =	sst s0  }
0x18: {  	s0 =	sld [smem:$0x3F78];
	_ =	swait.ge [sflag:s4], $0x0  }
0x19: {  	s7 =	sld [smem:$0x3F79]  }
0x1a: {  	s8 =	sadd.s32 $0xFFFFE003, lr  }
0x1b: {  	s9 =	sadd.s32 $0xFFFFFEF7, lr;
	s5 =	simm.s32 $0xFFFFFFFF;
	p2 =	slt.u32 s8, $0xFFFFF086  }
0x1c: {  	p1 =	slt.u32 s9, $0xF7A;
	s5 =	simm.s32 @!p2 $0x0  }
0x1d: {  	s5 =	simm.s32 @p1 $0x1;
	p0 =	seq.s32 s7, s2  }
0x1e: {  	s7 =	smul.u32 @!p0 $0xF7A, s2;
	p2 =	seq.s32 @!p0 s5, $0x0  }
0x1f: {  	s9 =	smul.u32 $0xF7A, s1;
	s8 =	simm.s32 @!p0 $0x1BF5;
	p2 =	por !p2, p0  }
0x20: {  	[sflag:s8] =	ssyncset.s32 @!p0 $0xFFFFF086;
	s6 =	sadd.s32 @!p0 s3, s7;
	s7 =	simm.s32 @!p0 $0x108  }
0x21: {  	s3 =	sadd.s32 s3, s9;
	s6 =	sadd.s32 @!p0 $0x88, s6;
	s7 =	simm.s32 @p2 $0x1082  }
0x22: {  	[simem:s7], [sflag:s8] =	dma.local @!p0 [hbm:s6], $0xF7A  }
0x23: {  	s9 =	sor.u32 $0xD0000000, s2;
	s6 =	simm.s32 $0x108;
	_ =	swait.ge @!p0 [sflag:s8], $0x0  }
0x24: {  	s3 =	sadd.s32 $0x88, s3;
	s6 =	simm.s32 @!p1 $0x1082;
	[sflag:s4] =	ssyncset.s32 $0xFFFFF086  }
0x25: {  	[simem:s6], [sflag:s4] =	dma.local [hbm:s3], $0xF7A  }
0x26: {  	[smem:$0x3F79] =	sst s1;
	(tag) =	ssettag s2;
	_ =	strace s9  }
0x27: {  	s1 =	sld [smem:$0x3F89]  }
0x28: {  	s2 =	sld [smem:$0x3F8A]  }
0x29: {  	s4 =	sld [smem:$0x3F8C]  }
0x2a: {  	p0 =	seq.s32 s5, $0x0;
	s5 =	sld [smem:$0x3F8D]  }
0x2b: {  	s6 =	sld [smem:$0x3F8E]  }
0x2c: {  	s7 =	sld [smem:$0x3F8F]  }
0x2d: {  	s3 =	simm.s32 $0x108;
	s8 =	sld [smem:$0x3F90]  }
0x2e: {  	s3 =	simm.s32 @!p0 $0x1082;
	s9 =	sld [smem:$0x3F91]  }
0x2f: {  	lr =	sadd.s32 s0, s3;
	s0 =	sld [smem:$0x3F88]  }
0x30: {  	s3 =	sld [smem:$0x3F8B]  }
0x31: {  	[smem:$0x3F94] =	sst s10  }
0x32: {  	s10 =	sld [smem:$0x3F92];
	_ =	sdelay $0x3  }
0x33: {  	p0 =	seq.s32 s10, $0x1;
	s10 =	sld [smem:$0x3F94];
	_ =	sdelay $0x3  }
0x34: {  	[smem:$0x3F94] =	sst s10  }
0x35: {  	s10 =	sld [smem:$0x3F93];
	_ =	sdelay $0x3  }
0x36: {  	p1 =	seq.s32 s10, $0x1;
	s10 =	sld [smem:$0x3F94];
	_ =	sdelay $0x3  }
0x37: {  	[smem:$0x3F94] =	sst s10  }
0x38: {  	s10 =	sld [smem:$0x3F95]  }
0x39: {  	_ = 	snop;
	(pc) =	sbr.ind lr, $3  }
0x3a: {  	_ = 	snop  }
0x3b: {  	_ = 	snop  }
0x3c: {  	p2 =	seq.s32 s10, $0x1;
	s10 =	sld [smem:$0x3F94]  }
0x3d: {  	_ =	shalt  }
0x3e: {  	_ =	shalt  }
0x3f: {  	_ =	shalt  }
0x40: {  	_ =	shalt  }
0x41: {  	_ =	shalt  }
0x42: {  	_ =	shalt  }
0x43: {  	_ =	shalt  }
0x44: {  	_ =	shalt  }
0x45: {  	_ =	shalt  }
0x46: {  	_ =	shalt  }
0x47: {  	_ =	shalt  }
0x48: {  	_ =	shalt  }
0x49: {  	_ =	shalt  }
0x4a: {  	_ =	shalt  }
0x4b: {  	_ =	shalt  }
0x4c: {  	_ =	shalt  }
0x4d: {  	_ =	shalt  }
0x4e: {  	_ =	shalt  }
0x4f: {  	_ =	shalt  }
0x50: {  	_ =	shalt  }
0x51: {  	_ =	shalt  }
0x52: {  	_ =	shalt  }
0x53: {  	_ =	shalt  }
0x54: {  	_ =	shalt  }
0x55: {  	_ =	shalt  }
0x56: {  	_ =	shalt  }
0x57: {  	_ =	shalt  }
0x58: {  	_ =	shalt  }
0x59: {  	_ =	shalt  }
0x5a: {  	_ =	shalt  }
0x5b: {  	_ =	shalt  }
0x5c: {  	_ =	shalt  }
0x5d: {  	_ =	shalt  }
0x5e: {  	_ =	shalt  }
0x5f: {  	_ =	shalt  }
0x60: {  	_ =	shalt  }
0x61: {  	_ =	shalt  }
0x62: {  	_ =	shalt  }
0x63: {  	_ =	shalt  }
0x64: {  	_ =	shalt  }
0x65: {  	_ =	shalt  }
0x66: {  	_ =	shalt  }
0x67: {  	_ =	shalt  }
0x68: {  	_ =	shalt  }
0x69: {  	_ =	shalt  }
0x6a: {  	_ =	shalt  }
0x6b: {  	_ =	shalt  }
0x6c: {  	_ =	shalt  }
0x6d: {  	_ =	shalt  }
0x6e: {  	_ =	shalt  }
0x6f: {  	_ =	shalt  }
0x70: {  	_ =	shalt  }
0x71: {  	_ =	shalt  }
0x72: {  	_ =	shalt  }
0x73: {  	_ =	shalt  }
0x74: {  	_ =	shalt  }
0x75: {  	_ =	shalt  }
0x76: {  	_ =	shalt  }
0x77: {  	_ =	shalt  }
0x78: {  	_ =	shalt  }
0x79: {  	_ =	shalt  }
0x7a: {  	_ =	shalt  }
0x7b: {  	_ =	shalt  }
0x7c: {  	_ =	shalt  }
0x7d: {  	_ =	shalt  }
0x7e: {  	_ =	shalt  }
0x7f: {  	_ =	shalt  }
0x80: {  	_ =	shalt  }
0x81: {  	_ =	shalt  }
0x82: {  	_ =	shalt  }
0x83: {  	_ =	shalt  }
0x84: {  	_ =	shalt  }
0x85: {  	_ =	shalt  }
0x86: {  	_ =	shalt  }
0x87: {  	_ =	shalt  }
.Lfunc_end0:
.L_simem_size_0:
called_computation.4_lowered:
.L_overlay_start_0:
0x88: {  	s2 =	sld [smem:$0x3FD9]  }
0x89: {  	s3 =	sld [smem:$0x3FFE];
	_ =	sdelay $0x1  }
0x8a: {  	s1 =	srdreg.scid  }
0x8b: {  	s0 =	sand.u32 $0x1, s1  }
0x8c: {  	s14 =	sshll.u32 s0, $0xA;
	s2 =	sadd.s32 s3, s2  }
0x8d: {  	s2 =	sadd.s32 s2, s14  }
0x8e: {  	[smem:$0x3FA0] =	sst s2  }
0x8f: {  	_ = 	snop  }
0x90: {  	s2 =	sld [smem:$0x3FD0];
	_ =	sdelay $0x2  }
0x91: {  	s15 =	simm.s32 $0xA;
	s4 =	simm.s32 $0x10  }
0x92: {  	[smem:s4], [sflag:s15] =	dma.local [hbm:s2], $0x1  }
0x93: {  	_ =	swait.eq [sflag:s15], $0x1  }
0x94: {  	[sflag:s15] =	ssyncset.done $0x0  }
0x95: {  	[sflag:s15] =	ssyncadd.s32 $0xFFFFFFFF  }
0x96: {  	s16 =	sld [smem:$0x10];
	(tm) =	ssettm $0x1  }
0x97: {  	s17 =	sld [smem:$0x3FFB];
	_ =	sdelay $0x3  }
0x98: {  	_ =	strace s17  }
0x99: {  	s3 =	sld [smem:$0x3FFC];
	_ =	sdelay $0x3  }
0x9a: {  	_ =	strace s3  }
0x9b: {  	s3 =	sld [smem:$0x3FFD];
	_ =	sdelay $0x3  }
0x9c: {  	_ =	strace s3  }
0x9d: {  	_ =	strace $0x8FFFFFFF  }
0x9e: {  	s18 =	sld [smem:$0x3FDB];
	_ =	sdelay $0x1  }
0x9f: {  	s19 =	simm.s32 $_scs_section_size  }
0xa0: {  	s5 =	simm.s32 $_size__tile_overlayer_lowered;
	s6 =	simm.s32 $_tile_overlayer_lowered  }
0xa1: {  	s22 =	simm.s32 $0x1BFF;
	s21 =	sshll.u32 s6, $0x1;
	s3 =	sadd.s32 s19, s18  }
0xa2: {  	s7 =	simm.s32 $0x0;
	s20 =	sshll.u32 s5, $0x1;
	s5 =	sadd.s32 s21, s3  }
0xa3: {  	[timem:s7], [sflag:s22] =	dma.local [hbm:s5], s20  }
0xa4: {  	_ =	swait.ge [sflag:s22], s20  }
0xa5: {  	s4 =	ssub.s32 $0x0, s20;
	[sflag:s22] =	ssyncset.done $0x0  }
0xa6: {  	[sflag:s22] =	ssyncadd.s32 s4;
	_ =	sdelay $0x1  }
0xa7: {  	s23 =	simm.s32 $0x1B8B  }
0xa8: {  	_ =	swait.ge [sflag:s23], $0x1  }
0xa9: {  	[sflag:s23] =	ssyncset.done $0x0  }
0xaa: {  	s25 =	simm.s32 $0x1B8E;
	s24 =	sld [smem:$0x3FFE];
	[sflag:s23] =	ssyncadd.s32 $0xFFFFFFFF  }
0xab: {  	s26 =	simm.s32 $execute0_lowered;
	[smem:$0x3FD2] =	sst s25  }
0xac: {  	s5 =	sshll.u32 s26, $0x1;
	_ =	strace $0x80000052;
	[dreg:$0x1] =	wrdreg $0xFFFFFFFF  }
0xad: {  	s28 =	simm.s32 $_size_execute0_lowered;
	s3 =	sadd.s32 s3, s5;
	[dreg:$0x0] =	wrdreg $0x0  }
0xae: {  	s5 =	sshll.u32 s28, $0x1;
	[dreg:$0x2] =	wrdreg s3  }
0xaf: {  	[dreg:$0x3] =	wrdreg s5  }
0xb0: {  	[dreg:$0x4] =	wrdreg $0xC0  }
0xb1: {  	_ =	task [dreg:s7], $0x5FFFF  }
0xb2: {  	[dreg:$0x1] =	wrdreg $0xFFFFFFFF  }
0xb3: {  	[dreg:$0x0] =	wrdreg $0x60  }
0xb4: {  	[dreg:$0x2] =	wrdreg s24  }
0xb5: {  	[dreg:$0x3] =	wrdreg s16  }
0xb6: {  	[dreg:$0x4] =	wrdreg $0x13E000  }
0xb7: {  	[dreg:$0x5] =	wrdreg $0x166000  }
0xb8: {  	[dreg:$0x6] =	wrdreg $0x9  }
0xb9: {  	_ =	task.clear_ibuf [dreg:s7], $0x7FFFF;
	_ =	strace $0x90000052  }
0xba: {  	s29 =	simm.s32 $0x9;
	_ =	strace $0x80000054  }
0xbb: {  	_ =	swait.ge [sflag:s29], $0x1  }
0xbc: {  	[sflag:s29] =	ssyncadd.s32 $0xFFFFFFFF  }
0xbd: {  	_ =	strace $0x90000054  }
0xbe: {  	_ =	sfence  }
0xbf: {  	s30 =	sld [smem:$0x0];
	_ =	sdelay $0x2  }
0xc0: {  	s31 =	sshll.u32 s1, $0xD;
	s1 =	sshrl.u32 s1, $0x2  }
0xc1: {  	s3 =	sand.u32 $0x4000, s31;
	s1 =	sadd.s32 s1, s30  }
0xc2: {  	s0 =	sor.u32 s3, s0;
	s1 =	sshll.u32 s1, $0x11  }
0xc3: {  	s0 =	sor.u32 s1, s0  }
0xc4: {  	s0 =	sadd.s32 $0x8F2B, s0  }
0xc5: {  	[sflag:s0] =	ssyncadd.remote.s32 $0x1  }
0xc6: {  	_ =	sfence.sel $0xFFFF  }
0xc7: {  	[dreg:$0x0] =	wrdreg $0xFFFFFFFF;
	(pc) =	sbr.abs _section_cstart, $3  }
0xc8: {  	[dreg:$0x1] =	wrdreg $0xFFFFFFFF  }
0xc9: {  	_ =	task.clear_ibuf [dreg:s7], $0x2FFFF;
	_ =	strace $0x9FFFFFFF  }
0xca: {  	(tm) =	ssettm $0x7FFFFFFF  }
0xcb: {  	_ =	shalt  }
tec
execute0_lowered:
.L_overlay_start_1:
0x0: {  	(tag) =	ssettag $0x1  }
0x1: {  	s4 =	rddreg [dreg:$0x0]  }
0x2: {  	s11 =	rddreg [dreg:$0x1]  }
0x3: {  	s8 =	rddreg [dreg:$0x2]  }
0x4: {  	s1 =	rddreg [dreg:$0x3]  }
0x5: {  	s0 =	rddreg [dreg:$0x4]  }
0x6: {  	s3 =	simm.s32 $0x0;
	s5 =	srdreg.scid;
	s2 =	stileid.u32  }
0x7: {  	s16 =	simm.s32 $0xEB80;
	s17 =	simm.s32 $0x80;
	s18 =	simm.s32 $0x400  }
0x8: {  	s19 =	simm.s32 $0x11380;
	s20 =	simm.s32 $0x0;
	[smem:$0x7FF] =	sst s3  }
0x9: {  	s14 =	sand.u32 $0x1, s5;
	s29 =	smul.u32 $0x9C4, s2;
	s7 =	sshrl.u32 s2, $0x3  }
0xa: {  	s30 =	sshll.u32 s2, $0x7;
	s31 =	smul.u32 $0x5000, s2;
	s6 =	ssub.s32 $0x2, s14  }
0xb: {  	_ =	strace $0x80000053;
	s7 =	smul.u32 $0x50000, s7;
	s10 =	sand.u32 $0x380, s30  }
0xc: {  	p0 =	sne.s32 s14, $0x0;
	s14 =	simm.s32 $0x1;
	s9 =	sshrl.u32 s6, $0x1  }
0xd: {  	s12 =	sadd.s32 s29, s4;
	s4 =	smul.u32 $0x280, s2;
	s13 =	ssub.s32 s6, s9  }
.Ltmp0:
0xe: {  	s7 =	sshrl.u32 s7, $0x2;
	s5 =	sadd.s32 $0x14A00, s12;
	(pc) =	sbr.rel .LBB2_1-.Ltmp0, $4  }
0xf: {  	s6 =	sadd.s32 $0x1E800, s12;
	s9 =	sshrl.u32 s31, $0x2;
	s12 =	sadd.s32 $0x28600, s12  }
0x10: {  	s7 =	sadd.s32 s7, s8;
	s8 =	sadd.s32 s9, s8;
	s9 =	sadd.s32 s4, s1  }
0x11: {  	s15 =	sshrl.u32 s4, $0x3;
	s13 =	smax.u32 s13, $0x1;
	s7 =	sadd.s32 s10, s7  }
0x12: {  	v0 =	vimm.f32 $0.0e+00;
	s10 =	sadd.s32 $0x11380, s4;
	s11 =	sadd.s32 s11, s15;
	s15 =	simm.s32 $0x4E80  }
.LBB2_17:
0x13: {  	[bflag:$0x0] =	sbarrier.arrive $0xFFFF  }
0x14: {  	[bflag:$0x0] =	sbarrier.arrive $0xFFFF  }
.LBB2_15:
0x15: {  	s20 =	sadd.s32 $0x1, s20  }
0x16: {  	p1 =	sne.s32 s20, s13  }
.Ltmp1:
0x17: {  	_ = 	snop;
	(pc) =	sbr.rel @!p1 .LBB2_16-.Ltmp1, $1  }
0x18: {  	_ =	sdelay $0x3  }
.LBB2_1:
.Ltmp2:
0x19: {  	(pc) =	sbr.rel @p0 .LBB2_17-.Ltmp2, $1  }
0x1a: {  	_ =	sdelay $0x3  }
0x1b: {  	s21 =	simm.s32 $0x0  }
0x1c: {  	[tilespmem:s21], [sflag:$0x1] =	stream.linear.gather [hbm4b:s5+s21], $0x4E20, $0x38;
	[tilespmem:$0x16880] =	vst v63  }
0x1d: {  	_ =	swait.ge [sflag:s14], $0x4E20  }
0x1e: {  	[sflag:s14] =	ssyncset.done $0x0  }
0x1f: {  	[sflag:s14] =	ssyncadd.s32 $0xFFFFB1E0  }
0x20: {  	[tilespmem:s15], [sflag:$0x1] =	stream.linear.gather [hbm4b:s6+s21], $0x4E20, $0x38;
	[tilespmem:$0x16880] =	vst v63  }
0x21: {  	_ =	swait.ge [sflag:s14], $0x4E20  }
0x22: {  	[sflag:s14] =	ssyncset.done $0x0  }
0x23: {  	s22 =	simm.s32 $0x0;
	s21 =	simm.s32 $0x40;
	[sflag:s14] =	ssyncadd.s32 $0xFFFFB1E0  }
.LBB2_3:
0x24: {  	p1 =	sne.s32 s21, $0x9FC0;
	[tilespmem:s22+$0xEB80] =	vst v0;
	s22 =	smov.u32 s21;
	s21 =	sadd.s32 $0x40, s21  }
.Ltmp3:
0x25: {  	(pc) =	sbr.rel @p1 .LBB2_3-.Ltmp3, $2  }
0x26: {  	_ =	sdelay $0x2  }
0x27: {  	s22 =	sshra.s32 s22, $0x2  }
0x28: {  	[tilespmem:s22+$0xEB80] =	vst v0;
	s21 =	simm.s32 $0x0  }
0x29: {  	s22 =	simm.s32 $0x40;
	v1 =	vld [tilespmem:s21+$0x4E80]  }
.LBB2_5:
0x2a: {  	p1 =	sne.s32 s22, $0x13840;
	_ =	sdelay $0x3  }
0x2b: {  	v1 =	vmul.f32 $1.442695020e+00, v1;
	_ =	sdelay $0x1  }
0x2c: {  	(erf) = vpow2.f32 v1;
	_ =	sdelay $0x2  }
0x2d: {  	v1 =	vld [tilespmem:s21+$0x0];
	_ =	sdelay $0x4  }
.Ltmp4:
0x2e: {  	(pc) =	sbr.rel @p1 .LBB2_5-.Ltmp4, $4  }
0x2f: {  	v2 =	vpop (erf)  }
0x30: {  	[tilespmem:s21+$0x9D00] =	vst v2  }
0x31: {  	s21 =	sshra.s32 s22, $0x2;
	[tilespmem:v1+s16+$0x0] =	vst.idx.add.f32.msk $0xffff, v2  }
0x32: {  	s22 =	sadd.s32 $0x40, s22;
	v1 =	vld [tilespmem:s21+$0x4E80]  }
0x33: {  	_ =	sdelay $0x3  }
0x34: {  	v1 =	vmul.f32 $1.442695020e+00, v1;
	_ =	sdelay $0x1  }
0x35: {  	(erf) = vpow2.f32 v1;
	_ =	sdelay $0x2  }
0x36: {  	v1 =	vld [tilespmem:s21+$0x0];
	_ =	sdelay $0x5  }
0x37: {  	v2 =	vpop (erf)  }
0x38: {  	[tilespmem:s21+$0x9D00] =	vst v2  }
0x39: {  	[tilespmem:v1+s16+$0x0] =	vst.idx.add.f32.msk $0xffff, v2  }
0x3a: {  	[spmem:s7] =	stream.strided.scatter [tilespmem:s16], [sflag:$0x1], $0x2800, s18, s17, $0x38;
	[tilespmem:$0x16880] =	vst v63  }
0x3b: {  	_ =	swait.ge [sflag:s14], $0x2800  }
0x3c: {  	s22 =	sadd.s32 $0x0, s4;
	s21 =	simm.s32 $0x0;
	[sflag:s14] =	ssyncset.done $0x0  }
0x3d: {  	s23 =	sand.u32 $0x7F80, s22;
	s24 =	sand.u32 $0x70, s21;
	[sflag:s14] =	ssyncadd.s32 $0xFFFFD800  }
0x3e: {  	s22 =	simm.s32 $0x10;
	s23 =	sor.u32 s24, s23;
	[bflag:$0x0] =	sbarrier.arrive $0xFFFF  }
.LBB2_7:
0x3f: {  	p1 =	sne.s32 s22, $0x270;
	[tilespmem:s23+$0x11380] =	vst v0;
	s23 =	smov.u32 s22;
	s22 =	sadd.s32 $0x10, s22  }
.Ltmp5:
0x40: {  	(pc) =	sbr.rel @p1 .LBB2_7-.Ltmp5, $4  }
0x41: {  	_ = 	snop  }
0x42: {  	s24 =	sadd.s32 s23, s4  }
0x43: {  	s23 =	sand.u32 $0x70, s23;
	s24 =	sand.u32 $0x7F80, s24  }
0x44: {  	s23 =	sor.u32 s23, s24  }
0x45: {  	[tilespmem:s23+$0x11380] =	vst v0  }
.LBB2_9:
0x46: {  	s22 =	sshrl.u32 s21, $0x3  }
0x47: {  	s22 =	smul.u32 $0x50000, s22;
	_ =	sdelay $0x1  }
0x48: {  	s23 =	sshll.u32 s21, $0x7;
	s22 =	sshra.s32 s22, $0x2  }
0x49: {  	s23 =	sand.u32 $0x380, s23;
	s22 =	sadd.s32 s22, s8  }
0x4a: {  	s30 =	simm.s32 $0x13B80;
	s22 =	sadd.s32 s23, s22  }
0x4b: {  	[tilespmem:s30], [sflag:$0x1] =	stream.strided.gather [spmem:s22], $0x280, s18, s17, $0x38;
	[tilespmem:$0x16880] =	vst v63  }
0x4c: {  	_ =	swait.ge [sflag:s14], $0x280  }
0x4d: {  	s31 =	simm.s32 $0x0;
	s24 =	sadd.s32 $0x0, s4;
	[sflag:s14] =	ssyncset.done $0x0  }
0x4e: {  	s24 =	sand.u32 $0x7F80, s24;
	s22 =	sand.u32 $0x70, s31;
	[sflag:s14] =	ssyncadd.s32 $0xFFFFFD80  }
0x4f: {  	s22 =	sor.u32 s22, s24;
	v1 =	vld [tilespmem:s30+$0x0]  }
0x50: {  	v2 =	vld [tilespmem:s22+$0x11380];
	_ =	sdelay $0x4  }
0x51: {  	s26 =	sadd.s32 $0x10, s4;
	v1 =	vadd.f32 v1, v2  }
0x52: {  	s25 =	simm.s32 $0x20;
	s23 =	simm.s32 $0x13B90;
	s24 =	simm.s32 $0x10  }
.LBB2_10:
0x53: {  	p1 =	sne.s32 s25, $0x270;
	s26 =	sand.u32 $0x7F80, s26;
	s24 =	sand.u32 $0x70, s24;
	[tilespmem:s22+$0x11380] =	vst v1  }
0x54: {  	s22 =	sor.u32 s24, s26;
	v1 =	vld [tilespmem:s23+$0x0];
	s24 =	smov.u32 s25  }
0x55: {  	v2 =	vld [tilespmem:s22+$0x11380];
	_ =	sdelay $0x1  }
.Ltmp6:
0x56: {  	(pc) =	sbr.rel @p1 .LBB2_10-.Ltmp6, $3  }
0x57: {  	_ =	sdelay $0x1  }
0x58: {  	v1 =	vadd.f32 v1, v2  }
0x59: {  	s25 =	sadd.s32 $0x10, s25;
	s23 =	sadd.s32 $0x10, s23;
	s26 =	sadd.s32 s24, s4  }
0x5a: {  	s25 =	sand.u32 $0x7F80, s26;
	s24 =	sand.u32 $0x70, s24;
	[tilespmem:s22+$0x11380] =	vst v1  }
0x5b: {  	s31 =	sor.u32 s24, s25;
	v1 =	vld [tilespmem:s23+$0x0]  }
0x5c: {  	v2 =	vld [tilespmem:s31+$0x11380]  }
0x5d: {  	s21 =	sadd.s32 $0x1, s21  }
0x5e: {  	p1 =	seq.s32 s21, $0x10  }
.Ltmp7:
0x5f: {  	_ = 	snop;
	(pc) =	sbr.rel @!p1 .LBB2_9-.Ltmp7, $3  }
0x60: {  	_ = 	snop  }
0x61: {  	v1 =	vadd.f32 v1, v2;
	_ =	sdelay $0x1  }
0x62: {  	[tilespmem:s31+$0x11380] =	vst v1  }
0x63: {  	[spmem:s9] =	stream.linear.scatter [tilespmem:s10], [sflag:$0x1], $0x280, $0x38;
	[tilespmem:$0x16880] =	vst v63  }
0x64: {  	_ =	swait.ge [sflag:s14], $0x280  }
0x65: {  	[sflag:s14] =	ssyncset.done $0x0  }
0x66: {  	s21 =	simm.s32 $0x0;
	[sflag:s14] =	ssyncadd.s32 $0xFFFFFD80  }
0x67: {  	[hbm4b:s11+s21] =	stream.linear.scatter [tilespmem:s10], [sflag:$0x1], $0x280, $0x38;
	[tilespmem:$0x16880] =	vst v63  }
0x68: {  	_ =	swait.ge [sflag:s14], $0x280  }
0x69: {  	[sflag:s14] =	ssyncset.done $0x0  }
0x6a: {  	[sflag:s14] =	ssyncadd.s32 $0xFFFFFD80  }
0x6b: {  	[bflag:$0x0] =	sbarrier.arrive $0xFFFF  }
0x6c: {  	[tilespmem:s19], [sflag:$0x1] =	stream.linear.gather [spmem:s1], $0x2800, $0x38;
	[tilespmem:$0x16880] =	vst v63  }
0x6d: {  	_ =	swait.ge [sflag:s14], $0x2800  }
0x6e: {  	[sflag:s14] =	ssyncset.done $0x0  }
0x6f: {  	s21 =	simm.s32 $0x0;
	[sflag:s14] =	ssyncadd.s32 $0xFFFFD800  }
0x70: {  	v1 =	vld [tilespmem:s21+$0x0];
	_ =	sdelay $0x7  }
0x71: {  	v1 =	vld.idx.msk [tilespmem:v1+s19+$0x0], $0xffff;
	_ =	sdelay $0x4  }
0x72: {  	v1 =	vadd.f32 $1.000000020e-16, v1;
	_ =	sdelay $0x1  }
0x73: {  	(erf) = vrcp.f32 v1;
	_ =	sdelay $0x3  }
0x74: {  	s23 =	simm.s32 $0x10;
	s22 =	simm.s32 $0x80;
	v1 =	vld [tilespmem:s21+$0x9D00]  }
.LBB2_13:
0x75: {  	p1 =	sne.s32 s22, $0x13840;
	v2 =	vld [tilespmem:s23+$0x0];
	_ =	sdelay $0x3  }
0x76: {  	v3 =	vpop (erf)  }
0x77: {  	v1 =	vmul.f32 v3, v1;
	_ =	sdelay $0x1  }
0x78: {  	[tilespmem:s21+$0x4E80] =	vst v1;
	s21 =	smov.u32 s23  }
0x79: {  	v1 =	vld.idx.msk [tilespmem:v2+s19+$0x0], $0xffff;
	_ =	sdelay $0x5  }
0x7a: {  	v1 =	vadd.f32 $1.000000020e-16, v1;
	_ =	sdelay $0x1  }
.Ltmp8:
0x7b: {  	(erf) = vrcp.f32 v1;
	(pc) =	sbr.rel @p1 .LBB2_13-.Ltmp8, $2  }
0x7c: {  	_ =	sdelay $0x2  }
0x7d: {  	s23 =	sshra.s32 s22, $0x2;
	s22 =	sadd.s32 $0x40, s22;
	v1 =	vld [tilespmem:s21+$0x9D00]  }
0x7e: {  	v2 =	vld [tilespmem:s23+$0x0];
	_ =	sdelay $0x3  }
0x7f: {  	v3 =	vpop (erf)  }
0x80: {  	v1 =	vmul.f32 v3, v1;
	_ =	sdelay $0x1  }
0x81: {  	[tilespmem:s21+$0x4E80] =	vst v1  }
0x82: {  	v1 =	vld.idx.msk [tilespmem:v2+s19+$0x0], $0xffff;
	_ =	sdelay $0x4  }
0x83: {  	v1 =	vadd.f32 $1.000000020e-16, v1;
	_ =	sdelay $0x1  }
0x84: {  	(erf) = vrcp.f32 v1;
	_ =	sdelay $0x4  }
0x85: {  	v1 =	vld [tilespmem:s23+$0x9D00];
	_ =	sdelay $0x3  }
0x86: {  	v2 =	vpop (erf)  }
0x87: {  	v1 =	vmul.f32 v2, v1;
	_ =	sdelay $0x1  }
.Ltmp9:
0x88: {  	[tilespmem:s23+$0x4E80] =	vst v1;
	(pc) =	sbr.rel .LBB2_15-.Ltmp9, $4  }
0x89: {  	[hbm4b:s12+s3] =	stream.linear.scatter [tilespmem:s15], [sflag:$0x1], $0x4E20, $0x38;
	[tilespmem:$0x16880] =	vst v63  }
0x8a: {  	_ =	swait.ge [sflag:s14], $0x4E20  }
0x8b: {  	[sflag:s14] =	ssyncset.done $0x0  }
0x8c: {  	[sflag:s14] =	ssyncadd.s32 $0xFFFFB1E0  }
.LBB2_16:
0x8d: {  	_ =	sfence.sel $0x180000  }
0x8e: {  	[bflag:$0x0] =	sbarrier.arrive $0xFFFF  }
0x8f: {  	p0 =	sne.s32 s2, $0x0;
	_ =	strace $0x90000053  }
0x90: {  	s0 =	sadd.s32 @!p0 $0x100000, s0;
	[bflag:$0x2] =	sbarrier.arrive $0xFFFF  }
0x91: {  	[sflag:s0] =	ssyncadd.tile.s32 @!p0 $0x1;
	_ =	shalt  }
.Lfunc_end2:
_tile_overlayer_lowered:
.L_overlay_start_2:
0x92: {  	(tag) =	ssettag $0x2  }
0x93: {  	s0 =	rddreg [dreg:$0x0];
	s2 =	stileid.u32  }
0x94: {  	s1 =	rddreg [dreg:$0x1];
	p0 =	sne.s32 s2, $0x0  }
0x95: {  	s3 =	rddreg [dreg:$0x2];
	[bflag:$0x3] =	sbarrier.arrive $0xFFFF;
	s2 =	simm.s32 @!p0 $0x1C01  }
0x96: {  	[timem:s3], [sflag:s2] =	dma.local @!p0 [hbm:s0], s1  }
0x97: {  	s0 =	simm.s32 @!p0 $0x1  }
0x98: {  	_ =	swait.ge @!p0 [sflag:s0], s1  }
0x99: {  	s1 =	ssub.s32 @!p0 $0x0, s1;
	[sflag:s0] =	ssyncset.done @!p0 $0x0  }
0x9a: {  	[sflag:s0] =	ssyncadd.s32 @!p0 s1  }
0x9b: {  	[bflag:$0x3] =	sbarrier.arrive $0xFFFF  }
0x9c: {  	_ =	shalt  }

// kernel: kernel.32.cloned.1.call-start
scs
__scs_entry_jumppad:
0x0: {  	(pc) =	sbr.rel $0x88, $3  }
0x1: {  	(tag) =	ssettag $0x0;
	lr =	simm.s32 $0x1  }
0x2: {  	[smem:$0x3F79] =	sst lr;
	_ =	strace $0xD0000000  }
0x3: {  	_ = 	snop  }
0x4: {  	_ = 	snop  }
0x5: {  	_ = 	snop  }
0x6: {  	_ = 	snop  }
0x7: {  	_ = 	snop  }
__scs_overlays_trampoline_lowered:
0x8: {  	[smem:$0x3F88] =	sst s0  }
0x9: {  	[smem:$0x3F89] =	sst s1  }
0xa: {  	[smem:$0x3F8A] =	sst s2  }
0xb: {  	[smem:$0x3F8B] =	sst s3  }
0xc: {  	[smem:$0x3F8C] =	sst s4  }
0xd: {  	[smem:$0x3F8D] =	sst s5  }
0xe: {  	[smem:$0x3F8E] =	sst s6  }
0xf: {  	[smem:$0x3F8F] =	sst s7  }
0x10: {  	[smem:$0x3F90] =	sst s8  }
0x11: {  	[smem:$0x3F91] =	sst s9;
	s0 =	simm.s32 @!p0 $0x0  }
0x12: {  	s1 =	sld [smem:$0x3F77];
	s0 =	simm.s32 @p0 $0x1  }
0x13: {  	[smem:$0x3F92] =	sst s0;
	s0 =	simm.s32 @!p1 $0x0  }
0x14: {  	s2 =	sld [smem:$0x3F76];
	s0 =	simm.s32 @p1 $0x1  }
0x15: {  	[smem:$0x3F93] =	sst s0;
	s0 =	simm.s32 @!p2 $0x0  }
0x16: {  	s3 =	sld [smem:$0x3FDB];
	s0 =	simm.s32 @p2 $0x1  }
0x17: {  	s4 =	simm.s32 $0x1BF5;
	[smem:$0x3F95] =	sst s0  }
0x18: {  	s0 =	sld [smem:$0x3F78];
	_ =	swait.ge [sflag:s4], $0x0  }
0x19: {  	s7 =	sld [smem:$0x3F79]  }
0x1a: {  	s8 =	sadd.s32 $0xFFFFE003, lr  }
0x1b: {  	s9 =	sadd.s32 $0xFFFFFEF7, lr;
	s5 =	simm.s32 $0xFFFFFFFF;
	p2 =	slt.u32 s8, $0xFFFFF086  }
0x1c: {  	p1 =	slt.u32 s9, $0xF7A;
	s5 =	simm.s32 @!p2 $0x0  }
0x1d: {  	s5 =	simm.s32 @p1 $0x1;
	p0 =	seq.s32 s7, s2  }
0x1e: {  	s7 =	smul.u32 @!p0 $0xF7A, s2;
	p2 =	seq.s32 @!p0 s5, $0x0  }
0x1f: {  	s9 =	smul.u32 $0xF7A, s1;
	s8 =	simm.s32 @!p0 $0x1BF5;
	p2 =	por !p2, p0  }
0x20: {  	[sflag:s8] =	ssyncset.s32 @!p0 $0xFFFFF086;
	s6 =	sadd.s32 @!p0 s3, s7;
	s7 =	simm.s32 @!p0 $0x108  }
0x21: {  	s3 =	sadd.s32 s3, s9;
	s6 =	sadd.s32 @!p0 $0x88, s6;
	s7 =	simm.s32 @p2 $0x1082  }
0x22: {  	[simem:s7], [sflag:s8] =	dma.local @!p0 [hbm:s6], $0xF7A  }
0x23: {  	s9 =	sor.u32 $0xD0000000, s2;
	s6 =	simm.s32 $0x108;
	_ =	swait.ge @!p0 [sflag:s8], $0x0  }
0x24: {  	s3 =	sadd.s32 $0x88, s3;
	s6 =	simm.s32 @!p1 $0x1082;
	[sflag:s4] =	ssyncset.s32 $0xFFFFF086  }
0x25: {  	[simem:s6], [sflag:s4] =	dma.local [hbm:s3], $0xF7A  }
0x26: {  	[smem:$0x3F79] =	sst s1;
	(tag) =	ssettag s2;
	_ =	strace s9  }
0x27: {  	s1 =	sld [smem:$0x3F89]  }
0x28: {  	s2 =	sld [smem:$0x3F8A]  }
0x29: {  	s4 =	sld [smem:$0x3F8C]  }
0x2a: {  	p0 =	seq.s32 s5, $0x0;
	s5 =	sld [smem:$0x3F8D]  }
0x2b: {  	s6 =	sld [smem:$0x3F8E]  }
0x2c: {  	s7 =	sld [smem:$0x3F8F]  }
0x2d: {  	s3 =	simm.s32 $0x108;
	s8 =	sld [smem:$0x3F90]  }
0x2e: {  	s3 =	simm.s32 @!p0 $0x1082;
	s9 =	sld [smem:$0x3F91]  }
0x2f: {  	lr =	sadd.s32 s0, s3;
	s0 =	sld [smem:$0x3F88]  }
0x30: {  	s3 =	sld [smem:$0x3F8B]  }
0x31: {  	[smem:$0x3F94] =	sst s10  }
0x32: {  	s10 =	sld [smem:$0x3F92];
	_ =	sdelay $0x3  }
0x33: {  	p0 =	seq.s32 s10, $0x1;
	s10 =	sld [smem:$0x3F94];
	_ =	sdelay $0x3  }
0x34: {  	[smem:$0x3F94] =	sst s10  }
0x35: {  	s10 =	sld [smem:$0x3F93];
	_ =	sdelay $0x3  }
0x36: {  	p1 =	seq.s32 s10, $0x1;
	s10 =	sld [smem:$0x3F94];
	_ =	sdelay $0x3  }
0x37: {  	[smem:$0x3F94] =	sst s10  }
0x38: {  	s10 =	sld [smem:$0x3F95]  }
0x39: {  	_ = 	snop;
	(pc) =	sbr.ind lr, $3  }
0x3a: {  	_ = 	snop  }
0x3b: {  	_ = 	snop  }
0x3c: {  	p2 =	seq.s32 s10, $0x1;
	s10 =	sld [smem:$0x3F94]  }
0x3d: {  	_ =	shalt  }
0x3e: {  	_ =	shalt  }
0x3f: {  	_ =	shalt  }
0x40: {  	_ =	shalt  }
0x41: {  	_ =	shalt  }
0x42: {  	_ =	shalt  }
0x43: {  	_ =	shalt  }
0x44: {  	_ =	shalt  }
0x45: {  	_ =	shalt  }
0x46: {  	_ =	shalt  }
0x47: {  	_ =	shalt  }
0x48: {  	_ =	shalt  }
0x49: {  	_ =	shalt  }
0x4a: {  	_ =	shalt  }
0x4b: {  	_ =	shalt  }
0x4c: {  	_ =	shalt  }
0x4d: {  	_ =	shalt  }
0x4e: {  	_ =	shalt  }
0x4f: {  	_ =	shalt  }
0x50: {  	_ =	shalt  }
0x51: {  	_ =	shalt  }
0x52: {  	_ =	shalt  }
0x53: {  	_ =	shalt  }
0x54: {  	_ =	shalt  }
0x55: {  	_ =	shalt  }
0x56: {  	_ =	shalt  }
0x57: {  	_ =	shalt  }
0x58: {  	_ =	shalt  }
0x59: {  	_ =	shalt  }
0x5a: {  	_ =	shalt  }
0x5b: {  	_ =	shalt  }
0x5c: {  	_ =	shalt  }
0x5d: {  	_ =	shalt  }
0x5e: {  	_ =	shalt  }
0x5f: {  	_ =	shalt  }
0x60: {  	_ =	shalt  }
0x61: {  	_ =	shalt  }
0x62: {  	_ =	shalt  }
0x63: {  	_ =	shalt  }
0x64: {  	_ =	shalt  }
0x65: {  	_ =	shalt  }
0x66: {  	_ =	shalt  }
0x67: {  	_ =	shalt  }
0x68: {  	_ =	shalt  }
0x69: {  	_ =	shalt  }
0x6a: {  	_ =	shalt  }
0x6b: {  	_ =	shalt  }
0x6c: {  	_ =	shalt  }
0x6d: {  	_ =	shalt  }
0x6e: {  	_ =	shalt  }
0x6f: {  	_ =	shalt  }
0x70: {  	_ =	shalt  }
0x71: {  	_ =	shalt  }
0x72: {  	_ =	shalt  }
0x73: {  	_ =	shalt  }
0x74: {  	_ =	shalt  }
0x75: {  	_ =	shalt  }
0x76: {  	_ =	shalt  }
0x77: {  	_ =	shalt  }
0x78: {  	_ =	shalt  }
0x79: {  	_ =	shalt  }
0x7a: {  	_ =	shalt  }
0x7b: {  	_ =	shalt  }
0x7c: {  	_ =	shalt  }
0x7d: {  	_ =	shalt  }
0x7e: {  	_ =	shalt  }
0x7f: {  	_ =	shalt  }
0x80: {  	_ =	shalt  }
0x81: {  	_ =	shalt  }
0x82: {  	_ =	shalt  }
0x83: {  	_ =	shalt  }
0x84: {  	_ =	shalt  }
0x85: {  	_ =	shalt  }
0x86: {  	_ =	shalt  }
0x87: {  	_ =	shalt  }
.Lfunc_end0:
.L_simem_size_0:
called_computation.5_lowered:
.L_overlay_start_0:
0x88: {  	s2 =	sld [smem:$0x3FD9]  }
0x89: {  	s3 =	sld [smem:$0x3FFE];
	_ =	sdelay $0x1  }
0x8a: {  	s1 =	srdreg.scid  }
0x8b: {  	s0 =	sand.u32 $0x1, s1  }
0x8c: {  	s14 =	sshll.u32 s0, $0xA;
	s2 =	sadd.s32 s3, s2  }
0x8d: {  	s2 =	sadd.s32 s2, s14  }
0x8e: {  	[smem:$0x3FA0] =	sst s2  }
0x8f: {  	_ = 	snop  }
0x90: {  	s2 =	sld [smem:$0x3FD0];
	_ =	sdelay $0x2  }
0x91: {  	s15 =	simm.s32 $0xA;
	s4 =	simm.s32 $0x10  }
0x92: {  	[smem:s4], [sflag:s15] =	dma.local [hbm:s2], $0x1  }
0x93: {  	_ =	swait.eq [sflag:s15], $0x1  }
0x94: {  	[sflag:s15] =	ssyncset.done $0x0  }
0x95: {  	[sflag:s15] =	ssyncadd.s32 $0xFFFFFFFF  }
0x96: {  	s16 =	sld [smem:$0x12];
	(tm) =	ssettm $0x1  }
0x97: {  	s17 =	sld [smem:$0x3FFB];
	_ =	sdelay $0x3  }
0x98: {  	_ =	strace s17  }
0x99: {  	s3 =	sld [smem:$0x3FFC];
	_ =	sdelay $0x3  }
0x9a: {  	_ =	strace s3  }
0x9b: {  	s3 =	sld [smem:$0x3FFD];
	_ =	sdelay $0x3  }
0x9c: {  	_ =	strace s3  }
0x9d: {  	_ =	strace $0x8FFFFFFF  }
0x9e: {  	s18 =	sld [smem:$0x3FDB];
	_ =	sdelay $0x1  }
0x9f: {  	s19 =	simm.s32 $_scs_section_size  }
0xa0: {  	s5 =	simm.s32 $_size__tile_overlayer_lowered;
	s6 =	simm.s32 $_tile_overlayer_lowered  }
0xa1: {  	s22 =	simm.s32 $0x1BFF;
	s21 =	sshll.u32 s6, $0x1;
	s3 =	sadd.s32 s19, s18  }
0xa2: {  	s7 =	simm.s32 $0x0;
	s20 =	sshll.u32 s5, $0x1;
	s5 =	sadd.s32 s21, s3  }
0xa3: {  	[timem:s7], [sflag:s22] =	dma.local [hbm:s5], s20  }
0xa4: {  	_ =	swait.ge [sflag:s22], s20  }
0xa5: {  	s4 =	ssub.s32 $0x0, s20;
	[sflag:s22] =	ssyncset.done $0x0  }
0xa6: {  	[sflag:s22] =	ssyncadd.s32 s4;
	_ =	sdelay $0x1  }
0xa7: {  	s23 =	simm.s32 $0x1B8B  }
0xa8: {  	_ =	swait.ge [sflag:s23], $0x1  }
0xa9: {  	[sflag:s23] =	ssyncset.done $0x0  }
0xaa: {  	s25 =	simm.s32 $0x1B8E;
	s24 =	sld [smem:$0x3FFE];
	[sflag:s23] =	ssyncadd.s32 $0xFFFFFFFF  }
0xab: {  	s26 =	simm.s32 $execute0_lowered;
	[smem:$0x3FD2] =	sst s25  }
0xac: {  	s5 =	sshll.u32 s26, $0x1;
	_ =	strace $0x80000055;
	[dreg:$0x1] =	wrdreg $0xFFFFFFFF  }
0xad: {  	s28 =	simm.s32 $_size_execute0_lowered;
	s3 =	sadd.s32 s3, s5;
	[dreg:$0x0] =	wrdreg $0x0  }
0xae: {  	s5 =	sshll.u32 s28, $0x1;
	[dreg:$0x2] =	wrdreg s3  }
0xaf: {  	[dreg:$0x3] =	wrdreg s5  }
0xb0: {  	[dreg:$0x4] =	wrdreg $0xC0  }
0xb1: {  	_ =	task [dreg:s7], $0x5FFFF  }
0xb2: {  	[dreg:$0x1] =	wrdreg $0xFFFFFFFF  }
0xb3: {  	[dreg:$0x0] =	wrdreg $0x60  }
0xb4: {  	[dreg:$0x2] =	wrdreg s24  }
0xb5: {  	[dreg:$0x3] =	wrdreg s16  }
0xb6: {  	[dreg:$0x4] =	wrdreg $0x65000  }
0xb7: {  	[dreg:$0x5] =	wrdreg $0x9  }
0xb8: {  	_ =	task.clear_ibuf [dreg:s7], $0x6FFFF;
	_ =	strace $0x90000055  }
0xb9: {  	s29 =	simm.s32 $0x9;
	_ =	strace $0x80000057  }
0xba: {  	_ =	swait.ge [sflag:s29], $0x1  }
0xbb: {  	[sflag:s29] =	ssyncadd.s32 $0xFFFFFFFF  }
0xbc: {  	_ =	strace $0x90000057  }
0xbd: {  	_ =	sfence  }
0xbe: {  	s30 =	sld [smem:$0x0];
	_ =	sdelay $0x2  }
0xbf: {  	s31 =	sshll.u32 s1, $0xD;
	s1 =	sshrl.u32 s1, $0x2  }
0xc0: {  	s3 =	sand.u32 $0x4000, s31;
	s1 =	sadd.s32 s1, s30  }
0xc1: {  	s0 =	sor.u32 s3, s0;
	s1 =	sshll.u32 s1, $0x11  }
0xc2: {  	s0 =	sor.u32 s1, s0  }
0xc3: {  	s0 =	sadd.s32 $0x8F2B, s0  }
0xc4: {  	[sflag:s0] =	ssyncadd.remote.s32 $0x1  }
0xc5: {  	_ =	sfence.sel $0xFFFF  }
0xc6: {  	[dreg:$0x0] =	wrdreg $0xFFFFFFFF;
	(pc) =	sbr.abs _section_cstart, $3  }
0xc7: {  	[dreg:$0x1] =	wrdreg $0xFFFFFFFF  }
0xc8: {  	_ =	task.clear_ibuf [dreg:s7], $0x2FFFF;
	_ =	strace $0x9FFFFFFF  }
0xc9: {  	(tm) =	ssettm $0x7FFFFFFF  }
tec
execute0_lowered:
.L_overlay_start_1:
0x0: {  	(tag) =	ssettag $0x1  }
0x1: {  	s5 =	rddreg [dreg:$0x0]  }
0x2: {  	s2 =	rddreg [dreg:$0x1]  }
0x3: {  	s3 =	rddreg [dreg:$0x2];
	s1 =	stileid.u32  }
0x4: {  	s0 =	rddreg [dreg:$0x3];
	s6 =	smul.u32 $0x4E200, s1  }
0x5: {  	s4 =	simm.s32 $0x0;
	s7 =	srdreg.scid;
	s8 =	smul.u32 $0x9C4, s1  }
0x6: {  	s19 =	simm.s32 $0xC8;
	s20 =	simm.s32 $0x0;
	s10 =	smul.u32 $0x280, s1  }
0x7: {  	[smem:$0x7FF] =	sst s4;
	s7 =	sand.u32 $0x1, s7;
	s11 =	smul.u32 $0x50000, s1  }
0x8: {  	s13 =	sadd.s32 $0x1E800, s5;
	_ =	strace $0x80000056;
	s9 =	ssub.s32 $0x2, s7  }
0x9: {  	p0 =	seq.s32 s7, $0x1;
	s12 =	smul.u32 $0x2800, s7;
	s16 =	sadd.s32 s6, s5  }
0xa: {  	s24 =	sshrl.u32 s9, $0x1;
	s15 =	sadd.s32 s8, s5;
	s25 =	sshrl.u32 s11, $0x2  }
0xb: {  	s26 =	sadd.s32 $0xA0, s10;
	s14 =	sadd.s32 $0x140, s10;
	s17 =	sadd.s32 $0x1E0, s10  }
0xc: {  	s6 =	ssub.s32 s9, s24;
	s5 =	sadd.s32 s25, s3;
	s28 =	sshll.u32 s26, $0x7  }
0xd: {  	s29 =	sshll.u32 s14, $0x7;
	s30 =	sadd.s32 s12, s10;
	s31 =	sshll.u32 s17, $0x7  }
0xe: {  	s11 =	sadd.s32 s12, s26;
	s14 =	sadd.s32 s12, s14;
	s12 =	sadd.s32 s12, s17  }
0xf: {  	s15 =	sadd.s32 $0x14A00, s15;
	s6 =	smax.u32 s6, $0x1;
	s7 =	sadd.s32 s28, s3  }
.Ltmp0:
0x10: {  	s8 =	sadd.s32 s29, s3;
	s18 =	sshll.u32 s30, $0x4;
	(pc) =	sbr.rel .LBB2_1-.Ltmp0, $4  }
0x11: {  	s9 =	sadd.s32 s31, s3;
	s11 =	sshll.u32 s11, $0x4;
	s14 =	sshll.u32 s14, $0x4  }
0x12: {  	s17 =	sshll.u32 s12, $0x4;
	s10 =	sadd.s32 s13, s18;
	s11 =	sadd.s32 s13, s11  }
0x13: {  	s12 =	sadd.s32 s13, s14;
	s13 =	sadd.s32 s13, s17;
	s14 =	sadd.s32 $0x640800, s16  }
0x14: {  	s16 =	sadd.s32 $0x238C800, s16;
	s17 =	simm.s32 $0x100;
	s18 =	simm.s32 $0x1  }
.LBB2_7:
0x15: {  	s22 =	sadd.s32 s22, s15;
	[sflag:s18] =	ssyncadd.s32 $0xFFFF9C00  }
0x16: {  	[tilespmem:s4], [sflag:$0x1] =	stream.linear.gather [hbm4b:s22+s4], $0xC8, $0x38;
	[tilespmem:$0x1A500] =	vst v63  }
0x17: {  	_ =	swait.ge [sflag:s18], $0xC8  }
0x18: {  	[sflag:s18] =	ssyncset.done $0x0  }
0x19: {  	[sflag:s18] =	ssyncadd.s32 $0xFFFFFF38  }
0x1a: {  	[tilespmem:s17], [sflag:$0x1] =	stream.linear.gather [hbm4b:s21+s4], $0x6400, $0x38;
	[tilespmem:$0x1A500] =	vst v63  }
0x1b: {  	_ =	swait.ge [sflag:s18], $0x6400  }
0x1c: {  	[sflag:s18] =	ssyncset.done $0x0  }
0x1d: {  	[sflag:s18] =	ssyncadd.s32 $0xFFFF9C00  }
0x1e: {  	[spmem:s3] =	stream.indirect.scatter.add.f32 [tilespmem:s17], [sflag:$0x1], $0x80, s4, s19, $0xb8;
	[tilespmem:$0x1A500] =	vst v63  }
0x1f: {  	_ =	swait.ge [sflag:s18], $0x6400  }
0x20: {  	[sflag:s18] =	ssyncset.done $0x0  }
0x21: {  	[sflag:s18] =	ssyncadd.s32 $0xFFFF9C00  }
.LBB2_8:
0x22: {  	[bflag:$0x0] =	sbarrier.arrive $0xFFFF  }
0x23: {  	[tilespmem:s17], [sflag:$0x1] =	stream.linear.gather [spmem:s5], $0x5000, $0x38;
	[tilespmem:$0x1A500] =	vst v63  }
0x24: {  	_ =	swait.ge [sflag:s18], $0x5000  }
0x25: {  	[sflag:s18] =	ssyncset.done $0x0  }
0x26: {  	[sflag:s18] =	ssyncadd.s32 $0xFFFFB000  }
0x27: {  	[hbm4b:s10+s4] =	stream.linear.scatter [tilespmem:s17], [sflag:$0x1], $0x5000, $0x38;
	[tilespmem:$0x1A500] =	vst v63  }
0x28: {  	_ =	swait.ge [sflag:s18], $0x5000  }
0x29: {  	[sflag:s18] =	ssyncset.done $0x0  }
0x2a: {  	[sflag:s18] =	ssyncadd.s32 $0xFFFFB000  }
0x2b: {  	[tilespmem:s17], [sflag:$0x1] =	stream.linear.gather [spmem:s7], $0x5000, $0x38;
	[tilespmem:$0x1A500] =	vst v63  }
0x2c: {  	_ =	swait.ge [sflag:s18], $0x5000  }
0x2d: {  	[sflag:s18] =	ssyncset.done $0x0  }
0x2e: {  	[sflag:s18] =	ssyncadd.s32 $0xFFFFB000  }
0x2f: {  	[hbm4b:s11+s4] =	stream.linear.scatter [tilespmem:s17], [sflag:$0x1], $0x5000, $0x38;
	[tilespmem:$0x1A500] =	vst v63  }
0x30: {  	_ =	swait.ge [sflag:s18], $0x5000  }
0x31: {  	[sflag:s18] =	ssyncset.done $0x0  }
0x32: {  	[sflag:s18] =	ssyncadd.s32 $0xFFFFB000  }
0x33: {  	[tilespmem:s17], [sflag:$0x1] =	stream.linear.gather [spmem:s8], $0x5000, $0x38;
	[tilespmem:$0x1A500] =	vst v63  }
0x34: {  	_ =	swait.ge [sflag:s18], $0x5000  }
0x35: {  	[sflag:s18] =	ssyncset.done $0x0  }
0x36: {  	[sflag:s18] =	ssyncadd.s32 $0xFFFFB000  }
0x37: {  	[hbm4b:s12+s4] =	stream.linear.scatter [tilespmem:s17], [sflag:$0x1], $0x5000, $0x38;
	[tilespmem:$0x1A500] =	vst v63  }
0x38: {  	_ =	swait.ge [sflag:s18], $0x5000  }
0x39: {  	[sflag:s18] =	ssyncset.done $0x0  }
0x3a: {  	[sflag:s18] =	ssyncadd.s32 $0xFFFFB000  }
0x3b: {  	[tilespmem:s17], [sflag:$0x1] =	stream.linear.gather [spmem:s9], $0x5000, $0x38;
	[tilespmem:$0x1A500] =	vst v63  }
0x3c: {  	s20 =	sadd.s32 $0x1, s20;
	_ =	swait.ge [sflag:s18], $0x5000  }
0x3d: {  	p1 =	sne.s32 s20, s6;
	[sflag:s18] =	ssyncset.done $0x0  }
.Ltmp1:
0x3e: {  	[sflag:s18] =	ssyncadd.s32 $0xFFFFB000;
	(pc) =	sbr.rel @!p1 .LBB2_9-.Ltmp1, $4  }
0x3f: {  	[hbm4b:s13+s4] =	stream.linear.scatter [tilespmem:s17], [sflag:$0x1], $0x5000, $0x38;
	[tilespmem:$0x1A500] =	vst v63  }
0x40: {  	_ =	swait.ge [sflag:s18], $0x5000  }
0x41: {  	[sflag:s18] =	ssyncset.done $0x0  }
0x42: {  	[sflag:s18] =	ssyncadd.s32 $0xFFFFB000  }
.LBB2_1:
0x43: {  	[tilespmem:s17], [sflag:$0x1] =	stream.linear.gather [hbm4b:s2+s4], $0x5000, $0x38;
	[tilespmem:$0x1A500] =	vst v63  }
0x44: {  	_ =	swait.ge [sflag:s18], $0x5000  }
0x45: {  	[sflag:s18] =	ssyncset.done $0x0  }
0x46: {  	[sflag:s18] =	ssyncadd.s32 $0xFFFFB000  }
0x47: {  	[spmem:s5] =	stream.linear.scatter [tilespmem:s17], [sflag:$0x1], $0x5000, $0x38;
	[tilespmem:$0x1A500] =	vst v63  }
0x48: {  	_ =	swait.ge [sflag:s18], $0x5000  }
0x49: {  	[sflag:s18] =	ssyncset.done $0x0  }
0x4a: {  	[sflag:s18] =	ssyncadd.s32 $0xFFFFB000  }
0x4b: {  	[tilespmem:s17], [sflag:$0x1] =	stream.linear.gather [hbm4b:s2+s4], $0x5000, $0x38;
	[tilespmem:$0x1A500] =	vst v63  }
0x4c: {  	_ =	swait.ge [sflag:s18], $0x5000  }
0x4d: {  	[sflag:s18] =	ssyncset.done $0x0  }
0x4e: {  	[sflag:s18] =	ssyncadd.s32 $0xFFFFB000  }
0x4f: {  	[spmem:s7] =	stream.linear.scatter [tilespmem:s17], [sflag:$0x1], $0x5000, $0x38;
	[tilespmem:$0x1A500] =	vst v63  }
0x50: {  	_ =	swait.ge [sflag:s18], $0x5000  }
0x51: {  	[sflag:s18] =	ssyncset.done $0x0  }
0x52: {  	[sflag:s18] =	ssyncadd.s32 $0xFFFFB000  }
0x53: {  	[tilespmem:s17], [sflag:$0x1] =	stream.linear.gather [hbm4b:s2+s4], $0x5000, $0x38;
	[tilespmem:$0x1A500] =	vst v63  }
0x54: {  	_ =	swait.ge [sflag:s18], $0x5000  }
0x55: {  	[sflag:s18] =	ssyncset.done $0x0  }
0x56: {  	[sflag:s18] =	ssyncadd.s32 $0xFFFFB000  }
0x57: {  	[spmem:s8] =	stream.linear.scatter [tilespmem:s17], [sflag:$0x1], $0x5000, $0x38;
	[tilespmem:$0x1A500] =	vst v63  }
0x58: {  	_ =	swait.ge [sflag:s18], $0x5000  }
0x59: {  	[sflag:s18] =	ssyncset.done $0x0  }
0x5a: {  	[sflag:s18] =	ssyncadd.s32 $0xFFFFB000  }
0x5b: {  	[tilespmem:s17], [sflag:$0x1] =	stream.linear.gather [hbm4b:s2+s4], $0x5000, $0x38;
	[tilespmem:$0x1A500] =	vst v63  }
0x5c: {  	_ =	swait.ge [sflag:s18], $0x5000  }
0x5d: {  	[sflag:s18] =	ssyncset.done $0x0  }
0x5e: {  	[sflag:s18] =	ssyncadd.s32 $0xFFFFB000  }
0x5f: {  	[spmem:s9] =	stream.linear.scatter [tilespmem:s17], [sflag:$0x1], $0x5000, $0x38;
	[tilespmem:$0x1A500] =	vst v63  }
.Ltmp2:
0x60: {  	_ =	swait.ge [sflag:s18], $0x5000;
	(pc) =	sbr.rel @!p0 .LBB2_2-.Ltmp2, $4  }
0x61: {  	[sflag:s18] =	ssyncset.done $0x0  }
0x62: {  	[sflag:s18] =	ssyncadd.s32 $0xFFFFB000  }
0x63: {  	[bflag:$0x0] =	sbarrier.arrive $0xFFFF  }
0x64: {  	s21 =	sadd.s32 $0x0, s15  }
0x65: {  	[tilespmem:s4], [sflag:$0x1] =	stream.linear.gather [hbm4b:s21+s4], $0xC8, $0x38;
	[tilespmem:$0x1A500] =	vst v63  }
0x66: {  	_ =	swait.ge [sflag:s18], $0xC8  }
0x67: {  	[sflag:s18] =	ssyncset.done $0x0  }
0x68: {  	[sflag:s18] =	ssyncadd.s32 $0xFFFFFF38  }
0x69: {  	[tilespmem:s17], [sflag:$0x1] =	stream.linear.gather [hbm4b:s16+s4], $0x6400, $0x38;
	[tilespmem:$0x1A500] =	vst v63  }
0x6a: {  	_ =	swait.ge [sflag:s18], $0x6400  }
0x6b: {  	[sflag:s18] =	ssyncset.done $0x0  }
0x6c: {  	[sflag:s18] =	ssyncadd.s32 $0xFFFF9C00  }
0x6d: {  	[spmem:s3] =	stream.indirect.scatter.add.f32 [tilespmem:s17], [sflag:$0x1], $0x80, s4, s19, $0xb8;
	[tilespmem:$0x1A500] =	vst v63  }
0x6e: {  	s22 =	simm.s32 $0x19;
	_ =	swait.ge [sflag:s18], $0x6400  }
0x6f: {  	s23 =	simm.s32 $0x32;
	s21 =	sadd.s32 $0xC80, s16;
	[sflag:s18] =	ssyncset.done $0x0  }
.LBB2_6:
0x70: {  	s24 =	sadd.s32 s22, s15  }
0x71: {  	[sflag:s18] =	ssyncadd.s32 $0xFFFF9C00;
	s22 =	smov.u32 s23;
	s25 =	sadd.s32 $0x19, s23  }
0x72: {  	[tilespmem:s4], [sflag:$0x1] =	stream.linear.gather [hbm4b:s24+s4], $0xC8, $0x38;
	[tilespmem:$0x1A500] =	vst v63  }
0x73: {  	p1 =	sne.s32 s23, $0x9AB;
	_ =	swait.ge [sflag:s18], $0xC8  }
0x74: {  	[sflag:s18] =	ssyncset.done $0x0  }
0x75: {  	[sflag:s18] =	ssyncadd.s32 $0xFFFFFF38  }
0x76: {  	[tilespmem:s17], [sflag:$0x1] =	stream.linear.gather [hbm4b:s21+s4], $0x6400, $0x38;
	[tilespmem:$0x1A500] =	vst v63  }
0x77: {  	_ =	swait.ge [sflag:s18], $0x6400  }
.Ltmp3:
0x78: {  	[sflag:s18] =	ssyncset.done $0x0;
	(pc) =	sbr.rel @p1 .LBB2_6-.Ltmp3, $4  }
0x79: {  	[sflag:s18] =	ssyncadd.s32 $0xFFFF9C00  }
0x7a: {  	[spmem:s3] =	stream.indirect.scatter.add.f32 [tilespmem:s17], [sflag:$0x1], $0x80, s4, s19, $0xb8;
	[tilespmem:$0x1A500] =	vst v63  }
0x7b: {  	_ =	swait.ge [sflag:s18], $0x6400  }
0x7c: {  	s23 =	smov.u32 s25;
	s21 =	sadd.s32 $0xC80, s21;
	[sflag:s18] =	ssyncset.done $0x0  }
.Ltmp4:
0x7d: {  	_ = 	snop;
	(pc) =	sbr.rel .LBB2_7-.Ltmp4, $1  }
0x7e: {  	_ =	sdelay $0x3  }
.LBB2_2:
0x7f: {  	[tilespmem:s4], [sflag:$0x1] =	stream.linear.gather [hbm4b:s21+s4], $0xC8, $0x38;
	[tilespmem:$0x1A500] =	vst v63  }
0x80: {  	_ =	swait.ge [sflag:s18], $0xC8  }
0x81: {  	[sflag:s18] =	ssyncset.done $0x0  }
0x82: {  	[sflag:s18] =	ssyncadd.s32 $0xFFFFFF38  }
0x83: {  	[tilespmem:s17], [sflag:$0x1] =	stream.linear.gather [hbm4b:s14+s4], $0x6400, $0x38;
	[tilespmem:$0x1A500] =	vst v63  }
0x84: {  	_ =	swait.ge [sflag:s18], $0x6400  }
0x85: {  	[sflag:s18] =	ssyncset.done $0x0  }
0x86: {  	[sflag:s18] =	ssyncadd.s32 $0xFFFF9C00  }
0x87: {  	[spmem:s3] =	stream.indirect.scatter.add.f32 [tilespmem:s17], [sflag:$0x1], $0x80, s4, s19, $0xb8;
	[tilespmem:$0x1A500] =	vst v63  }
0x88: {  	s22 =	simm.s32 $0x19;
	_ =	swait.ge [sflag:s18], $0x6400  }
0x89: {  	s23 =	simm.s32 $0x32;
	s21 =	sadd.s32 $0xC80, s14;
	[sflag:s18] =	ssyncset.done $0x0  }
.LBB2_3:
0x8a: {  	s24 =	sadd.s32 s22, s15  }
0x8b: {  	[sflag:s18] =	ssyncadd.s32 $0xFFFF9C00;
	s22 =	smov.u32 s23;
	s25 =	sadd.s32 $0x19, s23  }
0x8c: {  	[tilespmem:s4], [sflag:$0x1] =	stream.linear.gather [hbm4b:s24+s4], $0xC8, $0x38;
	[tilespmem:$0x1A500] =	vst v63  }
0x8d: {  	p1 =	seq.s32 s23, $0x9AB;
	_ =	swait.ge [sflag:s18], $0xC8  }
0x8e: {  	[sflag:s18] =	ssyncset.done $0x0  }
0x8f: {  	[sflag:s18] =	ssyncadd.s32 $0xFFFFFF38  }
0x90: {  	[tilespmem:s17], [sflag:$0x1] =	stream.linear.gather [hbm4b:s21+s4], $0x6400, $0x38;
	[tilespmem:$0x1A500] =	vst v63  }
0x91: {  	_ =	swait.ge [sflag:s18], $0x6400  }
.Ltmp5:
0x92: {  	[sflag:s18] =	ssyncset.done $0x0;
	(pc) =	sbr.rel @!p1 .LBB2_3-.Ltmp5, $4  }
0x93: {  	[sflag:s18] =	ssyncadd.s32 $0xFFFF9C00  }
0x94: {  	[spmem:s3] =	stream.indirect.scatter.add.f32 [tilespmem:s17], [sflag:$0x1], $0x80, s4, s19, $0xb8;
	[tilespmem:$0x1A500] =	vst v63  }
0x95: {  	_ =	swait.ge [sflag:s18], $0x6400  }
0x96: {  	s23 =	smov.u32 s25;
	s21 =	sadd.s32 $0xC80, s21;
	[sflag:s18] =	ssyncset.done $0x0  }
0x97: {  	s22 =	sadd.s32 s22, s15;
	[sflag:s18] =	ssyncadd.s32 $0xFFFF9C00  }
0x98: {  	[tilespmem:s4], [sflag:$0x1] =	stream.linear.gather [hbm4b:s22+s4], $0xC8, $0x38;
	[tilespmem:$0x1A500] =	vst v63  }
0x99: {  	_ =	swait.ge [sflag:s18], $0xC8  }
0x9a: {  	[sflag:s18] =	ssyncset.done $0x0  }
0x9b: {  	[sflag:s18] =	ssyncadd.s32 $0xFFFFFF38  }
0x9c: {  	[tilespmem:s17], [sflag:$0x1] =	stream.linear.gather [hbm4b:s21+s4], $0x6400, $0x38;
	[tilespmem:$0x1A500] =	vst v63  }
0x9d: {  	_ =	swait.ge [sflag:s18], $0x6400  }
0x9e: {  	[sflag:s18] =	ssyncset.done $0x0  }
.Ltmp6:
0x9f: {  	[sflag:s18] =	ssyncadd.s32 $0xFFFF9C00;
	(pc) =	sbr.rel .LBB2_8-.Ltmp6, $4  }
0xa0: {  	[spmem:s3] =	stream.indirect.scatter.add.f32 [tilespmem:s17], [sflag:$0x1], $0x80, s4, s19, $0xb8;
	[tilespmem:$0x1A500] =	vst v63  }
0xa1: {  	_ =	swait.ge [sflag:s18], $0x6400  }
0xa2: {  	[sflag:s18] =	ssyncset.done $0x0  }
0xa3: {  	[sflag:s18] =	ssyncadd.s32 $0xFFFF9C00  }
.LBB2_9:
0xa4: {  	_ =	sfence.sel $0x180000  }
0xa5: {  	[bflag:$0x0] =	sbarrier.arrive $0xFFFF  }
0xa6: {  	p0 =	sne.s32 s1, $0x0;
	_ =	strace $0x90000056  }
0xa7: {  	s0 =	sadd.s32 @!p0 $0x100000, s0;
	[bflag:$0x2] =	sbarrier.arrive $0xFFFF  }
0xa8: {  	[sflag:s0] =	ssyncadd.tile.s32 @!p0 $0x1;
	_ =	shalt  }
.Lfunc_end2:
_tile_overlayer_lowered:
.L_overlay_start_2:
0xa9: {  	(tag) =	ssettag $0x2  }
0xaa: {  	s0 =	rddreg [dreg:$0x0];
	s2 =	stileid.u32  }
0xab: {  	s1 =	rddreg [dreg:$0x1];
	p0 =	sne.s32 s2, $0x0  }
0xac: {  	s3 =	rddreg [dreg:$0x2];
	[bflag:$0x3] =	sbarrier.arrive $0xFFFF;
	s2 =	simm.s32 @!p0 $0x1C01  }
0xad: {  	[timem:s3], [sflag:s2] =	dma.local @!p0 [hbm:s0], s1  }
0xae: {  	s0 =	simm.s32 @!p0 $0x1  }
0xaf: {  	_ =	swait.ge @!p0 [sflag:s0], s1  }
0xb0: {  	s1 =	ssub.s32 @!p0 $0x0, s1;
	[sflag:s0] =	ssyncset.done @!p0 $0x0  }
0xb1: {  	[sflag:s0] =	ssyncadd.s32 @!p0 s1  }
0xb2: {  	[bflag:$0x3] =	sbarrier.arrive $0xFFFF  }
0xb3: {  	_ =	shalt  }

// kernel: kernel.35.cloned.1.call-start
scs
__scs_entry_jumppad:
0x0: {  	(pc) =	sbr.rel $0x88, $3  }
0x1: {  	(tag) =	ssettag $0x0;
	lr =	simm.s32 $0x1  }
0x2: {  	[smem:$0x3F79] =	sst lr;
	_ =	strace $0xD0000000  }
0x3: {  	_ = 	snop  }
0x4: {  	_ = 	snop  }
0x5: {  	_ = 	snop  }
0x6: {  	_ = 	snop  }
0x7: {  	_ = 	snop  }
__scs_overlays_trampoline_lowered:
0x8: {  	[smem:$0x3F88] =	sst s0  }
0x9: {  	[smem:$0x3F89] =	sst s1  }
0xa: {  	[smem:$0x3F8A] =	sst s2  }
0xb: {  	[smem:$0x3F8B] =	sst s3  }
0xc: {  	[smem:$0x3F8C] =	sst s4  }
0xd: {  	[smem:$0x3F8D] =	sst s5  }
0xe: {  	[smem:$0x3F8E] =	sst s6  }
0xf: {  	[smem:$0x3F8F] =	sst s7  }
0x10: {  	[smem:$0x3F90] =	sst s8  }
0x11: {  	[smem:$0x3F91] =	sst s9;
	s0 =	simm.s32 @!p0 $0x0  }
0x12: {  	s1 =	sld [smem:$0x3F77];
	s0 =	simm.s32 @p0 $0x1  }
0x13: {  	[smem:$0x3F92] =	sst s0;
	s0 =	simm.s32 @!p1 $0x0  }
0x14: {  	s2 =	sld [smem:$0x3F76];
	s0 =	simm.s32 @p1 $0x1  }
0x15: {  	[smem:$0x3F93] =	sst s0;
	s0 =	simm.s32 @!p2 $0x0  }
0x16: {  	s3 =	sld [smem:$0x3FDB];
	s0 =	simm.s32 @p2 $0x1  }
0x17: {  	s4 =	simm.s32 $0x1BF5;
	[smem:$0x3F95] =	sst s0  }
0x18: {  	s0 =	sld [smem:$0x3F78];
	_ =	swait.ge [sflag:s4], $0x0  }
0x19: {  	s7 =	sld [smem:$0x3F79]  }
0x1a: {  	s8 =	sadd.s32 $0xFFFFE003, lr  }
0x1b: {  	s9 =	sadd.s32 $0xFFFFFEF7, lr;
	s5 =	simm.s32 $0xFFFFFFFF;
	p2 =	slt.u32 s8, $0xFFFFF086  }
0x1c: {  	p1 =	slt.u32 s9, $0xF7A;
	s5 =	simm.s32 @!p2 $0x0  }
0x1d: {  	s5 =	simm.s32 @p1 $0x1;
	p0 =	seq.s32 s7, s2  }
0x1e: {  	s7 =	smul.u32 @!p0 $0xF7A, s2;
	p2 =	seq.s32 @!p0 s5, $0x0  }
0x1f: {  	s9 =	smul.u32 $0xF7A, s1;
	s8 =	simm.s32 @!p0 $0x1BF5;
	p2 =	por !p2, p0  }
0x20: {  	[sflag:s8] =	ssyncset.s32 @!p0 $0xFFFFF086;
	s6 =	sadd.s32 @!p0 s3, s7;
	s7 =	simm.s32 @!p0 $0x108  }
0x21: {  	s3 =	sadd.s32 s3, s9;
	s6 =	sadd.s32 @!p0 $0x88, s6;
	s7 =	simm.s32 @p2 $0x1082  }
0x22: {  	[simem:s7], [sflag:s8] =	dma.local @!p0 [hbm:s6], $0xF7A  }
0x23: {  	s9 =	sor.u32 $0xD0000000, s2;
	s6 =	simm.s32 $0x108;
	_ =	swait.ge @!p0 [sflag:s8], $0x0  }
0x24: {  	s3 =	sadd.s32 $0x88, s3;
	s6 =	simm.s32 @!p1 $0x1082;
	[sflag:s4] =	ssyncset.s32 $0xFFFFF086  }
0x25: {  	[simem:s6], [sflag:s4] =	dma.local [hbm:s3], $0xF7A  }
0x26: {  	[smem:$0x3F79] =	sst s1;
	(tag) =	ssettag s2;
	_ =	strace s9  }
0x27: {  	s1 =	sld [smem:$0x3F89]  }
0x28: {  	s2 =	sld [smem:$0x3F8A]  }
0x29: {  	s4 =	sld [smem:$0x3F8C]  }
0x2a: {  	p0 =	seq.s32 s5, $0x0;
	s5 =	sld [smem:$0x3F8D]  }
0x2b: {  	s6 =	sld [smem:$0x3F8E]  }
0x2c: {  	s7 =	sld [smem:$0x3F8F]  }
0x2d: {  	s3 =	simm.s32 $0x108;
	s8 =	sld [smem:$0x3F90]  }
0x2e: {  	s3 =	simm.s32 @!p0 $0x1082;
	s9 =	sld [smem:$0x3F91]  }
0x2f: {  	lr =	sadd.s32 s0, s3;
	s0 =	sld [smem:$0x3F88]  }
0x30: {  	s3 =	sld [smem:$0x3F8B]  }
0x31: {  	[smem:$0x3F94] =	sst s10  }
0x32: {  	s10 =	sld [smem:$0x3F92];
	_ =	sdelay $0x3  }
0x33: {  	p0 =	seq.s32 s10, $0x1;
	s10 =	sld [smem:$0x3F94];
	_ =	sdelay $0x3  }
0x34: {  	[smem:$0x3F94] =	sst s10  }
0x35: {  	s10 =	sld [smem:$0x3F93];
	_ =	sdelay $0x3  }
0x36: {  	p1 =	seq.s32 s10, $0x1;
	s10 =	sld [smem:$0x3F94];
	_ =	sdelay $0x3  }
0x37: {  	[smem:$0x3F94] =	sst s10  }
0x38: {  	s10 =	sld [smem:$0x3F95]  }
0x39: {  	_ = 	snop;
	(pc) =	sbr.ind lr, $3  }
0x3a: {  	_ = 	snop  }
0x3b: {  	_ = 	snop  }
0x3c: {  	p2 =	seq.s32 s10, $0x1;
	s10 =	sld [smem:$0x3F94]  }
0x3d: {  	_ =	shalt  }
0x3e: {  	_ =	shalt  }
0x3f: {  	_ =	shalt  }
0x40: {  	_ =	shalt  }
0x41: {  	_ =	shalt  }
0x42: {  	_ =	shalt  }
0x43: {  	_ =	shalt  }
0x44: {  	_ =	shalt  }
0x45: {  	_ =	shalt  }
0x46: {  	_ =	shalt  }
0x47: {  	_ =	shalt  }
0x48: {  	_ =	shalt  }
0x49: {  	_ =	shalt  }
0x4a: {  	_ =	shalt  }
0x4b: {  	_ =	shalt  }
0x4c: {  	_ =	shalt  }
0x4d: {  	_ =	shalt  }
0x4e: {  	_ =	shalt  }
0x4f: {  	_ =	shalt  }
0x50: {  	_ =	shalt  }
0x51: {  	_ =	shalt  }
0x52: {  	_ =	shalt  }
0x53: {  	_ =	shalt  }
0x54: {  	_ =	shalt  }
0x55: {  	_ =	shalt  }
0x56: {  	_ =	shalt  }
0x57: {  	_ =	shalt  }
0x58: {  	_ =	shalt  }
0x59: {  	_ =	shalt  }
0x5a: {  	_ =	shalt  }
0x5b: {  	_ =	shalt  }
0x5c: {  	_ =	shalt  }
0x5d: {  	_ =	shalt  }
0x5e: {  	_ =	shalt  }
0x5f: {  	_ =	shalt  }
0x60: {  	_ =	shalt  }
0x61: {  	_ =	shalt  }
0x62: {  	_ =	shalt  }
0x63: {  	_ =	shalt  }
0x64: {  	_ =	shalt  }
0x65: {  	_ =	shalt  }
0x66: {  	_ =	shalt  }
0x67: {  	_ =	shalt  }
0x68: {  	_ =	shalt  }
0x69: {  	_ =	shalt  }
0x6a: {  	_ =	shalt  }
0x6b: {  	_ =	shalt  }
0x6c: {  	_ =	shalt  }
0x6d: {  	_ =	shalt  }
0x6e: {  	_ =	shalt  }
0x6f: {  	_ =	shalt  }
0x70: {  	_ =	shalt  }
0x71: {  	_ =	shalt  }
0x72: {  	_ =	shalt  }
0x73: {  	_ =	shalt  }
0x74: {  	_ =	shalt  }
0x75: {  	_ =	shalt  }
0x76: {  	_ =	shalt  }
0x77: {  	_ =	shalt  }
0x78: {  	_ =	shalt  }
0x79: {  	_ =	shalt  }
0x7a: {  	_ =	shalt  }
0x7b: {  	_ =	shalt  }
0x7c: {  	_ =	shalt  }
0x7d: {  	_ =	shalt  }
0x7e: {  	_ =	shalt  }
0x7f: {  	_ =	shalt  }
0x80: {  	_ =	shalt  }
0x81: {  	_ =	shalt  }
0x82: {  	_ =	shalt  }
0x83: {  	_ =	shalt  }
0x84: {  	_ =	shalt  }
0x85: {  	_ =	shalt  }
0x86: {  	_ =	shalt  }
0x87: {  	_ =	shalt  }
.Lfunc_end0:
.L_simem_size_0:
called_computation.6_lowered:
.L_overlay_start_0:
0x88: {  	s2 =	sld [smem:$0x3FD9]  }
0x89: {  	s3 =	sld [smem:$0x3FFE];
	_ =	sdelay $0x1  }
0x8a: {  	s1 =	srdreg.scid  }
0x8b: {  	s0 =	sand.u32 $0x1, s1  }
0x8c: {  	s16 =	sshll.u32 s0, $0xA;
	s2 =	sadd.s32 s3, s2  }
0x8d: {  	s2 =	sadd.s32 s2, s16  }
0x8e: {  	[smem:$0x3FA0] =	sst s2  }
0x8f: {  	_ = 	snop  }
0x90: {  	(tm) =	ssettm $0x1  }
0x91: {  	s17 =	sld [smem:$0x3FFB];
	_ =	sdelay $0x3  }
0x92: {  	_ =	strace s17  }
0x93: {  	s2 =	sld [smem:$0x3FFC];
	_ =	sdelay $0x3  }
0x94: {  	_ =	strace s2  }
0x95: {  	s2 =	sld [smem:$0x3FFD];
	_ =	sdelay $0x3  }
0x96: {  	_ =	strace s2  }
0x97: {  	_ =	strace $0x8FFFFFFF  }
0x98: {  	s18 =	sld [smem:$0x3FDB];
	_ =	sdelay $0x1  }
0x99: {  	s19 =	simm.s32 $_scs_section_size  }
0x9a: {  	s4 =	simm.s32 $_size__tile_overlayer_lowered;
	s5 =	simm.s32 $_tile_overlayer_lowered  }
0x9b: {  	s22 =	simm.s32 $0x1BFF;
	s21 =	sshll.u32 s5, $0x1;
	s2 =	sadd.s32 s19, s18  }
0x9c: {  	s6 =	simm.s32 $0x0;
	s20 =	sshll.u32 s4, $0x1;
	s4 =	sadd.s32 s21, s2  }
0x9d: {  	[timem:s6], [sflag:s22] =	dma.local [hbm:s4], s20  }
0x9e: {  	_ =	swait.ge [sflag:s22], s20  }
0x9f: {  	s3 =	ssub.s32 $0x0, s20;
	[sflag:s22] =	ssyncset.done $0x0  }
0xa0: {  	[sflag:s22] =	ssyncadd.s32 s3;
	_ =	sdelay $0x1  }
0xa1: {  	s23 =	simm.s32 $0x1B8B  }
0xa2: {  	_ =	swait.ge [sflag:s23], $0x1  }
0xa3: {  	[sflag:s23] =	ssyncset.done $0x0  }
0xa4: {  	s25 =	simm.s32 $0x1B8E;
	s24 =	sld [smem:$0x3FFE];
	[sflag:s23] =	ssyncadd.s32 $0xFFFFFFFF  }
0xa5: {  	s26 =	simm.s32 $execute0_lowered;
	[smem:$0x3FD2] =	sst s25  }
0xa6: {  	s4 =	sshll.u32 s26, $0x1;
	_ =	strace $0x80000058;
	[dreg:$0x1] =	wrdreg $0xFFFFFFFF  }
0xa7: {  	s28 =	simm.s32 $_size_execute0_lowered;
	s2 =	sadd.s32 s2, s4;
	[dreg:$0x0] =	wrdreg $0x0  }
0xa8: {  	s4 =	sshll.u32 s28, $0x1;
	[dreg:$0x2] =	wrdreg s2  }
0xa9: {  	[dreg:$0x3] =	wrdreg s4  }
0xaa: {  	[dreg:$0x4] =	wrdreg $0xC0  }
0xab: {  	_ =	task [dreg:s6], $0x5FFFF  }
0xac: {  	[dreg:$0x1] =	wrdreg $0xFFFFFFFF  }
0xad: {  	[dreg:$0x0] =	wrdreg $0x60  }
0xae: {  	[dreg:$0x2] =	wrdreg s24  }
0xaf: {  	[dreg:$0x3] =	wrdreg $0x9  }
0xb0: {  	_ =	task.clear_ibuf [dreg:s6], $0x4FFFF;
	_ =	strace $0x90000058  }
0xb1: {  	s29 =	simm.s32 $0x9;
	_ =	strace $0x8000005A  }
0xb2: {  	_ =	swait.ge [sflag:s29], $0x1  }
0xb3: {  	[sflag:s29] =	ssyncadd.s32 $0xFFFFFFFF  }
0xb4: {  	_ =	strace $0x9000005A  }
0xb5: {  	_ =	sfence  }
0xb6: {  	s30 =	sld [smem:$0x0];
	_ =	sdelay $0x2  }
0xb7: {  	s31 =	sshll.u32 s1, $0xD;
	s1 =	sshrl.u32 s1, $0x2  }
0xb8: {  	s3 =	sand.u32 $0x4000, s31;
	s1 =	sadd.s32 s1, s30  }
0xb9: {  	s0 =	sor.u32 s3, s0;
	s1 =	sshll.u32 s1, $0x11  }
0xba: {  	s0 =	sor.u32 s1, s0  }
0xbb: {  	s0 =	sadd.s32 $0x8F2B, s0  }
0xbc: {  	[sflag:s0] =	ssyncadd.remote.s32 $0x1  }
0xbd: {  	_ =	sfence.sel $0xFFFF  }
0xbe: {  	[dreg:$0x0] =	wrdreg $0xFFFFFFFF;
	(pc) =	sbr.abs _section_cstart, $3  }
0xbf: {  	[dreg:$0x1] =	wrdreg $0xFFFFFFFF  }
0xc0: {  	_ =	task.clear_ibuf [dreg:s6], $0x2FFFF;
	_ =	strace $0x9FFFFFFF  }
0xc1: {  	(tm) =	ssettm $0x7FFFFFFF  }
tec
execute0_lowered:
.L_overlay_start_1:
0x0: {  	(tag) =	ssettag $0x1  }
0x1: {  	s0 =	rddreg [dreg:$0x0]  }
0x2: {  	s2 =	simm.s32 $0x0;
	s1 =	srdreg.scid;
	s14 =	stileid.u32  }
0x3: {  	s15 =	simm.s32 $0x1100;
	s16 =	simm.s32 $0x1900;
	s17 =	simm.s32 $0x2100  }
0x4: {  	s28 =	simm.s32 $0x6900;
	s29 =	simm.s32 $0x7100;
	s30 =	simm.s32 $0x7900  }
0x5: {  	s31 =	simm.s32 $0x8100;
	[smem:$0x7FF] =	sst s2;
	s1 =	sand.u32 $0x1, s1  }
0x6: {  	s4 =	sshll.u32 s14, $0x1;
	s3 =	sadd.s32 $0x1E800, s0;
	s6 =	sadd.s32 $0xAC00, s0  }
0x7: {  	s7 =	sadd.s32 $0x14A00, s0;
	s8 =	sadd.s32 $0xBE800, s0;
	s10 =	smul.u32 $0x4E20, s14  }
0x8: {  	s21 =	smul.u32 $0x9C400, s14;
	s14 =	simm.s32 $0x900;
	_ =	strace $0x80000059  }
0x9: {  	s5 =	sor.u32 s1, s4;
	s9 =	ssub.s32 $0x2, s1;
	s13 =	smul.u32 $0x2710, s1  }
0xa: {  	s4 =	sadd.s32 $0x6E800, s0;
	s5 =	smul.u32 $0x2710, s5;
	s11 =	sshrl.u32 s9, $0x1  }
0xb: {  	s0 =	sadd.s32 $0xA82800, s0;
	s1 =	smul.u32 $0x4E200, s1;
	s9 =	ssub.s32 s9, s11  }
0xc: {  	s10 =	sadd.s32 s13, s10;
	s13 =	simm.s32 $0x100;
	s5 =	sadd.s32 $0x26C0, s5  }
0xd: {  	s22 =	sadd.s32 $0x50, s10;
	s9 =	smax.u32 s9, $0x1;
	s10 =	sshrl.u32 s10, $0x3  }
0xe: {  	s12 =	sshrl.u32 s5, $0x3;
	s5 =	sshll.u32 s5, $0x5;
	[dreg:$0xa] =	wrdreg s9  }
0xf: {  	s23 =	sshrl.u32 s22, $0x3;
	s25 =	sadd.s32 s10, s7;
	s22 =	simm.s32 $0x4900  }
0x10: {  	s18 =	sadd.s32 s6, s12;
	s19 =	sadd.s32 s8, s5;
	[dreg:$0x5] =	wrdreg s25  }
0x11: {  	s20 =	sadd.s32 s7, s12;
	s5 =	sadd.s32 s0, s5;
	[dreg:$0x6] =	wrdreg s18  }
0x12: {  	s8 =	sadd.s32 s21, s8;
	s11 =	sadd.s32 s23, s6;
	[dreg:$0x7] =	wrdreg s19  }
0x13: {  	s6 =	sadd.s32 s10, s6;
	s0 =	sadd.s32 s21, s0;
	[dreg:$0x8] =	wrdreg s20  }
0x14: {  	s24 =	sadd.s32 s23, s7;
	s12 =	simm.s32 $0x2;
	[dreg:$0x9] =	wrdreg s5  }
0x15: {  	s21 =	simm.s32 $0x4100;
	s23 =	simm.s32 $0x80;
	[dreg:$0x2] =	wrdreg s11  }
0x16: {  	s25 =	simm.s32 $0x5900;
	s7 =	simm.s32 $0x0;
	[dreg:$0x3] =	wrdreg s6  }
0x17: {  	s8 =	sadd.s32 s1, s8;
	s0 =	sadd.s32 s1, s0;
	[dreg:$0x4] =	wrdreg s24  }
0x18: {  	s18 =	simm.s32 $0x2900;
	s19 =	simm.s32 $0x3100;
	s20 =	simm.s32 $0x3900  }
0x19: {  	v2 =	vlaneseq.u32;
	s24 =	simm.s32 $0x5100;
	s1 =	simm.s32 $0x9100;
	s5 =	simm.s32 $0x9900  }
0x1a: {  	vm0 =	vmmov $0xffff;
	v1 =	vshrl.u32 v2, $0x3;
	s6 =	simm.s32 $0x1;
	s26 =	sadd.s32 $0xA00, s8;
	s11 =	sadd.s32 $0xA00, s0  }
0x1b: {  	v0 =	vand.u32 $0x7, v2;
	v2 =	vor.u32 $0x8, v2;
	v1 =	vmul.u32 $0x8, v1;
	s0 =	simm.s32 $0x8900;
	[dreg:$0xb] =	wrdreg s26;
	s26 =	simm.s32 $0x6100  }
.LBB2_1:
0x1c: {  	s8 =	rddreg [dreg:$0xb];
	s9 =	simm.s32 $0x0  }
.LBB2_2:
0x1d: {  	s10 =	rddreg [dreg:$0x3]  }
0x1e: {  	s10 =	sadd.s32 s9, s10  }
0x1f: {  	[tilespmem:s2], [sflag:$0x2] =	stream.linear.gather [hbm4b:s10+s2], $0x50, $0x38;
	[tilespmem:$0xA100] =	vst v63  }
0x20: {  	_ =	swait.ge [sflag:s12], $0x50  }
0x21: {  	[sflag:s12] =	ssyncset.done $0x0  }
0x22: {  	[sflag:s12] =	ssyncadd.s32 $0xFFFFFFB0  }
0x23: {  	v3 =	vld [tilespmem:$0x0];
	_ =	sdelay $0x4  }
0x24: {  	v4 =	vshll.u32 v3, $0x1  }
0x25: {  	v3 =	vand.u32 $0x7, v3;
	v4 =	vand.u32 $0xFFFFFFF0, v4  }
0x26: {  	v3 =	vor.u32 v3, v4  }
0x27: {  	v4 =	vperm.xlane v3, v0;
	_ =	sdelay $0x1  }
0x28: {  	v3 =	vperm.xlane v3, v2;
	v4 =	vadd.s32 v1, v4;
	_ =	sdelay $0x1  }
0x29: {  	v3 =	vadd.s32 v1, v3;
	_ =	sdelay $0x2  }
0x2a: {  	[tilespmem:s13], [sflag:$0x1] =	stream.indirect_vreg.gather [hbm4b:s3+s2], $0x80, v4, vm0, $0xb8;
	[tilespmem:$0xA100] =	vst v63  }
0x2b: {  	_ = 	snop  }
0x2c: {  	[tilespmem:s14], [sflag:$0x1] =	stream.indirect_vreg.gather [hbm4b:s3+s2], $0x80, v3, vm0, $0xb8;
	[tilespmem:$0xA100] =	vst v63  }
0x2d: {  	v3 =	vld [tilespmem:$0x10];
	_ =	sdelay $0x4  }
0x2e: {  	v55 =	vshll.u32 v3, $0x1  }
0x2f: {  	v3 =	vand.u32 $0x7, v3;
	v4 =	vand.u32 $0xFFFFFFF0, v55  }
0x30: {  	v3 =	vor.u32 v3, v4  }
0x31: {  	v4 =	vperm.xlane v3, v0;
	_ =	sdelay $0x1  }
0x32: {  	v3 =	vperm.xlane v3, v2;
	v4 =	vadd.s32 v1, v4;
	_ =	sdelay $0x1  }
0x33: {  	v3 =	vadd.s32 v1, v3;
	_ =	sdelay $0x2  }
0x34: {  	[tilespmem:s15], [sflag:$0x1] =	stream.indirect_vreg.gather [hbm4b:s3+s2], $0x80, v4, vm0, $0xb8;
	[tilespmem:$0xA100] =	vst v63  }
0x35: {  	_ = 	snop  }
0x36: {  	[tilespmem:s16], [sflag:$0x1] =	stream.indirect_vreg.gather [hbm4b:s3+s2], $0x80, v3, vm0, $0xb8;
	[tilespmem:$0xA100] =	vst v63  }
0x37: {  	v3 =	vld [tilespmem:$0x20];
	_ =	sdelay $0x4  }
0x38: {  	v56 =	vshll.u32 v3, $0x1  }
0x39: {  	v3 =	vand.u32 $0x7, v3;
	v4 =	vand.u32 $0xFFFFFFF0, v56  }
0x3a: {  	v3 =	vor.u32 v3, v4  }
0x3b: {  	v4 =	vperm.xlane v3, v0;
	_ =	sdelay $0x1  }
0x3c: {  	v3 =	vperm.xlane v3, v2;
	v4 =	vadd.s32 v1, v4;
	_ =	sdelay $0x1  }
0x3d: {  	v3 =	vadd.s32 v1, v3;
	_ =	sdelay $0x2  }
0x3e: {  	[tilespmem:s17], [sflag:$0x1] =	stream.indirect_vreg.gather [hbm4b:s3+s2], $0x80, v4, vm0, $0xb8;
	[tilespmem:$0xA100] =	vst v63  }
0x3f: {  	_ = 	snop  }
0x40: {  	[tilespmem:s18], [sflag:$0x1] =	stream.indirect_vreg.gather [hbm4b:s3+s2], $0x80, v3, vm0, $0xb8;
	[tilespmem:$0xA100] =	vst v63  }
0x41: {  	v3 =	vld [tilespmem:$0x30];
	_ =	sdelay $0x4  }
0x42: {  	v57 =	vshll.u32 v3, $0x1  }
0x43: {  	v3 =	vand.u32 $0x7, v3;
	v4 =	vand.u32 $0xFFFFFFF0, v57  }
0x44: {  	v3 =	vor.u32 v3, v4  }
0x45: {  	v4 =	vperm.xlane v3, v0;
	_ =	sdelay $0x1  }
0x46: {  	v3 =	vperm.xlane v3, v2;
	v4 =	vadd.s32 v1, v4;
	_ =	sdelay $0x1  }
0x47: {  	v3 =	vadd.s32 v1, v3;
	_ =	sdelay $0x2  }
0x48: {  	[tilespmem:s19], [sflag:$0x1] =	stream.indirect_vreg.gather [hbm4b:s3+s2], $0x80, v4, vm0, $0xb8;
	[tilespmem:$0xA100] =	vst v63  }
0x49: {  	_ = 	snop  }
0x4a: {  	[tilespmem:s20], [sflag:$0x1] =	stream.indirect_vreg.gather [hbm4b:s3+s2], $0x80, v3, vm0, $0xb8;
	[tilespmem:$0xA100] =	vst v63  }
0x4b: {  	v3 =	vld [tilespmem:$0x40];
	_ =	sdelay $0x4  }
0x4c: {  	v58 =	vshll.u32 v3, $0x1  }
0x4d: {  	v3 =	vand.u32 $0x7, v3;
	v4 =	vand.u32 $0xFFFFFFF0, v58  }
0x4e: {  	v3 =	vor.u32 v3, v4  }
0x4f: {  	v4 =	vperm.xlane v3, v0;
	_ =	sdelay $0x1  }
0x50: {  	v3 =	vperm.xlane v3, v2;
	v4 =	vadd.s32 v1, v4;
	_ =	sdelay $0x1  }
0x51: {  	v3 =	vadd.s32 v1, v3;
	_ =	sdelay $0x2  }
0x52: {  	[tilespmem:s21], [sflag:$0x1] =	stream.indirect_vreg.gather [hbm4b:s3+s2], $0x80, v4, vm0, $0xb8;
	[tilespmem:$0xA100] =	vst v63  }
0x53: {  	s10 =	rddreg [dreg:$0x2]  }
0x54: {  	[tilespmem:s22], [sflag:$0x1] =	stream.indirect_vreg.gather [hbm4b:s3+s2], $0x80, v3, vm0, $0xb8;
	[tilespmem:$0xA100] =	vst v63  }
0x55: {  	s10 =	sadd.s32 s9, s10  }
0x56: {  	[tilespmem:s23], [sflag:$0x2] =	stream.linear.gather [hbm4b:s10+s2], $0x50, $0x38;
	[tilespmem:$0xA100] =	vst v63  }
0x57: {  	_ =	swait.ge [sflag:s12], $0x50  }
0x58: {  	[sflag:s12] =	ssyncset.done $0x0  }
0x59: {  	[sflag:s12] =	ssyncadd.s32 $0xFFFFFFB0  }
0x5a: {  	v3 =	vld [tilespmem:$0x80];
	_ =	sdelay $0x4  }
0x5b: {  	v59 =	vshll.u32 v3, $0x1  }
0x5c: {  	v3 =	vand.u32 $0x7, v3;
	v4 =	vand.u32 $0xFFFFFFF0, v59  }
0x5d: {  	v3 =	vor.u32 v3, v4  }
0x5e: {  	v4 =	vperm.xlane v3, v0;
	_ =	sdelay $0x1  }
0x5f: {  	v3 =	vperm.xlane v3, v2;
	v4 =	vadd.s32 v1, v4;
	_ =	sdelay $0x1  }
0x60: {  	v3 =	vadd.s32 v1, v3;
	_ =	sdelay $0x2  }
0x61: {  	[tilespmem:s24], [sflag:$0x1] =	stream.indirect_vreg.gather [hbm4b:s3+s2], $0x80, v4, vm0, $0xb8;
	[tilespmem:$0xA100] =	vst v63  }
0x62: {  	_ = 	snop  }
0x63: {  	[tilespmem:s25], [sflag:$0x1] =	stream.indirect_vreg.gather [hbm4b:s3+s2], $0x80, v3, vm0, $0xb8;
	[tilespmem:$0xA100] =	vst v63  }
0x64: {  	v3 =	vld [tilespmem:$0x90];
	_ =	sdelay $0x4  }
0x65: {  	v60 =	vshll.u32 v3, $0x1  }
0x66: {  	v3 =	vand.u32 $0x7, v3;
	v4 =	vand.u32 $0xFFFFFFF0, v60  }
0x67: {  	v3 =	vor.u32 v3, v4  }
0x68: {  	v4 =	vperm.xlane v3, v0;
	_ =	sdelay $0x1  }
0x69: {  	v3 =	vperm.xlane v3, v2;
	v4 =	vadd.s32 v1, v4;
	_ =	sdelay $0x1  }
0x6a: {  	v3 =	vadd.s32 v1, v3;
	_ =	sdelay $0x2  }
0x6b: {  	[tilespmem:s26], [sflag:$0x1] =	stream.indirect_vreg.gather [hbm4b:s3+s2], $0x80, v4, vm0, $0xb8;
	[tilespmem:$0xA100] =	vst v63  }
0x6c: {  	_ = 	snop  }
0x6d: {  	[tilespmem:s28], [sflag:$0x1] =	stream.indirect_vreg.gather [hbm4b:s3+s2], $0x80, v3, vm0, $0xb8;
	[tilespmem:$0xA100] =	vst v63  }
0x6e: {  	v3 =	vld [tilespmem:$0xA0];
	_ =	sdelay $0x4  }
0x6f: {  	v61 =	vshll.u32 v3, $0x1  }
0x70: {  	v3 =	vand.u32 $0x7, v3;
	v4 =	vand.u32 $0xFFFFFFF0, v61  }
0x71: {  	v3 =	vor.u32 v3, v4  }
0x72: {  	v4 =	vperm.xlane v3, v0;
	_ =	sdelay $0x1  }
0x73: {  	v3 =	vperm.xlane v3, v2;
	v4 =	vadd.s32 v1, v4;
	_ =	sdelay $0x1  }
0x74: {  	v3 =	vadd.s32 v1, v3;
	_ =	sdelay $0x2  }
0x75: {  	[tilespmem:s29], [sflag:$0x1] =	stream.indirect_vreg.gather [hbm4b:s3+s2], $0x80, v4, vm0, $0xb8;
	[tilespmem:$0xA100] =	vst v63  }
0x76: {  	_ = 	snop  }
0x77: {  	[tilespmem:s30], [sflag:$0x1] =	stream.indirect_vreg.gather [hbm4b:s3+s2], $0x80, v3, vm0, $0xb8;
	[tilespmem:$0xA100] =	vst v63  }
0x78: {  	v3 =	vld [tilespmem:$0xB0];
	_ =	sdelay $0x4  }
0x79: {  	v62 =	vshll.u32 v3, $0x1  }
0x7a: {  	v3 =	vand.u32 $0x7, v3;
	v4 =	vand.u32 $0xFFFFFFF0, v62  }
0x7b: {  	v3 =	vor.u32 v3, v4  }
0x7c: {  	v4 =	vperm.xlane v3, v0;
	_ =	sdelay $0x1  }
0x7d: {  	v3 =	vperm.xlane v3, v2;
	v4 =	vadd.s32 v1, v4;
	_ =	sdelay $0x1  }
0x7e: {  	v3 =	vadd.s32 v1, v3;
	_ =	sdelay $0x2  }
0x7f: {  	[tilespmem:s31], [sflag:$0x1] =	stream.indirect_vreg.gather [hbm4b:s3+s2], $0x80, v4, vm0, $0xb8;
	[tilespmem:$0xA100] =	vst v63  }
0x80: {  	_ = 	snop  }
0x81: {  	[tilespmem:s0], [sflag:$0x1] =	stream.indirect_vreg.gather [hbm4b:s3+s2], $0x80, v3, vm0, $0xb8;
	[tilespmem:$0xA100] =	vst v63  }
0x82: {  	v3 =	vld [tilespmem:$0xC0];
	_ =	sdelay $0x4  }
0x83: {  	v63 =	vshll.u32 v3, $0x1  }
0x84: {  	v3 =	vand.u32 $0x7, v3;
	v4 =	vand.u32 $0xFFFFFFF0, v63  }
0x85: {  	v3 =	vor.u32 v3, v4  }
0x86: {  	v4 =	vperm.xlane v3, v0;
	_ =	sdelay $0x1  }
0x87: {  	v3 =	vperm.xlane v3, v2;
	v4 =	vadd.s32 v1, v4;
	_ =	sdelay $0x1  }
0x88: {  	v3 =	vadd.s32 v1, v3;
	_ =	sdelay $0x2  }
0x89: {  	[tilespmem:s1], [sflag:$0x1] =	stream.indirect_vreg.gather [hbm4b:s3+s2], $0x80, v4, vm0, $0xb8;
	[tilespmem:$0xA100] =	vst v63  }
0x8a: {  	_ = 	snop  }
0x8b: {  	[tilespmem:s5], [sflag:$0x1] =	stream.indirect_vreg.gather [hbm4b:s3+s2], $0x80, v3, vm0, $0xb8;
	[tilespmem:$0xA100] =	vst v63  }
0x8c: {  	_ =	swait.ge [sflag:s6], $0x5000  }
0x8d: {  	[sflag:s6] =	ssyncset.done $0x0  }
0x8e: {  	[sflag:s6] =	ssyncadd.s32 $0xFFFFB000  }
0x8f: {  	_ =	swait.ge [sflag:s6], $0x5000  }
0x90: {  	[sflag:s6] =	ssyncset.done $0x0  }
0x91: {  	s10 =	sadd.s32 $0xFFFFF600, s8;
	[sflag:s6] =	ssyncadd.s32 $0xFFFFB000  }
0x92: {  	[hbm4b:s10+s2] =	stream.linear.scatter [tilespmem:s13], [sflag:$0x2], $0x5000, $0x38;
	[tilespmem:$0xA100] =	vst v63  }
0x93: {  	_ =	swait.ge [sflag:s12], $0x5000  }
0x94: {  	p0 =	sne.s32 s9, $0x4C4;
	[sflag:s12] =	ssyncset.done $0x0  }
.Ltmp0:
0x95: {  	[sflag:s12] =	ssyncadd.s32 $0xFFFFB000;
	(pc) =	sbr.rel @p0 .LBB2_2-.Ltmp0, $4  }
0x96: {  	[hbm4b:s8+s2] =	stream.linear.scatter [tilespmem:s24], [sflag:$0x2], $0x5000, $0x38;
	[tilespmem:$0xA100] =	vst v63  }
0x97: {  	_ =	swait.ge [sflag:s12], $0x5000  }
0x98: {  	[sflag:s12] =	ssyncset.done $0x0  }
0x99: {  	s9 =	sadd.s32 $0x14, s9;
	s8 =	sadd.s32 $0x1400, s8;
	[sflag:s12] =	ssyncadd.s32 $0xFFFFB000  }
0x9a: {  	s8 =	simm.s32 $0x0;
	s9 =	rddreg [dreg:$0x6]  }
0x9b: {  	[tilespmem:s8], [sflag:$0x2] =	stream.linear.gather [hbm4b:s9+s8], $0x50, $0x38;
	[tilespmem:$0xA100] =	vst v63  }
0x9c: {  	_ =	swait.ge [sflag:s12], $0x50  }
0x9d: {  	[sflag:s12] =	ssyncset.done $0x0  }
0x9e: {  	[sflag:s12] =	ssyncadd.s32 $0xFFFFFFB0  }
0x9f: {  	v3 =	vld [tilespmem:$0x0];
	_ =	sdelay $0x4  }
0xa0: {  	v4 =	vshll.u32 v3, $0x1  }
0xa1: {  	v3 =	vand.u32 $0x7, v3;
	v4 =	vand.u32 $0xFFFFFFF0, v4  }
0xa2: {  	v3 =	vor.u32 v3, v4  }
0xa3: {  	v4 =	vperm.xlane v3, v0;
	_ =	sdelay $0x1  }
0xa4: {  	v3 =	vperm.xlane v3, v2;
	v4 =	vadd.s32 v1, v4;
	_ =	sdelay $0x1  }
0xa5: {  	v3 =	vadd.s32 v1, v3;
	_ =	sdelay $0x2  }
0xa6: {  	[tilespmem:s13], [sflag:$0x1] =	stream.indirect_vreg.gather [hbm4b:s3+s8], $0x80, v4, vm0, $0xb8;
	[tilespmem:$0xA100] =	vst v63  }
0xa7: {  	_ = 	snop  }
0xa8: {  	[tilespmem:s14], [sflag:$0x1] =	stream.indirect_vreg.gather [hbm4b:s3+s8], $0x80, v3, vm0, $0xb8;
	[tilespmem:$0xA100] =	vst v63  }
0xa9: {  	v3 =	vld [tilespmem:$0x10];
	_ =	sdelay $0x4  }
0xaa: {  	v60 =	vshll.u32 v3, $0x1  }
0xab: {  	v3 =	vand.u32 $0x7, v3;
	v4 =	vand.u32 $0xFFFFFFF0, v60  }
0xac: {  	v3 =	vor.u32 v3, v4  }
0xad: {  	v4 =	vperm.xlane v3, v0;
	_ =	sdelay $0x1  }
0xae: {  	v3 =	vperm.xlane v3, v2;
	v4 =	vadd.s32 v1, v4;
	_ =	sdelay $0x1  }
0xaf: {  	v3 =	vadd.s32 v1, v3;
	_ =	sdelay $0x2  }
0xb0: {  	[tilespmem:s15], [sflag:$0x1] =	stream.indirect_vreg.gather [hbm4b:s3+s8], $0x80, v4, vm0, $0xb8;
	[tilespmem:$0xA100] =	vst v63  }
0xb1: {  	_ = 	snop  }
0xb2: {  	[tilespmem:s16], [sflag:$0x1] =	stream.indirect_vreg.gather [hbm4b:s3+s8], $0x80, v3, vm0, $0xb8;
	[tilespmem:$0xA100] =	vst v63  }
0xb3: {  	v3 =	vld [tilespmem:$0x20];
	_ =	sdelay $0x4  }
0xb4: {  	v61 =	vshll.u32 v3, $0x1  }
0xb5: {  	v3 =	vand.u32 $0x7, v3;
	v4 =	vand.u32 $0xFFFFFFF0, v61  }
0xb6: {  	v3 =	vor.u32 v3, v4  }
0xb7: {  	v4 =	vperm.xlane v3, v0;
	_ =	sdelay $0x1  }
0xb8: {  	v3 =	vperm.xlane v3, v2;
	v4 =	vadd.s32 v1, v4;
	_ =	sdelay $0x1  }
0xb9: {  	v3 =	vadd.s32 v1, v3;
	_ =	sdelay $0x2  }
0xba: {  	[tilespmem:s17], [sflag:$0x1] =	stream.indirect_vreg.gather [hbm4b:s3+s8], $0x80, v4, vm0, $0xb8;
	[tilespmem:$0xA100] =	vst v63  }
0xbb: {  	_ = 	snop  }
0xbc: {  	[tilespmem:s18], [sflag:$0x1] =	stream.indirect_vreg.gather [hbm4b:s3+s8], $0x80, v3, vm0, $0xb8;
	[tilespmem:$0xA100] =	vst v63  }
0xbd: {  	v3 =	vld [tilespmem:$0x30];
	_ =	sdelay $0x4  }
0xbe: {  	v62 =	vshll.u32 v3, $0x1  }
0xbf: {  	v3 =	vand.u32 $0x7, v3;
	v4 =	vand.u32 $0xFFFFFFF0, v62  }
0xc0: {  	v3 =	vor.u32 v3, v4  }
0xc1: {  	v4 =	vperm.xlane v3, v0;
	_ =	sdelay $0x1  }
0xc2: {  	v3 =	vperm.xlane v3, v2;
	v4 =	vadd.s32 v1, v4;
	_ =	sdelay $0x1  }
0xc3: {  	v3 =	vadd.s32 v1, v3;
	_ =	sdelay $0x2  }
0xc4: {  	[tilespmem:s19], [sflag:$0x1] =	stream.indirect_vreg.gather [hbm4b:s3+s8], $0x80, v4, vm0, $0xb8;
	[tilespmem:$0xA100] =	vst v63  }
0xc5: {  	_ = 	snop  }
0xc6: {  	[tilespmem:s20], [sflag:$0x1] =	stream.indirect_vreg.gather [hbm4b:s3+s8], $0x80, v3, vm0, $0xb8;
	[tilespmem:$0xA100] =	vst v63  }
0xc7: {  	v3 =	vld [tilespmem:$0x40];
	_ =	sdelay $0x4  }
0xc8: {  	v63 =	vshll.u32 v3, $0x1  }
0xc9: {  	v3 =	vand.u32 $0x7, v3;
	v4 =	vand.u32 $0xFFFFFFF0, v63  }
0xca: {  	v3 =	vor.u32 v3, v4  }
0xcb: {  	v4 =	vperm.xlane v3, v0;
	_ =	sdelay $0x1  }
0xcc: {  	v3 =	vperm.xlane v3, v2;
	v4 =	vadd.s32 v1, v4;
	_ =	sdelay $0x1  }
0xcd: {  	v3 =	vadd.s32 v1, v3;
	_ =	sdelay $0x2  }
0xce: {  	[tilespmem:s21], [sflag:$0x1] =	stream.indirect_vreg.gather [hbm4b:s3+s8], $0x80, v4, vm0, $0xb8;
	[tilespmem:$0xA100] =	vst v63  }
0xcf: {  	_ = 	snop  }
0xd0: {  	[tilespmem:s22], [sflag:$0x1] =	stream.indirect_vreg.gather [hbm4b:s3+s8], $0x80, v3, vm0, $0xb8;
	[tilespmem:$0xA100] =	vst v63  }
0xd1: {  	_ =	swait.ge [sflag:s6], $0x5000  }
0xd2: {  	[sflag:s6] =	ssyncset.done $0x0  }
0xd3: {  	s10 =	rddreg [dreg:$0x7];
	[sflag:s6] =	ssyncadd.s32 $0xFFFFB000  }
0xd4: {  	[hbm4b:s10+s8] =	stream.linear.scatter [tilespmem:s13], [sflag:$0x2], $0x5000, $0x38;
	[tilespmem:$0xA100] =	vst v63  }
0xd5: {  	_ =	swait.ge [sflag:s12], $0x5000  }
0xd6: {  	[sflag:s12] =	ssyncset.done $0x0  }
0xd7: {  	s9 =	smov.u32 s11;
	[sflag:s12] =	ssyncadd.s32 $0xFFFFB000  }
.LBB2_4:
0xd8: {  	s10 =	rddreg [dreg:$0x5]  }
0xd9: {  	s10 =	sadd.s32 s8, s10  }
0xda: {  	[tilespmem:s2], [sflag:$0x2] =	stream.linear.gather [hbm4b:s10+s2], $0x50, $0x38;
	[tilespmem:$0xA100] =	vst v63  }
0xdb: {  	_ =	swait.ge [sflag:s12], $0x50  }
0xdc: {  	[sflag:s12] =	ssyncset.done $0x0  }
0xdd: {  	[sflag:s12] =	ssyncadd.s32 $0xFFFFFFB0  }
0xde: {  	v3 =	vld [tilespmem:$0x0];
	_ =	sdelay $0x4  }
0xdf: {  	v4 =	vshll.u32 v3, $0x1  }
0xe0: {  	v3 =	vand.u32 $0x7, v3;
	v4 =	vand.u32 $0xFFFFFFF0, v4  }
0xe1: {  	v3 =	vor.u32 v3, v4  }
0xe2: {  	v4 =	vperm.xlane v3, v0;
	_ =	sdelay $0x1  }
0xe3: {  	v3 =	vperm.xlane v3, v2;
	v4 =	vadd.s32 v1, v4;
	_ =	sdelay $0x1  }
0xe4: {  	v3 =	vadd.s32 v1, v3;
	_ =	sdelay $0x2  }
0xe5: {  	[tilespmem:s13], [sflag:$0x1] =	stream.indirect_vreg.gather [hbm4b:s4+s2], $0x80, v4, vm0, $0xb8;
	[tilespmem:$0xA100] =	vst v63  }
0xe6: {  	_ = 	snop  }
0xe7: {  	[tilespmem:s14], [sflag:$0x1] =	stream.indirect_vreg.gather [hbm4b:s4+s2], $0x80, v3, vm0, $0xb8;
	[tilespmem:$0xA100] =	vst v63  }
0xe8: {  	v3 =	vld [tilespmem:$0x10];
	_ =	sdelay $0x4  }
0xe9: {  	v55 =	vshll.u32 v3, $0x1  }
0xea: {  	v3 =	vand.u32 $0x7, v3;
	v4 =	vand.u32 $0xFFFFFFF0, v55  }
0xeb: {  	v3 =	vor.u32 v3, v4  }
0xec: {  	v4 =	vperm.xlane v3, v0;
	_ =	sdelay $0x1  }
0xed: {  	v3 =	vperm.xlane v3, v2;
	v4 =	vadd.s32 v1, v4;
	_ =	sdelay $0x1  }
0xee: {  	v3 =	vadd.s32 v1, v3;
	_ =	sdelay $0x2  }
0xef: {  	[tilespmem:s15], [sflag:$0x1] =	stream.indirect_vreg.gather [hbm4b:s4+s2], $0x80, v4, vm0, $0xb8;
	[tilespmem:$0xA100] =	vst v63  }
0xf0: {  	_ = 	snop  }
0xf1: {  	[tilespmem:s16], [sflag:$0x1] =	stream.indirect_vreg.gather [hbm4b:s4+s2], $0x80, v3, vm0, $0xb8;
	[tilespmem:$0xA100] =	vst v63  }
0xf2: {  	v3 =	vld [tilespmem:$0x20];
	_ =	sdelay $0x4  }
0xf3: {  	v56 =	vshll.u32 v3, $0x1  }
0xf4: {  	v3 =	vand.u32 $0x7, v3;
	v4 =	vand.u32 $0xFFFFFFF0, v56  }
0xf5: {  	v3 =	vor.u32 v3, v4  }
0xf6: {  	v4 =	vperm.xlane v3, v0;
	_ =	sdelay $0x1  }
0xf7: {  	v3 =	vperm.xlane v3, v2;
	v4 =	vadd.s32 v1, v4;
	_ =	sdelay $0x1  }
0xf8: {  	v3 =	vadd.s32 v1, v3;
	_ =	sdelay $0x2  }
0xf9: {  	[tilespmem:s17], [sflag:$0x1] =	stream.indirect_vreg.gather [hbm4b:s4+s2], $0x80, v4, vm0, $0xb8;
	[tilespmem:$0xA100] =	vst v63  }
0xfa: {  	_ = 	snop  }
0xfb: {  	[tilespmem:s18], [sflag:$0x1] =	stream.indirect_vreg.gather [hbm4b:s4+s2], $0x80, v3, vm0, $0xb8;
	[tilespmem:$0xA100] =	vst v63  }
0xfc: {  	v3 =	vld [tilespmem:$0x30];
	_ =	sdelay $0x4  }
0xfd: {  	v57 =	vshll.u32 v3, $0x1  }
0xfe: {  	v3 =	vand.u32 $0x7, v3;
	v4 =	vand.u32 $0xFFFFFFF0, v57  }
0xff: {  	v3 =	vor.u32 v3, v4  }
0x100: {  	v4 =	vperm.xlane v3, v0;
	_ =	sdelay $0x1  }
0x101: {  	v3 =	vperm.xlane v3, v2;
	v4 =	vadd.s32 v1, v4;
	_ =	sdelay $0x1  }
0x102: {  	v3 =	vadd.s32 v1, v3;
	_ =	sdelay $0x2  }
0x103: {  	[tilespmem:s19], [sflag:$0x1] =	stream.indirect_vreg.gather [hbm4b:s4+s2], $0x80, v4, vm0, $0xb8;
	[tilespmem:$0xA100] =	vst v63  }
0x104: {  	_ = 	snop  }
0x105: {  	[tilespmem:s20], [sflag:$0x1] =	stream.indirect_vreg.gather [hbm4b:s4+s2], $0x80, v3, vm0, $0xb8;
	[tilespmem:$0xA100] =	vst v63  }
0x106: {  	v3 =	vld [tilespmem:$0x40];
	_ =	sdelay $0x4  }
0x107: {  	v58 =	vshll.u32 v3, $0x1  }
0x108: {  	v3 =	vand.u32 $0x7, v3;
	v4 =	vand.u32 $0xFFFFFFF0, v58  }
0x109: {  	v3 =	vor.u32 v3, v4  }
0x10a: {  	v4 =	vperm.xlane v3, v0;
	_ =	sdelay $0x1  }
0x10b: {  	v3 =	vperm.xlane v3, v2;
	v4 =	vadd.s32 v1, v4;
	_ =	sdelay $0x1  }
0x10c: {  	v3 =	vadd.s32 v1, v3;
	_ =	sdelay $0x2  }
0x10d: {  	[tilespmem:s21], [sflag:$0x1] =	stream.indirect_vreg.gather [hbm4b:s4+s2], $0x80, v4, vm0, $0xb8;
	[tilespmem:$0xA100] =	vst v63  }
0x10e: {  	s10 =	rddreg [dreg:$0x4]  }
0x10f: {  	[tilespmem:s22], [sflag:$0x1] =	stream.indirect_vreg.gather [hbm4b:s4+s2], $0x80, v3, vm0, $0xb8;
	[tilespmem:$0xA100] =	vst v63  }
0x110: {  	s10 =	sadd.s32 s8, s10  }
0x111: {  	[tilespmem:s23], [sflag:$0x2] =	stream.linear.gather [hbm4b:s10+s2], $0x50, $0x38;
	[tilespmem:$0xA100] =	vst v63  }
0x112: {  	_ =	swait.ge [sflag:s12], $0x50  }
0x113: {  	[sflag:s12] =	ssyncset.done $0x0  }
0x114: {  	[sflag:s12] =	ssyncadd.s32 $0xFFFFFFB0  }
0x115: {  	v3 =	vld [tilespmem:$0x80];
	_ =	sdelay $0x4  }
0x116: {  	v59 =	vshll.u32 v3, $0x1  }
0x117: {  	v3 =	vand.u32 $0x7, v3;
	v4 =	vand.u32 $0xFFFFFFF0, v59  }
0x118: {  	v3 =	vor.u32 v3, v4  }
0x119: {  	v4 =	vperm.xlane v3, v0;
	_ =	sdelay $0x1  }
0x11a: {  	v3 =	vperm.xlane v3, v2;
	v4 =	vadd.s32 v1, v4;
	_ =	sdelay $0x1  }
0x11b: {  	v3 =	vadd.s32 v1, v3;
	_ =	sdelay $0x2  }
0x11c: {  	[tilespmem:s24], [sflag:$0x1] =	stream.indirect_vreg.gather [hbm4b:s4+s2], $0x80, v4, vm0, $0xb8;
	[tilespmem:$0xA100] =	vst v63  }
0x11d: {  	_ = 	snop  }
0x11e: {  	[tilespmem:s25], [sflag:$0x1] =	stream.indirect_vreg.gather [hbm4b:s4+s2], $0x80, v3, vm0, $0xb8;
	[tilespmem:$0xA100] =	vst v63  }
0x11f: {  	v3 =	vld [tilespmem:$0x90];
	_ =	sdelay $0x4  }
0x120: {  	v60 =	vshll.u32 v3, $0x1  }
0x121: {  	v3 =	vand.u32 $0x7, v3;
	v4 =	vand.u32 $0xFFFFFFF0, v60  }
0x122: {  	v3 =	vor.u32 v3, v4  }
0x123: {  	v4 =	vperm.xlane v3, v0;
	_ =	sdelay $0x1  }
0x124: {  	v3 =	vperm.xlane v3, v2;
	v4 =	vadd.s32 v1, v4;
	_ =	sdelay $0x1  }
0x125: {  	v3 =	vadd.s32 v1, v3;
	_ =	sdelay $0x2  }
0x126: {  	[tilespmem:s26], [sflag:$0x1] =	stream.indirect_vreg.gather [hbm4b:s4+s2], $0x80, v4, vm0, $0xb8;
	[tilespmem:$0xA100] =	vst v63  }
0x127: {  	_ = 	snop  }
0x128: {  	[tilespmem:s28], [sflag:$0x1] =	stream.indirect_vreg.gather [hbm4b:s4+s2], $0x80, v3, vm0, $0xb8;
	[tilespmem:$0xA100] =	vst v63  }
0x129: {  	v3 =	vld [tilespmem:$0xA0];
	_ =	sdelay $0x4  }
0x12a: {  	v61 =	vshll.u32 v3, $0x1  }
0x12b: {  	v3 =	vand.u32 $0x7, v3;
	v4 =	vand.u32 $0xFFFFFFF0, v61  }
0x12c: {  	v3 =	vor.u32 v3, v4  }
0x12d: {  	v4 =	vperm.xlane v3, v0;
	_ =	sdelay $0x1  }
0x12e: {  	v3 =	vperm.xlane v3, v2;
	v4 =	vadd.s32 v1, v4;
	_ =	sdelay $0x1  }
0x12f: {  	v3 =	vadd.s32 v1, v3;
	_ =	sdelay $0x2  }
0x130: {  	[tilespmem:s29], [sflag:$0x1] =	stream.indirect_vreg.gather [hbm4b:s4+s2], $0x80, v4, vm0, $0xb8;
	[tilespmem:$0xA100] =	vst v63  }
0x131: {  	_ = 	snop  }
0x132: {  	[tilespmem:s30], [sflag:$0x1] =	stream.indirect_vreg.gather [hbm4b:s4+s2], $0x80, v3, vm0, $0xb8;
	[tilespmem:$0xA100] =	vst v63  }
0x133: {  	v3 =	vld [tilespmem:$0xB0];
	_ =	sdelay $0x4  }
0x134: {  	v62 =	vshll.u32 v3, $0x1  }
0x135: {  	v3 =	vand.u32 $0x7, v3;
	v4 =	vand.u32 $0xFFFFFFF0, v62  }
0x136: {  	v3 =	vor.u32 v3, v4  }
0x137: {  	v4 =	vperm.xlane v3, v0;
	_ =	sdelay $0x1  }
0x138: {  	v3 =	vperm.xlane v3, v2;
	v4 =	vadd.s32 v1, v4;
	_ =	sdelay $0x1  }
0x139: {  	v3 =	vadd.s32 v1, v3;
	_ =	sdelay $0x2  }
0x13a: {  	[tilespmem:s31], [sflag:$0x1] =	stream.indirect_vreg.gather [hbm4b:s4+s2], $0x80, v4, vm0, $0xb8;
	[tilespmem:$0xA100] =	vst v63  }
0x13b: {  	_ = 	snop  }
0x13c: {  	[tilespmem:s0], [sflag:$0x1] =	stream.indirect_vreg.gather [hbm4b:s4+s2], $0x80, v3, vm0, $0xb8;
	[tilespmem:$0xA100] =	vst v63  }
0x13d: {  	v3 =	vld [tilespmem:$0xC0];
	_ =	sdelay $0x4  }
0x13e: {  	v63 =	vshll.u32 v3, $0x1  }
0x13f: {  	v3 =	vand.u32 $0x7, v3;
	v4 =	vand.u32 $0xFFFFFFF0, v63  }
0x140: {  	v3 =	vor.u32 v3, v4  }
0x141: {  	v4 =	vperm.xlane v3, v0;
	_ =	sdelay $0x1  }
0x142: {  	v3 =	vperm.xlane v3, v2;
	v4 =	vadd.s32 v1, v4;
	_ =	sdelay $0x1  }
0x143: {  	v3 =	vadd.s32 v1, v3;
	_ =	sdelay $0x2  }
0x144: {  	[tilespmem:s1], [sflag:$0x1] =	stream.indirect_vreg.gather [hbm4b:s4+s2], $0x80, v4, vm0, $0xb8;
	[tilespmem:$0xA100] =	vst v63  }
0x145: {  	_ = 	snop  }
0x146: {  	[tilespmem:s5], [sflag:$0x1] =	stream.indirect_vreg.gather [hbm4b:s4+s2], $0x80, v3, vm0, $0xb8;
	[tilespmem:$0xA100] =	vst v63  }
0x147: {  	_ =	swait.ge [sflag:s6], $0x5000  }
0x148: {  	[sflag:s6] =	ssyncset.done $0x0  }
0x149: {  	[sflag:s6] =	ssyncadd.s32 $0xFFFFB000  }
0x14a: {  	_ =	swait.ge [sflag:s6], $0x5000  }
0x14b: {  	[sflag:s6] =	ssyncset.done $0x0  }
0x14c: {  	s10 =	sadd.s32 $0xFFFFF600, s9;
	[sflag:s6] =	ssyncadd.s32 $0xFFFFB000  }
0x14d: {  	[hbm4b:s10+s2] =	stream.linear.scatter [tilespmem:s13], [sflag:$0x2], $0x5000, $0x38;
	[tilespmem:$0xA100] =	vst v63  }
0x14e: {  	_ =	swait.ge [sflag:s12], $0x5000  }
0x14f: {  	p0 =	sne.s32 s8, $0x4C4;
	[sflag:s12] =	ssyncset.done $0x0  }
.Ltmp1:
0x150: {  	[sflag:s12] =	ssyncadd.s32 $0xFFFFB000;
	(pc) =	sbr.rel @p0 .LBB2_4-.Ltmp1, $4  }
0x151: {  	[hbm4b:s9+s2] =	stream.linear.scatter [tilespmem:s24], [sflag:$0x2], $0x5000, $0x38;
	[tilespmem:$0xA100] =	vst v63  }
0x152: {  	_ =	swait.ge [sflag:s12], $0x5000  }
0x153: {  	[sflag:s12] =	ssyncset.done $0x0  }
0x154: {  	s8 =	sadd.s32 $0x14, s8;
	s9 =	sadd.s32 $0x1400, s9;
	[sflag:s12] =	ssyncadd.s32 $0xFFFFB000  }
0x155: {  	s8 =	rddreg [dreg:$0x8]  }
0x156: {  	[tilespmem:s2], [sflag:$0x2] =	stream.linear.gather [hbm4b:s8+s2], $0x50, $0x38;
	[tilespmem:$0xA100] =	vst v63  }
0x157: {  	_ =	swait.ge [sflag:s12], $0x50  }
0x158: {  	[sflag:s12] =	ssyncset.done $0x0  }
0x159: {  	[sflag:s12] =	ssyncadd.s32 $0xFFFFFFB0  }
0x15a: {  	v3 =	vld [tilespmem:$0x0];
	_ =	sdelay $0x4  }
0x15b: {  	v4 =	vshll.u32 v3, $0x1  }
0x15c: {  	v3 =	vand.u32 $0x7, v3;
	v4 =	vand.u32 $0xFFFFFFF0, v4  }
0x15d: {  	v3 =	vor.u32 v3, v4  }
0x15e: {  	v4 =	vperm.xlane v3, v0;
	_ =	sdelay $0x1  }
0x15f: {  	v3 =	vperm.xlane v3, v2;
	v4 =	vadd.s32 v1, v4;
	_ =	sdelay $0x1  }
0x160: {  	v3 =	vadd.s32 v1, v3;
	_ =	sdelay $0x2  }
0x161: {  	[tilespmem:s13], [sflag:$0x1] =	stream.indirect_vreg.gather [hbm4b:s4+s2], $0x80, v4, vm0, $0xb8;
	[tilespmem:$0xA100] =	vst v63  }
0x162: {  	_ = 	snop  }
0x163: {  	[tilespmem:s14], [sflag:$0x1] =	stream.indirect_vreg.gather [hbm4b:s4+s2], $0x80, v3, vm0, $0xb8;
	[tilespmem:$0xA100] =	vst v63  }
0x164: {  	v3 =	vld [tilespmem:$0x10];
	_ =	sdelay $0x4  }
0x165: {  	v60 =	vshll.u32 v3, $0x1  }
0x166: {  	v3 =	vand.u32 $0x7, v3;
	v4 =	vand.u32 $0xFFFFFFF0, v60  }
0x167: {  	v3 =	vor.u32 v3, v4  }
0x168: {  	v4 =	vperm.xlane v3, v0;
	_ =	sdelay $0x1  }
0x169: {  	v3 =	vperm.xlane v3, v2;
	v4 =	vadd.s32 v1, v4;
	_ =	sdelay $0x1  }
0x16a: {  	v3 =	vadd.s32 v1, v3;
	_ =	sdelay $0x2  }
0x16b: {  	[tilespmem:s15], [sflag:$0x1] =	stream.indirect_vreg.gather [hbm4b:s4+s2], $0x80, v4, vm0, $0xb8;
	[tilespmem:$0xA100] =	vst v63  }
0x16c: {  	_ = 	snop  }
0x16d: {  	[tilespmem:s16], [sflag:$0x1] =	stream.indirect_vreg.gather [hbm4b:s4+s2], $0x80, v3, vm0, $0xb8;
	[tilespmem:$0xA100] =	vst v63  }
0x16e: {  	v3 =	vld [tilespmem:$0x20];
	_ =	sdelay $0x4  }
0x16f: {  	v61 =	vshll.u32 v3, $0x1  }
0x170: {  	v3 =	vand.u32 $0x7, v3;
	v4 =	vand.u32 $0xFFFFFFF0, v61  }
0x171: {  	v3 =	vor.u32 v3, v4  }
0x172: {  	v4 =	vperm.xlane v3, v0;
	_ =	sdelay $0x1  }
0x173: {  	v3 =	vperm.xlane v3, v2;
	v4 =	vadd.s32 v1, v4;
	_ =	sdelay $0x1  }
0x174: {  	v3 =	vadd.s32 v1, v3;
	_ =	sdelay $0x2  }
0x175: {  	[tilespmem:s17], [sflag:$0x1] =	stream.indirect_vreg.gather [hbm4b:s4+s2], $0x80, v4, vm0, $0xb8;
	[tilespmem:$0xA100] =	vst v63  }
0x176: {  	_ = 	snop  }
0x177: {  	[tilespmem:s18], [sflag:$0x1] =	stream.indirect_vreg.gather [hbm4b:s4+s2], $0x80, v3, vm0, $0xb8;
	[tilespmem:$0xA100] =	vst v63  }
0x178: {  	v3 =	vld [tilespmem:$0x30];
	_ =	sdelay $0x4  }
0x179: {  	v62 =	vshll.u32 v3, $0x1  }
0x17a: {  	v3 =	vand.u32 $0x7, v3;
	v4 =	vand.u32 $0xFFFFFFF0, v62  }
0x17b: {  	v3 =	vor.u32 v3, v4  }
0x17c: {  	v4 =	vperm.xlane v3, v0;
	_ =	sdelay $0x1  }
0x17d: {  	v3 =	vperm.xlane v3, v2;
	v4 =	vadd.s32 v1, v4;
	_ =	sdelay $0x1  }
0x17e: {  	v3 =	vadd.s32 v1, v3;
	_ =	sdelay $0x2  }
0x17f: {  	[tilespmem:s19], [sflag:$0x1] =	stream.indirect_vreg.gather [hbm4b:s4+s2], $0x80, v4, vm0, $0xb8;
	[tilespmem:$0xA100] =	vst v63  }
0x180: {  	_ = 	snop  }
0x181: {  	[tilespmem:s20], [sflag:$0x1] =	stream.indirect_vreg.gather [hbm4b:s4+s2], $0x80, v3, vm0, $0xb8;
	[tilespmem:$0xA100] =	vst v63  }
0x182: {  	v3 =	vld [tilespmem:$0x40];
	_ =	sdelay $0x4  }
0x183: {  	v63 =	vshll.u32 v3, $0x1  }
0x184: {  	v3 =	vand.u32 $0x7, v3;
	v4 =	vand.u32 $0xFFFFFFF0, v63  }
0x185: {  	v3 =	vor.u32 v3, v4  }
0x186: {  	v4 =	vperm.xlane v3, v0;
	_ =	sdelay $0x1  }
0x187: {  	v3 =	vperm.xlane v3, v2;
	v4 =	vadd.s32 v1, v4;
	_ =	sdelay $0x1  }
0x188: {  	v3 =	vadd.s32 v1, v3;
	_ =	sdelay $0x2  }
0x189: {  	[tilespmem:s21], [sflag:$0x1] =	stream.indirect_vreg.gather [hbm4b:s4+s2], $0x80, v4, vm0, $0xb8;
	[tilespmem:$0xA100] =	vst v63  }
0x18a: {  	_ = 	snop  }
0x18b: {  	[tilespmem:s22], [sflag:$0x1] =	stream.indirect_vreg.gather [hbm4b:s4+s2], $0x80, v3, vm0, $0xb8;
	[tilespmem:$0xA100] =	vst v63  }
0x18c: {  	_ =	swait.ge [sflag:s6], $0x5000  }
0x18d: {  	[sflag:s6] =	ssyncset.done $0x0  }
0x18e: {  	s9 =	rddreg [dreg:$0x9];
	[sflag:s6] =	ssyncadd.s32 $0xFFFFB000  }
0x18f: {  	[hbm4b:s9+s2] =	stream.linear.scatter [tilespmem:s13], [sflag:$0x2], $0x5000, $0x38;
	[tilespmem:$0xA100] =	vst v63  }
0x190: {  	_ =	swait.ge [sflag:s12], $0x5000  }
0x191: {  	s7 =	sadd.s32 $0x1, s7;
	s10 =	rddreg [dreg:$0xa]  }
0x192: {  	p0 =	sne.s32 s7, s10  }
.Ltmp2:
0x193: {  	_ = 	snop;
	(pc) =	sbr.rel @p0 .LBB2_1-.Ltmp2, $3  }
0x194: {  	_ =	sdelay $0x1  }
0x195: {  	[sflag:s12] =	ssyncset.done $0x0  }
0x196: {  	[sflag:s12] =	ssyncadd.s32 $0xFFFFB000  }
0x197: {  	_ =	sfence.sel $0x180000  }
0x198: {  	[bflag:$0x0] =	sbarrier.arrive $0xFFFF  }
0x199: {  	_ =	strace $0x90000059  }
0x19a: {  	s0 =	stileid.u32;
	[bflag:$0x2] =	sbarrier.arrive $0xFFFF  }
0x19b: {  	p0 =	sne.s32 s0, $0x0;
	s0 =	rddreg [dreg:$0x1]  }
0x19c: {  	s0 =	sadd.s32 @!p0 $0x100000, s0  }
0x19d: {  	[sflag:s0] =	ssyncadd.tile.s32 @!p0 $0x1;
	_ =	shalt  }
.Lfunc_end2:
_tile_overlayer_lowered:
.L_overlay_start_2:
0x19e: {  	(tag) =	ssettag $0x2  }
0x19f: {  	s0 =	rddreg [dreg:$0x0];
	s2 =	stileid.u32  }
0x1a0: {  	s1 =	rddreg [dreg:$0x1];
	p0 =	sne.s32 s2, $0x0  }
0x1a1: {  	s3 =	rddreg [dreg:$0x2];
	[bflag:$0x3] =	sbarrier.arrive $0xFFFF;
	s2 =	simm.s32 @!p0 $0x1C02  }
0x1a2: {  	[timem:s3], [sflag:s2] =	dma.local @!p0 [hbm:s0], s1  }
0x1a3: {  	s0 =	simm.s32 @!p0 $0x2  }
0x1a4: {  	_ =	swait.ge @!p0 [sflag:s0], s1  }
0x1a5: {  	s1 =	ssub.s32 @!p0 $0x0, s1;
	[sflag:s0] =	ssyncset.done @!p0 $0x0  }
0x1a6: {  	[sflag:s0] =	ssyncadd.s32 @!p0 s1  }
0x1a7: {  	[bflag:$0x3] =	sbarrier.arrive $0xFFFF  }
0x1a8: {  	_ =	shalt  }

</sc_bundles>
